<compile_context>
chip_gen: v7x
topology: tpu7x:2x2x1
jax: 0.10.2.dev20260603
libtpu: 0.0.44.dev20260713+nightly
codegen_flags: <defaults>
</compile_context>

<pallas_src>
import functools

import jax
import jax.numpy as jnp
from jax import lax
from jax.experimental import pallas as pl
from jax.experimental.pallas import tpu as pltpu
from jax.experimental.pallas import tpu_sc as plsc

_NC, _NS = 2, 16
_NW = _NC * _NS
_L = 16
_NBUF = 8
_AHEAD = 7



def _segsum_sc(y, src3, dst3, with_count):
  N, W = y.shape
  _, NCHUNK, CH = src3.shape
  NP = N + 8
  CZ = 80
  NZCH = N // CZ
  mesh = plsc.VectorSubcoreMesh(core_axis_name="c", subcore_axis_name="s",
                                num_cores=_NC, num_subcores=_NS)
  out_type = [jax.ShapeDtypeStruct((_NC, N, W), jnp.float32)]
  scratch = [
      pltpu.VMEM_SHARED((NP, W), jnp.float32),
      pltpu.VMEM((NCHUNK, CH), jnp.int32),
      pltpu.VMEM((NCHUNK, CH), jnp.int32),
      pltpu.VMEM((CZ, W), jnp.float32),
  ]
  scratch += [pltpu.VMEM((CH, W), jnp.float32) for _ in range(_NBUF)]
  scratch += [pltpu.SemaphoreType.DMA for _ in range(2 * _NBUF)]
  if with_count:
    out_type.append(jax.ShapeDtypeStruct((_NC * N,), jnp.float32))
    scratch += [
        pltpu.VMEM_SHARED((NP,), jnp.float32),
        pltpu.VMEM((CH,), jnp.float32),
        pltpu.VMEM((1008,), jnp.float32),
        pltpu.SemaphoreType.DMA,
    ]

  def body(y_hbm, src_hbm, dst_hbm, *rest):
    if with_count:
      (out_hbm, cnt_hbm, acc_sh, sidx, didx, zbuf, *ring_refs,
       cnt_sh, ones_v, zc, semc) = rest
    else:
      (out_hbm, acc_sh, sidx, didx, zbuf, *ring_refs) = rest
    ring = tuple(zip(ring_refs[:_NBUF], ring_refs[_NBUF:2 * _NBUF],
                     ring_refs[2 * _NBUF:3 * _NBUF]))
    c = lax.axis_index("c")
    s = lax.axis_index("s")
    wid = c * _NS + s
    zero16 = jnp.zeros((_L,), jnp.float32)

    def zrow(i, carry):
      for j in range(W // _L):
        zbuf[i, pl.ds(j * _L, _L)] = zero16
      return carry
    lax.fori_loop(0, CZ, zrow, 0)
    def zacc(k, carry):
      @pl.when(k % _NS == s)
      def _():
        pltpu.sync_copy(zbuf, acc_sh.at[pl.ds(k * CZ, CZ)])
      return carry
    lax.fori_loop(0, NZCH, zacc, 0)

    if with_count:
      def fill_ones(i, carry):
        ones_v[pl.ds(i * _L, _L)] = zero16 + 1.0
        return carry
      lax.fori_loop(0, CH // _L, fill_ones, 0)

      @pl.when(s == 0)
      def _():
        def zfill(i, carry):
          zc[pl.ds(i * _L, _L)] = zero16
          return carry
        lax.fori_loop(0, zc.shape[0] // _L, zfill, 0)
        def zcnt(k, carry):
          pltpu.sync_copy(zc.at[pl.ds(0, 1000)],
                          cnt_sh.at[pl.ds(k * 1000, 1000)])
          return carry
        lax.fori_loop(0, N // 1000, zcnt, 0)

    plsc.subcore_barrier()

    pltpu.sync_copy(src_hbm.at[wid], sidx)
    pltpu.sync_copy(dst_hbm.at[wid], didx)

    LAG = _NBUF - _AHEAD
    for j in range(min(_AHEAD, NCHUNK)):
      pltpu.async_copy(y_hbm.at[sidx.at[j]], ring[j][0], ring[j][1])

    def chunk(i, carry):
      def step(q):
        rows_c, semg_c, sems_c = ring[q]
        rows_n, semg_n, sems_n = ring[(q + _AHEAD) % _NBUF]
        pltpu.make_async_copy(y_hbm.at[sidx.at[i]], rows_c, semg_c).wait()
        pltpu.async_copy(rows_c, acc_sh.at[didx.at[i]], sems_c, add=True)
        if with_count:
          pltpu.async_copy(ones_v, cnt_sh.at[didx.at[i]], semc, add=True)
        @pl.when(i >= LAG)
        def _():
          pltpu.make_async_copy(rows_n, acc_sh.at[didx.at[i]],
                                sems_n).wait()
        @pl.when(i + _AHEAD < NCHUNK)
        def _():
          pltpu.async_copy(y_hbm.at[sidx.at[i + _AHEAD]], rows_n, semg_n)

      for q in range(_NBUF):
        @pl.when(lax.rem(i, _NBUF) == q)
        def _(q=q):
          step(q)
      return carry
    lax.fori_loop(0, NCHUNK, chunk, 0)

    for j in range(max(NCHUNK - LAG, 0), NCHUNK):
      q = j % _NBUF
      pltpu.make_async_copy(ring[q][0], acc_sh.at[didx.at[0]],
                            ring[q][2]).wait()

    if with_count:
      def drainc(i, carry):
        pltpu.make_async_copy(ones_v, cnt_sh.at[didx.at[0]], semc).wait()
        return carry
      lax.fori_loop(0, NCHUNK, drainc, 0)

    plsc.subcore_barrier()

    def cpo(k, carry):
      @pl.when(k % _NS == s)
      def _():
        pltpu.sync_copy(acc_sh.at[pl.ds(k * CZ, CZ)],
                        out_hbm.at[c, pl.ds(k * CZ, CZ)])
      return carry
    lax.fori_loop(0, NZCH, cpo, 0)
    if with_count:
      @pl.when(s == 0)
      def _():
        def cpc(k, carry):
          pltpu.sync_copy(cnt_sh.at[pl.ds(k * 1000, 1000)],
                          cnt_hbm.at[pl.ds(c * N + k * 1000, 1000)])
          return carry
        lax.fori_loop(0, N // 1000, cpc, 0)

  fn = pl.kernel(body, out_type=tuple(out_type), mesh=mesh,
                 scratch_types=tuple(scratch),
                 compiler_params=pltpu.CompilerParams(use_tc_tiling_on_sc=False))
  return fn(y, src3, dst3)



def _tc_in_body(x_ref, wl_ref, wr_ref, bl_ref, y_ref, r_ref):
  x = x_ref[...]
  y_ref[...] = jnp.dot(x, wl_ref[...], preferred_element_type=jnp.float32)
  r_ref[...] = (jnp.dot(x, wr_ref[...], preferred_element_type=jnp.float32)
                + bl_ref[...])


def _tc_in(x, wl, wr, bl):
  N = x.shape[0]
  H = wl.shape[1]
  return pl.pallas_call(
      _tc_in_body,
      out_shape=(jax.ShapeDtypeStruct((N, H), jnp.float32),
                 jax.ShapeDtypeStruct((N, H), jnp.float32)),
  )(x, wl, wr, bl.reshape(1, H))


def _recip_cnt(cnt_ref, n):
  c = jnp.maximum(cnt_ref[pl.ds(0, n)] + cnt_ref[pl.ds(n, n)], 1.0)
  return (1.0 / c).reshape(n, 1)


def _tc_mid_body(p_ref, cnt_ref, r_ref, wl_ref, wr_ref, bl_ref, y_ref,
                 rn_ref):
  n = r_ref.shape[0]
  rec = _recip_cnt(cnt_ref, n)
  h = jnp.maximum((p_ref[0] + p_ref[1]) * rec + r_ref[...], 0.0)
  y_ref[...] = jnp.dot(h, wl_ref[...], preferred_element_type=jnp.float32)
  rn_ref[...] = (jnp.dot(h, wr_ref[...], preferred_element_type=jnp.float32)
                 + bl_ref[...])


def _tc_mid(p, cnt, r, wl, wr, bl):
  N = r.shape[0]
  H = wl.shape[1]
  return pl.pallas_call(
      _tc_mid_body,
      out_shape=(jax.ShapeDtypeStruct((N, H), jnp.float32),
                 jax.ShapeDtypeStruct((N, H), jnp.float32)),
  )(p, cnt, r, wl, wr, bl.reshape(1, H))


def _tc_fin_body(p_ref, cnt_ref, r_ref, o_ref, *, n_cls):
  n = r_ref.shape[0]
  rec = _recip_cnt(cnt_ref, n)
  z = (p_ref[0] + p_ref[1]) * rec + r_ref[...]
  mask = lax.broadcasted_iota(jnp.int32, z.shape, 1) < n_cls
  zm = jnp.where(mask, z, -1e30)
  m = jnp.max(zm, axis=1, keepdims=True)
  e = jnp.where(mask, jnp.exp(z - m), 0.0)
  ssum = jnp.sum(e, axis=1, keepdims=True)
  o_ref[...] = z - m - jnp.log(ssum)


def _tc_fin(p, cnt, r, n_cls):
  N, W = r.shape
  return pl.pallas_call(
      functools.partial(_tc_fin_body, n_cls=n_cls),
      out_shape=jax.ShapeDtypeStruct((N, W), jnp.float32),
  )(p, cnt, r)



def kernel(x, edge_index, Wl1, bl1, Wr1, Wl2, bl2, Wr2, Wl3, bl3, Wr3):
  N = x.shape[0]
  E = edge_index.shape[1]
  C = Wl3.shape[1]
  W3 = 16
  CH = 80
  EPT0 = E // _NW
  NCHUNK = (EPT0 + CH - 1) // CH
  PAD = NCHUNK * CH - EPT0

  ei = edge_index.astype(jnp.int32)
  src3 = jnp.pad(ei[0].reshape(_NW, EPT0),
                 ((0, 0), (0, PAD))).reshape(_NW, NCHUNK, CH)
  if PAD:
    padrow = (N + (jnp.arange(_NW, dtype=jnp.int32) % 8))[:, None]
    dst3 = jnp.concatenate(
        [ei[1].reshape(_NW, EPT0),
         jnp.broadcast_to(padrow, (_NW, PAD))], axis=1
    ).reshape(_NW, NCHUNK, CH)
  else:
    dst3 = ei[1].reshape(_NW, NCHUNK, CH)

  y1, r1 = _tc_in(x, Wl1, Wr1, bl1)
  p1, cnt = _segsum_sc(y1, src3, dst3, True)

  y2, r2 = _tc_mid(p1, cnt, r1, Wl2, Wr2, bl2)
  p2 = _segsum_sc(y2, src3, dst3, False)[0]

  wl3p = jnp.pad(Wl3, ((0, 0), (0, W3 - C)))
  wr3p = jnp.pad(Wr3, ((0, 0), (0, W3 - C)))
  bl3p = jnp.pad(bl3, (0, W3 - C))
  y3, r3 = _tc_mid(p2, cnt, r2, wl3p, wr3p, bl3p)
  p3 = _segsum_sc(y3, src3, dst3, False)[0]

  out = _tc_fin(p3, cnt, r3, C)
  return out[:, :C]

# --- scband reference (transcript-rebuilt; emitter-appended) ---
"""Pipeline reference for scband-deep-graph-sage-41248865911073 (READ-ONLY COPY).

The authoritative reference and input builder live on the scoring server;
editing this copy changes nothing except your own understanding.
"""

import jax, jax.numpy as jnp
import numpy as np

N = 10000
E = 320000
F_IN = 128
H = 64
C = 7


def setup_inputs(seed: int = 0) -> dict:
    key = jax.random.key(seed)
    ks = jax.random.split(key, 12)
    x = jax.random.normal(ks[0], (N, F_IN), dtype=jnp.float32)
    edge_index = jax.random.randint(ks[1], (2, E), 0, N, dtype=jnp.int64)
    def glorot(k, shape):
        fan_in, fan_out = shape[0], shape[1]
        lim = float(np.sqrt(6.0 / (fan_in + fan_out)))
        return jax.random.uniform(k, shape, dtype=jnp.float32, minval=-lim, maxval=lim)
    # SAGEConv params: lin_l (neighbor, with bias), lin_r (root, no bias)
    Wl1 = glorot(ks[2], (F_IN, H)); bl1 = jnp.zeros((H,), jnp.float32); Wr1 = glorot(ks[3], (F_IN, H))
    Wl2 = glorot(ks[4], (H, H));    bl2 = jnp.zeros((H,), jnp.float32); Wr2 = glorot(ks[5], (H, H))
    Wl3 = glorot(ks[6], (H, C));    bl3 = jnp.zeros((C,), jnp.float32); Wr3 = glorot(ks[7], (H, C))
    return {"x": x, "edge_index": edge_index,
            "Wl1": Wl1, "bl1": bl1, "Wr1": Wr1,
            "Wl2": Wl2, "bl2": bl2, "Wr2": Wr2,
            "Wl3": Wl3, "bl3": bl3, "Wr3": Wr3}


def _sage_conv(x, edge_index, Wl, bl, Wr):
    n = x.shape[0]
    src = edge_index[0]
    dst = edge_index[1]
    msgs = jnp.take(x, src, axis=0)
    agg = jax.ops.segment_sum(msgs, dst, num_segments=n)
    cnt = jax.ops.segment_sum(jnp.ones((edge_index.shape[1],), x.dtype), dst, num_segments=n)
    agg = agg / jnp.clip(cnt, 1.0)[:, None]
    return agg @ Wl + bl + x @ Wr


def reference(x, edge_index, Wl1, bl1, Wr1, Wl2, bl2, Wr2, Wl3, bl3, Wr3):
    # eval mode: dropout is identity
    h = _sage_conv(x, edge_index, Wl1, bl1, Wr1)
    h = jax.nn.relu(h)
    h = _sage_conv(h, edge_index, Wl2, bl2, Wr2)
    h = jax.nn.relu(h)
    h = _sage_conv(h, edge_index, Wl3, bl3, Wr3)
    return jax.nn.log_softmax(h, axis=1)

if __name__ == "__main__":
    import jax
    _d = setup_inputs()
    print(jax.jit(kernel)(*tuple(_d.values())))

</pallas_src>

<mosaic_0001>
#map = affine_map<(d0, d1) -> (0, 0)>
#map1 = affine_map<(d0, d1) -> (0, 0, 0)>
#map2 = affine_map<(d0, d1) -> (0)>
module attributes {stable_mosaic.version = 14 : i64} {
  func.func @body(%arg0: i32, %arg1: i32, %arg2: memref<10000x64xf32, #tpu.memory_space<hbm>>, %arg3: memref<32x125x80xi32, #tpu.memory_space<hbm>>, %arg4: memref<32x125x80xi32, #tpu.memory_space<hbm>>, %arg5: memref<2x10000x64xf32, #tpu.memory_space<hbm>>, %arg6: memref<20000xf32, #tpu.memory_space<hbm>>, %arg7: memref<10008x64xf32, #tpu.memory_space<vmem_shared>>, %arg8: memref<125x80xi32, #tpu.memory_space<vmem>>, %arg9: memref<125x80xi32, #tpu.memory_space<vmem>>, %arg10: memref<80x64xf32, #tpu.memory_space<vmem>>, %arg11: memref<80x64xf32, #tpu.memory_space<vmem>>, %arg12: memref<80x64xf32, #tpu.memory_space<vmem>>, %arg13: memref<80x64xf32, #tpu.memory_space<vmem>>, %arg14: memref<80x64xf32, #tpu.memory_space<vmem>>, %arg15: memref<80x64xf32, #tpu.memory_space<vmem>>, %arg16: memref<80x64xf32, #tpu.memory_space<vmem>>, %arg17: memref<80x64xf32, #tpu.memory_space<vmem>>, %arg18: memref<80x64xf32, #tpu.memory_space<vmem>>, %arg19: memref<!tpu.dma_semaphore, #tpu.memory_space<semaphore_mem>>, %arg20: memref<!tpu.dma_semaphore, #tpu.memory_space<semaphore_mem>>, %arg21: memref<!tpu.dma_semaphore, #tpu.memory_space<semaphore_mem>>, %arg22: memref<!tpu.dma_semaphore, #tpu.memory_space<semaphore_mem>>, %arg23: memref<!tpu.dma_semaphore, #tpu.memory_space<semaphore_mem>>, %arg24: memref<!tpu.dma_semaphore, #tpu.memory_space<semaphore_mem>>, %arg25: memref<!tpu.dma_semaphore, #tpu.memory_space<semaphore_mem>>, %arg26: memref<!tpu.dma_semaphore, #tpu.memory_space<semaphore_mem>>, %arg27: memref<!tpu.dma_semaphore, #tpu.memory_space<semaphore_mem>>, %arg28: memref<!tpu.dma_semaphore, #tpu.memory_space<semaphore_mem>>, %arg29: memref<!tpu.dma_semaphore, #tpu.memory_space<semaphore_mem>>, %arg30: memref<!tpu.dma_semaphore, #tpu.memory_space<semaphore_mem>>, %arg31: memref<!tpu.dma_semaphore, #tpu.memory_space<semaphore_mem>>, %arg32: memref<!tpu.dma_semaphore, #tpu.memory_space<semaphore_mem>>, %arg33: memref<!tpu.dma_semaphore, #tpu.memory_space<semaphore_mem>>, %arg34: memref<!tpu.dma_semaphore, #tpu.memory_space<semaphore_mem>>, %arg35: memref<10008xf32, #tpu.memory_space<vmem_shared>>, %arg36: memref<80xf32, #tpu.memory_space<vmem>>, %arg37: memref<1008xf32, #tpu.memory_space<vmem>>, %arg38: memref<!tpu.dma_semaphore, #tpu.memory_space<semaphore_mem>>) attributes {dimension_semantics = [#tpu.dimension_semantics<core_parallel>, #tpu.dimension_semantics<subcore_parallel>], iteration_bounds = array<i64: 2, 16>, scalar_prefetch = 0 : i64, scratch_operands = 32 : i64, tpu.core_type = #tpu.core_type<sc_vector_subcore>, window_params = [{transform_indices = #map}, {transform_indices = #map1}, {transform_indices = #map1}, {transform_indices = #map1}, {transform_indices = #map2}]} {
    %mul3A = arith.constant 16 : i32
    %mul3A_0 = arith.muli %arg0, %mul3A : i32
    %add3A = arith.addi %mul3A_0, %arg1 : i32
    %broadcast_in_dim3A = arith.constant 0.000000e+00 : f32
    %broadcast_in_dim3A_1 = vector.broadcast %broadcast_in_dim3A : f32 to vector<16xf32>
    %scan3A = arith.constant 0 : i32
    %scan3A_2 = arith.constant 0 : i32
    %scan3A_3 = arith.constant 80 : i32
    %scan3A_4 = arith.addi %scan3A_2, %scan3A_3 : i32
    %scan3A_5 = arith.constant 1 : i32
    scf.for %scan3A_99 = %scan3A_2 to %scan3A_4 step %scan3A_5  : i32 {
      %swap3A = arith.index_cast %scan3A_99 : i32 to index
      %swap3A_100 = arith.constant 0 : index
      %swap3A_101 = tpu.vector_load %arg10[%swap3A, %swap3A_100] {strides = array<i32>} : memref<80x64xf32, #tpu.memory_space<vmem>>, vector<1x16xf32>,
      %swap3A_102 = vector.shape_cast %swap3A_101 : vector<1x16xf32> to vector<16xf32>
      %swap3A_103 = vector.shape_cast %broadcast_in_dim3A_1 : vector<16xf32> to vector<1x16xf32>
      tpu.vector_store %arg10[%swap3A, %swap3A_100], %swap3A_103 {strides = array<i32>} : memref<80x64xf32, #tpu.memory_space<vmem>>, vector<1x16xf32>,
      %swap3A_104 = arith.index_cast %scan3A_99 : i32 to index
      %swap3A_105 = arith.constant 16 : index
      %swap3A_106 = tpu.vector_load %arg10[%swap3A_104, %swap3A_105] {strides = array<i32>} : memref<80x64xf32, #tpu.memory_space<vmem>>, vector<1x16xf32>,
      %swap3A_107 = vector.shape_cast %swap3A_106 : vector<1x16xf32> to vector<16xf32>
      %swap3A_108 = vector.shape_cast %broadcast_in_dim3A_1 : vector<16xf32> to vector<1x16xf32>
      tpu.vector_store %arg10[%swap3A_104, %swap3A_105], %swap3A_108 {strides = array<i32>} : memref<80x64xf32, #tpu.memory_space<vmem>>, vector<1x16xf32>,
      %swap3A_109 = arith.index_cast %scan3A_99 : i32 to index
      %swap3A_110 = arith.constant 32 : index
      %swap3A_111 = tpu.vector_load %arg10[%swap3A_109, %swap3A_110] {strides = array<i32>} : memref<80x64xf32, #tpu.memory_space<vmem>>, vector<1x16xf32>,
      %swap3A_112 = vector.shape_cast %swap3A_111 : vector<1x16xf32> to vector<16xf32>
      %swap3A_113 = vector.shape_cast %broadcast_in_dim3A_1 : vector<16xf32> to vector<1x16xf32>
      tpu.vector_store %arg10[%swap3A_109, %swap3A_110], %swap3A_113 {strides = array<i32>} : memref<80x64xf32, #tpu.memory_space<vmem>>, vector<1x16xf32>,
      %swap3A_114 = arith.index_cast %scan3A_99 : i32 to index
      %swap3A_115 = arith.constant 48 : index
      %swap3A_116 = tpu.vector_load %arg10[%swap3A_114, %swap3A_115] {strides = array<i32>} : memref<80x64xf32, #tpu.memory_space<vmem>>, vector<1x16xf32>,
      %swap3A_117 = vector.shape_cast %swap3A_116 : vector<1x16xf32> to vector<16xf32>
      %swap3A_118 = vector.shape_cast %broadcast_in_dim3A_1 : vector<16xf32> to vector<1x16xf32>
      tpu.vector_store %arg10[%swap3A_114, %swap3A_115], %swap3A_118 {strides = array<i32>} : memref<80x64xf32, #tpu.memory_space<vmem>>, vector<1x16xf32>,
    }
    %scan3A_6 = arith.constant 80 : i32
    %scan3A_7 = arith.constant 0 : i32
    %scan3A_8 = arith.constant 0 : i32
    %scan3A_9 = arith.constant 125 : i32
    %scan3A_10 = arith.addi %scan3A_8, %scan3A_9 : i32
    %scan3A_11 = arith.constant 1 : i32
    scf.for %scan3A_99 = %scan3A_8 to %scan3A_10 step %scan3A_11  : i32 {
      %jit3A = arith.constant 16 : i32
      %eq3A_100 = arith.constant 0 : i32
      %eq3A_101 = arith.cmpi eq, %jit3A, %eq3A_100 : i32
      %jit3A_102 = arith.constant 1 : i32
      %select_n3A = arith.select %eq3A_101, %jit3A_102, %jit3A : i32
      %rem3A = arith.remsi %scan3A_99, %select_n3A : i32
      %ne3A = arith.constant 0 : i32
      %ne3A_103 = arith.cmpi ne, %rem3A, %ne3A : i32
      %lt3A = arith.constant 0 : i32
      %lt3A_104 = arith.cmpi slt, %rem3A, %lt3A : i32
      %lt3A_105 = arith.constant 0 : i32
      %lt3A_106 = arith.cmpi slt, %select_n3A, %lt3A_105 : i32
      %ne3A_107 = arith.xori %lt3A_104, %lt3A_106 : i1
      %and3A = arith.andi %ne3A_107, %ne3A_103 : i1
      %add3A_108 = arith.addi %rem3A, %select_n3A : i32
      %select_n3A_109 = arith.select %and3A, %add3A_108, %rem3A : i32
      %eq3A_110 = arith.cmpi eq, %select_n3A_109, %arg1 : i32
      %convert_element_type3A_111 = arith.extui %eq3A_110 : i1 to i32
      %cond3A_112 = arith.constant 0 : i32
      %cond3A_113 = arith.cmpi ne, %convert_element_type3A_111, %cond3A_112 : i32
      scf.if %cond3A_113 {
        %mul3A_114 = arith.constant 80 : i32
        %mul3A_115 = arith.muli %scan3A_99, %mul3A_114 : i32
        "tpu.region"() ({
          %run_scoped3A = tpu.sem_alloc : memref<!tpu.dma_semaphore, #tpu.memory_space<semaphore_mem>>
          %dma_start3A_116 = arith.constant 0 : i32
          %dma_start3A_117 = tpu.memref_slice %arg7[%mul3A_115, %dma_start3A_116] : memref<10008x64xf32, #tpu.memory_space<vmem_shared>> -> memref<80x64xf32, #tpu.memory_space<vmem_shared>>
          %dma_start3A_118 = arith.constant 0 : i32
          %dma_start3A_119 = tpu.memref_slice %arg7[%mul3A_115, %dma_start3A_118] : memref<10008x64xf32, #tpu.memory_space<vmem_shared>> -> memref<80x64xf32, #tpu.memory_space<vmem_shared>>
          tpu.enqueue_dma source(%arg10 : memref<80x64xf32, #tpu.memory_space<vmem>>) target(%dma_start3A_119 : memref<80x64xf32, #tpu.memory_space<vmem_shared>>) target_semaphore(%run_scoped3A : memref<!tpu.dma_semaphore, #tpu.memory_space<semaphore_mem>>)
          %dma_wait3A_120 = arith.constant 0 : i32
          %dma_wait3A_121 = tpu.memref_slice %arg7[%mul3A_115, %dma_wait3A_120] : memref<10008x64xf32, #tpu.memory_space<vmem_shared>> -> memref<80x64xf32, #tpu.memory_space<vmem_shared>>
          %dma_wait3A_122 = arith.constant 0 : i32
          %dma_wait3A_123 = tpu.memref_slice %arg7[%mul3A_115, %dma_wait3A_122] : memref<10008x64xf32, #tpu.memory_space<vmem_shared>> -> memref<80x64xf32, #tpu.memory_space<vmem_shared>>
          tpu.wait_dma2 semaphore(%run_scoped3A : memref<!tpu.dma_semaphore, #tpu.memory_space<semaphore_mem>>) src(%arg10 : memref<80x64xf32, #tpu.memory_space<vmem>>) dst(%dma_wait3A_123 : memref<80x64xf32, #tpu.memory_space<vmem_shared>>)
          tpu.yield
        }) : () -> ()
      } else {
      }
    }
    %scan3A_12 = arith.constant 125 : i32
    %scan3A_13 = arith.constant 0 : i32
    %scan3A_14 = arith.constant 0 : i32
    %scan3A_15 = arith.constant 5 : i32
    %scan3A_16 = arith.addi %scan3A_14, %scan3A_15 : i32
    %scan3A_17 = arith.constant 1 : i32
    scf.for %scan3A_99 = %scan3A_14 to %scan3A_16 step %scan3A_17  : i32 {
      %add3A_100 = arith.constant 1.000000e+00 : f32
      %add3A_101 = vector.broadcast %add3A_100 : f32 to vector<16xf32>
      %add3A_102 = arith.addf %broadcast_in_dim3A_1, %add3A_101 : vector<16xf32>
      %mul3A_103 = arith.constant 16 : i32
      %mul3A_104 = arith.muli %scan3A_99, %mul3A_103 : i32
      %swap3A = arith.index_cast %mul3A_104 : i32 to index
      %swap3A_105 = tpu.vector_load %arg36[%swap3A] {strides = array<i32>} : memref<80xf32, #tpu.memory_space<vmem>>, vector<16xf32>,
      %swap3A_106 = vector.shape_cast %swap3A_105 : vector<16xf32> to vector<16xf32>
      %swap3A_107 = vector.shape_cast %add3A_102 : vector<16xf32> to vector<16xf32>
      tpu.vector_store %arg36[%swap3A], %swap3A_107 {strides = array<i32>} : memref<80xf32, #tpu.memory_space<vmem>>, vector<16xf32>,
    }
    %scan3A_18 = arith.constant 5 : i32
    %eq3A = arith.constant 0 : i32
    %eq3A_19 = arith.cmpi eq, %arg1, %eq3A : i32
    %convert_element_type3A = arith.extui %eq3A_19 : i1 to i32
    %cond3A = arith.constant 0 : i32
    %cond3A_20 = arith.cmpi ne, %convert_element_type3A, %cond3A : i32
    scf.if %cond3A_20 {
      %scan3A_99 = arith.constant 0 : i32
      %scan3A_100 = arith.constant 0 : i32
      %scan3A_101 = arith.constant 63 : i32
      %scan3A_102 = arith.addi %scan3A_100, %scan3A_101 : i32
      %scan3A_103 = arith.constant 1 : i32
      scf.for %scan3A_111 = %scan3A_100 to %scan3A_102 step %scan3A_103  : i32 {
        %mul3A_112 = arith.constant 16 : i32
        %mul3A_113 = arith.muli %scan3A_111, %mul3A_112 : i32
        %swap3A = arith.index_cast %mul3A_113 : i32 to index
        %swap3A_114 = tpu.vector_load %arg37[%swap3A] {strides = array<i32>} : memref<1008xf32, #tpu.memory_space<vmem>>, vector<16xf32>,
        %swap3A_115 = vector.shape_cast %swap3A_114 : vector<16xf32> to vector<16xf32>
        %swap3A_116 = vector.shape_cast %broadcast_in_dim3A_1 : vector<16xf32> to vector<16xf32>
        tpu.vector_store %arg37[%swap3A], %swap3A_116 {strides = array<i32>} : memref<1008xf32, #tpu.memory_space<vmem>>, vector<16xf32>,
      }
      %scan3A_104 = arith.constant 63 : i32
      %scan3A_105 = arith.constant 0 : i32
      %scan3A_106 = arith.constant 0 : i32
      %scan3A_107 = arith.constant 10 : i32
      %scan3A_108 = arith.addi %scan3A_106, %scan3A_107 : i32
      %scan3A_109 = arith.constant 1 : i32
      scf.for %scan3A_111 = %scan3A_106 to %scan3A_108 step %scan3A_109  : i32 {
        %mul3A_112 = arith.constant 1000 : i32
        %mul3A_113 = arith.muli %scan3A_111, %mul3A_112 : i32
        "tpu.region"() ({
          %run_scoped3A = tpu.sem_alloc : memref<!tpu.dma_semaphore, #tpu.memory_space<semaphore_mem>>
          %dma_start3A_114 = arith.constant 0 : i32
          %dma_start3A_115 = tpu.memref_slice %arg37[%dma_start3A_114] : memref<1008xf32, #tpu.memory_space<vmem>> -> memref<1000xf32, #tpu.memory_space<vmem>>
          %dma_start3A_116 = tpu.memref_slice %arg35[%mul3A_113] : memref<10008xf32, #tpu.memory_space<vmem_shared>> -> memref<1000xf32, #tpu.memory_space<vmem_shared>>
          %dma_start3A_117 = tpu.memref_slice %arg35[%mul3A_113] : memref<10008xf32, #tpu.memory_space<vmem_shared>> -> memref<1000xf32, #tpu.memory_space<vmem_shared>>
          %dma_start3A_118 = arith.constant 0 : i32
          %dma_start3A_119 = tpu.memref_slice %arg37[%dma_start3A_118] : memref<1008xf32, #tpu.memory_space<vmem>> -> memref<1000xf32, #tpu.memory_space<vmem>>
          tpu.enqueue_dma source(%dma_start3A_119 : memref<1000xf32, #tpu.memory_space<vmem>>) target(%dma_start3A_117 : memref<1000xf32, #tpu.memory_space<vmem_shared>>) target_semaphore(%run_scoped3A : memref<!tpu.dma_semaphore, #tpu.memory_space<semaphore_mem>>)
          %dma_wait3A_120 = arith.constant 0 : i32
          %dma_wait3A_121 = tpu.memref_slice %arg37[%dma_wait3A_120] : memref<1008xf32, #tpu.memory_space<vmem>> -> memref<1000xf32, #tpu.memory_space<vmem>>
          %dma_wait3A_122 = tpu.memref_slice %arg35[%mul3A_113] : memref<10008xf32, #tpu.memory_space<vmem_shared>> -> memref<1000xf32, #tpu.memory_space<vmem_shared>>
          %dma_wait3A_123 = tpu.memref_slice %arg35[%mul3A_113] : memref<10008xf32, #tpu.memory_space<vmem_shared>> -> memref<1000xf32, #tpu.memory_space<vmem_shared>>
          %dma_wait3A_124 = arith.constant 0 : i32
          %dma_wait3A_125 = tpu.memref_slice %arg37[%dma_wait3A_124] : memref<1008xf32, #tpu.memory_space<vmem>> -> memref<1000xf32, #tpu.memory_space<vmem>>
          tpu.wait_dma2 semaphore(%run_scoped3A : memref<!tpu.dma_semaphore, #tpu.memory_space<semaphore_mem>>) src(%dma_wait3A_125 : memref<1000xf32, #tpu.memory_space<vmem>>) dst(%dma_wait3A_123 : memref<1000xf32, #tpu.memory_space<vmem_shared>>)
          tpu.yield
        }) : () -> ()
      }
      %scan3A_110 = arith.constant 10 : i32
    } else {
    }
    %barrier3A = arith.constant 0 : index
    tpu.barrier barrier_id(%barrier3A)
    "tpu.region"() ({
      %run_scoped3A = tpu.sem_alloc : memref<!tpu.dma_semaphore, #tpu.memory_space<semaphore_mem>>
      %dma_start3A_99 = arith.constant 0 : i32
      %dma_start3A_100 = arith.constant 0 : i32
      %dma_start3A_101 = tpu.memref_slice %arg3[%add3A, %dma_start3A_99, %dma_start3A_100] : memref<32x125x80xi32, #tpu.memory_space<hbm>> -> memref<1x125x80xi32, #tpu.memory_space<hbm>>
      %dma_start3A_102 = tpu.memref_squeeze %dma_start3A_101 : memref<1x125x80xi32, #tpu.memory_space<hbm>> -> memref<125x80xi32, #tpu.memory_space<hbm>>
      %dma_start3A_103 = arith.constant 0 : i32
      %dma_start3A_104 = arith.constant 0 : i32
      %dma_start3A_105 = tpu.memref_slice %arg3[%add3A, %dma_start3A_103, %dma_start3A_104] : memref<32x125x80xi32, #tpu.memory_space<hbm>> -> memref<1x125x80xi32, #tpu.memory_space<hbm>>
      %dma_start3A_106 = tpu.memref_squeeze %dma_start3A_105 : memref<1x125x80xi32, #tpu.memory_space<hbm>> -> memref<125x80xi32, #tpu.memory_space<hbm>>
      tpu.enqueue_dma source(%dma_start3A_106 : memref<125x80xi32, #tpu.memory_space<hbm>>) target(%arg8 : memref<125x80xi32, #tpu.memory_space<vmem>>) target_semaphore(%run_scoped3A : memref<!tpu.dma_semaphore, #tpu.memory_space<semaphore_mem>>)
      %dma_wait3A_107 = arith.constant 0 : i32
      %dma_wait3A_108 = arith.constant 0 : i32
      %dma_wait3A_109 = tpu.memref_slice %arg3[%add3A, %dma_wait3A_107, %dma_wait3A_108] : memref<32x125x80xi32, #tpu.memory_space<hbm>> -> memref<1x125x80xi32, #tpu.memory_space<hbm>>
      %dma_wait3A_110 = tpu.memref_squeeze %dma_wait3A_109 : memref<1x125x80xi32, #tpu.memory_space<hbm>> -> memref<125x80xi32, #tpu.memory_space<hbm>>
      %dma_wait3A_111 = arith.constant 0 : i32
      %dma_wait3A_112 = arith.constant 0 : i32
      %dma_wait3A_113 = tpu.memref_slice %arg3[%add3A, %dma_wait3A_111, %dma_wait3A_112] : memref<32x125x80xi32, #tpu.memory_space<hbm>> -> memref<1x125x80xi32, #tpu.memory_space<hbm>>
      %dma_wait3A_114 = tpu.memref_squeeze %dma_wait3A_113 : memref<1x125x80xi32, #tpu.memory_space<hbm>> -> memref<125x80xi32, #tpu.memory_space<hbm>>
      tpu.wait_dma2 semaphore(%run_scoped3A : memref<!tpu.dma_semaphore, #tpu.memory_space<semaphore_mem>>) src(%dma_wait3A_114 : memref<125x80xi32, #tpu.memory_space<hbm>>) dst(%arg8 : memref<125x80xi32, #tpu.memory_space<vmem>>)
      tpu.yield
    }) : () -> ()
    "tpu.region"() ({
      %run_scoped3A = tpu.sem_alloc : memref<!tpu.dma_semaphore, #tpu.memory_space<semaphore_mem>>
      %dma_start3A_99 = arith.constant 0 : i32
      %dma_start3A_100 = arith.constant 0 : i32
      %dma_start3A_101 = tpu.memref_slice %arg4[%add3A, %dma_start3A_99, %dma_start3A_100] : memref<32x125x80xi32, #tpu.memory_space<hbm>> -> memref<1x125x80xi32, #tpu.memory_space<hbm>>
      %dma_start3A_102 = tpu.memref_squeeze %dma_start3A_101 : memref<1x125x80xi32, #tpu.memory_space<hbm>> -> memref<125x80xi32, #tpu.memory_space<hbm>>
      %dma_start3A_103 = arith.constant 0 : i32
      %dma_start3A_104 = arith.constant 0 : i32
      %dma_start3A_105 = tpu.memref_slice %arg4[%add3A, %dma_start3A_103, %dma_start3A_104] : memref<32x125x80xi32, #tpu.memory_space<hbm>> -> memref<1x125x80xi32, #tpu.memory_space<hbm>>
      %dma_start3A_106 = tpu.memref_squeeze %dma_start3A_105 : memref<1x125x80xi32, #tpu.memory_space<hbm>> -> memref<125x80xi32, #tpu.memory_space<hbm>>
      tpu.enqueue_dma source(%dma_start3A_106 : memref<125x80xi32, #tpu.memory_space<hbm>>) target(%arg9 : memref<125x80xi32, #tpu.memory_space<vmem>>) target_semaphore(%run_scoped3A : memref<!tpu.dma_semaphore, #tpu.memory_space<semaphore_mem>>)
      %dma_wait3A_107 = arith.constant 0 : i32
      %dma_wait3A_108 = arith.constant 0 : i32
      %dma_wait3A_109 = tpu.memref_slice %arg4[%add3A, %dma_wait3A_107, %dma_wait3A_108] : memref<32x125x80xi32, #tpu.memory_space<hbm>> -> memref<1x125x80xi32, #tpu.memory_space<hbm>>
      %dma_wait3A_110 = tpu.memref_squeeze %dma_wait3A_109 : memref<1x125x80xi32, #tpu.memory_space<hbm>> -> memref<125x80xi32, #tpu.memory_space<hbm>>
      %dma_wait3A_111 = arith.constant 0 : i32
      %dma_wait3A_112 = arith.constant 0 : i32
      %dma_wait3A_113 = tpu.memref_slice %arg4[%add3A, %dma_wait3A_111, %dma_wait3A_112] : memref<32x125x80xi32, #tpu.memory_space<hbm>> -> memref<1x125x80xi32, #tpu.memory_space<hbm>>
      %dma_wait3A_114 = tpu.memref_squeeze %dma_wait3A_113 : memref<1x125x80xi32, #tpu.memory_space<hbm>> -> memref<125x80xi32, #tpu.memory_space<hbm>>
      tpu.wait_dma2 semaphore(%run_scoped3A : memref<!tpu.dma_semaphore, #tpu.memory_space<semaphore_mem>>) src(%dma_wait3A_114 : memref<125x80xi32, #tpu.memory_space<hbm>>) dst(%arg9 : memref<125x80xi32, #tpu.memory_space<vmem>>)
      tpu.yield
    }) : () -> ()
    %dma_start3A = arith.constant 0 : i32
    %dma_start3A_21 = arith.constant 0 : i32
    %dma_start3A_22 = tpu.memref_slice %arg8[%dma_start3A, %dma_start3A_21] : memref<125x80xi32, #tpu.memory_space<vmem>> -> memref<1x80xi32, #tpu.memory_space<vmem>>
    %dma_start3A_23 = tpu.memref_squeeze %dma_start3A_22 : memref<1x80xi32, #tpu.memory_space<vmem>> -> memref<80xi32, #tpu.memory_space<vmem>>
    %dma_start3A_24 = arith.constant 0 : i32
    %dma_start3A_25 = arith.constant 0 : i32
    %dma_start3A_26 = tpu.memref_slice %arg2[%dma_start3A_24, %dma_start3A_25] : memref<10000x64xf32, #tpu.memory_space<hbm>> -> memref<10000x64xf32, #tpu.memory_space<hbm>>
    tpu.enqueue_indirect_dma source(%dma_start3A_26 : memref<10000x64xf32, #tpu.memory_space<hbm>>) target(%arg11 : memref<80x64xf32, #tpu.memory_space<vmem>>) offsets(%dma_start3A_23 : memref<80xi32, #tpu.memory_space<vmem>>) semaphore(%arg19 : memref<!tpu.dma_semaphore, #tpu.memory_space<semaphore_mem>>)
    %dma_start3A_27 = arith.constant 1 : i32
    %dma_start3A_28 = arith.constant 0 : i32
    %dma_start3A_29 = tpu.memref_slice %arg8[%dma_start3A_27, %dma_start3A_28] : memref<125x80xi32, #tpu.memory_space<vmem>> -> memref<1x80xi32, #tpu.memory_space<vmem>>
    %dma_start3A_30 = tpu.memref_squeeze %dma_start3A_29 : memref<1x80xi32, #tpu.memory_space<vmem>> -> memref<80xi32, #tpu.memory_space<vmem>>
    %dma_start3A_31 = arith.constant 0 : i32
    %dma_start3A_32 = arith.constant 0 : i32
    %dma_start3A_33 = tpu.memref_slice %arg2[%dma_start3A_31, %dma_start3A_32] : memref<10000x64xf32, #tpu.memory_space<hbm>> -> memref<10000x64xf32, #tpu.memory_space<hbm>>
    tpu.enqueue_indirect_dma source(%dma_start3A_33 : memref<10000x64xf32, #tpu.memory_space<hbm>>) target(%arg12 : memref<80x64xf32, #tpu.memory_space<vmem>>) offsets(%dma_start3A_30 : memref<80xi32, #tpu.memory_space<vmem>>) semaphore(%arg20 : memref<!tpu.dma_semaphore, #tpu.memory_space<semaphore_mem>>)
    %dma_start3A_34 = arith.constant 2 : i32
    %dma_start3A_35 = arith.constant 0 : i32
    %dma_start3A_36 = tpu.memref_slice %arg8[%dma_start3A_34, %dma_start3A_35] : memref<125x80xi32, #tpu.memory_space<vmem>> -> memref<1x80xi32, #tpu.memory_space<vmem>>
    %dma_start3A_37 = tpu.memref_squeeze %dma_start3A_36 : memref<1x80xi32, #tpu.memory_space<vmem>> -> memref<80xi32, #tpu.memory_space<vmem>>
    %dma_start3A_38 = arith.constant 0 : i32
    %dma_start3A_39 = arith.constant 0 : i32
    %dma_start3A_40 = tpu.memref_slice %arg2[%dma_start3A_38, %dma_start3A_39] : memref<10000x64xf32, #tpu.memory_space<hbm>> -> memref<10000x64xf32, #tpu.memory_space<hbm>>
    tpu.enqueue_indirect_dma source(%dma_start3A_40 : memref<10000x64xf32, #tpu.memory_space<hbm>>) target(%arg13 : memref<80x64xf32, #tpu.memory_space<vmem>>) offsets(%dma_start3A_37 : memref<80xi32, #tpu.memory_space<vmem>>) semaphore(%arg21 : memref<!tpu.dma_semaphore, #tpu.memory_space<semaphore_mem>>)
    %dma_start3A_41 = arith.constant 3 : i32
    %dma_start3A_42 = arith.constant 0 : i32
    %dma_start3A_43 = tpu.memref_slice %arg8[%dma_start3A_41, %dma_start3A_42] : memref<125x80xi32, #tpu.memory_space<vmem>> -> memref<1x80xi32, #tpu.memory_space<vmem>>
    %dma_start3A_44 = tpu.memref_squeeze %dma_start3A_43 : memref<1x80xi32, #tpu.memory_space<vmem>> -> memref<80xi32, #tpu.memory_space<vmem>>
    %dma_start3A_45 = arith.constant 0 : i32
    %dma_start3A_46 = arith.constant 0 : i32
    %dma_start3A_47 = tpu.memref_slice %arg2[%dma_start3A_45, %dma_start3A_46] : memref<10000x64xf32, #tpu.memory_space<hbm>> -> memref<10000x64xf32, #tpu.memory_space<hbm>>
    tpu.enqueue_indirect_dma source(%dma_start3A_47 : memref<10000x64xf32, #tpu.memory_space<hbm>>) target(%arg14 : memref<80x64xf32, #tpu.memory_space<vmem>>) offsets(%dma_start3A_44 : memref<80xi32, #tpu.memory_space<vmem>>) semaphore(%arg22 : memref<!tpu.dma_semaphore, #tpu.memory_space<semaphore_mem>>)
    %dma_start3A_48 = arith.constant 4 : i32
    %dma_start3A_49 = arith.constant 0 : i32
    %dma_start3A_50 = tpu.memref_slice %arg8[%dma_start3A_48, %dma_start3A_49] : memref<125x80xi32, #tpu.memory_space<vmem>> -> memref<1x80xi32, #tpu.memory_space<vmem>>
    %dma_start3A_51 = tpu.memref_squeeze %dma_start3A_50 : memref<1x80xi32, #tpu.memory_space<vmem>> -> memref<80xi32, #tpu.memory_space<vmem>>
    %dma_start3A_52 = arith.constant 0 : i32
    %dma_start3A_53 = arith.constant 0 : i32
    %dma_start3A_54 = tpu.memref_slice %arg2[%dma_start3A_52, %dma_start3A_53] : memref<10000x64xf32, #tpu.memory_space<hbm>> -> memref<10000x64xf32, #tpu.memory_space<hbm>>
    tpu.enqueue_indirect_dma source(%dma_start3A_54 : memref<10000x64xf32, #tpu.memory_space<hbm>>) target(%arg15 : memref<80x64xf32, #tpu.memory_space<vmem>>) offsets(%dma_start3A_51 : memref<80xi32, #tpu.memory_space<vmem>>) semaphore(%arg23 : memref<!tpu.dma_semaphore, #tpu.memory_space<semaphore_mem>>)
    %dma_start3A_55 = arith.constant 5 : i32
    %dma_start3A_56 = arith.constant 0 : i32
    %dma_start3A_57 = tpu.memref_slice %arg8[%dma_start3A_55, %dma_start3A_56] : memref<125x80xi32, #tpu.memory_space<vmem>> -> memref<1x80xi32, #tpu.memory_space<vmem>>
    %dma_start3A_58 = tpu.memref_squeeze %dma_start3A_57 : memref<1x80xi32, #tpu.memory_space<vmem>> -> memref<80xi32, #tpu.memory_space<vmem>>
    %dma_start3A_59 = arith.constant 0 : i32
    %dma_start3A_60 = arith.constant 0 : i32
    %dma_start3A_61 = tpu.memref_slice %arg2[%dma_start3A_59, %dma_start3A_60] : memref<10000x64xf32, #tpu.memory_space<hbm>> -> memref<10000x64xf32, #tpu.memory_space<hbm>>
    tpu.enqueue_indirect_dma source(%dma_start3A_61 : memref<10000x64xf32, #tpu.memory_space<hbm>>) target(%arg16 : memref<80x64xf32, #tpu.memory_space<vmem>>) offsets(%dma_start3A_58 : memref<80xi32, #tpu.memory_space<vmem>>) semaphore(%arg24 : memref<!tpu.dma_semaphore, #tpu.memory_space<semaphore_mem>>)
    %dma_start3A_62 = arith.constant 6 : i32
    %dma_start3A_63 = arith.constant 0 : i32
    %dma_start3A_64 = tpu.memref_slice %arg8[%dma_start3A_62, %dma_start3A_63] : memref<125x80xi32, #tpu.memory_space<vmem>> -> memref<1x80xi32, #tpu.memory_space<vmem>>
    %dma_start3A_65 = tpu.memref_squeeze %dma_start3A_64 : memref<1x80xi32, #tpu.memory_space<vmem>> -> memref<80xi32, #tpu.memory_space<vmem>>
    %dma_start3A_66 = arith.constant 0 : i32
    %dma_start3A_67 = arith.constant 0 : i32
    %dma_start3A_68 = tpu.memref_slice %arg2[%dma_start3A_66, %dma_start3A_67] : memref<10000x64xf32, #tpu.memory_space<hbm>> -> memref<10000x64xf32, #tpu.memory_space<hbm>>
    tpu.enqueue_indirect_dma source(%dma_start3A_68 : memref<10000x64xf32, #tpu.memory_space<hbm>>) target(%arg17 : memref<80x64xf32, #tpu.memory_space<vmem>>) offsets(%dma_start3A_65 : memref<80xi32, #tpu.memory_space<vmem>>) semaphore(%arg25 : memref<!tpu.dma_semaphore, #tpu.memory_space<semaphore_mem>>)
    %scan3A_69 = arith.constant 0 : i32
    %scan3A_70 = arith.constant 0 : i32
    %scan3A_71 = arith.constant 125 : i32
    %scan3A_72 = arith.addi %scan3A_70, %scan3A_71 : i32
    %scan3A_73 = arith.constant 1 : i32
    scf.for %scan3A_99 = %scan3A_70 to %scan3A_72 step %scan3A_73  : i32 {
      %rem3A = arith.constant 8 : i32
      %rem3A_100 = arith.remsi %scan3A_99, %rem3A : i32
      %eq3A_101 = arith.constant 0 : i32
      %eq3A_102 = arith.cmpi eq, %rem3A_100, %eq3A_101 : i32
      %convert_element_type3A_103 = arith.extui %eq3A_102 : i1 to i32
      %cond3A_104 = arith.constant 0 : i32
      %cond3A_105 = arith.cmpi ne, %convert_element_type3A_103, %cond3A_104 : i32
      scf.if %cond3A_105 {
        %dma_wait3A_155 = arith.constant 0 : i32
        %dma_wait3A_156 = tpu.memref_slice %arg8[%scan3A_99, %dma_wait3A_155] : memref<125x80xi32, #tpu.memory_space<vmem>> -> memref<1x80xi32, #tpu.memory_space<vmem>>
        %dma_wait3A_157 = tpu.memref_squeeze %dma_wait3A_156 : memref<1x80xi32, #tpu.memory_space<vmem>> -> memref<80xi32, #tpu.memory_space<vmem>>
        %dma_wait3A_158 = arith.constant 0 : i32
        %dma_wait3A_159 = arith.constant 0 : i32
        %dma_wait3A_160 = tpu.memref_slice %arg2[%dma_wait3A_158, %dma_wait3A_159] : memref<10000x64xf32, #tpu.memory_space<hbm>> -> memref<10000x64xf32, #tpu.memory_space<hbm>>
        tpu.wait_indirect_dma semaphore(%arg19 : memref<!tpu.dma_semaphore, #tpu.memory_space<semaphore_mem>>) src(%dma_wait3A_160 : memref<10000x64xf32, #tpu.memory_space<hbm>>) dst(%arg11 : memref<80x64xf32, #tpu.memory_space<vmem>>)
        %dma_start3A_161 = arith.constant 0 : i32
        %dma_start3A_162 = tpu.memref_slice %arg9[%scan3A_99, %dma_start3A_161] : memref<125x80xi32, #tpu.memory_space<vmem>> -> memref<1x80xi32, #tpu.memory_space<vmem>>
        %dma_start3A_163 = tpu.memref_squeeze %dma_start3A_162 : memref<1x80xi32, #tpu.memory_space<vmem>> -> memref<80xi32, #tpu.memory_space<vmem>>
        %dma_start3A_164 = arith.constant 0 : i32
        %dma_start3A_165 = arith.constant 0 : i32
        %dma_start3A_166 = tpu.memref_slice %arg7[%dma_start3A_164, %dma_start3A_165] : memref<10008x64xf32, #tpu.memory_space<vmem_shared>> -> memref<10008x64xf32, #tpu.memory_space<vmem_shared>>
        tpu.enqueue_indirect_dma source(%arg11 : memref<80x64xf32, #tpu.memory_space<vmem>>) target(%dma_start3A_166 : memref<10008x64xf32, #tpu.memory_space<vmem_shared>>) offsets(%dma_start3A_163 : memref<80xi32, #tpu.memory_space<vmem>>) semaphore(%arg27 : memref<!tpu.dma_semaphore, #tpu.memory_space<semaphore_mem>>) {add = true}
        %dma_start3A_167 = arith.constant 0 : i32
        %dma_start3A_168 = tpu.memref_slice %arg9[%scan3A_99, %dma_start3A_167] : memref<125x80xi32, #tpu.memory_space<vmem>> -> memref<1x80xi32, #tpu.memory_space<vmem>>
        %dma_start3A_169 = tpu.memref_squeeze %dma_start3A_168 : memref<1x80xi32, #tpu.memory_space<vmem>> -> memref<80xi32, #tpu.memory_space<vmem>>
        %dma_start3A_170 = arith.constant 0 : i32
        %dma_start3A_171 = tpu.memref_slice %arg35[%dma_start3A_170] : memref<10008xf32, #tpu.memory_space<vmem_shared>> -> memref<10008xf32, #tpu.memory_space<vmem_shared>>
        tpu.enqueue_indirect_dma source(%arg36 : memref<80xf32, #tpu.memory_space<vmem>>) target(%dma_start3A_171 : memref<10008xf32, #tpu.memory_space<vmem_shared>>) offsets(%dma_start3A_169 : memref<80xi32, #tpu.memory_space<vmem>>) semaphore(%arg38 : memref<!tpu.dma_semaphore, #tpu.memory_space<semaphore_mem>>) {add = true}
        %ge3A = arith.constant 1 : i32
        %ge3A_172 = arith.cmpi sge, %scan3A_99, %ge3A : i32
        %convert_element_type3A_173 = arith.extui %ge3A_172 : i1 to i32
        %cond3A_174 = arith.constant 0 : i32
        %cond3A_175 = arith.cmpi ne, %convert_element_type3A_173, %cond3A_174 : i32
        scf.if %cond3A_175 {
          %dma_wait3A_182 = arith.constant 0 : i32
          %dma_wait3A_183 = tpu.memref_slice %arg9[%scan3A_99, %dma_wait3A_182] : memref<125x80xi32, #tpu.memory_space<vmem>> -> memref<1x80xi32, #tpu.memory_space<vmem>>
          %dma_wait3A_184 = tpu.memref_squeeze %dma_wait3A_183 : memref<1x80xi32, #tpu.memory_space<vmem>> -> memref<80xi32, #tpu.memory_space<vmem>>
          %dma_wait3A_185 = arith.constant 0 : i32
          %dma_wait3A_186 = arith.constant 0 : i32
          %dma_wait3A_187 = tpu.memref_slice %arg7[%dma_wait3A_185, %dma_wait3A_186] : memref<10008x64xf32, #tpu.memory_space<vmem_shared>> -> memref<10008x64xf32, #tpu.memory_space<vmem_shared>>
          tpu.wait_indirect_dma semaphore(%arg34 : memref<!tpu.dma_semaphore, #tpu.memory_space<semaphore_mem>>) src(%arg18 : memref<80x64xf32, #tpu.memory_space<vmem>>) dst(%dma_wait3A_187 : memref<10008x64xf32, #tpu.memory_space<vmem_shared>>)
        } else {
        }
        %add3A_176 = arith.constant 7 : i32
        %add3A_177 = arith.addi %scan3A_99, %add3A_176 : i32
        %lt3A = arith.constant 125 : i32
        %lt3A_178 = arith.cmpi slt, %add3A_177, %lt3A : i32
        %convert_element_type3A_179 = arith.extui %lt3A_178 : i1 to i32
        %cond3A_180 = arith.constant 0 : i32
        %cond3A_181 = arith.cmpi ne, %convert_element_type3A_179, %cond3A_180 : i32
        scf.if %cond3A_181 {
          %add3A_182 = arith.constant 7 : i32
          %add3A_183 = arith.addi %scan3A_99, %add3A_182 : i32
          %dma_start3A_184 = arith.constant 0 : i32
          %dma_start3A_185 = tpu.memref_slice %arg8[%add3A_183, %dma_start3A_184] : memref<125x80xi32, #tpu.memory_space<vmem>> -> memref<1x80xi32, #tpu.memory_space<vmem>>
          %dma_start3A_186 = tpu.memref_squeeze %dma_start3A_185 : memref<1x80xi32, #tpu.memory_space<vmem>> -> memref<80xi32, #tpu.memory_space<vmem>>
          %dma_start3A_187 = arith.constant 0 : i32
          %dma_start3A_188 = arith.constant 0 : i32
          %dma_start3A_189 = tpu.memref_slice %arg2[%dma_start3A_187, %dma_start3A_188] : memref<10000x64xf32, #tpu.memory_space<hbm>> -> memref<10000x64xf32, #tpu.memory_space<hbm>>
          tpu.enqueue_indirect_dma source(%dma_start3A_189 : memref<10000x64xf32, #tpu.memory_space<hbm>>) target(%arg18 : memref<80x64xf32, #tpu.memory_space<vmem>>) offsets(%dma_start3A_186 : memref<80xi32, #tpu.memory_space<vmem>>) semaphore(%arg26 : memref<!tpu.dma_semaphore, #tpu.memory_space<semaphore_mem>>)
        } else {
        }
      } else {
      }
      %rem3A_106 = arith.constant 8 : i32
      %rem3A_107 = arith.remsi %scan3A_99, %rem3A_106 : i32
      %eq3A_108 = arith.constant 1 : i32
      %eq3A_109 = arith.cmpi eq, %rem3A_107, %eq3A_108 : i32
      %convert_element_type3A_110 = arith.extui %eq3A_109 : i1 to i32
      %cond3A_111 = arith.constant 0 : i32
      %cond3A_112 = arith.cmpi ne, %convert_element_type3A_110, %cond3A_111 : i32
      scf.if %cond3A_112 {
        %dma_wait3A_155 = arith.constant 0 : i32
        %dma_wait3A_156 = tpu.memref_slice %arg8[%scan3A_99, %dma_wait3A_155] : memref<125x80xi32, #tpu.memory_space<vmem>> -> memref<1x80xi32, #tpu.memory_space<vmem>>
        %dma_wait3A_157 = tpu.memref_squeeze %dma_wait3A_156 : memref<1x80xi32, #tpu.memory_space<vmem>> -> memref<80xi32, #tpu.memory_space<vmem>>
        %dma_wait3A_158 = arith.constant 0 : i32
        %dma_wait3A_159 = arith.constant 0 : i32
        %dma_wait3A_160 = tpu.memref_slice %arg2[%dma_wait3A_158, %dma_wait3A_159] : memref<10000x64xf32, #tpu.memory_space<hbm>> -> memref<10000x64xf32, #tpu.memory_space<hbm>>
        tpu.wait_indirect_dma semaphore(%arg20 : memref<!tpu.dma_semaphore, #tpu.memory_space<semaphore_mem>>) src(%dma_wait3A_160 : memref<10000x64xf32, #tpu.memory_space<hbm>>) dst(%arg12 : memref<80x64xf32, #tpu.memory_space<vmem>>)
        %dma_start3A_161 = arith.constant 0 : i32
        %dma_start3A_162 = tpu.memref_slice %arg9[%scan3A_99, %dma_start3A_161] : memref<125x80xi32, #tpu.memory_space<vmem>> -> memref<1x80xi32, #tpu.memory_space<vmem>>
        %dma_start3A_163 = tpu.memref_squeeze %dma_start3A_162 : memref<1x80xi32, #tpu.memory_space<vmem>> -> memref<80xi32, #tpu.memory_space<vmem>>
        %dma_start3A_164 = arith.constant 0 : i32
        %dma_start3A_165 = arith.constant 0 : i32
        %dma_start3A_166 = tpu.memref_slice %arg7[%dma_start3A_164, %dma_start3A_165] : memref<10008x64xf32, #tpu.memory_space<vmem_shared>> -> memref<10008x64xf32, #tpu.memory_space<vmem_shared>>
        tpu.enqueue_indirect_dma source(%arg12 : memref<80x64xf32, #tpu.memory_space<vmem>>) target(%dma_start3A_166 : memref<10008x64xf32, #tpu.memory_space<vmem_shared>>) offsets(%dma_start3A_163 : memref<80xi32, #tpu.memory_space<vmem>>) semaphore(%arg28 : memref<!tpu.dma_semaphore, #tpu.memory_space<semaphore_mem>>) {add = true}
        %dma_start3A_167 = arith.constant 0 : i32
        %dma_start3A_168 = tpu.memref_slice %arg9[%scan3A_99, %dma_start3A_167] : memref<125x80xi32, #tpu.memory_space<vmem>> -> memref<1x80xi32, #tpu.memory_space<vmem>>
        %dma_start3A_169 = tpu.memref_squeeze %dma_start3A_168 : memref<1x80xi32, #tpu.memory_space<vmem>> -> memref<80xi32, #tpu.memory_space<vmem>>
        %dma_start3A_170 = arith.constant 0 : i32
        %dma_start3A_171 = tpu.memref_slice %arg35[%dma_start3A_170] : memref<10008xf32, #tpu.memory_space<vmem_shared>> -> memref<10008xf32, #tpu.memory_space<vmem_shared>>
        tpu.enqueue_indirect_dma source(%arg36 : memref<80xf32, #tpu.memory_space<vmem>>) target(%dma_start3A_171 : memref<10008xf32, #tpu.memory_space<vmem_shared>>) offsets(%dma_start3A_169 : memref<80xi32, #tpu.memory_space<vmem>>) semaphore(%arg38 : memref<!tpu.dma_semaphore, #tpu.memory_space<semaphore_mem>>) {add = true}
        %ge3A = arith.constant 1 : i32
        %ge3A_172 = arith.cmpi sge, %scan3A_99, %ge3A : i32
        %convert_element_type3A_173 = arith.extui %ge3A_172 : i1 to i32
        %cond3A_174 = arith.constant 0 : i32
        %cond3A_175 = arith.cmpi ne, %convert_element_type3A_173, %cond3A_174 : i32
        scf.if %cond3A_175 {
          %dma_wait3A_182 = arith.constant 0 : i32
          %dma_wait3A_183 = tpu.memref_slice %arg9[%scan3A_99, %dma_wait3A_182] : memref<125x80xi32, #tpu.memory_space<vmem>> -> memref<1x80xi32, #tpu.memory_space<vmem>>
          %dma_wait3A_184 = tpu.memref_squeeze %dma_wait3A_183 : memref<1x80xi32, #tpu.memory_space<vmem>> -> memref<80xi32, #tpu.memory_space<vmem>>
          %dma_wait3A_185 = arith.constant 0 : i32
          %dma_wait3A_186 = arith.constant 0 : i32
          %dma_wait3A_187 = tpu.memref_slice %arg7[%dma_wait3A_185, %dma_wait3A_186] : memref<10008x64xf32, #tpu.memory_space<vmem_shared>> -> memref<10008x64xf32, #tpu.memory_space<vmem_shared>>
          tpu.wait_indirect_dma semaphore(%arg27 : memref<!tpu.dma_semaphore, #tpu.memory_space<semaphore_mem>>) src(%arg11 : memref<80x64xf32, #tpu.memory_space<vmem>>) dst(%dma_wait3A_187 : memref<10008x64xf32, #tpu.memory_space<vmem_shared>>)
        } else {
        }
        %add3A_176 = arith.constant 7 : i32
        %add3A_177 = arith.addi %scan3A_99, %add3A_176 : i32
        %lt3A = arith.constant 125 : i32
        %lt3A_178 = arith.cmpi slt, %add3A_177, %lt3A : i32
        %convert_element_type3A_179 = arith.extui %lt3A_178 : i1 to i32
        %cond3A_180 = arith.constant 0 : i32
        %cond3A_181 = arith.cmpi ne, %convert_element_type3A_179, %cond3A_180 : i32
        scf.if %cond3A_181 {
          %add3A_182 = arith.constant 7 : i32
          %add3A_183 = arith.addi %scan3A_99, %add3A_182 : i32
          %dma_start3A_184 = arith.constant 0 : i32
          %dma_start3A_185 = tpu.memref_slice %arg8[%add3A_183, %dma_start3A_184] : memref<125x80xi32, #tpu.memory_space<vmem>> -> memref<1x80xi32, #tpu.memory_space<vmem>>
          %dma_start3A_186 = tpu.memref_squeeze %dma_start3A_185 : memref<1x80xi32, #tpu.memory_space<vmem>> -> memref<80xi32, #tpu.memory_space<vmem>>
          %dma_start3A_187 = arith.constant 0 : i32
          %dma_start3A_188 = arith.constant 0 : i32
          %dma_start3A_189 = tpu.memref_slice %arg2[%dma_start3A_187, %dma_start3A_188] : memref<10000x64xf32, #tpu.memory_space<hbm>> -> memref<10000x64xf32, #tpu.memory_space<hbm>>
          tpu.enqueue_indirect_dma source(%dma_start3A_189 : memref<10000x64xf32, #tpu.memory_space<hbm>>) target(%arg11 : memref<80x64xf32, #tpu.memory_space<vmem>>) offsets(%dma_start3A_186 : memref<80xi32, #tpu.memory_space<vmem>>) semaphore(%arg19 : memref<!tpu.dma_semaphore, #tpu.memory_space<semaphore_mem>>)
        } else {
        }
      } else {
      }
      %rem3A_113 = arith.constant 8 : i32
      %rem3A_114 = arith.remsi %scan3A_99, %rem3A_113 : i32
      %eq3A_115 = arith.constant 2 : i32
      %eq3A_116 = arith.cmpi eq, %rem3A_114, %eq3A_115 : i32
      %convert_element_type3A_117 = arith.extui %eq3A_116 : i1 to i32
      %cond3A_118 = arith.constant 0 : i32
      %cond3A_119 = arith.cmpi ne, %convert_element_type3A_117, %cond3A_118 : i32
      scf.if %cond3A_119 {
        %dma_wait3A_155 = arith.constant 0 : i32
        %dma_wait3A_156 = tpu.memref_slice %arg8[%scan3A_99, %dma_wait3A_155] : memref<125x80xi32, #tpu.memory_space<vmem>> -> memref<1x80xi32, #tpu.memory_space<vmem>>
        %dma_wait3A_157 = tpu.memref_squeeze %dma_wait3A_156 : memref<1x80xi32, #tpu.memory_space<vmem>> -> memref<80xi32, #tpu.memory_space<vmem>>
        %dma_wait3A_158 = arith.constant 0 : i32
        %dma_wait3A_159 = arith.constant 0 : i32
        %dma_wait3A_160 = tpu.memref_slice %arg2[%dma_wait3A_158, %dma_wait3A_159] : memref<10000x64xf32, #tpu.memory_space<hbm>> -> memref<10000x64xf32, #tpu.memory_space<hbm>>
        tpu.wait_indirect_dma semaphore(%arg21 : memref<!tpu.dma_semaphore, #tpu.memory_space<semaphore_mem>>) src(%dma_wait3A_160 : memref<10000x64xf32, #tpu.memory_space<hbm>>) dst(%arg13 : memref<80x64xf32, #tpu.memory_space<vmem>>)
        %dma_start3A_161 = arith.constant 0 : i32
        %dma_start3A_162 = tpu.memref_slice %arg9[%scan3A_99, %dma_start3A_161] : memref<125x80xi32, #tpu.memory_space<vmem>> -> memref<1x80xi32, #tpu.memory_space<vmem>>
        %dma_start3A_163 = tpu.memref_squeeze %dma_start3A_162 : memref<1x80xi32, #tpu.memory_space<vmem>> -> memref<80xi32, #tpu.memory_space<vmem>>
        %dma_start3A_164 = arith.constant 0 : i32
        %dma_start3A_165 = arith.constant 0 : i32
        %dma_start3A_166 = tpu.memref_slice %arg7[%dma_start3A_164, %dma_start3A_165] : memref<10008x64xf32, #tpu.memory_space<vmem_shared>> -> memref<10008x64xf32, #tpu.memory_space<vmem_shared>>
        tpu.enqueue_indirect_dma source(%arg13 : memref<80x64xf32, #tpu.memory_space<vmem>>) target(%dma_start3A_166 : memref<10008x64xf32, #tpu.memory_space<vmem_shared>>) offsets(%dma_start3A_163 : memref<80xi32, #tpu.memory_space<vmem>>) semaphore(%arg29 : memref<!tpu.dma_semaphore, #tpu.memory_space<semaphore_mem>>) {add = true}
        %dma_start3A_167 = arith.constant 0 : i32
        %dma_start3A_168 = tpu.memref_slice %arg9[%scan3A_99, %dma_start3A_167] : memref<125x80xi32, #tpu.memory_space<vmem>> -> memref<1x80xi32, #tpu.memory_space<vmem>>
        %dma_start3A_169 = tpu.memref_squeeze %dma_start3A_168 : memref<1x80xi32, #tpu.memory_space<vmem>> -> memref<80xi32, #tpu.memory_space<vmem>>
        %dma_start3A_170 = arith.constant 0 : i32
        %dma_start3A_171 = tpu.memref_slice %arg35[%dma_start3A_170] : memref<10008xf32, #tpu.memory_space<vmem_shared>> -> memref<10008xf32, #tpu.memory_space<vmem_shared>>
        tpu.enqueue_indirect_dma source(%arg36 : memref<80xf32, #tpu.memory_space<vmem>>) target(%dma_start3A_171 : memref<10008xf32, #tpu.memory_space<vmem_shared>>) offsets(%dma_start3A_169 : memref<80xi32, #tpu.memory_space<vmem>>) semaphore(%arg38 : memref<!tpu.dma_semaphore, #tpu.memory_space<semaphore_mem>>) {add = true}
        %ge3A = arith.constant 1 : i32
        %ge3A_172 = arith.cmpi sge, %scan3A_99, %ge3A : i32
        %convert_element_type3A_173 = arith.extui %ge3A_172 : i1 to i32
        %cond3A_174 = arith.constant 0 : i32
        %cond3A_175 = arith.cmpi ne, %convert_element_type3A_173, %cond3A_174 : i32
        scf.if %cond3A_175 {
          %dma_wait3A_182 = arith.constant 0 : i32
          %dma_wait3A_183 = tpu.memref_slice %arg9[%scan3A_99, %dma_wait3A_182] : memref<125x80xi32, #tpu.memory_space<vmem>> -> memref<1x80xi32, #tpu.memory_space<vmem>>
          %dma_wait3A_184 = tpu.memref_squeeze %dma_wait3A_183 : memref<1x80xi32, #tpu.memory_space<vmem>> -> memref<80xi32, #tpu.memory_space<vmem>>
          %dma_wait3A_185 = arith.constant 0 : i32
          %dma_wait3A_186 = arith.constant 0 : i32
          %dma_wait3A_187 = tpu.memref_slice %arg7[%dma_wait3A_185, %dma_wait3A_186] : memref<10008x64xf32, #tpu.memory_space<vmem_shared>> -> memref<10008x64xf32, #tpu.memory_space<vmem_shared>>
          tpu.wait_indirect_dma semaphore(%arg28 : memref<!tpu.dma_semaphore, #tpu.memory_space<semaphore_mem>>) src(%arg12 : memref<80x64xf32, #tpu.memory_space<vmem>>) dst(%dma_wait3A_187 : memref<10008x64xf32, #tpu.memory_space<vmem_shared>>)
        } else {
        }
        %add3A_176 = arith.constant 7 : i32
        %add3A_177 = arith.addi %scan3A_99, %add3A_176 : i32
        %lt3A = arith.constant 125 : i32
        %lt3A_178 = arith.cmpi slt, %add3A_177, %lt3A : i32
        %convert_element_type3A_179 = arith.extui %lt3A_178 : i1 to i32
        %cond3A_180 = arith.constant 0 : i32
        %cond3A_181 = arith.cmpi ne, %convert_element_type3A_179, %cond3A_180 : i32
        scf.if %cond3A_181 {
          %add3A_182 = arith.constant 7 : i32
          %add3A_183 = arith.addi %scan3A_99, %add3A_182 : i32
          %dma_start3A_184 = arith.constant 0 : i32
          %dma_start3A_185 = tpu.memref_slice %arg8[%add3A_183, %dma_start3A_184] : memref<125x80xi32, #tpu.memory_space<vmem>> -> memref<1x80xi32, #tpu.memory_space<vmem>>
          %dma_start3A_186 = tpu.memref_squeeze %dma_start3A_185 : memref<1x80xi32, #tpu.memory_space<vmem>> -> memref<80xi32, #tpu.memory_space<vmem>>
          %dma_start3A_187 = arith.constant 0 : i32
          %dma_start3A_188 = arith.constant 0 : i32
          %dma_start3A_189 = tpu.memref_slice %arg2[%dma_start3A_187, %dma_start3A_188] : memref<10000x64xf32, #tpu.memory_space<hbm>> -> memref<10000x64xf32, #tpu.memory_space<hbm>>
          tpu.enqueue_indirect_dma source(%dma_start3A_189 : memref<10000x64xf32, #tpu.memory_space<hbm>>) target(%arg12 : memref<80x64xf32, #tpu.memory_space<vmem>>) offsets(%dma_start3A_186 : memref<80xi32, #tpu.memory_space<vmem>>) semaphore(%arg20 : memref<!tpu.dma_semaphore, #tpu.memory_space<semaphore_mem>>)
        } else {
        }
      } else {
      }
      %rem3A_120 = arith.constant 8 : i32
      %rem3A_121 = arith.remsi %scan3A_99, %rem3A_120 : i32
      %eq3A_122 = arith.constant 3 : i32
      %eq3A_123 = arith.cmpi eq, %rem3A_121, %eq3A_122 : i32
      %convert_element_type3A_124 = arith.extui %eq3A_123 : i1 to i32
      %cond3A_125 = arith.constant 0 : i32
      %cond3A_126 = arith.cmpi ne, %convert_element_type3A_124, %cond3A_125 : i32
      scf.if %cond3A_126 {
        %dma_wait3A_155 = arith.constant 0 : i32
        %dma_wait3A_156 = tpu.memref_slice %arg8[%scan3A_99, %dma_wait3A_155] : memref<125x80xi32, #tpu.memory_space<vmem>> -> memref<1x80xi32, #tpu.memory_space<vmem>>
        %dma_wait3A_157 = tpu.memref_squeeze %dma_wait3A_156 : memref<1x80xi32, #tpu.memory_space<vmem>> -> memref<80xi32, #tpu.memory_space<vmem>>
        %dma_wait3A_158 = arith.constant 0 : i32
        %dma_wait3A_159 = arith.constant 0 : i32
        %dma_wait3A_160 = tpu.memref_slice %arg2[%dma_wait3A_158, %dma_wait3A_159] : memref<10000x64xf32, #tpu.memory_space<hbm>> -> memref<10000x64xf32, #tpu.memory_space<hbm>>
        tpu.wait_indirect_dma semaphore(%arg22 : memref<!tpu.dma_semaphore, #tpu.memory_space<semaphore_mem>>) src(%dma_wait3A_160 : memref<10000x64xf32, #tpu.memory_space<hbm>>) dst(%arg14 : memref<80x64xf32, #tpu.memory_space<vmem>>)
        %dma_start3A_161 = arith.constant 0 : i32
        %dma_start3A_162 = tpu.memref_slice %arg9[%scan3A_99, %dma_start3A_161] : memref<125x80xi32, #tpu.memory_space<vmem>> -> memref<1x80xi32, #tpu.memory_space<vmem>>
        %dma_start3A_163 = tpu.memref_squeeze %dma_start3A_162 : memref<1x80xi32, #tpu.memory_space<vmem>> -> memref<80xi32, #tpu.memory_space<vmem>>
        %dma_start3A_164 = arith.constant 0 : i32
        %dma_start3A_165 = arith.constant 0 : i32
        %dma_start3A_166 = tpu.memref_slice %arg7[%dma_start3A_164, %dma_start3A_165] : memref<10008x64xf32, #tpu.memory_space<vmem_shared>> -> memref<10008x64xf32, #tpu.memory_space<vmem_shared>>
        tpu.enqueue_indirect_dma source(%arg14 : memref<80x64xf32, #tpu.memory_space<vmem>>) target(%dma_start3A_166 : memref<10008x64xf32, #tpu.memory_space<vmem_shared>>) offsets(%dma_start3A_163 : memref<80xi32, #tpu.memory_space<vmem>>) semaphore(%arg30 : memref<!tpu.dma_semaphore, #tpu.memory_space<semaphore_mem>>) {add = true}
        %dma_start3A_167 = arith.constant 0 : i32
        %dma_start3A_168 = tpu.memref_slice %arg9[%scan3A_99, %dma_start3A_167] : memref<125x80xi32, #tpu.memory_space<vmem>> -> memref<1x80xi32, #tpu.memory_space<vmem>>
        %dma_start3A_169 = tpu.memref_squeeze %dma_start3A_168 : memref<1x80xi32, #tpu.memory_space<vmem>> -> memref<80xi32, #tpu.memory_space<vmem>>
        %dma_start3A_170 = arith.constant 0 : i32
        %dma_start3A_171 = tpu.memref_slice %arg35[%dma_start3A_170] : memref<10008xf32, #tpu.memory_space<vmem_shared>> -> memref<10008xf32, #tpu.memory_space<vmem_shared>>
        tpu.enqueue_indirect_dma source(%arg36 : memref<80xf32, #tpu.memory_space<vmem>>) target(%dma_start3A_171 : memref<10008xf32, #tpu.memory_space<vmem_shared>>) offsets(%dma_start3A_169 : memref<80xi32, #tpu.memory_space<vmem>>) semaphore(%arg38 : memref<!tpu.dma_semaphore, #tpu.memory_space<semaphore_mem>>) {add = true}
        %ge3A = arith.constant 1 : i32
        %ge3A_172 = arith.cmpi sge, %scan3A_99, %ge3A : i32
        %convert_element_type3A_173 = arith.extui %ge3A_172 : i1 to i32
        %cond3A_174 = arith.constant 0 : i32
        %cond3A_175 = arith.cmpi ne, %convert_element_type3A_173, %cond3A_174 : i32
        scf.if %cond3A_175 {
          %dma_wait3A_182 = arith.constant 0 : i32
          %dma_wait3A_183 = tpu.memref_slice %arg9[%scan3A_99, %dma_wait3A_182] : memref<125x80xi32, #tpu.memory_space<vmem>> -> memref<1x80xi32, #tpu.memory_space<vmem>>
          %dma_wait3A_184 = tpu.memref_squeeze %dma_wait3A_183 : memref<1x80xi32, #tpu.memory_space<vmem>> -> memref<80xi32, #tpu.memory_space<vmem>>
          %dma_wait3A_185 = arith.constant 0 : i32
          %dma_wait3A_186 = arith.constant 0 : i32
          %dma_wait3A_187 = tpu.memref_slice %arg7[%dma_wait3A_185, %dma_wait3A_186] : memref<10008x64xf32, #tpu.memory_space<vmem_shared>> -> memref<10008x64xf32, #tpu.memory_space<vmem_shared>>
          tpu.wait_indirect_dma semaphore(%arg29 : memref<!tpu.dma_semaphore, #tpu.memory_space<semaphore_mem>>) src(%arg13 : memref<80x64xf32, #tpu.memory_space<vmem>>) dst(%dma_wait3A_187 : memref<10008x64xf32, #tpu.memory_space<vmem_shared>>)
        } else {
        }
        %add3A_176 = arith.constant 7 : i32
        %add3A_177 = arith.addi %scan3A_99, %add3A_176 : i32
        %lt3A = arith.constant 125 : i32
        %lt3A_178 = arith.cmpi slt, %add3A_177, %lt3A : i32
        %convert_element_type3A_179 = arith.extui %lt3A_178 : i1 to i32
        %cond3A_180 = arith.constant 0 : i32
        %cond3A_181 = arith.cmpi ne, %convert_element_type3A_179, %cond3A_180 : i32
        scf.if %cond3A_181 {
          %add3A_182 = arith.constant 7 : i32
          %add3A_183 = arith.addi %scan3A_99, %add3A_182 : i32
          %dma_start3A_184 = arith.constant 0 : i32
          %dma_start3A_185 = tpu.memref_slice %arg8[%add3A_183, %dma_start3A_184] : memref<125x80xi32, #tpu.memory_space<vmem>> -> memref<1x80xi32, #tpu.memory_space<vmem>>
          %dma_start3A_186 = tpu.memref_squeeze %dma_start3A_185 : memref<1x80xi32, #tpu.memory_space<vmem>> -> memref<80xi32, #tpu.memory_space<vmem>>
          %dma_start3A_187 = arith.constant 0 : i32
          %dma_start3A_188 = arith.constant 0 : i32
          %dma_start3A_189 = tpu.memref_slice %arg2[%dma_start3A_187, %dma_start3A_188] : memref<10000x64xf32, #tpu.memory_space<hbm>> -> memref<10000x64xf32, #tpu.memory_space<hbm>>
          tpu.enqueue_indirect_dma source(%dma_start3A_189 : memref<10000x64xf32, #tpu.memory_space<hbm>>) target(%arg13 : memref<80x64xf32, #tpu.memory_space<vmem>>) offsets(%dma_start3A_186 : memref<80xi32, #tpu.memory_space<vmem>>) semaphore(%arg21 : memref<!tpu.dma_semaphore, #tpu.memory_space<semaphore_mem>>)
        } else {
        }
      } else {
      }
      %rem3A_127 = arith.constant 8 : i32
      %rem3A_128 = arith.remsi %scan3A_99, %rem3A_127 : i32
      %eq3A_129 = arith.constant 4 : i32
      %eq3A_130 = arith.cmpi eq, %rem3A_128, %eq3A_129 : i32
      %convert_element_type3A_131 = arith.extui %eq3A_130 : i1 to i32
      %cond3A_132 = arith.constant 0 : i32
      %cond3A_133 = arith.cmpi ne, %convert_element_type3A_131, %cond3A_132 : i32
      scf.if %cond3A_133 {
        %dma_wait3A_155 = arith.constant 0 : i32
        %dma_wait3A_156 = tpu.memref_slice %arg8[%scan3A_99, %dma_wait3A_155] : memref<125x80xi32, #tpu.memory_space<vmem>> -> memref<1x80xi32, #tpu.memory_space<vmem>>
        %dma_wait3A_157 = tpu.memref_squeeze %dma_wait3A_156 : memref<1x80xi32, #tpu.memory_space<vmem>> -> memref<80xi32, #tpu.memory_space<vmem>>
        %dma_wait3A_158 = arith.constant 0 : i32
        %dma_wait3A_159 = arith.constant 0 : i32
        %dma_wait3A_160 = tpu.memref_slice %arg2[%dma_wait3A_158, %dma_wait3A_159] : memref<10000x64xf32, #tpu.memory_space<hbm>> -> memref<10000x64xf32, #tpu.memory_space<hbm>>
        tpu.wait_indirect_dma semaphore(%arg23 : memref<!tpu.dma_semaphore, #tpu.memory_space<semaphore_mem>>) src(%dma_wait3A_160 : memref<10000x64xf32, #tpu.memory_space<hbm>>) dst(%arg15 : memref<80x64xf32, #tpu.memory_space<vmem>>)
        %dma_start3A_161 = arith.constant 0 : i32
        %dma_start3A_162 = tpu.memref_slice %arg9[%scan3A_99, %dma_start3A_161] : memref<125x80xi32, #tpu.memory_space<vmem>> -> memref<1x80xi32, #tpu.memory_space<vmem>>
        %dma_start3A_163 = tpu.memref_squeeze %dma_start3A_162 : memref<1x80xi32, #tpu.memory_space<vmem>> -> memref<80xi32, #tpu.memory_space<vmem>>
        %dma_start3A_164 = arith.constant 0 : i32
        %dma_start3A_165 = arith.constant 0 : i32
        %dma_start3A_166 = tpu.memref_slice %arg7[%dma_start3A_164, %dma_start3A_165] : memref<10008x64xf32, #tpu.memory_space<vmem_shared>> -> memref<10008x64xf32, #tpu.memory_space<vmem_shared>>
        tpu.enqueue_indirect_dma source(%arg15 : memref<80x64xf32, #tpu.memory_space<vmem>>) target(%dma_start3A_166 : memref<10008x64xf32, #tpu.memory_space<vmem_shared>>) offsets(%dma_start3A_163 : memref<80xi32, #tpu.memory_space<vmem>>) semaphore(%arg31 : memref<!tpu.dma_semaphore, #tpu.memory_space<semaphore_mem>>) {add = true}
        %dma_start3A_167 = arith.constant 0 : i32
        %dma_start3A_168 = tpu.memref_slice %arg9[%scan3A_99, %dma_start3A_167] : memref<125x80xi32, #tpu.memory_space<vmem>> -> memref<1x80xi32, #tpu.memory_space<vmem>>
        %dma_start3A_169 = tpu.memref_squeeze %dma_start3A_168 : memref<1x80xi32, #tpu.memory_space<vmem>> -> memref<80xi32, #tpu.memory_space<vmem>>
        %dma_start3A_170 = arith.constant 0 : i32
        %dma_start3A_171 = tpu.memref_slice %arg35[%dma_start3A_170] : memref<10008xf32, #tpu.memory_space<vmem_shared>> -> memref<10008xf32, #tpu.memory_space<vmem_shared>>
        tpu.enqueue_indirect_dma source(%arg36 : memref<80xf32, #tpu.memory_space<vmem>>) target(%dma_start3A_171 : memref<10008xf32, #tpu.memory_space<vmem_shared>>) offsets(%dma_start3A_169 : memref<80xi32, #tpu.memory_space<vmem>>) semaphore(%arg38 : memref<!tpu.dma_semaphore, #tpu.memory_space<semaphore_mem>>) {add = true}
        %ge3A = arith.constant 1 : i32
        %ge3A_172 = arith.cmpi sge, %scan3A_99, %ge3A : i32
        %convert_element_type3A_173 = arith.extui %ge3A_172 : i1 to i32
        %cond3A_174 = arith.constant 0 : i32
        %cond3A_175 = arith.cmpi ne, %convert_element_type3A_173, %cond3A_174 : i32
        scf.if %cond3A_175 {
          %dma_wait3A_182 = arith.constant 0 : i32
          %dma_wait3A_183 = tpu.memref_slice %arg9[%scan3A_99, %dma_wait3A_182] : memref<125x80xi32, #tpu.memory_space<vmem>> -> memref<1x80xi32, #tpu.memory_space<vmem>>
          %dma_wait3A_184 = tpu.memref_squeeze %dma_wait3A_183 : memref<1x80xi32, #tpu.memory_space<vmem>> -> memref<80xi32, #tpu.memory_space<vmem>>
          %dma_wait3A_185 = arith.constant 0 : i32
          %dma_wait3A_186 = arith.constant 0 : i32
          %dma_wait3A_187 = tpu.memref_slice %arg7[%dma_wait3A_185, %dma_wait3A_186] : memref<10008x64xf32, #tpu.memory_space<vmem_shared>> -> memref<10008x64xf32, #tpu.memory_space<vmem_shared>>
          tpu.wait_indirect_dma semaphore(%arg30 : memref<!tpu.dma_semaphore, #tpu.memory_space<semaphore_mem>>) src(%arg14 : memref<80x64xf32, #tpu.memory_space<vmem>>) dst(%dma_wait3A_187 : memref<10008x64xf32, #tpu.memory_space<vmem_shared>>)
        } else {
        }
        %add3A_176 = arith.constant 7 : i32
        %add3A_177 = arith.addi %scan3A_99, %add3A_176 : i32
        %lt3A = arith.constant 125 : i32
        %lt3A_178 = arith.cmpi slt, %add3A_177, %lt3A : i32
        %convert_element_type3A_179 = arith.extui %lt3A_178 : i1 to i32
        %cond3A_180 = arith.constant 0 : i32
        %cond3A_181 = arith.cmpi ne, %convert_element_type3A_179, %cond3A_180 : i32
        scf.if %cond3A_181 {
          %add3A_182 = arith.constant 7 : i32
          %add3A_183 = arith.addi %scan3A_99, %add3A_182 : i32
          %dma_start3A_184 = arith.constant 0 : i32
          %dma_start3A_185 = tpu.memref_slice %arg8[%add3A_183, %dma_start3A_184] : memref<125x80xi32, #tpu.memory_space<vmem>> -> memref<1x80xi32, #tpu.memory_space<vmem>>
          %dma_start3A_186 = tpu.memref_squeeze %dma_start3A_185 : memref<1x80xi32, #tpu.memory_space<vmem>> -> memref<80xi32, #tpu.memory_space<vmem>>
          %dma_start3A_187 = arith.constant 0 : i32
          %dma_start3A_188 = arith.constant 0 : i32
          %dma_start3A_189 = tpu.memref_slice %arg2[%dma_start3A_187, %dma_start3A_188] : memref<10000x64xf32, #tpu.memory_space<hbm>> -> memref<10000x64xf32, #tpu.memory_space<hbm>>
          tpu.enqueue_indirect_dma source(%dma_start3A_189 : memref<10000x64xf32, #tpu.memory_space<hbm>>) target(%arg14 : memref<80x64xf32, #tpu.memory_space<vmem>>) offsets(%dma_start3A_186 : memref<80xi32, #tpu.memory_space<vmem>>) semaphore(%arg22 : memref<!tpu.dma_semaphore, #tpu.memory_space<semaphore_mem>>)
        } else {
        }
      } else {
      }
      %rem3A_134 = arith.constant 8 : i32
      %rem3A_135 = arith.remsi %scan3A_99, %rem3A_134 : i32
      %eq3A_136 = arith.constant 5 : i32
      %eq3A_137 = arith.cmpi eq, %rem3A_135, %eq3A_136 : i32
      %convert_element_type3A_138 = arith.extui %eq3A_137 : i1 to i32
      %cond3A_139 = arith.constant 0 : i32
      %cond3A_140 = arith.cmpi ne, %convert_element_type3A_138, %cond3A_139 : i32
      scf.if %cond3A_140 {
        %dma_wait3A_155 = arith.constant 0 : i32
        %dma_wait3A_156 = tpu.memref_slice %arg8[%scan3A_99, %dma_wait3A_155] : memref<125x80xi32, #tpu.memory_space<vmem>> -> memref<1x80xi32, #tpu.memory_space<vmem>>
        %dma_wait3A_157 = tpu.memref_squeeze %dma_wait3A_156 : memref<1x80xi32, #tpu.memory_space<vmem>> -> memref<80xi32, #tpu.memory_space<vmem>>
        %dma_wait3A_158 = arith.constant 0 : i32
        %dma_wait3A_159 = arith.constant 0 : i32
        %dma_wait3A_160 = tpu.memref_slice %arg2[%dma_wait3A_158, %dma_wait3A_159] : memref<10000x64xf32, #tpu.memory_space<hbm>> -> memref<10000x64xf32, #tpu.memory_space<hbm>>
        tpu.wait_indirect_dma semaphore(%arg24 : memref<!tpu.dma_semaphore, #tpu.memory_space<semaphore_mem>>) src(%dma_wait3A_160 : memref<10000x64xf32, #tpu.memory_space<hbm>>) dst(%arg16 : memref<80x64xf32, #tpu.memory_space<vmem>>)
        %dma_start3A_161 = arith.constant 0 : i32
        %dma_start3A_162 = tpu.memref_slice %arg9[%scan3A_99, %dma_start3A_161] : memref<125x80xi32, #tpu.memory_space<vmem>> -> memref<1x80xi32, #tpu.memory_space<vmem>>
        %dma_start3A_163 = tpu.memref_squeeze %dma_start3A_162 : memref<1x80xi32, #tpu.memory_space<vmem>> -> memref<80xi32, #tpu.memory_space<vmem>>
        %dma_start3A_164 = arith.constant 0 : i32
        %dma_start3A_165 = arith.constant 0 : i32
        %dma_start3A_166 = tpu.memref_slice %arg7[%dma_start3A_164, %dma_start3A_165] : memref<10008x64xf32, #tpu.memory_space<vmem_shared>> -> memref<10008x64xf32, #tpu.memory_space<vmem_shared>>
        tpu.enqueue_indirect_dma source(%arg16 : memref<80x64xf32, #tpu.memory_space<vmem>>) target(%dma_start3A_166 : memref<10008x64xf32, #tpu.memory_space<vmem_shared>>) offsets(%dma_start3A_163 : memref<80xi32, #tpu.memory_space<vmem>>) semaphore(%arg32 : memref<!tpu.dma_semaphore, #tpu.memory_space<semaphore_mem>>) {add = true}
        %dma_start3A_167 = arith.constant 0 : i32
        %dma_start3A_168 = tpu.memref_slice %arg9[%scan3A_99, %dma_start3A_167] : memref<125x80xi32, #tpu.memory_space<vmem>> -> memref<1x80xi32, #tpu.memory_space<vmem>>
        %dma_start3A_169 = tpu.memref_squeeze %dma_start3A_168 : memref<1x80xi32, #tpu.memory_space<vmem>> -> memref<80xi32, #tpu.memory_space<vmem>>
        %dma_start3A_170 = arith.constant 0 : i32
        %dma_start3A_171 = tpu.memref_slice %arg35[%dma_start3A_170] : memref<10008xf32, #tpu.memory_space<vmem_shared>> -> memref<10008xf32, #tpu.memory_space<vmem_shared>>
        tpu.enqueue_indirect_dma source(%arg36 : memref<80xf32, #tpu.memory_space<vmem>>) target(%dma_start3A_171 : memref<10008xf32, #tpu.memory_space<vmem_shared>>) offsets(%dma_start3A_169 : memref<80xi32, #tpu.memory_space<vmem>>) semaphore(%arg38 : memref<!tpu.dma_semaphore, #tpu.memory_space<semaphore_mem>>) {add = true}
        %ge3A = arith.constant 1 : i32
        %ge3A_172 = arith.cmpi sge, %scan3A_99, %ge3A : i32
        %convert_element_type3A_173 = arith.extui %ge3A_172 : i1 to i32
        %cond3A_174 = arith.constant 0 : i32
        %cond3A_175 = arith.cmpi ne, %convert_element_type3A_173, %cond3A_174 : i32
        scf.if %cond3A_175 {
          %dma_wait3A_182 = arith.constant 0 : i32
          %dma_wait3A_183 = tpu.memref_slice %arg9[%scan3A_99, %dma_wait3A_182] : memref<125x80xi32, #tpu.memory_space<vmem>> -> memref<1x80xi32, #tpu.memory_space<vmem>>
          %dma_wait3A_184 = tpu.memref_squeeze %dma_wait3A_183 : memref<1x80xi32, #tpu.memory_space<vmem>> -> memref<80xi32, #tpu.memory_space<vmem>>
          %dma_wait3A_185 = arith.constant 0 : i32
          %dma_wait3A_186 = arith.constant 0 : i32
          %dma_wait3A_187 = tpu.memref_slice %arg7[%dma_wait3A_185, %dma_wait3A_186] : memref<10008x64xf32, #tpu.memory_space<vmem_shared>> -> memref<10008x64xf32, #tpu.memory_space<vmem_shared>>
          tpu.wait_indirect_dma semaphore(%arg31 : memref<!tpu.dma_semaphore, #tpu.memory_space<semaphore_mem>>) src(%arg15 : memref<80x64xf32, #tpu.memory_space<vmem>>) dst(%dma_wait3A_187 : memref<10008x64xf32, #tpu.memory_space<vmem_shared>>)
        } else {
        }
        %add3A_176 = arith.constant 7 : i32
        %add3A_177 = arith.addi %scan3A_99, %add3A_176 : i32
        %lt3A = arith.constant 125 : i32
        %lt3A_178 = arith.cmpi slt, %add3A_177, %lt3A : i32
        %convert_element_type3A_179 = arith.extui %lt3A_178 : i1 to i32
        %cond3A_180 = arith.constant 0 : i32
        %cond3A_181 = arith.cmpi ne, %convert_element_type3A_179, %cond3A_180 : i32
        scf.if %cond3A_181 {
          %add3A_182 = arith.constant 7 : i32
          %add3A_183 = arith.addi %scan3A_99, %add3A_182 : i32
          %dma_start3A_184 = arith.constant 0 : i32
          %dma_start3A_185 = tpu.memref_slice %arg8[%add3A_183, %dma_start3A_184] : memref<125x80xi32, #tpu.memory_space<vmem>> -> memref<1x80xi32, #tpu.memory_space<vmem>>
          %dma_start3A_186 = tpu.memref_squeeze %dma_start3A_185 : memref<1x80xi32, #tpu.memory_space<vmem>> -> memref<80xi32, #tpu.memory_space<vmem>>
          %dma_start3A_187 = arith.constant 0 : i32
          %dma_start3A_188 = arith.constant 0 : i32
          %dma_start3A_189 = tpu.memref_slice %arg2[%dma_start3A_187, %dma_start3A_188] : memref<10000x64xf32, #tpu.memory_space<hbm>> -> memref<10000x64xf32, #tpu.memory_space<hbm>>
          tpu.enqueue_indirect_dma source(%dma_start3A_189 : memref<10000x64xf32, #tpu.memory_space<hbm>>) target(%arg15 : memref<80x64xf32, #tpu.memory_space<vmem>>) offsets(%dma_start3A_186 : memref<80xi32, #tpu.memory_space<vmem>>) semaphore(%arg23 : memref<!tpu.dma_semaphore, #tpu.memory_space<semaphore_mem>>)
        } else {
        }
      } else {
      }
      %rem3A_141 = arith.constant 8 : i32
      %rem3A_142 = arith.remsi %scan3A_99, %rem3A_141 : i32
      %eq3A_143 = arith.constant 6 : i32
      %eq3A_144 = arith.cmpi eq, %rem3A_142, %eq3A_143 : i32
      %convert_element_type3A_145 = arith.extui %eq3A_144 : i1 to i32
      %cond3A_146 = arith.constant 0 : i32
      %cond3A_147 = arith.cmpi ne, %convert_element_type3A_145, %cond3A_146 : i32
      scf.if %cond3A_147 {
        %dma_wait3A_155 = arith.constant 0 : i32
        %dma_wait3A_156 = tpu.memref_slice %arg8[%scan3A_99, %dma_wait3A_155] : memref<125x80xi32, #tpu.memory_space<vmem>> -> memref<1x80xi32, #tpu.memory_space<vmem>>
        %dma_wait3A_157 = tpu.memref_squeeze %dma_wait3A_156 : memref<1x80xi32, #tpu.memory_space<vmem>> -> memref<80xi32, #tpu.memory_space<vmem>>
        %dma_wait3A_158 = arith.constant 0 : i32
        %dma_wait3A_159 = arith.constant 0 : i32
        %dma_wait3A_160 = tpu.memref_slice %arg2[%dma_wait3A_158, %dma_wait3A_159] : memref<10000x64xf32, #tpu.memory_space<hbm>> -> memref<10000x64xf32, #tpu.memory_space<hbm>>
        tpu.wait_indirect_dma semaphore(%arg25 : memref<!tpu.dma_semaphore, #tpu.memory_space<semaphore_mem>>) src(%dma_wait3A_160 : memref<10000x64xf32, #tpu.memory_space<hbm>>) dst(%arg17 : memref<80x64xf32, #tpu.memory_space<vmem>>)
        %dma_start3A_161 = arith.constant 0 : i32
        %dma_start3A_162 = tpu.memref_slice %arg9[%scan3A_99, %dma_start3A_161] : memref<125x80xi32, #tpu.memory_space<vmem>> -> memref<1x80xi32, #tpu.memory_space<vmem>>
        %dma_start3A_163 = tpu.memref_squeeze %dma_start3A_162 : memref<1x80xi32, #tpu.memory_space<vmem>> -> memref<80xi32, #tpu.memory_space<vmem>>
        %dma_start3A_164 = arith.constant 0 : i32
        %dma_start3A_165 = arith.constant 0 : i32
        %dma_start3A_166 = tpu.memref_slice %arg7[%dma_start3A_164, %dma_start3A_165] : memref<10008x64xf32, #tpu.memory_space<vmem_shared>> -> memref<10008x64xf32, #tpu.memory_space<vmem_shared>>
        tpu.enqueue_indirect_dma source(%arg17 : memref<80x64xf32, #tpu.memory_space<vmem>>) target(%dma_start3A_166 : memref<10008x64xf32, #tpu.memory_space<vmem_shared>>) offsets(%dma_start3A_163 : memref<80xi32, #tpu.memory_space<vmem>>) semaphore(%arg33 : memref<!tpu.dma_semaphore, #tpu.memory_space<semaphore_mem>>) {add = true}
        %dma_start3A_167 = arith.constant 0 : i32
        %dma_start3A_168 = tpu.memref_slice %arg9[%scan3A_99, %dma_start3A_167] : memref<125x80xi32, #tpu.memory_space<vmem>> -> memref<1x80xi32, #tpu.memory_space<vmem>>
        %dma_start3A_169 = tpu.memref_squeeze %dma_start3A_168 : memref<1x80xi32, #tpu.memory_space<vmem>> -> memref<80xi32, #tpu.memory_space<vmem>>
        %dma_start3A_170 = arith.constant 0 : i32
        %dma_start3A_171 = tpu.memref_slice %arg35[%dma_start3A_170] : memref<10008xf32, #tpu.memory_space<vmem_shared>> -> memref<10008xf32, #tpu.memory_space<vmem_shared>>
        tpu.enqueue_indirect_dma source(%arg36 : memref<80xf32, #tpu.memory_space<vmem>>) target(%dma_start3A_171 : memref<10008xf32, #tpu.memory_space<vmem_shared>>) offsets(%dma_start3A_169 : memref<80xi32, #tpu.memory_space<vmem>>) semaphore(%arg38 : memref<!tpu.dma_semaphore, #tpu.memory_space<semaphore_mem>>) {add = true}
        %ge3A = arith.constant 1 : i32
        %ge3A_172 = arith.cmpi sge, %scan3A_99, %ge3A : i32
        %convert_element_type3A_173 = arith.extui %ge3A_172 : i1 to i32
        %cond3A_174 = arith.constant 0 : i32
        %cond3A_175 = arith.cmpi ne, %convert_element_type3A_173, %cond3A_174 : i32
        scf.if %cond3A_175 {
          %dma_wait3A_182 = arith.constant 0 : i32
          %dma_wait3A_183 = tpu.memref_slice %arg9[%scan3A_99, %dma_wait3A_182] : memref<125x80xi32, #tpu.memory_space<vmem>> -> memref<1x80xi32, #tpu.memory_space<vmem>>
          %dma_wait3A_184 = tpu.memref_squeeze %dma_wait3A_183 : memref<1x80xi32, #tpu.memory_space<vmem>> -> memref<80xi32, #tpu.memory_space<vmem>>
          %dma_wait3A_185 = arith.constant 0 : i32
          %dma_wait3A_186 = arith.constant 0 : i32
          %dma_wait3A_187 = tpu.memref_slice %arg7[%dma_wait3A_185, %dma_wait3A_186] : memref<10008x64xf32, #tpu.memory_space<vmem_shared>> -> memref<10008x64xf32, #tpu.memory_space<vmem_shared>>
          tpu.wait_indirect_dma semaphore(%arg32 : memref<!tpu.dma_semaphore, #tpu.memory_space<semaphore_mem>>) src(%arg16 : memref<80x64xf32, #tpu.memory_space<vmem>>) dst(%dma_wait3A_187 : memref<10008x64xf32, #tpu.memory_space<vmem_shared>>)
        } else {
        }
        %add3A_176 = arith.constant 7 : i32
        %add3A_177 = arith.addi %scan3A_99, %add3A_176 : i32
        %lt3A = arith.constant 125 : i32
        %lt3A_178 = arith.cmpi slt, %add3A_177, %lt3A : i32
        %convert_element_type3A_179 = arith.extui %lt3A_178 : i1 to i32
        %cond3A_180 = arith.constant 0 : i32
        %cond3A_181 = arith.cmpi ne, %convert_element_type3A_179, %cond3A_180 : i32
        scf.if %cond3A_181 {
          %add3A_182 = arith.constant 7 : i32
          %add3A_183 = arith.addi %scan3A_99, %add3A_182 : i32
          %dma_start3A_184 = arith.constant 0 : i32
          %dma_start3A_185 = tpu.memref_slice %arg8[%add3A_183, %dma_start3A_184] : memref<125x80xi32, #tpu.memory_space<vmem>> -> memref<1x80xi32, #tpu.memory_space<vmem>>
          %dma_start3A_186 = tpu.memref_squeeze %dma_start3A_185 : memref<1x80xi32, #tpu.memory_space<vmem>> -> memref<80xi32, #tpu.memory_space<vmem>>
          %dma_start3A_187 = arith.constant 0 : i32
          %dma_start3A_188 = arith.constant 0 : i32
          %dma_start3A_189 = tpu.memref_slice %arg2[%dma_start3A_187, %dma_start3A_188] : memref<10000x64xf32, #tpu.memory_space<hbm>> -> memref<10000x64xf32, #tpu.memory_space<hbm>>
          tpu.enqueue_indirect_dma source(%dma_start3A_189 : memref<10000x64xf32, #tpu.memory_space<hbm>>) target(%arg16 : memref<80x64xf32, #tpu.memory_space<vmem>>) offsets(%dma_start3A_186 : memref<80xi32, #tpu.memory_space<vmem>>) semaphore(%arg24 : memref<!tpu.dma_semaphore, #tpu.memory_space<semaphore_mem>>)
        } else {
        }
      } else {
      }
      %rem3A_148 = arith.constant 8 : i32
      %rem3A_149 = arith.remsi %scan3A_99, %rem3A_148 : i32
      %eq3A_150 = arith.constant 7 : i32
      %eq3A_151 = arith.cmpi eq, %rem3A_149, %eq3A_150 : i32
      %convert_element_type3A_152 = arith.extui %eq3A_151 : i1 to i32
      %cond3A_153 = arith.constant 0 : i32
      %cond3A_154 = arith.cmpi ne, %convert_element_type3A_152, %cond3A_153 : i32
      scf.if %cond3A_154 {
        %dma_wait3A_155 = arith.constant 0 : i32
        %dma_wait3A_156 = tpu.memref_slice %arg8[%scan3A_99, %dma_wait3A_155] : memref<125x80xi32, #tpu.memory_space<vmem>> -> memref<1x80xi32, #tpu.memory_space<vmem>>
        %dma_wait3A_157 = tpu.memref_squeeze %dma_wait3A_156 : memref<1x80xi32, #tpu.memory_space<vmem>> -> memref<80xi32, #tpu.memory_space<vmem>>
        %dma_wait3A_158 = arith.constant 0 : i32
        %dma_wait3A_159 = arith.constant 0 : i32
        %dma_wait3A_160 = tpu.memref_slice %arg2[%dma_wait3A_158, %dma_wait3A_159] : memref<10000x64xf32, #tpu.memory_space<hbm>> -> memref<10000x64xf32, #tpu.memory_space<hbm>>
        tpu.wait_indirect_dma semaphore(%arg26 : memref<!tpu.dma_semaphore, #tpu.memory_space<semaphore_mem>>) src(%dma_wait3A_160 : memref<10000x64xf32, #tpu.memory_space<hbm>>) dst(%arg18 : memref<80x64xf32, #tpu.memory_space<vmem>>)
        %dma_start3A_161 = arith.constant 0 : i32
        %dma_start3A_162 = tpu.memref_slice %arg9[%scan3A_99, %dma_start3A_161] : memref<125x80xi32, #tpu.memory_space<vmem>> -> memref<1x80xi32, #tpu.memory_space<vmem>>
        %dma_start3A_163 = tpu.memref_squeeze %dma_start3A_162 : memref<1x80xi32, #tpu.memory_space<vmem>> -> memref<80xi32, #tpu.memory_space<vmem>>
        %dma_start3A_164 = arith.constant 0 : i32
        %dma_start3A_165 = arith.constant 0 : i32
        %dma_start3A_166 = tpu.memref_slice %arg7[%dma_start3A_164, %dma_start3A_165] : memref<10008x64xf32, #tpu.memory_space<vmem_shared>> -> memref<10008x64xf32, #tpu.memory_space<vmem_shared>>
        tpu.enqueue_indirect_dma source(%arg18 : memref<80x64xf32, #tpu.memory_space<vmem>>) target(%dma_start3A_166 : memref<10008x64xf32, #tpu.memory_space<vmem_shared>>) offsets(%dma_start3A_163 : memref<80xi32, #tpu.memory_space<vmem>>) semaphore(%arg34 : memref<!tpu.dma_semaphore, #tpu.memory_space<semaphore_mem>>) {add = true}
        %dma_start3A_167 = arith.constant 0 : i32
        %dma_start3A_168 = tpu.memref_slice %arg9[%scan3A_99, %dma_start3A_167] : memref<125x80xi32, #tpu.memory_space<vmem>> -> memref<1x80xi32, #tpu.memory_space<vmem>>
        %dma_start3A_169 = tpu.memref_squeeze %dma_start3A_168 : memref<1x80xi32, #tpu.memory_space<vmem>> -> memref<80xi32, #tpu.memory_space<vmem>>
        %dma_start3A_170 = arith.constant 0 : i32
        %dma_start3A_171 = tpu.memref_slice %arg35[%dma_start3A_170] : memref<10008xf32, #tpu.memory_space<vmem_shared>> -> memref<10008xf32, #tpu.memory_space<vmem_shared>>
        tpu.enqueue_indirect_dma source(%arg36 : memref<80xf32, #tpu.memory_space<vmem>>) target(%dma_start3A_171 : memref<10008xf32, #tpu.memory_space<vmem_shared>>) offsets(%dma_start3A_169 : memref<80xi32, #tpu.memory_space<vmem>>) semaphore(%arg38 : memref<!tpu.dma_semaphore, #tpu.memory_space<semaphore_mem>>) {add = true}
        %ge3A = arith.constant 1 : i32
        %ge3A_172 = arith.cmpi sge, %scan3A_99, %ge3A : i32
        %convert_element_type3A_173 = arith.extui %ge3A_172 : i1 to i32
        %cond3A_174 = arith.constant 0 : i32
        %cond3A_175 = arith.cmpi ne, %convert_element_type3A_173, %cond3A_174 : i32
        scf.if %cond3A_175 {
          %dma_wait3A_182 = arith.constant 0 : i32
          %dma_wait3A_183 = tpu.memref_slice %arg9[%scan3A_99, %dma_wait3A_182] : memref<125x80xi32, #tpu.memory_space<vmem>> -> memref<1x80xi32, #tpu.memory_space<vmem>>
          %dma_wait3A_184 = tpu.memref_squeeze %dma_wait3A_183 : memref<1x80xi32, #tpu.memory_space<vmem>> -> memref<80xi32, #tpu.memory_space<vmem>>
          %dma_wait3A_185 = arith.constant 0 : i32
          %dma_wait3A_186 = arith.constant 0 : i32
          %dma_wait3A_187 = tpu.memref_slice %arg7[%dma_wait3A_185, %dma_wait3A_186] : memref<10008x64xf32, #tpu.memory_space<vmem_shared>> -> memref<10008x64xf32, #tpu.memory_space<vmem_shared>>
          tpu.wait_indirect_dma semaphore(%arg33 : memref<!tpu.dma_semaphore, #tpu.memory_space<semaphore_mem>>) src(%arg17 : memref<80x64xf32, #tpu.memory_space<vmem>>) dst(%dma_wait3A_187 : memref<10008x64xf32, #tpu.memory_space<vmem_shared>>)
        } else {
        }
        %add3A_176 = arith.constant 7 : i32
        %add3A_177 = arith.addi %scan3A_99, %add3A_176 : i32
        %lt3A = arith.constant 125 : i32
        %lt3A_178 = arith.cmpi slt, %add3A_177, %lt3A : i32
        %convert_element_type3A_179 = arith.extui %lt3A_178 : i1 to i32
        %cond3A_180 = arith.constant 0 : i32
        %cond3A_181 = arith.cmpi ne, %convert_element_type3A_179, %cond3A_180 : i32
        scf.if %cond3A_181 {
          %add3A_182 = arith.constant 7 : i32
          %add3A_183 = arith.addi %scan3A_99, %add3A_182 : i32
          %dma_start3A_184 = arith.constant 0 : i32
          %dma_start3A_185 = tpu.memref_slice %arg8[%add3A_183, %dma_start3A_184] : memref<125x80xi32, #tpu.memory_space<vmem>> -> memref<1x80xi32, #tpu.memory_space<vmem>>
          %dma_start3A_186 = tpu.memref_squeeze %dma_start3A_185 : memref<1x80xi32, #tpu.memory_space<vmem>> -> memref<80xi32, #tpu.memory_space<vmem>>
          %dma_start3A_187 = arith.constant 0 : i32
          %dma_start3A_188 = arith.constant 0 : i32
          %dma_start3A_189 = tpu.memref_slice %arg2[%dma_start3A_187, %dma_start3A_188] : memref<10000x64xf32, #tpu.memory_space<hbm>> -> memref<10000x64xf32, #tpu.memory_space<hbm>>
          tpu.enqueue_indirect_dma source(%dma_start3A_189 : memref<10000x64xf32, #tpu.memory_space<hbm>>) target(%arg17 : memref<80x64xf32, #tpu.memory_space<vmem>>) offsets(%dma_start3A_186 : memref<80xi32, #tpu.memory_space<vmem>>) semaphore(%arg25 : memref<!tpu.dma_semaphore, #tpu.memory_space<semaphore_mem>>)
        } else {
        }
      } else {
      }
    }
    %scan3A_74 = arith.constant 125 : i32
    %dma_wait3A = arith.constant 0 : i32
    %dma_wait3A_75 = arith.constant 0 : i32
    %dma_wait3A_76 = tpu.memref_slice %arg9[%dma_wait3A, %dma_wait3A_75] : memref<125x80xi32, #tpu.memory_space<vmem>> -> memref<1x80xi32, #tpu.memory_space<vmem>>
    %dma_wait3A_77 = tpu.memref_squeeze %dma_wait3A_76 : memref<1x80xi32, #tpu.memory_space<vmem>> -> memref<80xi32, #tpu.memory_space<vmem>>
    %dma_wait3A_78 = arith.constant 0 : i32
    %dma_wait3A_79 = arith.constant 0 : i32
    %dma_wait3A_80 = tpu.memref_slice %arg7[%dma_wait3A_78, %dma_wait3A_79] : memref<10008x64xf32, #tpu.memory_space<vmem_shared>> -> memref<10008x64xf32, #tpu.memory_space<vmem_shared>>
    tpu.wait_indirect_dma semaphore(%arg31 : memref<!tpu.dma_semaphore, #tpu.memory_space<semaphore_mem>>) src(%arg15 : memref<80x64xf32, #tpu.memory_space<vmem>>) dst(%dma_wait3A_80 : memref<10008x64xf32, #tpu.memory_space<vmem_shared>>)
    %scan3A_81 = arith.constant 0 : i32
    %scan3A_82 = arith.constant 0 : i32
    %scan3A_83 = arith.constant 125 : i32
    %scan3A_84 = arith.addi %scan3A_82, %scan3A_83 : i32
    %scan3A_85 = arith.constant 1 : i32
    scf.for %scan3A_99 = %scan3A_82 to %scan3A_84 step %scan3A_85  : i32 {
      %dma_wait3A_100 = arith.constant 0 : i32
      %dma_wait3A_101 = arith.constant 0 : i32
      %dma_wait3A_102 = tpu.memref_slice %arg9[%dma_wait3A_100, %dma_wait3A_101] : memref<125x80xi32, #tpu.memory_space<vmem>> -> memref<1x80xi32, #tpu.memory_space<vmem>>
      %dma_wait3A_103 = tpu.memref_squeeze %dma_wait3A_102 : memref<1x80xi32, #tpu.memory_space<vmem>> -> memref<80xi32, #tpu.memory_space<vmem>>
      %dma_wait3A_104 = arith.constant 0 : i32
      %dma_wait3A_105 = tpu.memref_slice %arg35[%dma_wait3A_104] : memref<10008xf32, #tpu.memory_space<vmem_shared>> -> memref<10008xf32, #tpu.memory_space<vmem_shared>>
      tpu.wait_indirect_dma semaphore(%arg38 : memref<!tpu.dma_semaphore, #tpu.memory_space<semaphore_mem>>) src(%arg36 : memref<80xf32, #tpu.memory_space<vmem>>) dst(%dma_wait3A_105 : memref<10008xf32, #tpu.memory_space<vmem_shared>>)
    }
    %scan3A_86 = arith.constant 125 : i32
    %barrier3A_87 = arith.constant 0 : index
    tpu.barrier barrier_id(%barrier3A_87)
    %scan3A_88 = arith.constant 0 : i32
    %scan3A_89 = arith.constant 0 : i32
    %scan3A_90 = arith.constant 125 : i32
    %scan3A_91 = arith.addi %scan3A_89, %scan3A_90 : i32
    %scan3A_92 = arith.constant 1 : i32
    scf.for %scan3A_99 = %scan3A_89 to %scan3A_91 step %scan3A_92  : i32 {
      %jit3A = arith.constant 16 : i32
      %eq3A_100 = arith.constant 0 : i32
      %eq3A_101 = arith.cmpi eq, %jit3A, %eq3A_100 : i32
      %jit3A_102 = arith.constant 1 : i32
      %select_n3A = arith.select %eq3A_101, %jit3A_102, %jit3A : i32
      %rem3A = arith.remsi %scan3A_99, %select_n3A : i32
      %ne3A = arith.constant 0 : i32
      %ne3A_103 = arith.cmpi ne, %rem3A, %ne3A : i32
      %lt3A = arith.constant 0 : i32
      %lt3A_104 = arith.cmpi slt, %rem3A, %lt3A : i32
      %lt3A_105 = arith.constant 0 : i32
      %lt3A_106 = arith.cmpi slt, %select_n3A, %lt3A_105 : i32
      %ne3A_107 = arith.xori %lt3A_104, %lt3A_106 : i1
      %and3A = arith.andi %ne3A_107, %ne3A_103 : i1
      %add3A_108 = arith.addi %rem3A, %select_n3A : i32
      %select_n3A_109 = arith.select %and3A, %add3A_108, %rem3A : i32
      %eq3A_110 = arith.cmpi eq, %select_n3A_109, %arg1 : i32
      %convert_element_type3A_111 = arith.extui %eq3A_110 : i1 to i32
      %cond3A_112 = arith.constant 0 : i32
      %cond3A_113 = arith.cmpi ne, %convert_element_type3A_111, %cond3A_112 : i32
      scf.if %cond3A_113 {
        %mul3A_114 = arith.constant 80 : i32
        %mul3A_115 = arith.muli %scan3A_99, %mul3A_114 : i32
        %mul3A_116 = arith.constant 80 : i32
        %mul3A_117 = arith.muli %scan3A_99, %mul3A_116 : i32
        "tpu.region"() ({
          %run_scoped3A = tpu.sem_alloc : memref<!tpu.dma_semaphore, #tpu.memory_space<semaphore_mem>>
          %dma_start3A_118 = arith.constant 0 : i32
          %dma_start3A_119 = tpu.memref_slice %arg5[%arg0, %mul3A_117, %dma_start3A_118] : memref<2x10000x64xf32, #tpu.memory_space<hbm>> -> memref<1x80x64xf32, #tpu.memory_space<hbm>>
          %dma_start3A_120 = tpu.memref_squeeze %dma_start3A_119 : memref<1x80x64xf32, #tpu.memory_space<hbm>> -> memref<80x64xf32, #tpu.memory_space<hbm>>
          %dma_start3A_121 = arith.constant 0 : i32
          %dma_start3A_122 = tpu.memref_slice %arg7[%mul3A_115, %dma_start3A_121] : memref<10008x64xf32, #tpu.memory_space<vmem_shared>> -> memref<80x64xf32, #tpu.memory_space<vmem_shared>>
          tpu.enqueue_dma source(%dma_start3A_122 : memref<80x64xf32, #tpu.memory_space<vmem_shared>>) target(%dma_start3A_120 : memref<80x64xf32, #tpu.memory_space<hbm>>) target_semaphore(%run_scoped3A : memref<!tpu.dma_semaphore, #tpu.memory_space<semaphore_mem>>)
          %dma_wait3A_123 = arith.constant 0 : i32
          %dma_wait3A_124 = tpu.memref_slice %arg5[%arg0, %mul3A_117, %dma_wait3A_123] : memref<2x10000x64xf32, #tpu.memory_space<hbm>> -> memref<1x80x64xf32, #tpu.memory_space<hbm>>
          %dma_wait3A_125 = tpu.memref_squeeze %dma_wait3A_124 : memref<1x80x64xf32, #tpu.memory_space<hbm>> -> memref<80x64xf32, #tpu.memory_space<hbm>>
          %dma_wait3A_126 = arith.constant 0 : i32
          %dma_wait3A_127 = tpu.memref_slice %arg7[%mul3A_115, %dma_wait3A_126] : memref<10008x64xf32, #tpu.memory_space<vmem_shared>> -> memref<80x64xf32, #tpu.memory_space<vmem_shared>>
          tpu.wait_dma2 semaphore(%run_scoped3A : memref<!tpu.dma_semaphore, #tpu.memory_space<semaphore_mem>>) src(%dma_wait3A_127 : memref<80x64xf32, #tpu.memory_space<vmem_shared>>) dst(%dma_wait3A_125 : memref<80x64xf32, #tpu.memory_space<hbm>>)
          tpu.yield
        }) : () -> ()
      } else {
      }
    }
    %scan3A_93 = arith.constant 125 : i32
    %eq3A_94 = arith.constant 0 : i32
    %eq3A_95 = arith.cmpi eq, %arg1, %eq3A_94 : i32
    %convert_element_type3A_96 = arith.extui %eq3A_95 : i1 to i32
    %cond3A_97 = arith.constant 0 : i32
    %cond3A_98 = arith.cmpi ne, %convert_element_type3A_96, %cond3A_97 : i32
    scf.if %cond3A_98 {
      %scan3A_99 = arith.constant 0 : i32
      %scan3A_100 = arith.constant 0 : i32
      %scan3A_101 = arith.constant 10 : i32
      %scan3A_102 = arith.addi %scan3A_100, %scan3A_101 : i32
      %scan3A_103 = arith.constant 1 : i32
      scf.for %scan3A_105 = %scan3A_100 to %scan3A_102 step %scan3A_103  : i32 {
        %mul3A_106 = arith.constant 1000 : i32
        %mul3A_107 = arith.muli %scan3A_105, %mul3A_106 : i32
        %mul3A_108 = arith.constant 10000 : i32
        %mul3A_109 = arith.muli %arg0, %mul3A_108 : i32
        %mul3A_110 = arith.constant 1000 : i32
        %mul3A_111 = arith.muli %scan3A_105, %mul3A_110 : i32
        %add3A_112 = arith.addi %mul3A_109, %mul3A_111 : i32
        "tpu.region"() ({
          %run_scoped3A = tpu.sem_alloc : memref<!tpu.dma_semaphore, #tpu.memory_space<semaphore_mem>>
          %dma_start3A_113 = tpu.memref_slice %arg6[%add3A_112] : memref<20000xf32, #tpu.memory_space<hbm>> -> memref<1000xf32, #tpu.memory_space<hbm>>
          %dma_start3A_114 = tpu.memref_slice %arg35[%mul3A_107] : memref<10008xf32, #tpu.memory_space<vmem_shared>> -> memref<1000xf32, #tpu.memory_space<vmem_shared>>
          tpu.enqueue_dma source(%dma_start3A_114 : memref<1000xf32, #tpu.memory_space<vmem_shared>>) target(%dma_start3A_113 : memref<1000xf32, #tpu.memory_space<hbm>>) target_semaphore(%run_scoped3A : memref<!tpu.dma_semaphore, #tpu.memory_space<semaphore_mem>>)
          %dma_wait3A_115 = tpu.memref_slice %arg6[%add3A_112] : memref<20000xf32, #tpu.memory_space<hbm>> -> memref<1000xf32, #tpu.memory_space<hbm>>
          %dma_wait3A_116 = tpu.memref_slice %arg35[%mul3A_107] : memref<10008xf32, #tpu.memory_space<vmem_shared>> -> memref<1000xf32, #tpu.memory_space<vmem_shared>>
          tpu.wait_dma2 semaphore(%run_scoped3A : memref<!tpu.dma_semaphore, #tpu.memory_space<semaphore_mem>>) src(%dma_wait3A_116 : memref<1000xf32, #tpu.memory_space<vmem_shared>>) dst(%dma_wait3A_115 : memref<1000xf32, #tpu.memory_space<hbm>>)
          tpu.yield
        }) : () -> ()
      }
      %scan3A_104 = arith.constant 10 : i32
    } else {
    }
    return
  }
}

#map = affine_map<(d0, d1) -> (0, 0)>
#map1 = affine_map<(d0, d1) -> (0, 0, 0)>
module attributes {stable_mosaic.version = 14 : i64} {
  func.func @body(%arg0: i32, %arg1: i32, %arg2: memref<10000x16xf32, #tpu.memory_space<hbm>>, %arg3: memref<32x125x80xi32, #tpu.memory_space<hbm>>, %arg4: memref<32x125x80xi32, #tpu.memory_space<hbm>>, %arg5: memref<2x10000x16xf32, #tpu.memory_space<hbm>>, %arg6: memref<10008x16xf32, #tpu.memory_space<vmem_shared>>, %arg7: memref<125x80xi32, #tpu.memory_space<vmem>>, %arg8: memref<125x80xi32, #tpu.memory_space<vmem>>, %arg9: memref<80x16xf32, #tpu.memory_space<vmem>>, %arg10: memref<80x16xf32, #tpu.memory_space<vmem>>, %arg11: memref<80x16xf32, #tpu.memory_space<vmem>>, %arg12: memref<80x16xf32, #tpu.memory_space<vmem>>, %arg13: memref<80x16xf32, #tpu.memory_space<vmem>>, %arg14: memref<80x16xf32, #tpu.memory_space<vmem>>, %arg15: memref<80x16xf32, #tpu.memory_space<vmem>>, %arg16: memref<80x16xf32, #tpu.memory_space<vmem>>, %arg17: memref<80x16xf32, #tpu.memory_space<vmem>>, %arg18: memref<!tpu.dma_semaphore, #tpu.memory_space<semaphore_mem>>, %arg19: memref<!tpu.dma_semaphore, #tpu.memory_space<semaphore_mem>>, %arg20: memref<!tpu.dma_semaphore, #tpu.memory_space<semaphore_mem>>, %arg21: memref<!tpu.dma_semaphore, #tpu.memory_space<semaphore_mem>>, %arg22: memref<!tpu.dma_semaphore, #tpu.memory_space<semaphore_mem>>, %arg23: memref<!tpu.dma_semaphore, #tpu.memory_space<semaphore_mem>>, %arg24: memref<!tpu.dma_semaphore, #tpu.memory_space<semaphore_mem>>, %arg25: memref<!tpu.dma_semaphore, #tpu.memory_space<semaphore_mem>>, %arg26: memref<!tpu.dma_semaphore, #tpu.memory_space<semaphore_mem>>, %arg27: memref<!tpu.dma_semaphore, #tpu.memory_space<semaphore_mem>>, %arg28: memref<!tpu.dma_semaphore, #tpu.memory_space<semaphore_mem>>, %arg29: memref<!tpu.dma_semaphore, #tpu.memory_space<semaphore_mem>>, %arg30: memref<!tpu.dma_semaphore, #tpu.memory_space<semaphore_mem>>, %arg31: memref<!tpu.dma_semaphore, #tpu.memory_space<semaphore_mem>>, %arg32: memref<!tpu.dma_semaphore, #tpu.memory_space<semaphore_mem>>, %arg33: memref<!tpu.dma_semaphore, #tpu.memory_space<semaphore_mem>>) attributes {dimension_semantics = [#tpu.dimension_semantics<core_parallel>, #tpu.dimension_semantics<subcore_parallel>], iteration_bounds = array<i64: 2, 16>, scalar_prefetch = 0 : i64, scratch_operands = 28 : i64, tpu.core_type = #tpu.core_type<sc_vector_subcore>, window_params = [{transform_indices = #map}, {transform_indices = #map1}, {transform_indices = #map1}, {transform_indices = #map1}]} {
    %mul3A = arith.constant 16 : i32
    %mul3A_0 = arith.muli %arg0, %mul3A : i32
    %add3A = arith.addi %mul3A_0, %arg1 : i32
    %broadcast_in_dim3A = arith.constant 0.000000e+00 : f32
    %broadcast_in_dim3A_1 = vector.broadcast %broadcast_in_dim3A : f32 to vector<16xf32>
    %scan3A = arith.constant 0 : i32
    %scan3A_2 = arith.constant 0 : i32
    %scan3A_3 = arith.constant 80 : i32
    %scan3A_4 = arith.addi %scan3A_2, %scan3A_3 : i32
    %scan3A_5 = arith.constant 1 : i32
    scf.for %scan3A_80 = %scan3A_2 to %scan3A_4 step %scan3A_5  : i32 {
      %swap3A = arith.index_cast %scan3A_80 : i32 to index
      %swap3A_81 = arith.constant 0 : index
      %swap3A_82 = tpu.vector_load %arg9[%swap3A, %swap3A_81] {strides = array<i32>} : memref<80x16xf32, #tpu.memory_space<vmem>>, vector<1x16xf32>,
      %swap3A_83 = vector.shape_cast %swap3A_82 : vector<1x16xf32> to vector<16xf32>
      %swap3A_84 = vector.shape_cast %broadcast_in_dim3A_1 : vector<16xf32> to vector<1x16xf32>
      tpu.vector_store %arg9[%swap3A, %swap3A_81], %swap3A_84 {strides = array<i32>} : memref<80x16xf32, #tpu.memory_space<vmem>>, vector<1x16xf32>,
    }
    %scan3A_6 = arith.constant 80 : i32
    %scan3A_7 = arith.constant 0 : i32
    %scan3A_8 = arith.constant 0 : i32
    %scan3A_9 = arith.constant 125 : i32
    %scan3A_10 = arith.addi %scan3A_8, %scan3A_9 : i32
    %scan3A_11 = arith.constant 1 : i32
    scf.for %scan3A_80 = %scan3A_8 to %scan3A_10 step %scan3A_11  : i32 {
      %jit3A = arith.constant 16 : i32
      %eq3A = arith.constant 0 : i32
      %eq3A_81 = arith.cmpi eq, %jit3A, %eq3A : i32
      %jit3A_82 = arith.constant 1 : i32
      %select_n3A = arith.select %eq3A_81, %jit3A_82, %jit3A : i32
      %rem3A = arith.remsi %scan3A_80, %select_n3A : i32
      %ne3A = arith.constant 0 : i32
      %ne3A_83 = arith.cmpi ne, %rem3A, %ne3A : i32
      %lt3A = arith.constant 0 : i32
      %lt3A_84 = arith.cmpi slt, %rem3A, %lt3A : i32
      %lt3A_85 = arith.constant 0 : i32
      %lt3A_86 = arith.cmpi slt, %select_n3A, %lt3A_85 : i32
      %ne3A_87 = arith.xori %lt3A_84, %lt3A_86 : i1
      %and3A = arith.andi %ne3A_87, %ne3A_83 : i1
      %add3A_88 = arith.addi %rem3A, %select_n3A : i32
      %select_n3A_89 = arith.select %and3A, %add3A_88, %rem3A : i32
      %eq3A_90 = arith.cmpi eq, %select_n3A_89, %arg1 : i32
      %convert_element_type3A = arith.extui %eq3A_90 : i1 to i32
      %cond3A = arith.constant 0 : i32
      %cond3A_91 = arith.cmpi ne, %convert_element_type3A, %cond3A : i32
      scf.if %cond3A_91 {
        %mul3A_92 = arith.constant 80 : i32
        %mul3A_93 = arith.muli %scan3A_80, %mul3A_92 : i32
        "tpu.region"() ({
          %run_scoped3A = tpu.sem_alloc : memref<!tpu.dma_semaphore, #tpu.memory_space<semaphore_mem>>
          %dma_start3A_94 = arith.constant 0 : i32
          %dma_start3A_95 = tpu.memref_slice %arg6[%mul3A_93, %dma_start3A_94] : memref<10008x16xf32, #tpu.memory_space<vmem_shared>> -> memref<80x16xf32, #tpu.memory_space<vmem_shared>>
          %dma_start3A_96 = arith.constant 0 : i32
          %dma_start3A_97 = tpu.memref_slice %arg6[%mul3A_93, %dma_start3A_96] : memref<10008x16xf32, #tpu.memory_space<vmem_shared>> -> memref<80x16xf32, #tpu.memory_space<vmem_shared>>
          tpu.enqueue_dma source(%arg9 : memref<80x16xf32, #tpu.memory_space<vmem>>) target(%dma_start3A_97 : memref<80x16xf32, #tpu.memory_space<vmem_shared>>) target_semaphore(%run_scoped3A : memref<!tpu.dma_semaphore, #tpu.memory_space<semaphore_mem>>)
          %dma_wait3A_98 = arith.constant 0 : i32
          %dma_wait3A_99 = tpu.memref_slice %arg6[%mul3A_93, %dma_wait3A_98] : memref<10008x16xf32, #tpu.memory_space<vmem_shared>> -> memref<80x16xf32, #tpu.memory_space<vmem_shared>>
          %dma_wait3A_100 = arith.constant 0 : i32
          %dma_wait3A_101 = tpu.memref_slice %arg6[%mul3A_93, %dma_wait3A_100] : memref<10008x16xf32, #tpu.memory_space<vmem_shared>> -> memref<80x16xf32, #tpu.memory_space<vmem_shared>>
          tpu.wait_dma2 semaphore(%run_scoped3A : memref<!tpu.dma_semaphore, #tpu.memory_space<semaphore_mem>>) src(%arg9 : memref<80x16xf32, #tpu.memory_space<vmem>>) dst(%dma_wait3A_101 : memref<80x16xf32, #tpu.memory_space<vmem_shared>>)
          tpu.yield
        }) : () -> ()
      } else {
      }
    }
    %scan3A_12 = arith.constant 125 : i32
    %barrier3A = arith.constant 0 : index
    tpu.barrier barrier_id(%barrier3A)
    "tpu.region"() ({
      %run_scoped3A = tpu.sem_alloc : memref<!tpu.dma_semaphore, #tpu.memory_space<semaphore_mem>>
      %dma_start3A_80 = arith.constant 0 : i32
      %dma_start3A_81 = arith.constant 0 : i32
      %dma_start3A_82 = tpu.memref_slice %arg3[%add3A, %dma_start3A_80, %dma_start3A_81] : memref<32x125x80xi32, #tpu.memory_space<hbm>> -> memref<1x125x80xi32, #tpu.memory_space<hbm>>
      %dma_start3A_83 = tpu.memref_squeeze %dma_start3A_82 : memref<1x125x80xi32, #tpu.memory_space<hbm>> -> memref<125x80xi32, #tpu.memory_space<hbm>>
      %dma_start3A_84 = arith.constant 0 : i32
      %dma_start3A_85 = arith.constant 0 : i32
      %dma_start3A_86 = tpu.memref_slice %arg3[%add3A, %dma_start3A_84, %dma_start3A_85] : memref<32x125x80xi32, #tpu.memory_space<hbm>> -> memref<1x125x80xi32, #tpu.memory_space<hbm>>
      %dma_start3A_87 = tpu.memref_squeeze %dma_start3A_86 : memref<1x125x80xi32, #tpu.memory_space<hbm>> -> memref<125x80xi32, #tpu.memory_space<hbm>>
      tpu.enqueue_dma source(%dma_start3A_87 : memref<125x80xi32, #tpu.memory_space<hbm>>) target(%arg7 : memref<125x80xi32, #tpu.memory_space<vmem>>) target_semaphore(%run_scoped3A : memref<!tpu.dma_semaphore, #tpu.memory_space<semaphore_mem>>)
      %dma_wait3A_88 = arith.constant 0 : i32
      %dma_wait3A_89 = arith.constant 0 : i32
      %dma_wait3A_90 = tpu.memref_slice %arg3[%add3A, %dma_wait3A_88, %dma_wait3A_89] : memref<32x125x80xi32, #tpu.memory_space<hbm>> -> memref<1x125x80xi32, #tpu.memory_space<hbm>>
      %dma_wait3A_91 = tpu.memref_squeeze %dma_wait3A_90 : memref<1x125x80xi32, #tpu.memory_space<hbm>> -> memref<125x80xi32, #tpu.memory_space<hbm>>
      %dma_wait3A_92 = arith.constant 0 : i32
      %dma_wait3A_93 = arith.constant 0 : i32
      %dma_wait3A_94 = tpu.memref_slice %arg3[%add3A, %dma_wait3A_92, %dma_wait3A_93] : memref<32x125x80xi32, #tpu.memory_space<hbm>> -> memref<1x125x80xi32, #tpu.memory_space<hbm>>
      %dma_wait3A_95 = tpu.memref_squeeze %dma_wait3A_94 : memref<1x125x80xi32, #tpu.memory_space<hbm>> -> memref<125x80xi32, #tpu.memory_space<hbm>>
      tpu.wait_dma2 semaphore(%run_scoped3A : memref<!tpu.dma_semaphore, #tpu.memory_space<semaphore_mem>>) src(%dma_wait3A_95 : memref<125x80xi32, #tpu.memory_space<hbm>>) dst(%arg7 : memref<125x80xi32, #tpu.memory_space<vmem>>)
      tpu.yield
    }) : () -> ()
    "tpu.region"() ({
      %run_scoped3A = tpu.sem_alloc : memref<!tpu.dma_semaphore, #tpu.memory_space<semaphore_mem>>
      %dma_start3A_80 = arith.constant 0 : i32
      %dma_start3A_81 = arith.constant 0 : i32
      %dma_start3A_82 = tpu.memref_slice %arg4[%add3A, %dma_start3A_80, %dma_start3A_81] : memref<32x125x80xi32, #tpu.memory_space<hbm>> -> memref<1x125x80xi32, #tpu.memory_space<hbm>>
      %dma_start3A_83 = tpu.memref_squeeze %dma_start3A_82 : memref<1x125x80xi32, #tpu.memory_space<hbm>> -> memref<125x80xi32, #tpu.memory_space<hbm>>
      %dma_start3A_84 = arith.constant 0 : i32
      %dma_start3A_85 = arith.constant 0 : i32
      %dma_start3A_86 = tpu.memref_slice %arg4[%add3A, %dma_start3A_84, %dma_start3A_85] : memref<32x125x80xi32, #tpu.memory_space<hbm>> -> memref<1x125x80xi32, #tpu.memory_space<hbm>>
      %dma_start3A_87 = tpu.memref_squeeze %dma_start3A_86 : memref<1x125x80xi32, #tpu.memory_space<hbm>> -> memref<125x80xi32, #tpu.memory_space<hbm>>
      tpu.enqueue_dma source(%dma_start3A_87 : memref<125x80xi32, #tpu.memory_space<hbm>>) target(%arg8 : memref<125x80xi32, #tpu.memory_space<vmem>>) target_semaphore(%run_scoped3A : memref<!tpu.dma_semaphore, #tpu.memory_space<semaphore_mem>>)
      %dma_wait3A_88 = arith.constant 0 : i32
      %dma_wait3A_89 = arith.constant 0 : i32
      %dma_wait3A_90 = tpu.memref_slice %arg4[%add3A, %dma_wait3A_88, %dma_wait3A_89] : memref<32x125x80xi32, #tpu.memory_space<hbm>> -> memref<1x125x80xi32, #tpu.memory_space<hbm>>
      %dma_wait3A_91 = tpu.memref_squeeze %dma_wait3A_90 : memref<1x125x80xi32, #tpu.memory_space<hbm>> -> memref<125x80xi32, #tpu.memory_space<hbm>>
      %dma_wait3A_92 = arith.constant 0 : i32
      %dma_wait3A_93 = arith.constant 0 : i32
      %dma_wait3A_94 = tpu.memref_slice %arg4[%add3A, %dma_wait3A_92, %dma_wait3A_93] : memref<32x125x80xi32, #tpu.memory_space<hbm>> -> memref<1x125x80xi32, #tpu.memory_space<hbm>>
      %dma_wait3A_95 = tpu.memref_squeeze %dma_wait3A_94 : memref<1x125x80xi32, #tpu.memory_space<hbm>> -> memref<125x80xi32, #tpu.memory_space<hbm>>
      tpu.wait_dma2 semaphore(%run_scoped3A : memref<!tpu.dma_semaphore, #tpu.memory_space<semaphore_mem>>) src(%dma_wait3A_95 : memref<125x80xi32, #tpu.memory_space<hbm>>) dst(%arg8 : memref<125x80xi32, #tpu.memory_space<vmem>>)
      tpu.yield
    }) : () -> ()
    %dma_start3A = arith.constant 0 : i32
    %dma_start3A_13 = arith.constant 0 : i32
    %dma_start3A_14 = tpu.memref_slice %arg7[%dma_start3A, %dma_start3A_13] : memref<125x80xi32, #tpu.memory_space<vmem>> -> memref<1x80xi32, #tpu.memory_space<vmem>>
    %dma_start3A_15 = tpu.memref_squeeze %dma_start3A_14 : memref<1x80xi32, #tpu.memory_space<vmem>> -> memref<80xi32, #tpu.memory_space<vmem>>
    %dma_start3A_16 = arith.constant 0 : i32
    %dma_start3A_17 = arith.constant 0 : i32
    %dma_start3A_18 = tpu.memref_slice %arg2[%dma_start3A_16, %dma_start3A_17] : memref<10000x16xf32, #tpu.memory_space<hbm>> -> memref<10000x16xf32, #tpu.memory_space<hbm>>
    tpu.enqueue_indirect_dma source(%dma_start3A_18 : memref<10000x16xf32, #tpu.memory_space<hbm>>) target(%arg10 : memref<80x16xf32, #tpu.memory_space<vmem>>) offsets(%dma_start3A_15 : memref<80xi32, #tpu.memory_space<vmem>>) semaphore(%arg18 : memref<!tpu.dma_semaphore, #tpu.memory_space<semaphore_mem>>)
    %dma_start3A_19 = arith.constant 1 : i32
    %dma_start3A_20 = arith.constant 0 : i32
    %dma_start3A_21 = tpu.memref_slice %arg7[%dma_start3A_19, %dma_start3A_20] : memref<125x80xi32, #tpu.memory_space<vmem>> -> memref<1x80xi32, #tpu.memory_space<vmem>>
    %dma_start3A_22 = tpu.memref_squeeze %dma_start3A_21 : memref<1x80xi32, #tpu.memory_space<vmem>> -> memref<80xi32, #tpu.memory_space<vmem>>
    %dma_start3A_23 = arith.constant 0 : i32
    %dma_start3A_24 = arith.constant 0 : i32
    %dma_start3A_25 = tpu.memref_slice %arg2[%dma_start3A_23, %dma_start3A_24] : memref<10000x16xf32, #tpu.memory_space<hbm>> -> memref<10000x16xf32, #tpu.memory_space<hbm>>
    tpu.enqueue_indirect_dma source(%dma_start3A_25 : memref<10000x16xf32, #tpu.memory_space<hbm>>) target(%arg11 : memref<80x16xf32, #tpu.memory_space<vmem>>) offsets(%dma_start3A_22 : memref<80xi32, #tpu.memory_space<vmem>>) semaphore(%arg19 : memref<!tpu.dma_semaphore, #tpu.memory_space<semaphore_mem>>)
    %dma_start3A_26 = arith.constant 2 : i32
    %dma_start3A_27 = arith.constant 0 : i32
    %dma_start3A_28 = tpu.memref_slice %arg7[%dma_start3A_26, %dma_start3A_27] : memref<125x80xi32, #tpu.memory_space<vmem>> -> memref<1x80xi32, #tpu.memory_space<vmem>>
    %dma_start3A_29 = tpu.memref_squeeze %dma_start3A_28 : memref<1x80xi32, #tpu.memory_space<vmem>> -> memref<80xi32, #tpu.memory_space<vmem>>
    %dma_start3A_30 = arith.constant 0 : i32
    %dma_start3A_31 = arith.constant 0 : i32
    %dma_start3A_32 = tpu.memref_slice %arg2[%dma_start3A_30, %dma_start3A_31] : memref<10000x16xf32, #tpu.memory_space<hbm>> -> memref<10000x16xf32, #tpu.memory_space<hbm>>
    tpu.enqueue_indirect_dma source(%dma_start3A_32 : memref<10000x16xf32, #tpu.memory_space<hbm>>) target(%arg12 : memref<80x16xf32, #tpu.memory_space<vmem>>) offsets(%dma_start3A_29 : memref<80xi32, #tpu.memory_space<vmem>>) semaphore(%arg20 : memref<!tpu.dma_semaphore, #tpu.memory_space<semaphore_mem>>)
    %dma_start3A_33 = arith.constant 3 : i32
    %dma_start3A_34 = arith.constant 0 : i32
    %dma_start3A_35 = tpu.memref_slice %arg7[%dma_start3A_33, %dma_start3A_34] : memref<125x80xi32, #tpu.memory_space<vmem>> -> memref<1x80xi32, #tpu.memory_space<vmem>>
    %dma_start3A_36 = tpu.memref_squeeze %dma_start3A_35 : memref<1x80xi32, #tpu.memory_space<vmem>> -> memref<80xi32, #tpu.memory_space<vmem>>
    %dma_start3A_37 = arith.constant 0 : i32
    %dma_start3A_38 = arith.constant 0 : i32
    %dma_start3A_39 = tpu.memref_slice %arg2[%dma_start3A_37, %dma_start3A_38] : memref<10000x16xf32, #tpu.memory_space<hbm>> -> memref<10000x16xf32, #tpu.memory_space<hbm>>
    tpu.enqueue_indirect_dma source(%dma_start3A_39 : memref<10000x16xf32, #tpu.memory_space<hbm>>) target(%arg13 : memref<80x16xf32, #tpu.memory_space<vmem>>) offsets(%dma_start3A_36 : memref<80xi32, #tpu.memory_space<vmem>>) semaphore(%arg21 : memref<!tpu.dma_semaphore, #tpu.memory_space<semaphore_mem>>)
    %dma_start3A_40 = arith.constant 4 : i32
    %dma_start3A_41 = arith.constant 0 : i32
    %dma_start3A_42 = tpu.memref_slice %arg7[%dma_start3A_40, %dma_start3A_41] : memref<125x80xi32, #tpu.memory_space<vmem>> -> memref<1x80xi32, #tpu.memory_space<vmem>>
    %dma_start3A_43 = tpu.memref_squeeze %dma_start3A_42 : memref<1x80xi32, #tpu.memory_space<vmem>> -> memref<80xi32, #tpu.memory_space<vmem>>
    %dma_start3A_44 = arith.constant 0 : i32
    %dma_start3A_45 = arith.constant 0 : i32
    %dma_start3A_46 = tpu.memref_slice %arg2[%dma_start3A_44, %dma_start3A_45] : memref<10000x16xf32, #tpu.memory_space<hbm>> -> memref<10000x16xf32, #tpu.memory_space<hbm>>
    tpu.enqueue_indirect_dma source(%dma_start3A_46 : memref<10000x16xf32, #tpu.memory_space<hbm>>) target(%arg14 : memref<80x16xf32, #tpu.memory_space<vmem>>) offsets(%dma_start3A_43 : memref<80xi32, #tpu.memory_space<vmem>>) semaphore(%arg22 : memref<!tpu.dma_semaphore, #tpu.memory_space<semaphore_mem>>)
    %dma_start3A_47 = arith.constant 5 : i32
    %dma_start3A_48 = arith.constant 0 : i32
    %dma_start3A_49 = tpu.memref_slice %arg7[%dma_start3A_47, %dma_start3A_48] : memref<125x80xi32, #tpu.memory_space<vmem>> -> memref<1x80xi32, #tpu.memory_space<vmem>>
    %dma_start3A_50 = tpu.memref_squeeze %dma_start3A_49 : memref<1x80xi32, #tpu.memory_space<vmem>> -> memref<80xi32, #tpu.memory_space<vmem>>
    %dma_start3A_51 = arith.constant 0 : i32
    %dma_start3A_52 = arith.constant 0 : i32
    %dma_start3A_53 = tpu.memref_slice %arg2[%dma_start3A_51, %dma_start3A_52] : memref<10000x16xf32, #tpu.memory_space<hbm>> -> memref<10000x16xf32, #tpu.memory_space<hbm>>
    tpu.enqueue_indirect_dma source(%dma_start3A_53 : memref<10000x16xf32, #tpu.memory_space<hbm>>) target(%arg15 : memref<80x16xf32, #tpu.memory_space<vmem>>) offsets(%dma_start3A_50 : memref<80xi32, #tpu.memory_space<vmem>>) semaphore(%arg23 : memref<!tpu.dma_semaphore, #tpu.memory_space<semaphore_mem>>)
    %dma_start3A_54 = arith.constant 6 : i32
    %dma_start3A_55 = arith.constant 0 : i32
    %dma_start3A_56 = tpu.memref_slice %arg7[%dma_start3A_54, %dma_start3A_55] : memref<125x80xi32, #tpu.memory_space<vmem>> -> memref<1x80xi32, #tpu.memory_space<vmem>>
    %dma_start3A_57 = tpu.memref_squeeze %dma_start3A_56 : memref<1x80xi32, #tpu.memory_space<vmem>> -> memref<80xi32, #tpu.memory_space<vmem>>
    %dma_start3A_58 = arith.constant 0 : i32
    %dma_start3A_59 = arith.constant 0 : i32
    %dma_start3A_60 = tpu.memref_slice %arg2[%dma_start3A_58, %dma_start3A_59] : memref<10000x16xf32, #tpu.memory_space<hbm>> -> memref<10000x16xf32, #tpu.memory_space<hbm>>
    tpu.enqueue_indirect_dma source(%dma_start3A_60 : memref<10000x16xf32, #tpu.memory_space<hbm>>) target(%arg16 : memref<80x16xf32, #tpu.memory_space<vmem>>) offsets(%dma_start3A_57 : memref<80xi32, #tpu.memory_space<vmem>>) semaphore(%arg24 : memref<!tpu.dma_semaphore, #tpu.memory_space<semaphore_mem>>)
    %scan3A_61 = arith.constant 0 : i32
    %scan3A_62 = arith.constant 0 : i32
    %scan3A_63 = arith.constant 125 : i32
    %scan3A_64 = arith.addi %scan3A_62, %scan3A_63 : i32
    %scan3A_65 = arith.constant 1 : i32
    scf.for %scan3A_80 = %scan3A_62 to %scan3A_64 step %scan3A_65  : i32 {
      %rem3A = arith.constant 8 : i32
      %rem3A_81 = arith.remsi %scan3A_80, %rem3A : i32
      %eq3A = arith.constant 0 : i32
      %eq3A_82 = arith.cmpi eq, %rem3A_81, %eq3A : i32
      %convert_element_type3A = arith.extui %eq3A_82 : i1 to i32
      %cond3A = arith.constant 0 : i32
      %cond3A_83 = arith.cmpi ne, %convert_element_type3A, %cond3A : i32
      scf.if %cond3A_83 {
        %dma_wait3A_133 = arith.constant 0 : i32
        %dma_wait3A_134 = tpu.memref_slice %arg7[%scan3A_80, %dma_wait3A_133] : memref<125x80xi32, #tpu.memory_space<vmem>> -> memref<1x80xi32, #tpu.memory_space<vmem>>
        %dma_wait3A_135 = tpu.memref_squeeze %dma_wait3A_134 : memref<1x80xi32, #tpu.memory_space<vmem>> -> memref<80xi32, #tpu.memory_space<vmem>>
        %dma_wait3A_136 = arith.constant 0 : i32
        %dma_wait3A_137 = arith.constant 0 : i32
        %dma_wait3A_138 = tpu.memref_slice %arg2[%dma_wait3A_136, %dma_wait3A_137] : memref<10000x16xf32, #tpu.memory_space<hbm>> -> memref<10000x16xf32, #tpu.memory_space<hbm>>
        tpu.wait_indirect_dma semaphore(%arg18 : memref<!tpu.dma_semaphore, #tpu.memory_space<semaphore_mem>>) src(%dma_wait3A_138 : memref<10000x16xf32, #tpu.memory_space<hbm>>) dst(%arg10 : memref<80x16xf32, #tpu.memory_space<vmem>>)
        %dma_start3A_139 = arith.constant 0 : i32
        %dma_start3A_140 = tpu.memref_slice %arg8[%scan3A_80, %dma_start3A_139] : memref<125x80xi32, #tpu.memory_space<vmem>> -> memref<1x80xi32, #tpu.memory_space<vmem>>
        %dma_start3A_141 = tpu.memref_squeeze %dma_start3A_140 : memref<1x80xi32, #tpu.memory_space<vmem>> -> memref<80xi32, #tpu.memory_space<vmem>>
        %dma_start3A_142 = arith.constant 0 : i32
        %dma_start3A_143 = arith.constant 0 : i32
        %dma_start3A_144 = tpu.memref_slice %arg6[%dma_start3A_142, %dma_start3A_143] : memref<10008x16xf32, #tpu.memory_space<vmem_shared>> -> memref<10008x16xf32, #tpu.memory_space<vmem_shared>>
        tpu.enqueue_indirect_dma source(%arg10 : memref<80x16xf32, #tpu.memory_space<vmem>>) target(%dma_start3A_144 : memref<10008x16xf32, #tpu.memory_space<vmem_shared>>) offsets(%dma_start3A_141 : memref<80xi32, #tpu.memory_space<vmem>>) semaphore(%arg26 : memref<!tpu.dma_semaphore, #tpu.memory_space<semaphore_mem>>) {add = true}
        %ge3A = arith.constant 1 : i32
        %ge3A_145 = arith.cmpi sge, %scan3A_80, %ge3A : i32
        %convert_element_type3A_146 = arith.extui %ge3A_145 : i1 to i32
        %cond3A_147 = arith.constant 0 : i32
        %cond3A_148 = arith.cmpi ne, %convert_element_type3A_146, %cond3A_147 : i32
        scf.if %cond3A_148 {
          %dma_wait3A_155 = arith.constant 0 : i32
          %dma_wait3A_156 = tpu.memref_slice %arg8[%scan3A_80, %dma_wait3A_155] : memref<125x80xi32, #tpu.memory_space<vmem>> -> memref<1x80xi32, #tpu.memory_space<vmem>>
          %dma_wait3A_157 = tpu.memref_squeeze %dma_wait3A_156 : memref<1x80xi32, #tpu.memory_space<vmem>> -> memref<80xi32, #tpu.memory_space<vmem>>
          %dma_wait3A_158 = arith.constant 0 : i32
          %dma_wait3A_159 = arith.constant 0 : i32
          %dma_wait3A_160 = tpu.memref_slice %arg6[%dma_wait3A_158, %dma_wait3A_159] : memref<10008x16xf32, #tpu.memory_space<vmem_shared>> -> memref<10008x16xf32, #tpu.memory_space<vmem_shared>>
          tpu.wait_indirect_dma semaphore(%arg33 : memref<!tpu.dma_semaphore, #tpu.memory_space<semaphore_mem>>) src(%arg17 : memref<80x16xf32, #tpu.memory_space<vmem>>) dst(%dma_wait3A_160 : memref<10008x16xf32, #tpu.memory_space<vmem_shared>>)
        } else {
        }
        %add3A_149 = arith.constant 7 : i32
        %add3A_150 = arith.addi %scan3A_80, %add3A_149 : i32
        %lt3A = arith.constant 125 : i32
        %lt3A_151 = arith.cmpi slt, %add3A_150, %lt3A : i32
        %convert_element_type3A_152 = arith.extui %lt3A_151 : i1 to i32
        %cond3A_153 = arith.constant 0 : i32
        %cond3A_154 = arith.cmpi ne, %convert_element_type3A_152, %cond3A_153 : i32
        scf.if %cond3A_154 {
          %add3A_155 = arith.constant 7 : i32
          %add3A_156 = arith.addi %scan3A_80, %add3A_155 : i32
          %dma_start3A_157 = arith.constant 0 : i32
          %dma_start3A_158 = tpu.memref_slice %arg7[%add3A_156, %dma_start3A_157] : memref<125x80xi32, #tpu.memory_space<vmem>> -> memref<1x80xi32, #tpu.memory_space<vmem>>
          %dma_start3A_159 = tpu.memref_squeeze %dma_start3A_158 : memref<1x80xi32, #tpu.memory_space<vmem>> -> memref<80xi32, #tpu.memory_space<vmem>>
          %dma_start3A_160 = arith.constant 0 : i32
          %dma_start3A_161 = arith.constant 0 : i32
          %dma_start3A_162 = tpu.memref_slice %arg2[%dma_start3A_160, %dma_start3A_161] : memref<10000x16xf32, #tpu.memory_space<hbm>> -> memref<10000x16xf32, #tpu.memory_space<hbm>>
          tpu.enqueue_indirect_dma source(%dma_start3A_162 : memref<10000x16xf32, #tpu.memory_space<hbm>>) target(%arg17 : memref<80x16xf32, #tpu.memory_space<vmem>>) offsets(%dma_start3A_159 : memref<80xi32, #tpu.memory_space<vmem>>) semaphore(%arg25 : memref<!tpu.dma_semaphore, #tpu.memory_space<semaphore_mem>>)
        } else {
        }
      } else {
      }
      %rem3A_84 = arith.constant 8 : i32
      %rem3A_85 = arith.remsi %scan3A_80, %rem3A_84 : i32
      %eq3A_86 = arith.constant 1 : i32
      %eq3A_87 = arith.cmpi eq, %rem3A_85, %eq3A_86 : i32
      %convert_element_type3A_88 = arith.extui %eq3A_87 : i1 to i32
      %cond3A_89 = arith.constant 0 : i32
      %cond3A_90 = arith.cmpi ne, %convert_element_type3A_88, %cond3A_89 : i32
      scf.if %cond3A_90 {
        %dma_wait3A_133 = arith.constant 0 : i32
        %dma_wait3A_134 = tpu.memref_slice %arg7[%scan3A_80, %dma_wait3A_133] : memref<125x80xi32, #tpu.memory_space<vmem>> -> memref<1x80xi32, #tpu.memory_space<vmem>>
        %dma_wait3A_135 = tpu.memref_squeeze %dma_wait3A_134 : memref<1x80xi32, #tpu.memory_space<vmem>> -> memref<80xi32, #tpu.memory_space<vmem>>
        %dma_wait3A_136 = arith.constant 0 : i32
        %dma_wait3A_137 = arith.constant 0 : i32
        %dma_wait3A_138 = tpu.memref_slice %arg2[%dma_wait3A_136, %dma_wait3A_137] : memref<10000x16xf32, #tpu.memory_space<hbm>> -> memref<10000x16xf32, #tpu.memory_space<hbm>>
        tpu.wait_indirect_dma semaphore(%arg19 : memref<!tpu.dma_semaphore, #tpu.memory_space<semaphore_mem>>) src(%dma_wait3A_138 : memref<10000x16xf32, #tpu.memory_space<hbm>>) dst(%arg11 : memref<80x16xf32, #tpu.memory_space<vmem>>)
        %dma_start3A_139 = arith.constant 0 : i32
        %dma_start3A_140 = tpu.memref_slice %arg8[%scan3A_80, %dma_start3A_139] : memref<125x80xi32, #tpu.memory_space<vmem>> -> memref<1x80xi32, #tpu.memory_space<vmem>>
        %dma_start3A_141 = tpu.memref_squeeze %dma_start3A_140 : memref<1x80xi32, #tpu.memory_space<vmem>> -> memref<80xi32, #tpu.memory_space<vmem>>
        %dma_start3A_142 = arith.constant 0 : i32
        %dma_start3A_143 = arith.constant 0 : i32
        %dma_start3A_144 = tpu.memref_slice %arg6[%dma_start3A_142, %dma_start3A_143] : memref<10008x16xf32, #tpu.memory_space<vmem_shared>> -> memref<10008x16xf32, #tpu.memory_space<vmem_shared>>
        tpu.enqueue_indirect_dma source(%arg11 : memref<80x16xf32, #tpu.memory_space<vmem>>) target(%dma_start3A_144 : memref<10008x16xf32, #tpu.memory_space<vmem_shared>>) offsets(%dma_start3A_141 : memref<80xi32, #tpu.memory_space<vmem>>) semaphore(%arg27 : memref<!tpu.dma_semaphore, #tpu.memory_space<semaphore_mem>>) {add = true}
        %ge3A = arith.constant 1 : i32
        %ge3A_145 = arith.cmpi sge, %scan3A_80, %ge3A : i32
        %convert_element_type3A_146 = arith.extui %ge3A_145 : i1 to i32
        %cond3A_147 = arith.constant 0 : i32
        %cond3A_148 = arith.cmpi ne, %convert_element_type3A_146, %cond3A_147 : i32
        scf.if %cond3A_148 {
          %dma_wait3A_155 = arith.constant 0 : i32
          %dma_wait3A_156 = tpu.memref_slice %arg8[%scan3A_80, %dma_wait3A_155] : memref<125x80xi32, #tpu.memory_space<vmem>> -> memref<1x80xi32, #tpu.memory_space<vmem>>
          %dma_wait3A_157 = tpu.memref_squeeze %dma_wait3A_156 : memref<1x80xi32, #tpu.memory_space<vmem>> -> memref<80xi32, #tpu.memory_space<vmem>>
          %dma_wait3A_158 = arith.constant 0 : i32
          %dma_wait3A_159 = arith.constant 0 : i32
          %dma_wait3A_160 = tpu.memref_slice %arg6[%dma_wait3A_158, %dma_wait3A_159] : memref<10008x16xf32, #tpu.memory_space<vmem_shared>> -> memref<10008x16xf32, #tpu.memory_space<vmem_shared>>
          tpu.wait_indirect_dma semaphore(%arg26 : memref<!tpu.dma_semaphore, #tpu.memory_space<semaphore_mem>>) src(%arg10 : memref<80x16xf32, #tpu.memory_space<vmem>>) dst(%dma_wait3A_160 : memref<10008x16xf32, #tpu.memory_space<vmem_shared>>)
        } else {
        }
        %add3A_149 = arith.constant 7 : i32
        %add3A_150 = arith.addi %scan3A_80, %add3A_149 : i32
        %lt3A = arith.constant 125 : i32
        %lt3A_151 = arith.cmpi slt, %add3A_150, %lt3A : i32
        %convert_element_type3A_152 = arith.extui %lt3A_151 : i1 to i32
        %cond3A_153 = arith.constant 0 : i32
        %cond3A_154 = arith.cmpi ne, %convert_element_type3A_152, %cond3A_153 : i32
        scf.if %cond3A_154 {
          %add3A_155 = arith.constant 7 : i32
          %add3A_156 = arith.addi %scan3A_80, %add3A_155 : i32
          %dma_start3A_157 = arith.constant 0 : i32
          %dma_start3A_158 = tpu.memref_slice %arg7[%add3A_156, %dma_start3A_157] : memref<125x80xi32, #tpu.memory_space<vmem>> -> memref<1x80xi32, #tpu.memory_space<vmem>>
          %dma_start3A_159 = tpu.memref_squeeze %dma_start3A_158 : memref<1x80xi32, #tpu.memory_space<vmem>> -> memref<80xi32, #tpu.memory_space<vmem>>
          %dma_start3A_160 = arith.constant 0 : i32
          %dma_start3A_161 = arith.constant 0 : i32
          %dma_start3A_162 = tpu.memref_slice %arg2[%dma_start3A_160, %dma_start3A_161] : memref<10000x16xf32, #tpu.memory_space<hbm>> -> memref<10000x16xf32, #tpu.memory_space<hbm>>
          tpu.enqueue_indirect_dma source(%dma_start3A_162 : memref<10000x16xf32, #tpu.memory_space<hbm>>) target(%arg10 : memref<80x16xf32, #tpu.memory_space<vmem>>) offsets(%dma_start3A_159 : memref<80xi32, #tpu.memory_space<vmem>>) semaphore(%arg18 : memref<!tpu.dma_semaphore, #tpu.memory_space<semaphore_mem>>)
        } else {
        }
      } else {
      }
      %rem3A_91 = arith.constant 8 : i32
      %rem3A_92 = arith.remsi %scan3A_80, %rem3A_91 : i32
      %eq3A_93 = arith.constant 2 : i32
      %eq3A_94 = arith.cmpi eq, %rem3A_92, %eq3A_93 : i32
      %convert_element_type3A_95 = arith.extui %eq3A_94 : i1 to i32
      %cond3A_96 = arith.constant 0 : i32
      %cond3A_97 = arith.cmpi ne, %convert_element_type3A_95, %cond3A_96 : i32
      scf.if %cond3A_97 {
        %dma_wait3A_133 = arith.constant 0 : i32
        %dma_wait3A_134 = tpu.memref_slice %arg7[%scan3A_80, %dma_wait3A_133] : memref<125x80xi32, #tpu.memory_space<vmem>> -> memref<1x80xi32, #tpu.memory_space<vmem>>
        %dma_wait3A_135 = tpu.memref_squeeze %dma_wait3A_134 : memref<1x80xi32, #tpu.memory_space<vmem>> -> memref<80xi32, #tpu.memory_space<vmem>>
        %dma_wait3A_136 = arith.constant 0 : i32
        %dma_wait3A_137 = arith.constant 0 : i32
        %dma_wait3A_138 = tpu.memref_slice %arg2[%dma_wait3A_136, %dma_wait3A_137] : memref<10000x16xf32, #tpu.memory_space<hbm>> -> memref<10000x16xf32, #tpu.memory_space<hbm>>
        tpu.wait_indirect_dma semaphore(%arg20 : memref<!tpu.dma_semaphore, #tpu.memory_space<semaphore_mem>>) src(%dma_wait3A_138 : memref<10000x16xf32, #tpu.memory_space<hbm>>) dst(%arg12 : memref<80x16xf32, #tpu.memory_space<vmem>>)
        %dma_start3A_139 = arith.constant 0 : i32
        %dma_start3A_140 = tpu.memref_slice %arg8[%scan3A_80, %dma_start3A_139] : memref<125x80xi32, #tpu.memory_space<vmem>> -> memref<1x80xi32, #tpu.memory_space<vmem>>
        %dma_start3A_141 = tpu.memref_squeeze %dma_start3A_140 : memref<1x80xi32, #tpu.memory_space<vmem>> -> memref<80xi32, #tpu.memory_space<vmem>>
        %dma_start3A_142 = arith.constant 0 : i32
        %dma_start3A_143 = arith.constant 0 : i32
        %dma_start3A_144 = tpu.memref_slice %arg6[%dma_start3A_142, %dma_start3A_143] : memref<10008x16xf32, #tpu.memory_space<vmem_shared>> -> memref<10008x16xf32, #tpu.memory_space<vmem_shared>>
        tpu.enqueue_indirect_dma source(%arg12 : memref<80x16xf32, #tpu.memory_space<vmem>>) target(%dma_start3A_144 : memref<10008x16xf32, #tpu.memory_space<vmem_shared>>) offsets(%dma_start3A_141 : memref<80xi32, #tpu.memory_space<vmem>>) semaphore(%arg28 : memref<!tpu.dma_semaphore, #tpu.memory_space<semaphore_mem>>) {add = true}
        %ge3A = arith.constant 1 : i32
        %ge3A_145 = arith.cmpi sge, %scan3A_80, %ge3A : i32
        %convert_element_type3A_146 = arith.extui %ge3A_145 : i1 to i32
        %cond3A_147 = arith.constant 0 : i32
        %cond3A_148 = arith.cmpi ne, %convert_element_type3A_146, %cond3A_147 : i32
        scf.if %cond3A_148 {
          %dma_wait3A_155 = arith.constant 0 : i32
          %dma_wait3A_156 = tpu.memref_slice %arg8[%scan3A_80, %dma_wait3A_155] : memref<125x80xi32, #tpu.memory_space<vmem>> -> memref<1x80xi32, #tpu.memory_space<vmem>>
          %dma_wait3A_157 = tpu.memref_squeeze %dma_wait3A_156 : memref<1x80xi32, #tpu.memory_space<vmem>> -> memref<80xi32, #tpu.memory_space<vmem>>
          %dma_wait3A_158 = arith.constant 0 : i32
          %dma_wait3A_159 = arith.constant 0 : i32
          %dma_wait3A_160 = tpu.memref_slice %arg6[%dma_wait3A_158, %dma_wait3A_159] : memref<10008x16xf32, #tpu.memory_space<vmem_shared>> -> memref<10008x16xf32, #tpu.memory_space<vmem_shared>>
          tpu.wait_indirect_dma semaphore(%arg27 : memref<!tpu.dma_semaphore, #tpu.memory_space<semaphore_mem>>) src(%arg11 : memref<80x16xf32, #tpu.memory_space<vmem>>) dst(%dma_wait3A_160 : memref<10008x16xf32, #tpu.memory_space<vmem_shared>>)
        } else {
        }
        %add3A_149 = arith.constant 7 : i32
        %add3A_150 = arith.addi %scan3A_80, %add3A_149 : i32
        %lt3A = arith.constant 125 : i32
        %lt3A_151 = arith.cmpi slt, %add3A_150, %lt3A : i32
        %convert_element_type3A_152 = arith.extui %lt3A_151 : i1 to i32
        %cond3A_153 = arith.constant 0 : i32
        %cond3A_154 = arith.cmpi ne, %convert_element_type3A_152, %cond3A_153 : i32
        scf.if %cond3A_154 {
          %add3A_155 = arith.constant 7 : i32
          %add3A_156 = arith.addi %scan3A_80, %add3A_155 : i32
          %dma_start3A_157 = arith.constant 0 : i32
          %dma_start3A_158 = tpu.memref_slice %arg7[%add3A_156, %dma_start3A_157] : memref<125x80xi32, #tpu.memory_space<vmem>> -> memref<1x80xi32, #tpu.memory_space<vmem>>
          %dma_start3A_159 = tpu.memref_squeeze %dma_start3A_158 : memref<1x80xi32, #tpu.memory_space<vmem>> -> memref<80xi32, #tpu.memory_space<vmem>>
          %dma_start3A_160 = arith.constant 0 : i32
          %dma_start3A_161 = arith.constant 0 : i32
          %dma_start3A_162 = tpu.memref_slice %arg2[%dma_start3A_160, %dma_start3A_161] : memref<10000x16xf32, #tpu.memory_space<hbm>> -> memref<10000x16xf32, #tpu.memory_space<hbm>>
          tpu.enqueue_indirect_dma source(%dma_start3A_162 : memref<10000x16xf32, #tpu.memory_space<hbm>>) target(%arg11 : memref<80x16xf32, #tpu.memory_space<vmem>>) offsets(%dma_start3A_159 : memref<80xi32, #tpu.memory_space<vmem>>) semaphore(%arg19 : memref<!tpu.dma_semaphore, #tpu.memory_space<semaphore_mem>>)
        } else {
        }
      } else {
      }
      %rem3A_98 = arith.constant 8 : i32
      %rem3A_99 = arith.remsi %scan3A_80, %rem3A_98 : i32
      %eq3A_100 = arith.constant 3 : i32
      %eq3A_101 = arith.cmpi eq, %rem3A_99, %eq3A_100 : i32
      %convert_element_type3A_102 = arith.extui %eq3A_101 : i1 to i32
      %cond3A_103 = arith.constant 0 : i32
      %cond3A_104 = arith.cmpi ne, %convert_element_type3A_102, %cond3A_103 : i32
      scf.if %cond3A_104 {
        %dma_wait3A_133 = arith.constant 0 : i32
        %dma_wait3A_134 = tpu.memref_slice %arg7[%scan3A_80, %dma_wait3A_133] : memref<125x80xi32, #tpu.memory_space<vmem>> -> memref<1x80xi32, #tpu.memory_space<vmem>>
        %dma_wait3A_135 = tpu.memref_squeeze %dma_wait3A_134 : memref<1x80xi32, #tpu.memory_space<vmem>> -> memref<80xi32, #tpu.memory_space<vmem>>
        %dma_wait3A_136 = arith.constant 0 : i32
        %dma_wait3A_137 = arith.constant 0 : i32
        %dma_wait3A_138 = tpu.memref_slice %arg2[%dma_wait3A_136, %dma_wait3A_137] : memref<10000x16xf32, #tpu.memory_space<hbm>> -> memref<10000x16xf32, #tpu.memory_space<hbm>>
        tpu.wait_indirect_dma semaphore(%arg21 : memref<!tpu.dma_semaphore, #tpu.memory_space<semaphore_mem>>) src(%dma_wait3A_138 : memref<10000x16xf32, #tpu.memory_space<hbm>>) dst(%arg13 : memref<80x16xf32, #tpu.memory_space<vmem>>)
        %dma_start3A_139 = arith.constant 0 : i32
        %dma_start3A_140 = tpu.memref_slice %arg8[%scan3A_80, %dma_start3A_139] : memref<125x80xi32, #tpu.memory_space<vmem>> -> memref<1x80xi32, #tpu.memory_space<vmem>>
        %dma_start3A_141 = tpu.memref_squeeze %dma_start3A_140 : memref<1x80xi32, #tpu.memory_space<vmem>> -> memref<80xi32, #tpu.memory_space<vmem>>
        %dma_start3A_142 = arith.constant 0 : i32
        %dma_start3A_143 = arith.constant 0 : i32
        %dma_start3A_144 = tpu.memref_slice %arg6[%dma_start3A_142, %dma_start3A_143] : memref<10008x16xf32, #tpu.memory_space<vmem_shared>> -> memref<10008x16xf32, #tpu.memory_space<vmem_shared>>
        tpu.enqueue_indirect_dma source(%arg13 : memref<80x16xf32, #tpu.memory_space<vmem>>) target(%dma_start3A_144 : memref<10008x16xf32, #tpu.memory_space<vmem_shared>>) offsets(%dma_start3A_141 : memref<80xi32, #tpu.memory_space<vmem>>) semaphore(%arg29 : memref<!tpu.dma_semaphore, #tpu.memory_space<semaphore_mem>>) {add = true}
        %ge3A = arith.constant 1 : i32
        %ge3A_145 = arith.cmpi sge, %scan3A_80, %ge3A : i32
        %convert_element_type3A_146 = arith.extui %ge3A_145 : i1 to i32
        %cond3A_147 = arith.constant 0 : i32
        %cond3A_148 = arith.cmpi ne, %convert_element_type3A_146, %cond3A_147 : i32
        scf.if %cond3A_148 {
          %dma_wait3A_155 = arith.constant 0 : i32
          %dma_wait3A_156 = tpu.memref_slice %arg8[%scan3A_80, %dma_wait3A_155] : memref<125x80xi32, #tpu.memory_space<vmem>> -> memref<1x80xi32, #tpu.memory_space<vmem>>
          %dma_wait3A_157 = tpu.memref_squeeze %dma_wait3A_156 : memref<1x80xi32, #tpu.memory_space<vmem>> -> memref<80xi32, #tpu.memory_space<vmem>>
          %dma_wait3A_158 = arith.constant 0 : i32
          %dma_wait3A_159 = arith.constant 0 : i32
          %dma_wait3A_160 = tpu.memref_slice %arg6[%dma_wait3A_158, %dma_wait3A_159] : memref<10008x16xf32, #tpu.memory_space<vmem_shared>> -> memref<10008x16xf32, #tpu.memory_space<vmem_shared>>
          tpu.wait_indirect_dma semaphore(%arg28 : memref<!tpu.dma_semaphore, #tpu.memory_space<semaphore_mem>>) src(%arg12 : memref<80x16xf32, #tpu.memory_space<vmem>>) dst(%dma_wait3A_160 : memref<10008x16xf32, #tpu.memory_space<vmem_shared>>)
        } else {
        }
        %add3A_149 = arith.constant 7 : i32
        %add3A_150 = arith.addi %scan3A_80, %add3A_149 : i32
        %lt3A = arith.constant 125 : i32
        %lt3A_151 = arith.cmpi slt, %add3A_150, %lt3A : i32
        %convert_element_type3A_152 = arith.extui %lt3A_151 : i1 to i32
        %cond3A_153 = arith.constant 0 : i32
        %cond3A_154 = arith.cmpi ne, %convert_element_type3A_152, %cond3A_153 : i32
        scf.if %cond3A_154 {
          %add3A_155 = arith.constant 7 : i32
          %add3A_156 = arith.addi %scan3A_80, %add3A_155 : i32
          %dma_start3A_157 = arith.constant 0 : i32
          %dma_start3A_158 = tpu.memref_slice %arg7[%add3A_156, %dma_start3A_157] : memref<125x80xi32, #tpu.memory_space<vmem>> -> memref<1x80xi32, #tpu.memory_space<vmem>>
          %dma_start3A_159 = tpu.memref_squeeze %dma_start3A_158 : memref<1x80xi32, #tpu.memory_space<vmem>> -> memref<80xi32, #tpu.memory_space<vmem>>
          %dma_start3A_160 = arith.constant 0 : i32
          %dma_start3A_161 = arith.constant 0 : i32
          %dma_start3A_162 = tpu.memref_slice %arg2[%dma_start3A_160, %dma_start3A_161] : memref<10000x16xf32, #tpu.memory_space<hbm>> -> memref<10000x16xf32, #tpu.memory_space<hbm>>
          tpu.enqueue_indirect_dma source(%dma_start3A_162 : memref<10000x16xf32, #tpu.memory_space<hbm>>) target(%arg12 : memref<80x16xf32, #tpu.memory_space<vmem>>) offsets(%dma_start3A_159 : memref<80xi32, #tpu.memory_space<vmem>>) semaphore(%arg20 : memref<!tpu.dma_semaphore, #tpu.memory_space<semaphore_mem>>)
        } else {
        }
      } else {
      }
      %rem3A_105 = arith.constant 8 : i32
      %rem3A_106 = arith.remsi %scan3A_80, %rem3A_105 : i32
      %eq3A_107 = arith.constant 4 : i32
      %eq3A_108 = arith.cmpi eq, %rem3A_106, %eq3A_107 : i32
      %convert_element_type3A_109 = arith.extui %eq3A_108 : i1 to i32
      %cond3A_110 = arith.constant 0 : i32
      %cond3A_111 = arith.cmpi ne, %convert_element_type3A_109, %cond3A_110 : i32
      scf.if %cond3A_111 {
        %dma_wait3A_133 = arith.constant 0 : i32
        %dma_wait3A_134 = tpu.memref_slice %arg7[%scan3A_80, %dma_wait3A_133] : memref<125x80xi32, #tpu.memory_space<vmem>> -> memref<1x80xi32, #tpu.memory_space<vmem>>
        %dma_wait3A_135 = tpu.memref_squeeze %dma_wait3A_134 : memref<1x80xi32, #tpu.memory_space<vmem>> -> memref<80xi32, #tpu.memory_space<vmem>>
        %dma_wait3A_136 = arith.constant 0 : i32
        %dma_wait3A_137 = arith.constant 0 : i32
        %dma_wait3A_138 = tpu.memref_slice %arg2[%dma_wait3A_136, %dma_wait3A_137] : memref<10000x16xf32, #tpu.memory_space<hbm>> -> memref<10000x16xf32, #tpu.memory_space<hbm>>
        tpu.wait_indirect_dma semaphore(%arg22 : memref<!tpu.dma_semaphore, #tpu.memory_space<semaphore_mem>>) src(%dma_wait3A_138 : memref<10000x16xf32, #tpu.memory_space<hbm>>) dst(%arg14 : memref<80x16xf32, #tpu.memory_space<vmem>>)
        %dma_start3A_139 = arith.constant 0 : i32
        %dma_start3A_140 = tpu.memref_slice %arg8[%scan3A_80, %dma_start3A_139] : memref<125x80xi32, #tpu.memory_space<vmem>> -> memref<1x80xi32, #tpu.memory_space<vmem>>
        %dma_start3A_141 = tpu.memref_squeeze %dma_start3A_140 : memref<1x80xi32, #tpu.memory_space<vmem>> -> memref<80xi32, #tpu.memory_space<vmem>>
        %dma_start3A_142 = arith.constant 0 : i32
        %dma_start3A_143 = arith.constant 0 : i32
        %dma_start3A_144 = tpu.memref_slice %arg6[%dma_start3A_142, %dma_start3A_143] : memref<10008x16xf32, #tpu.memory_space<vmem_shared>> -> memref<10008x16xf32, #tpu.memory_space<vmem_shared>>
        tpu.enqueue_indirect_dma source(%arg14 : memref<80x16xf32, #tpu.memory_space<vmem>>) target(%dma_start3A_144 : memref<10008x16xf32, #tpu.memory_space<vmem_shared>>) offsets(%dma_start3A_141 : memref<80xi32, #tpu.memory_space<vmem>>) semaphore(%arg30 : memref<!tpu.dma_semaphore, #tpu.memory_space<semaphore_mem>>) {add = true}
        %ge3A = arith.constant 1 : i32
        %ge3A_145 = arith.cmpi sge, %scan3A_80, %ge3A : i32
        %convert_element_type3A_146 = arith.extui %ge3A_145 : i1 to i32
        %cond3A_147 = arith.constant 0 : i32
        %cond3A_148 = arith.cmpi ne, %convert_element_type3A_146, %cond3A_147 : i32
        scf.if %cond3A_148 {
          %dma_wait3A_155 = arith.constant 0 : i32
          %dma_wait3A_156 = tpu.memref_slice %arg8[%scan3A_80, %dma_wait3A_155] : memref<125x80xi32, #tpu.memory_space<vmem>> -> memref<1x80xi32, #tpu.memory_space<vmem>>
          %dma_wait3A_157 = tpu.memref_squeeze %dma_wait3A_156 : memref<1x80xi32, #tpu.memory_space<vmem>> -> memref<80xi32, #tpu.memory_space<vmem>>
          %dma_wait3A_158 = arith.constant 0 : i32
          %dma_wait3A_159 = arith.constant 0 : i32
          %dma_wait3A_160 = tpu.memref_slice %arg6[%dma_wait3A_158, %dma_wait3A_159] : memref<10008x16xf32, #tpu.memory_space<vmem_shared>> -> memref<10008x16xf32, #tpu.memory_space<vmem_shared>>
          tpu.wait_indirect_dma semaphore(%arg29 : memref<!tpu.dma_semaphore, #tpu.memory_space<semaphore_mem>>) src(%arg13 : memref<80x16xf32, #tpu.memory_space<vmem>>) dst(%dma_wait3A_160 : memref<10008x16xf32, #tpu.memory_space<vmem_shared>>)
        } else {
        }
        %add3A_149 = arith.constant 7 : i32
        %add3A_150 = arith.addi %scan3A_80, %add3A_149 : i32
        %lt3A = arith.constant 125 : i32
        %lt3A_151 = arith.cmpi slt, %add3A_150, %lt3A : i32
        %convert_element_type3A_152 = arith.extui %lt3A_151 : i1 to i32
        %cond3A_153 = arith.constant 0 : i32
        %cond3A_154 = arith.cmpi ne, %convert_element_type3A_152, %cond3A_153 : i32
        scf.if %cond3A_154 {
          %add3A_155 = arith.constant 7 : i32
          %add3A_156 = arith.addi %scan3A_80, %add3A_155 : i32
          %dma_start3A_157 = arith.constant 0 : i32
          %dma_start3A_158 = tpu.memref_slice %arg7[%add3A_156, %dma_start3A_157] : memref<125x80xi32, #tpu.memory_space<vmem>> -> memref<1x80xi32, #tpu.memory_space<vmem>>
          %dma_start3A_159 = tpu.memref_squeeze %dma_start3A_158 : memref<1x80xi32, #tpu.memory_space<vmem>> -> memref<80xi32, #tpu.memory_space<vmem>>
          %dma_start3A_160 = arith.constant 0 : i32
          %dma_start3A_161 = arith.constant 0 : i32
          %dma_start3A_162 = tpu.memref_slice %arg2[%dma_start3A_160, %dma_start3A_161] : memref<10000x16xf32, #tpu.memory_space<hbm>> -> memref<10000x16xf32, #tpu.memory_space<hbm>>
          tpu.enqueue_indirect_dma source(%dma_start3A_162 : memref<10000x16xf32, #tpu.memory_space<hbm>>) target(%arg13 : memref<80x16xf32, #tpu.memory_space<vmem>>) offsets(%dma_start3A_159 : memref<80xi32, #tpu.memory_space<vmem>>) semaphore(%arg21 : memref<!tpu.dma_semaphore, #tpu.memory_space<semaphore_mem>>)
        } else {
        }
      } else {
      }
      %rem3A_112 = arith.constant 8 : i32
      %rem3A_113 = arith.remsi %scan3A_80, %rem3A_112 : i32
      %eq3A_114 = arith.constant 5 : i32
      %eq3A_115 = arith.cmpi eq, %rem3A_113, %eq3A_114 : i32
      %convert_element_type3A_116 = arith.extui %eq3A_115 : i1 to i32
      %cond3A_117 = arith.constant 0 : i32
      %cond3A_118 = arith.cmpi ne, %convert_element_type3A_116, %cond3A_117 : i32
      scf.if %cond3A_118 {
        %dma_wait3A_133 = arith.constant 0 : i32
        %dma_wait3A_134 = tpu.memref_slice %arg7[%scan3A_80, %dma_wait3A_133] : memref<125x80xi32, #tpu.memory_space<vmem>> -> memref<1x80xi32, #tpu.memory_space<vmem>>
        %dma_wait3A_135 = tpu.memref_squeeze %dma_wait3A_134 : memref<1x80xi32, #tpu.memory_space<vmem>> -> memref<80xi32, #tpu.memory_space<vmem>>
        %dma_wait3A_136 = arith.constant 0 : i32
        %dma_wait3A_137 = arith.constant 0 : i32
        %dma_wait3A_138 = tpu.memref_slice %arg2[%dma_wait3A_136, %dma_wait3A_137] : memref<10000x16xf32, #tpu.memory_space<hbm>> -> memref<10000x16xf32, #tpu.memory_space<hbm>>
        tpu.wait_indirect_dma semaphore(%arg23 : memref<!tpu.dma_semaphore, #tpu.memory_space<semaphore_mem>>) src(%dma_wait3A_138 : memref<10000x16xf32, #tpu.memory_space<hbm>>) dst(%arg15 : memref<80x16xf32, #tpu.memory_space<vmem>>)
        %dma_start3A_139 = arith.constant 0 : i32
        %dma_start3A_140 = tpu.memref_slice %arg8[%scan3A_80, %dma_start3A_139] : memref<125x80xi32, #tpu.memory_space<vmem>> -> memref<1x80xi32, #tpu.memory_space<vmem>>
        %dma_start3A_141 = tpu.memref_squeeze %dma_start3A_140 : memref<1x80xi32, #tpu.memory_space<vmem>> -> memref<80xi32, #tpu.memory_space<vmem>>
        %dma_start3A_142 = arith.constant 0 : i32
        %dma_start3A_143 = arith.constant 0 : i32
        %dma_start3A_144 = tpu.memref_slice %arg6[%dma_start3A_142, %dma_start3A_143] : memref<10008x16xf32, #tpu.memory_space<vmem_shared>> -> memref<10008x16xf32, #tpu.memory_space<vmem_shared>>
        tpu.enqueue_indirect_dma source(%arg15 : memref<80x16xf32, #tpu.memory_space<vmem>>) target(%dma_start3A_144 : memref<10008x16xf32, #tpu.memory_space<vmem_shared>>) offsets(%dma_start3A_141 : memref<80xi32, #tpu.memory_space<vmem>>) semaphore(%arg31 : memref<!tpu.dma_semaphore, #tpu.memory_space<semaphore_mem>>) {add = true}
        %ge3A = arith.constant 1 : i32
        %ge3A_145 = arith.cmpi sge, %scan3A_80, %ge3A : i32
        %convert_element_type3A_146 = arith.extui %ge3A_145 : i1 to i32
        %cond3A_147 = arith.constant 0 : i32
        %cond3A_148 = arith.cmpi ne, %convert_element_type3A_146, %cond3A_147 : i32
        scf.if %cond3A_148 {
          %dma_wait3A_155 = arith.constant 0 : i32
          %dma_wait3A_156 = tpu.memref_slice %arg8[%scan3A_80, %dma_wait3A_155] : memref<125x80xi32, #tpu.memory_space<vmem>> -> memref<1x80xi32, #tpu.memory_space<vmem>>
          %dma_wait3A_157 = tpu.memref_squeeze %dma_wait3A_156 : memref<1x80xi32, #tpu.memory_space<vmem>> -> memref<80xi32, #tpu.memory_space<vmem>>
          %dma_wait3A_158 = arith.constant 0 : i32
          %dma_wait3A_159 = arith.constant 0 : i32
          %dma_wait3A_160 = tpu.memref_slice %arg6[%dma_wait3A_158, %dma_wait3A_159] : memref<10008x16xf32, #tpu.memory_space<vmem_shared>> -> memref<10008x16xf32, #tpu.memory_space<vmem_shared>>
          tpu.wait_indirect_dma semaphore(%arg30 : memref<!tpu.dma_semaphore, #tpu.memory_space<semaphore_mem>>) src(%arg14 : memref<80x16xf32, #tpu.memory_space<vmem>>) dst(%dma_wait3A_160 : memref<10008x16xf32, #tpu.memory_space<vmem_shared>>)
        } else {
        }
        %add3A_149 = arith.constant 7 : i32
        %add3A_150 = arith.addi %scan3A_80, %add3A_149 : i32
        %lt3A = arith.constant 125 : i32
        %lt3A_151 = arith.cmpi slt, %add3A_150, %lt3A : i32
        %convert_element_type3A_152 = arith.extui %lt3A_151 : i1 to i32
        %cond3A_153 = arith.constant 0 : i32
        %cond3A_154 = arith.cmpi ne, %convert_element_type3A_152, %cond3A_153 : i32
        scf.if %cond3A_154 {
          %add3A_155 = arith.constant 7 : i32
          %add3A_156 = arith.addi %scan3A_80, %add3A_155 : i32
          %dma_start3A_157 = arith.constant 0 : i32
          %dma_start3A_158 = tpu.memref_slice %arg7[%add3A_156, %dma_start3A_157] : memref<125x80xi32, #tpu.memory_space<vmem>> -> memref<1x80xi32, #tpu.memory_space<vmem>>
          %dma_start3A_159 = tpu.memref_squeeze %dma_start3A_158 : memref<1x80xi32, #tpu.memory_space<vmem>> -> memref<80xi32, #tpu.memory_space<vmem>>
          %dma_start3A_160 = arith.constant 0 : i32
          %dma_start3A_161 = arith.constant 0 : i32
          %dma_start3A_162 = tpu.memref_slice %arg2[%dma_start3A_160, %dma_start3A_161] : memref<10000x16xf32, #tpu.memory_space<hbm>> -> memref<10000x16xf32, #tpu.memory_space<hbm>>
          tpu.enqueue_indirect_dma source(%dma_start3A_162 : memref<10000x16xf32, #tpu.memory_space<hbm>>) target(%arg14 : memref<80x16xf32, #tpu.memory_space<vmem>>) offsets(%dma_start3A_159 : memref<80xi32, #tpu.memory_space<vmem>>) semaphore(%arg22 : memref<!tpu.dma_semaphore, #tpu.memory_space<semaphore_mem>>)
        } else {
        }
      } else {
      }
      %rem3A_119 = arith.constant 8 : i32
      %rem3A_120 = arith.remsi %scan3A_80, %rem3A_119 : i32
      %eq3A_121 = arith.constant 6 : i32
      %eq3A_122 = arith.cmpi eq, %rem3A_120, %eq3A_121 : i32
      %convert_element_type3A_123 = arith.extui %eq3A_122 : i1 to i32
      %cond3A_124 = arith.constant 0 : i32
      %cond3A_125 = arith.cmpi ne, %convert_element_type3A_123, %cond3A_124 : i32
      scf.if %cond3A_125 {
        %dma_wait3A_133 = arith.constant 0 : i32
        %dma_wait3A_134 = tpu.memref_slice %arg7[%scan3A_80, %dma_wait3A_133] : memref<125x80xi32, #tpu.memory_space<vmem>> -> memref<1x80xi32, #tpu.memory_space<vmem>>
        %dma_wait3A_135 = tpu.memref_squeeze %dma_wait3A_134 : memref<1x80xi32, #tpu.memory_space<vmem>> -> memref<80xi32, #tpu.memory_space<vmem>>
        %dma_wait3A_136 = arith.constant 0 : i32
        %dma_wait3A_137 = arith.constant 0 : i32
        %dma_wait3A_138 = tpu.memref_slice %arg2[%dma_wait3A_136, %dma_wait3A_137] : memref<10000x16xf32, #tpu.memory_space<hbm>> -> memref<10000x16xf32, #tpu.memory_space<hbm>>
        tpu.wait_indirect_dma semaphore(%arg24 : memref<!tpu.dma_semaphore, #tpu.memory_space<semaphore_mem>>) src(%dma_wait3A_138 : memref<10000x16xf32, #tpu.memory_space<hbm>>) dst(%arg16 : memref<80x16xf32, #tpu.memory_space<vmem>>)
        %dma_start3A_139 = arith.constant 0 : i32
        %dma_start3A_140 = tpu.memref_slice %arg8[%scan3A_80, %dma_start3A_139] : memref<125x80xi32, #tpu.memory_space<vmem>> -> memref<1x80xi32, #tpu.memory_space<vmem>>
        %dma_start3A_141 = tpu.memref_squeeze %dma_start3A_140 : memref<1x80xi32, #tpu.memory_space<vmem>> -> memref<80xi32, #tpu.memory_space<vmem>>
        %dma_start3A_142 = arith.constant 0 : i32
        %dma_start3A_143 = arith.constant 0 : i32
        %dma_start3A_144 = tpu.memref_slice %arg6[%dma_start3A_142, %dma_start3A_143] : memref<10008x16xf32, #tpu.memory_space<vmem_shared>> -> memref<10008x16xf32, #tpu.memory_space<vmem_shared>>
        tpu.enqueue_indirect_dma source(%arg16 : memref<80x16xf32, #tpu.memory_space<vmem>>) target(%dma_start3A_144 : memref<10008x16xf32, #tpu.memory_space<vmem_shared>>) offsets(%dma_start3A_141 : memref<80xi32, #tpu.memory_space<vmem>>) semaphore(%arg32 : memref<!tpu.dma_semaphore, #tpu.memory_space<semaphore_mem>>) {add = true}
        %ge3A = arith.constant 1 : i32
        %ge3A_145 = arith.cmpi sge, %scan3A_80, %ge3A : i32
        %convert_element_type3A_146 = arith.extui %ge3A_145 : i1 to i32
        %cond3A_147 = arith.constant 0 : i32
        %cond3A_148 = arith.cmpi ne, %convert_element_type3A_146, %cond3A_147 : i32
        scf.if %cond3A_148 {
          %dma_wait3A_155 = arith.constant 0 : i32
          %dma_wait3A_156 = tpu.memref_slice %arg8[%scan3A_80, %dma_wait3A_155] : memref<125x80xi32, #tpu.memory_space<vmem>> -> memref<1x80xi32, #tpu.memory_space<vmem>>
          %dma_wait3A_157 = tpu.memref_squeeze %dma_wait3A_156 : memref<1x80xi32, #tpu.memory_space<vmem>> -> memref<80xi32, #tpu.memory_space<vmem>>
          %dma_wait3A_158 = arith.constant 0 : i32
          %dma_wait3A_159 = arith.constant 0 : i32
          %dma_wait3A_160 = tpu.memref_slice %arg6[%dma_wait3A_158, %dma_wait3A_159] : memref<10008x16xf32, #tpu.memory_space<vmem_shared>> -> memref<10008x16xf32, #tpu.memory_space<vmem_shared>>
          tpu.wait_indirect_dma semaphore(%arg31 : memref<!tpu.dma_semaphore, #tpu.memory_space<semaphore_mem>>) src(%arg15 : memref<80x16xf32, #tpu.memory_space<vmem>>) dst(%dma_wait3A_160 : memref<10008x16xf32, #tpu.memory_space<vmem_shared>>)
        } else {
        }
        %add3A_149 = arith.constant 7 : i32
        %add3A_150 = arith.addi %scan3A_80, %add3A_149 : i32
        %lt3A = arith.constant 125 : i32
        %lt3A_151 = arith.cmpi slt, %add3A_150, %lt3A : i32
        %convert_element_type3A_152 = arith.extui %lt3A_151 : i1 to i32
        %cond3A_153 = arith.constant 0 : i32
        %cond3A_154 = arith.cmpi ne, %convert_element_type3A_152, %cond3A_153 : i32
        scf.if %cond3A_154 {
          %add3A_155 = arith.constant 7 : i32
          %add3A_156 = arith.addi %scan3A_80, %add3A_155 : i32
          %dma_start3A_157 = arith.constant 0 : i32
          %dma_start3A_158 = tpu.memref_slice %arg7[%add3A_156, %dma_start3A_157] : memref<125x80xi32, #tpu.memory_space<vmem>> -> memref<1x80xi32, #tpu.memory_space<vmem>>
          %dma_start3A_159 = tpu.memref_squeeze %dma_start3A_158 : memref<1x80xi32, #tpu.memory_space<vmem>> -> memref<80xi32, #tpu.memory_space<vmem>>
          %dma_start3A_160 = arith.constant 0 : i32
          %dma_start3A_161 = arith.constant 0 : i32
          %dma_start3A_162 = tpu.memref_slice %arg2[%dma_start3A_160, %dma_start3A_161] : memref<10000x16xf32, #tpu.memory_space<hbm>> -> memref<10000x16xf32, #tpu.memory_space<hbm>>
          tpu.enqueue_indirect_dma source(%dma_start3A_162 : memref<10000x16xf32, #tpu.memory_space<hbm>>) target(%arg15 : memref<80x16xf32, #tpu.memory_space<vmem>>) offsets(%dma_start3A_159 : memref<80xi32, #tpu.memory_space<vmem>>) semaphore(%arg23 : memref<!tpu.dma_semaphore, #tpu.memory_space<semaphore_mem>>)
        } else {
        }
      } else {
      }
      %rem3A_126 = arith.constant 8 : i32
      %rem3A_127 = arith.remsi %scan3A_80, %rem3A_126 : i32
      %eq3A_128 = arith.constant 7 : i32
      %eq3A_129 = arith.cmpi eq, %rem3A_127, %eq3A_128 : i32
      %convert_element_type3A_130 = arith.extui %eq3A_129 : i1 to i32
      %cond3A_131 = arith.constant 0 : i32
      %cond3A_132 = arith.cmpi ne, %convert_element_type3A_130, %cond3A_131 : i32
      scf.if %cond3A_132 {
        %dma_wait3A_133 = arith.constant 0 : i32
        %dma_wait3A_134 = tpu.memref_slice %arg7[%scan3A_80, %dma_wait3A_133] : memref<125x80xi32, #tpu.memory_space<vmem>> -> memref<1x80xi32, #tpu.memory_space<vmem>>
        %dma_wait3A_135 = tpu.memref_squeeze %dma_wait3A_134 : memref<1x80xi32, #tpu.memory_space<vmem>> -> memref<80xi32, #tpu.memory_space<vmem>>
        %dma_wait3A_136 = arith.constant 0 : i32
        %dma_wait3A_137 = arith.constant 0 : i32
        %dma_wait3A_138 = tpu.memref_slice %arg2[%dma_wait3A_136, %dma_wait3A_137] : memref<10000x16xf32, #tpu.memory_space<hbm>> -> memref<10000x16xf32, #tpu.memory_space<hbm>>
        tpu.wait_indirect_dma semaphore(%arg25 : memref<!tpu.dma_semaphore, #tpu.memory_space<semaphore_mem>>) src(%dma_wait3A_138 : memref<10000x16xf32, #tpu.memory_space<hbm>>) dst(%arg17 : memref<80x16xf32, #tpu.memory_space<vmem>>)
        %dma_start3A_139 = arith.constant 0 : i32
        %dma_start3A_140 = tpu.memref_slice %arg8[%scan3A_80, %dma_start3A_139] : memref<125x80xi32, #tpu.memory_space<vmem>> -> memref<1x80xi32, #tpu.memory_space<vmem>>
        %dma_start3A_141 = tpu.memref_squeeze %dma_start3A_140 : memref<1x80xi32, #tpu.memory_space<vmem>> -> memref<80xi32, #tpu.memory_space<vmem>>
        %dma_start3A_142 = arith.constant 0 : i32
        %dma_start3A_143 = arith.constant 0 : i32
        %dma_start3A_144 = tpu.memref_slice %arg6[%dma_start3A_142, %dma_start3A_143] : memref<10008x16xf32, #tpu.memory_space<vmem_shared>> -> memref<10008x16xf32, #tpu.memory_space<vmem_shared>>
        tpu.enqueue_indirect_dma source(%arg17 : memref<80x16xf32, #tpu.memory_space<vmem>>) target(%dma_start3A_144 : memref<10008x16xf32, #tpu.memory_space<vmem_shared>>) offsets(%dma_start3A_141 : memref<80xi32, #tpu.memory_space<vmem>>) semaphore(%arg33 : memref<!tpu.dma_semaphore, #tpu.memory_space<semaphore_mem>>) {add = true}
        %ge3A = arith.constant 1 : i32
        %ge3A_145 = arith.cmpi sge, %scan3A_80, %ge3A : i32
        %convert_element_type3A_146 = arith.extui %ge3A_145 : i1 to i32
        %cond3A_147 = arith.constant 0 : i32
        %cond3A_148 = arith.cmpi ne, %convert_element_type3A_146, %cond3A_147 : i32
        scf.if %cond3A_148 {
          %dma_wait3A_155 = arith.constant 0 : i32
          %dma_wait3A_156 = tpu.memref_slice %arg8[%scan3A_80, %dma_wait3A_155] : memref<125x80xi32, #tpu.memory_space<vmem>> -> memref<1x80xi32, #tpu.memory_space<vmem>>
          %dma_wait3A_157 = tpu.memref_squeeze %dma_wait3A_156 : memref<1x80xi32, #tpu.memory_space<vmem>> -> memref<80xi32, #tpu.memory_space<vmem>>
          %dma_wait3A_158 = arith.constant 0 : i32
          %dma_wait3A_159 = arith.constant 0 : i32
          %dma_wait3A_160 = tpu.memref_slice %arg6[%dma_wait3A_158, %dma_wait3A_159] : memref<10008x16xf32, #tpu.memory_space<vmem_shared>> -> memref<10008x16xf32, #tpu.memory_space<vmem_shared>>
          tpu.wait_indirect_dma semaphore(%arg32 : memref<!tpu.dma_semaphore, #tpu.memory_space<semaphore_mem>>) src(%arg16 : memref<80x16xf32, #tpu.memory_space<vmem>>) dst(%dma_wait3A_160 : memref<10008x16xf32, #tpu.memory_space<vmem_shared>>)
        } else {
        }
        %add3A_149 = arith.constant 7 : i32
        %add3A_150 = arith.addi %scan3A_80, %add3A_149 : i32
        %lt3A = arith.constant 125 : i32
        %lt3A_151 = arith.cmpi slt, %add3A_150, %lt3A : i32
        %convert_element_type3A_152 = arith.extui %lt3A_151 : i1 to i32
        %cond3A_153 = arith.constant 0 : i32
        %cond3A_154 = arith.cmpi ne, %convert_element_type3A_152, %cond3A_153 : i32
        scf.if %cond3A_154 {
          %add3A_155 = arith.constant 7 : i32
          %add3A_156 = arith.addi %scan3A_80, %add3A_155 : i32
          %dma_start3A_157 = arith.constant 0 : i32
          %dma_start3A_158 = tpu.memref_slice %arg7[%add3A_156, %dma_start3A_157] : memref<125x80xi32, #tpu.memory_space<vmem>> -> memref<1x80xi32, #tpu.memory_space<vmem>>
          %dma_start3A_159 = tpu.memref_squeeze %dma_start3A_158 : memref<1x80xi32, #tpu.memory_space<vmem>> -> memref<80xi32, #tpu.memory_space<vmem>>
          %dma_start3A_160 = arith.constant 0 : i32
          %dma_start3A_161 = arith.constant 0 : i32
          %dma_start3A_162 = tpu.memref_slice %arg2[%dma_start3A_160, %dma_start3A_161] : memref<10000x16xf32, #tpu.memory_space<hbm>> -> memref<10000x16xf32, #tpu.memory_space<hbm>>
          tpu.enqueue_indirect_dma source(%dma_start3A_162 : memref<10000x16xf32, #tpu.memory_space<hbm>>) target(%arg16 : memref<80x16xf32, #tpu.memory_space<vmem>>) offsets(%dma_start3A_159 : memref<80xi32, #tpu.memory_space<vmem>>) semaphore(%arg24 : memref<!tpu.dma_semaphore, #tpu.memory_space<semaphore_mem>>)
        } else {
        }
      } else {
      }
    }
    %scan3A_66 = arith.constant 125 : i32
    %dma_wait3A = arith.constant 0 : i32
    %dma_wait3A_67 = arith.constant 0 : i32
    %dma_wait3A_68 = tpu.memref_slice %arg8[%dma_wait3A, %dma_wait3A_67] : memref<125x80xi32, #tpu.memory_space<vmem>> -> memref<1x80xi32, #tpu.memory_space<vmem>>
    %dma_wait3A_69 = tpu.memref_squeeze %dma_wait3A_68 : memref<1x80xi32, #tpu.memory_space<vmem>> -> memref<80xi32, #tpu.memory_space<vmem>>
    %dma_wait3A_70 = arith.constant 0 : i32
    %dma_wait3A_71 = arith.constant 0 : i32
    %dma_wait3A_72 = tpu.memref_slice %arg6[%dma_wait3A_70, %dma_wait3A_71] : memref<10008x16xf32, #tpu.memory_space<vmem_shared>> -> memref<10008x16xf32, #tpu.memory_space<vmem_shared>>
    tpu.wait_indirect_dma semaphore(%arg30 : memref<!tpu.dma_semaphore, #tpu.memory_space<semaphore_mem>>) src(%arg14 : memref<80x16xf32, #tpu.memory_space<vmem>>) dst(%dma_wait3A_72 : memref<10008x16xf32, #tpu.memory_space<vmem_shared>>)
    %barrier3A_73 = arith.constant 0 : index
    tpu.barrier barrier_id(%barrier3A_73)
    %scan3A_74 = arith.constant 0 : i32
    %scan3A_75 = arith.constant 0 : i32
    %scan3A_76 = arith.constant 125 : i32
    %scan3A_77 = arith.addi %scan3A_75, %scan3A_76 : i32
    %scan3A_78 = arith.constant 1 : i32
    scf.for %scan3A_80 = %scan3A_75 to %scan3A_77 step %scan3A_78  : i32 {
      %jit3A = arith.constant 16 : i32
      %eq3A = arith.constant 0 : i32
      %eq3A_81 = arith.cmpi eq, %jit3A, %eq3A : i32
      %jit3A_82 = arith.constant 1 : i32
      %select_n3A = arith.select %eq3A_81, %jit3A_82, %jit3A : i32
      %rem3A = arith.remsi %scan3A_80, %select_n3A : i32
      %ne3A = arith.constant 0 : i32
      %ne3A_83 = arith.cmpi ne, %rem3A, %ne3A : i32
      %lt3A = arith.constant 0 : i32
      %lt3A_84 = arith.cmpi slt, %rem3A, %lt3A : i32
      %lt3A_85 = arith.constant 0 : i32
      %lt3A_86 = arith.cmpi slt, %select_n3A, %lt3A_85 : i32
      %ne3A_87 = arith.xori %lt3A_84, %lt3A_86 : i1
      %and3A = arith.andi %ne3A_87, %ne3A_83 : i1
      %add3A_88 = arith.addi %rem3A, %select_n3A : i32
      %select_n3A_89 = arith.select %and3A, %add3A_88, %rem3A : i32
      %eq3A_90 = arith.cmpi eq, %select_n3A_89, %arg1 : i32
      %convert_element_type3A = arith.extui %eq3A_90 : i1 to i32
      %cond3A = arith.constant 0 : i32
      %cond3A_91 = arith.cmpi ne, %convert_element_type3A, %cond3A : i32
      scf.if %cond3A_91 {
        %mul3A_92 = arith.constant 80 : i32
        %mul3A_93 = arith.muli %scan3A_80, %mul3A_92 : i32
        %mul3A_94 = arith.constant 80 : i32
        %mul3A_95 = arith.muli %scan3A_80, %mul3A_94 : i32
        "tpu.region"() ({
          %run_scoped3A = tpu.sem_alloc : memref<!tpu.dma_semaphore, #tpu.memory_space<semaphore_mem>>
          %dma_start3A_96 = arith.constant 0 : i32
          %dma_start3A_97 = tpu.memref_slice %arg5[%arg0, %mul3A_95, %dma_start3A_96] : memref<2x10000x16xf32, #tpu.memory_space<hbm>> -> memref<1x80x16xf32, #tpu.memory_space<hbm>>
          %dma_start3A_98 = tpu.memref_squeeze %dma_start3A_97 : memref<1x80x16xf32, #tpu.memory_space<hbm>> -> memref<80x16xf32, #tpu.memory_space<hbm>>
          %dma_start3A_99 = arith.constant 0 : i32
          %dma_start3A_100 = tpu.memref_slice %arg6[%mul3A_93, %dma_start3A_99] : memref<10008x16xf32, #tpu.memory_space<vmem_shared>> -> memref<80x16xf32, #tpu.memory_space<vmem_shared>>
          tpu.enqueue_dma source(%dma_start3A_100 : memref<80x16xf32, #tpu.memory_space<vmem_shared>>) target(%dma_start3A_98 : memref<80x16xf32, #tpu.memory_space<hbm>>) target_semaphore(%run_scoped3A : memref<!tpu.dma_semaphore, #tpu.memory_space<semaphore_mem>>)
          %dma_wait3A_101 = arith.constant 0 : i32
          %dma_wait3A_102 = tpu.memref_slice %arg5[%arg0, %mul3A_95, %dma_wait3A_101] : memref<2x10000x16xf32, #tpu.memory_space<hbm>> -> memref<1x80x16xf32, #tpu.memory_space<hbm>>
          %dma_wait3A_103 = tpu.memref_squeeze %dma_wait3A_102 : memref<1x80x16xf32, #tpu.memory_space<hbm>> -> memref<80x16xf32, #tpu.memory_space<hbm>>
          %dma_wait3A_104 = arith.constant 0 : i32
          %dma_wait3A_105 = tpu.memref_slice %arg6[%mul3A_93, %dma_wait3A_104] : memref<10008x16xf32, #tpu.memory_space<vmem_shared>> -> memref<80x16xf32, #tpu.memory_space<vmem_shared>>
          tpu.wait_dma2 semaphore(%run_scoped3A : memref<!tpu.dma_semaphore, #tpu.memory_space<semaphore_mem>>) src(%dma_wait3A_105 : memref<80x16xf32, #tpu.memory_space<vmem_shared>>) dst(%dma_wait3A_103 : memref<80x16xf32, #tpu.memory_space<hbm>>)
          tpu.yield
        }) : () -> ()
      } else {
      }
    }
    %scan3A_79 = arith.constant 125 : i32
    return
  }
}

#map = affine_map<(d0, d1) -> (0, 0)>
#map1 = affine_map<(d0, d1) -> (0, 0, 0)>
module attributes {stable_mosaic.version = 14 : i64} {
  func.func @body(%arg0: i32, %arg1: i32, %arg2: memref<10000x64xf32, #tpu.memory_space<hbm>>, %arg3: memref<32x125x80xi32, #tpu.memory_space<hbm>>, %arg4: memref<32x125x80xi32, #tpu.memory_space<hbm>>, %arg5: memref<2x10000x64xf32, #tpu.memory_space<hbm>>, %arg6: memref<10008x64xf32, #tpu.memory_space<vmem_shared>>, %arg7: memref<125x80xi32, #tpu.memory_space<vmem>>, %arg8: memref<125x80xi32, #tpu.memory_space<vmem>>, %arg9: memref<80x64xf32, #tpu.memory_space<vmem>>, %arg10: memref<80x64xf32, #tpu.memory_space<vmem>>, %arg11: memref<80x64xf32, #tpu.memory_space<vmem>>, %arg12: memref<80x64xf32, #tpu.memory_space<vmem>>, %arg13: memref<80x64xf32, #tpu.memory_space<vmem>>, %arg14: memref<80x64xf32, #tpu.memory_space<vmem>>, %arg15: memref<80x64xf32, #tpu.memory_space<vmem>>, %arg16: memref<80x64xf32, #tpu.memory_space<vmem>>, %arg17: memref<80x64xf32, #tpu.memory_space<vmem>>, %arg18: memref<!tpu.dma_semaphore, #tpu.memory_space<semaphore_mem>>, %arg19: memref<!tpu.dma_semaphore, #tpu.memory_space<semaphore_mem>>, %arg20: memref<!tpu.dma_semaphore, #tpu.memory_space<semaphore_mem>>, %arg21: memref<!tpu.dma_semaphore, #tpu.memory_space<semaphore_mem>>, %arg22: memref<!tpu.dma_semaphore, #tpu.memory_space<semaphore_mem>>, %arg23: memref<!tpu.dma_semaphore, #tpu.memory_space<semaphore_mem>>, %arg24: memref<!tpu.dma_semaphore, #tpu.memory_space<semaphore_mem>>, %arg25: memref<!tpu.dma_semaphore, #tpu.memory_space<semaphore_mem>>, %arg26: memref<!tpu.dma_semaphore, #tpu.memory_space<semaphore_mem>>, %arg27: memref<!tpu.dma_semaphore, #tpu.memory_space<semaphore_mem>>, %arg28: memref<!tpu.dma_semaphore, #tpu.memory_space<semaphore_mem>>, %arg29: memref<!tpu.dma_semaphore, #tpu.memory_space<semaphore_mem>>, %arg30: memref<!tpu.dma_semaphore, #tpu.memory_space<semaphore_mem>>, %arg31: memref<!tpu.dma_semaphore, #tpu.memory_space<semaphore_mem>>, %arg32: memref<!tpu.dma_semaphore, #tpu.memory_space<semaphore_mem>>, %arg33: memref<!tpu.dma_semaphore, #tpu.memory_space<semaphore_mem>>) attributes {dimension_semantics = [#tpu.dimension_semantics<core_parallel>, #tpu.dimension_semantics<subcore_parallel>], iteration_bounds = array<i64: 2, 16>, scalar_prefetch = 0 : i64, scratch_operands = 28 : i64, tpu.core_type = #tpu.core_type<sc_vector_subcore>, window_params = [{transform_indices = #map}, {transform_indices = #map1}, {transform_indices = #map1}, {transform_indices = #map1}]} {
    %mul3A = arith.constant 16 : i32
    %mul3A_0 = arith.muli %arg0, %mul3A : i32
    %add3A = arith.addi %mul3A_0, %arg1 : i32
    %broadcast_in_dim3A = arith.constant 0.000000e+00 : f32
    %broadcast_in_dim3A_1 = vector.broadcast %broadcast_in_dim3A : f32 to vector<16xf32>
    %scan3A = arith.constant 0 : i32
    %scan3A_2 = arith.constant 0 : i32
    %scan3A_3 = arith.constant 80 : i32
    %scan3A_4 = arith.addi %scan3A_2, %scan3A_3 : i32
    %scan3A_5 = arith.constant 1 : i32
    scf.for %scan3A_80 = %scan3A_2 to %scan3A_4 step %scan3A_5  : i32 {
      %swap3A = arith.index_cast %scan3A_80 : i32 to index
      %swap3A_81 = arith.constant 0 : index
      %swap3A_82 = tpu.vector_load %arg9[%swap3A, %swap3A_81] {strides = array<i32>} : memref<80x64xf32, #tpu.memory_space<vmem>>, vector<1x16xf32>,
      %swap3A_83 = vector.shape_cast %swap3A_82 : vector<1x16xf32> to vector<16xf32>
      %swap3A_84 = vector.shape_cast %broadcast_in_dim3A_1 : vector<16xf32> to vector<1x16xf32>
      tpu.vector_store %arg9[%swap3A, %swap3A_81], %swap3A_84 {strides = array<i32>} : memref<80x64xf32, #tpu.memory_space<vmem>>, vector<1x16xf32>,
      %swap3A_85 = arith.index_cast %scan3A_80 : i32 to index
      %swap3A_86 = arith.constant 16 : index
      %swap3A_87 = tpu.vector_load %arg9[%swap3A_85, %swap3A_86] {strides = array<i32>} : memref<80x64xf32, #tpu.memory_space<vmem>>, vector<1x16xf32>,
      %swap3A_88 = vector.shape_cast %swap3A_87 : vector<1x16xf32> to vector<16xf32>
      %swap3A_89 = vector.shape_cast %broadcast_in_dim3A_1 : vector<16xf32> to vector<1x16xf32>
      tpu.vector_store %arg9[%swap3A_85, %swap3A_86], %swap3A_89 {strides = array<i32>} : memref<80x64xf32, #tpu.memory_space<vmem>>, vector<1x16xf32>,
      %swap3A_90 = arith.index_cast %scan3A_80 : i32 to index
      %swap3A_91 = arith.constant 32 : index
      %swap3A_92 = tpu.vector_load %arg9[%swap3A_90, %swap3A_91] {strides = array<i32>} : memref<80x64xf32, #tpu.memory_space<vmem>>, vector<1x16xf32>,
      %swap3A_93 = vector.shape_cast %swap3A_92 : vector<1x16xf32> to vector<16xf32>
      %swap3A_94 = vector.shape_cast %broadcast_in_dim3A_1 : vector<16xf32> to vector<1x16xf32>
      tpu.vector_store %arg9[%swap3A_90, %swap3A_91], %swap3A_94 {strides = array<i32>} : memref<80x64xf32, #tpu.memory_space<vmem>>, vector<1x16xf32>,
      %swap3A_95 = arith.index_cast %scan3A_80 : i32 to index
      %swap3A_96 = arith.constant 48 : index
      %swap3A_97 = tpu.vector_load %arg9[%swap3A_95, %swap3A_96] {strides = array<i32>} : memref<80x64xf32, #tpu.memory_space<vmem>>, vector<1x16xf32>,
      %swap3A_98 = vector.shape_cast %swap3A_97 : vector<1x16xf32> to vector<16xf32>
      %swap3A_99 = vector.shape_cast %broadcast_in_dim3A_1 : vector<16xf32> to vector<1x16xf32>
      tpu.vector_store %arg9[%swap3A_95, %swap3A_96], %swap3A_99 {strides = array<i32>} : memref<80x64xf32, #tpu.memory_space<vmem>>, vector<1x16xf32>,
    }
    %scan3A_6 = arith.constant 80 : i32
    %scan3A_7 = arith.constant 0 : i32
    %scan3A_8 = arith.constant 0 : i32
    %scan3A_9 = arith.constant 125 : i32
    %scan3A_10 = arith.addi %scan3A_8, %scan3A_9 : i32
    %scan3A_11 = arith.constant 1 : i32
    scf.for %scan3A_80 = %scan3A_8 to %scan3A_10 step %scan3A_11  : i32 {
      %jit3A = arith.constant 16 : i32
      %eq3A = arith.constant 0 : i32
      %eq3A_81 = arith.cmpi eq, %jit3A, %eq3A : i32
      %jit3A_82 = arith.constant 1 : i32
      %select_n3A = arith.select %eq3A_81, %jit3A_82, %jit3A : i32
      %rem3A = arith.remsi %scan3A_80, %select_n3A : i32
      %ne3A = arith.constant 0 : i32
      %ne3A_83 = arith.cmpi ne, %rem3A, %ne3A : i32
      %lt3A = arith.constant 0 : i32
      %lt3A_84 = arith.cmpi slt, %rem3A, %lt3A : i32
      %lt3A_85 = arith.constant 0 : i32
      %lt3A_86 = arith.cmpi slt, %select_n3A, %lt3A_85 : i32
      %ne3A_87 = arith.xori %lt3A_84, %lt3A_86 : i1
      %and3A = arith.andi %ne3A_87, %ne3A_83 : i1
      %add3A_88 = arith.addi %rem3A, %select_n3A : i32
      %select_n3A_89 = arith.select %and3A, %add3A_88, %rem3A : i32
      %eq3A_90 = arith.cmpi eq, %select_n3A_89, %arg1 : i32
      %convert_element_type3A = arith.extui %eq3A_90 : i1 to i32
      %cond3A = arith.constant 0 : i32
      %cond3A_91 = arith.cmpi ne, %convert_element_type3A, %cond3A : i32
      scf.if %cond3A_91 {
        %mul3A_92 = arith.constant 80 : i32
        %mul3A_93 = arith.muli %scan3A_80, %mul3A_92 : i32
        "tpu.region"() ({
          %run_scoped3A = tpu.sem_alloc : memref<!tpu.dma_semaphore, #tpu.memory_space<semaphore_mem>>
          %dma_start3A_94 = arith.constant 0 : i32
          %dma_start3A_95 = tpu.memref_slice %arg6[%mul3A_93, %dma_start3A_94] : memref<10008x64xf32, #tpu.memory_space<vmem_shared>> -> memref<80x64xf32, #tpu.memory_space<vmem_shared>>
          %dma_start3A_96 = arith.constant 0 : i32
          %dma_start3A_97 = tpu.memref_slice %arg6[%mul3A_93, %dma_start3A_96] : memref<10008x64xf32, #tpu.memory_space<vmem_shared>> -> memref<80x64xf32, #tpu.memory_space<vmem_shared>>
          tpu.enqueue_dma source(%arg9 : memref<80x64xf32, #tpu.memory_space<vmem>>) target(%dma_start3A_97 : memref<80x64xf32, #tpu.memory_space<vmem_shared>>) target_semaphore(%run_scoped3A : memref<!tpu.dma_semaphore, #tpu.memory_space<semaphore_mem>>)
          %dma_wait3A_98 = arith.constant 0 : i32
          %dma_wait3A_99 = tpu.memref_slice %arg6[%mul3A_93, %dma_wait3A_98] : memref<10008x64xf32, #tpu.memory_space<vmem_shared>> -> memref<80x64xf32, #tpu.memory_space<vmem_shared>>
          %dma_wait3A_100 = arith.constant 0 : i32
          %dma_wait3A_101 = tpu.memref_slice %arg6[%mul3A_93, %dma_wait3A_100] : memref<10008x64xf32, #tpu.memory_space<vmem_shared>> -> memref<80x64xf32, #tpu.memory_space<vmem_shared>>
          tpu.wait_dma2 semaphore(%run_scoped3A : memref<!tpu.dma_semaphore, #tpu.memory_space<semaphore_mem>>) src(%arg9 : memref<80x64xf32, #tpu.memory_space<vmem>>) dst(%dma_wait3A_101 : memref<80x64xf32, #tpu.memory_space<vmem_shared>>)
          tpu.yield
        }) : () -> ()
      } else {
      }
    }
    %scan3A_12 = arith.constant 125 : i32
    %barrier3A = arith.constant 0 : index
    tpu.barrier barrier_id(%barrier3A)
    "tpu.region"() ({
      %run_scoped3A = tpu.sem_alloc : memref<!tpu.dma_semaphore, #tpu.memory_space<semaphore_mem>>
      %dma_start3A_80 = arith.constant 0 : i32
      %dma_start3A_81 = arith.constant 0 : i32
      %dma_start3A_82 = tpu.memref_slice %arg3[%add3A, %dma_start3A_80, %dma_start3A_81] : memref<32x125x80xi32, #tpu.memory_space<hbm>> -> memref<1x125x80xi32, #tpu.memory_space<hbm>>
      %dma_start3A_83 = tpu.memref_squeeze %dma_start3A_82 : memref<1x125x80xi32, #tpu.memory_space<hbm>> -> memref<125x80xi32, #tpu.memory_space<hbm>>
      %dma_start3A_84 = arith.constant 0 : i32
      %dma_start3A_85 = arith.constant 0 : i32
      %dma_start3A_86 = tpu.memref_slice %arg3[%add3A, %dma_start3A_84, %dma_start3A_85] : memref<32x125x80xi32, #tpu.memory_space<hbm>> -> memref<1x125x80xi32, #tpu.memory_space<hbm>>
      %dma_start3A_87 = tpu.memref_squeeze %dma_start3A_86 : memref<1x125x80xi32, #tpu.memory_space<hbm>> -> memref<125x80xi32, #tpu.memory_space<hbm>>
      tpu.enqueue_dma source(%dma_start3A_87 : memref<125x80xi32, #tpu.memory_space<hbm>>) target(%arg7 : memref<125x80xi32, #tpu.memory_space<vmem>>) target_semaphore(%run_scoped3A : memref<!tpu.dma_semaphore, #tpu.memory_space<semaphore_mem>>)
      %dma_wait3A_88 = arith.constant 0 : i32
      %dma_wait3A_89 = arith.constant 0 : i32
      %dma_wait3A_90 = tpu.memref_slice %arg3[%add3A, %dma_wait3A_88, %dma_wait3A_89] : memref<32x125x80xi32, #tpu.memory_space<hbm>> -> memref<1x125x80xi32, #tpu.memory_space<hbm>>
      %dma_wait3A_91 = tpu.memref_squeeze %dma_wait3A_90 : memref<1x125x80xi32, #tpu.memory_space<hbm>> -> memref<125x80xi32, #tpu.memory_space<hbm>>
      %dma_wait3A_92 = arith.constant 0 : i32
      %dma_wait3A_93 = arith.constant 0 : i32
      %dma_wait3A_94 = tpu.memref_slice %arg3[%add3A, %dma_wait3A_92, %dma_wait3A_93] : memref<32x125x80xi32, #tpu.memory_space<hbm>> -> memref<1x125x80xi32, #tpu.memory_space<hbm>>
      %dma_wait3A_95 = tpu.memref_squeeze %dma_wait3A_94 : memref<1x125x80xi32, #tpu.memory_space<hbm>> -> memref<125x80xi32, #tpu.memory_space<hbm>>
      tpu.wait_dma2 semaphore(%run_scoped3A : memref<!tpu.dma_semaphore, #tpu.memory_space<semaphore_mem>>) src(%dma_wait3A_95 : memref<125x80xi32, #tpu.memory_space<hbm>>) dst(%arg7 : memref<125x80xi32, #tpu.memory_space<vmem>>)
      tpu.yield
    }) : () -> ()
    "tpu.region"() ({
      %run_scoped3A = tpu.sem_alloc : memref<!tpu.dma_semaphore, #tpu.memory_space<semaphore_mem>>
      %dma_start3A_80 = arith.constant 0 : i32
      %dma_start3A_81 = arith.constant 0 : i32
      %dma_start3A_82 = tpu.memref_slice %arg4[%add3A, %dma_start3A_80, %dma_start3A_81] : memref<32x125x80xi32, #tpu.memory_space<hbm>> -> memref<1x125x80xi32, #tpu.memory_space<hbm>>
      %dma_start3A_83 = tpu.memref_squeeze %dma_start3A_82 : memref<1x125x80xi32, #tpu.memory_space<hbm>> -> memref<125x80xi32, #tpu.memory_space<hbm>>
      %dma_start3A_84 = arith.constant 0 : i32
      %dma_start3A_85 = arith.constant 0 : i32
      %dma_start3A_86 = tpu.memref_slice %arg4[%add3A, %dma_start3A_84, %dma_start3A_85] : memref<32x125x80xi32, #tpu.memory_space<hbm>> -> memref<1x125x80xi32, #tpu.memory_space<hbm>>
      %dma_start3A_87 = tpu.memref_squeeze %dma_start3A_86 : memref<1x125x80xi32, #tpu.memory_space<hbm>> -> memref<125x80xi32, #tpu.memory_space<hbm>>
      tpu.enqueue_dma source(%dma_start3A_87 : memref<125x80xi32, #tpu.memory_space<hbm>>) target(%arg8 : memref<125x80xi32, #tpu.memory_space<vmem>>) target_semaphore(%run_scoped3A : memref<!tpu.dma_semaphore, #tpu.memory_space<semaphore_mem>>)
      %dma_wait3A_88 = arith.constant 0 : i32
      %dma_wait3A_89 = arith.constant 0 : i32
      %dma_wait3A_90 = tpu.memref_slice %arg4[%add3A, %dma_wait3A_88, %dma_wait3A_89] : memref<32x125x80xi32, #tpu.memory_space<hbm>> -> memref<1x125x80xi32, #tpu.memory_space<hbm>>
      %dma_wait3A_91 = tpu.memref_squeeze %dma_wait3A_90 : memref<1x125x80xi32, #tpu.memory_space<hbm>> -> memref<125x80xi32, #tpu.memory_space<hbm>>
      %dma_wait3A_92 = arith.constant 0 : i32
      %dma_wait3A_93 = arith.constant 0 : i32
      %dma_wait3A_94 = tpu.memref_slice %arg4[%add3A, %dma_wait3A_92, %dma_wait3A_93] : memref<32x125x80xi32, #tpu.memory_space<hbm>> -> memref<1x125x80xi32, #tpu.memory_space<hbm>>
      %dma_wait3A_95 = tpu.memref_squeeze %dma_wait3A_94 : memref<1x125x80xi32, #tpu.memory_space<hbm>> -> memref<125x80xi32, #tpu.memory_space<hbm>>
      tpu.wait_dma2 semaphore(%run_scoped3A : memref<!tpu.dma_semaphore, #tpu.memory_space<semaphore_mem>>) src(%dma_wait3A_95 : memref<125x80xi32, #tpu.memory_space<hbm>>) dst(%arg8 : memref<125x80xi32, #tpu.memory_space<vmem>>)
      tpu.yield
    }) : () -> ()
    %dma_start3A = arith.constant 0 : i32
    %dma_start3A_13 = arith.constant 0 : i32
    %dma_start3A_14 = tpu.memref_slice %arg7[%dma_start3A, %dma_start3A_13] : memref<125x80xi32, #tpu.memory_space<vmem>> -> memref<1x80xi32, #tpu.memory_space<vmem>>
    %dma_start3A_15 = tpu.memref_squeeze %dma_start3A_14 : memref<1x80xi32, #tpu.memory_space<vmem>> -> memref<80xi32, #tpu.memory_space<vmem>>
    %dma_start3A_16 = arith.constant 0 : i32
    %dma_start3A_17 = arith.constant 0 : i32
    %dma_start3A_18 = tpu.memref_slice %arg2[%dma_start3A_16, %dma_start3A_17] : memref<10000x64xf32, #tpu.memory_space<hbm>> -> memref<10000x64xf32, #tpu.memory_space<hbm>>
    tpu.enqueue_indirect_dma source(%dma_start3A_18 : memref<10000x64xf32, #tpu.memory_space<hbm>>) target(%arg10 : memref<80x64xf32, #tpu.memory_space<vmem>>) offsets(%dma_start3A_15 : memref<80xi32, #tpu.memory_space<vmem>>) semaphore(%arg18 : memref<!tpu.dma_semaphore, #tpu.memory_space<semaphore_mem>>)
    %dma_start3A_19 = arith.constant 1 : i32
    %dma_start3A_20 = arith.constant 0 : i32
    %dma_start3A_21 = tpu.memref_slice %arg7[%dma_start3A_19, %dma_start3A_20] : memref<125x80xi32, #tpu.memory_space<vmem>> -> memref<1x80xi32, #tpu.memory_space<vmem>>
    %dma_start3A_22 = tpu.memref_squeeze %dma_start3A_21 : memref<1x80xi32, #tpu.memory_space<vmem>> -> memref<80xi32, #tpu.memory_space<vmem>>
    %dma_start3A_23 = arith.constant 0 : i32
    %dma_start3A_24 = arith.constant 0 : i32
    %dma_start3A_25 = tpu.memref_slice %arg2[%dma_start3A_23, %dma_start3A_24] : memref<10000x64xf32, #tpu.memory_space<hbm>> -> memref<10000x64xf32, #tpu.memory_space<hbm>>
    tpu.enqueue_indirect_dma source(%dma_start3A_25 : memref<10000x64xf32, #tpu.memory_space<hbm>>) target(%arg11 : memref<80x64xf32, #tpu.memory_space<vmem>>) offsets(%dma_start3A_22 : memref<80xi32, #tpu.memory_space<vmem>>) semaphore(%arg19 : memref<!tpu.dma_semaphore, #tpu.memory_space<semaphore_mem>>)
    %dma_start3A_26 = arith.constant 2 : i32
    %dma_start3A_27 = arith.constant 0 : i32
    %dma_start3A_28 = tpu.memref_slice %arg7[%dma_start3A_26, %dma_start3A_27] : memref<125x80xi32, #tpu.memory_space<vmem>> -> memref<1x80xi32, #tpu.memory_space<vmem>>
    %dma_start3A_29 = tpu.memref_squeeze %dma_start3A_28 : memref<1x80xi32, #tpu.memory_space<vmem>> -> memref<80xi32, #tpu.memory_space<vmem>>
    %dma_start3A_30 = arith.constant 0 : i32
    %dma_start3A_31 = arith.constant 0 : i32
    %dma_start3A_32 = tpu.memref_slice %arg2[%dma_start3A_30, %dma_start3A_31] : memref<10000x64xf32, #tpu.memory_space<hbm>> -> memref<10000x64xf32, #tpu.memory_space<hbm>>
    tpu.enqueue_indirect_dma source(%dma_start3A_32 : memref<10000x64xf32, #tpu.memory_space<hbm>>) target(%arg12 : memref<80x64xf32, #tpu.memory_space<vmem>>) offsets(%dma_start3A_29 : memref<80xi32, #tpu.memory_space<vmem>>) semaphore(%arg20 : memref<!tpu.dma_semaphore, #tpu.memory_space<semaphore_mem>>)
    %dma_start3A_33 = arith.constant 3 : i32
    %dma_start3A_34 = arith.constant 0 : i32
    %dma_start3A_35 = tpu.memref_slice %arg7[%dma_start3A_33, %dma_start3A_34] : memref<125x80xi32, #tpu.memory_space<vmem>> -> memref<1x80xi32, #tpu.memory_space<vmem>>
    %dma_start3A_36 = tpu.memref_squeeze %dma_start3A_35 : memref<1x80xi32, #tpu.memory_space<vmem>> -> memref<80xi32, #tpu.memory_space<vmem>>
    %dma_start3A_37 = arith.constant 0 : i32
    %dma_start3A_38 = arith.constant 0 : i32
    %dma_start3A_39 = tpu.memref_slice %arg2[%dma_start3A_37, %dma_start3A_38] : memref<10000x64xf32, #tpu.memory_space<hbm>> -> memref<10000x64xf32, #tpu.memory_space<hbm>>
    tpu.enqueue_indirect_dma source(%dma_start3A_39 : memref<10000x64xf32, #tpu.memory_space<hbm>>) target(%arg13 : memref<80x64xf32, #tpu.memory_space<vmem>>) offsets(%dma_start3A_36 : memref<80xi32, #tpu.memory_space<vmem>>) semaphore(%arg21 : memref<!tpu.dma_semaphore, #tpu.memory_space<semaphore_mem>>)
    %dma_start3A_40 = arith.constant 4 : i32
    %dma_start3A_41 = arith.constant 0 : i32
    %dma_start3A_42 = tpu.memref_slice %arg7[%dma_start3A_40, %dma_start3A_41] : memref<125x80xi32, #tpu.memory_space<vmem>> -> memref<1x80xi32, #tpu.memory_space<vmem>>
    %dma_start3A_43 = tpu.memref_squeeze %dma_start3A_42 : memref<1x80xi32, #tpu.memory_space<vmem>> -> memref<80xi32, #tpu.memory_space<vmem>>
    %dma_start3A_44 = arith.constant 0 : i32
    %dma_start3A_45 = arith.constant 0 : i32
    %dma_start3A_46 = tpu.memref_slice %arg2[%dma_start3A_44, %dma_start3A_45] : memref<10000x64xf32, #tpu.memory_space<hbm>> -> memref<10000x64xf32, #tpu.memory_space<hbm>>
    tpu.enqueue_indirect_dma source(%dma_start3A_46 : memref<10000x64xf32, #tpu.memory_space<hbm>>) target(%arg14 : memref<80x64xf32, #tpu.memory_space<vmem>>) offsets(%dma_start3A_43 : memref<80xi32, #tpu.memory_space<vmem>>) semaphore(%arg22 : memref<!tpu.dma_semaphore, #tpu.memory_space<semaphore_mem>>)
    %dma_start3A_47 = arith.constant 5 : i32
    %dma_start3A_48 = arith.constant 0 : i32
    %dma_start3A_49 = tpu.memref_slice %arg7[%dma_start3A_47, %dma_start3A_48] : memref<125x80xi32, #tpu.memory_space<vmem>> -> memref<1x80xi32, #tpu.memory_space<vmem>>
    %dma_start3A_50 = tpu.memref_squeeze %dma_start3A_49 : memref<1x80xi32, #tpu.memory_space<vmem>> -> memref<80xi32, #tpu.memory_space<vmem>>
    %dma_start3A_51 = arith.constant 0 : i32
    %dma_start3A_52 = arith.constant 0 : i32
    %dma_start3A_53 = tpu.memref_slice %arg2[%dma_start3A_51, %dma_start3A_52] : memref<10000x64xf32, #tpu.memory_space<hbm>> -> memref<10000x64xf32, #tpu.memory_space<hbm>>
    tpu.enqueue_indirect_dma source(%dma_start3A_53 : memref<10000x64xf32, #tpu.memory_space<hbm>>) target(%arg15 : memref<80x64xf32, #tpu.memory_space<vmem>>) offsets(%dma_start3A_50 : memref<80xi32, #tpu.memory_space<vmem>>) semaphore(%arg23 : memref<!tpu.dma_semaphore, #tpu.memory_space<semaphore_mem>>)
    %dma_start3A_54 = arith.constant 6 : i32
    %dma_start3A_55 = arith.constant 0 : i32
    %dma_start3A_56 = tpu.memref_slice %arg7[%dma_start3A_54, %dma_start3A_55] : memref<125x80xi32, #tpu.memory_space<vmem>> -> memref<1x80xi32, #tpu.memory_space<vmem>>
    %dma_start3A_57 = tpu.memref_squeeze %dma_start3A_56 : memref<1x80xi32, #tpu.memory_space<vmem>> -> memref<80xi32, #tpu.memory_space<vmem>>
    %dma_start3A_58 = arith.constant 0 : i32
    %dma_start3A_59 = arith.constant 0 : i32
    %dma_start3A_60 = tpu.memref_slice %arg2[%dma_start3A_58, %dma_start3A_59] : memref<10000x64xf32, #tpu.memory_space<hbm>> -> memref<10000x64xf32, #tpu.memory_space<hbm>>
    tpu.enqueue_indirect_dma source(%dma_start3A_60 : memref<10000x64xf32, #tpu.memory_space<hbm>>) target(%arg16 : memref<80x64xf32, #tpu.memory_space<vmem>>) offsets(%dma_start3A_57 : memref<80xi32, #tpu.memory_space<vmem>>) semaphore(%arg24 : memref<!tpu.dma_semaphore, #tpu.memory_space<semaphore_mem>>)
    %scan3A_61 = arith.constant 0 : i32
    %scan3A_62 = arith.constant 0 : i32
    %scan3A_63 = arith.constant 125 : i32
    %scan3A_64 = arith.addi %scan3A_62, %scan3A_63 : i32
    %scan3A_65 = arith.constant 1 : i32
    scf.for %scan3A_80 = %scan3A_62 to %scan3A_64 step %scan3A_65  : i32 {
      %rem3A = arith.constant 8 : i32
      %rem3A_81 = arith.remsi %scan3A_80, %rem3A : i32
      %eq3A = arith.constant 0 : i32
      %eq3A_82 = arith.cmpi eq, %rem3A_81, %eq3A : i32
      %convert_element_type3A = arith.extui %eq3A_82 : i1 to i32
      %cond3A = arith.constant 0 : i32
      %cond3A_83 = arith.cmpi ne, %convert_element_type3A, %cond3A : i32
      scf.if %cond3A_83 {
        %dma_wait3A_133 = arith.constant 0 : i32
        %dma_wait3A_134 = tpu.memref_slice %arg7[%scan3A_80, %dma_wait3A_133] : memref<125x80xi32, #tpu.memory_space<vmem>> -> memref<1x80xi32, #tpu.memory_space<vmem>>
        %dma_wait3A_135 = tpu.memref_squeeze %dma_wait3A_134 : memref<1x80xi32, #tpu.memory_space<vmem>> -> memref<80xi32, #tpu.memory_space<vmem>>
        %dma_wait3A_136 = arith.constant 0 : i32
        %dma_wait3A_137 = arith.constant 0 : i32
        %dma_wait3A_138 = tpu.memref_slice %arg2[%dma_wait3A_136, %dma_wait3A_137] : memref<10000x64xf32, #tpu.memory_space<hbm>> -> memref<10000x64xf32, #tpu.memory_space<hbm>>
        tpu.wait_indirect_dma semaphore(%arg18 : memref<!tpu.dma_semaphore, #tpu.memory_space<semaphore_mem>>) src(%dma_wait3A_138 : memref<10000x64xf32, #tpu.memory_space<hbm>>) dst(%arg10 : memref<80x64xf32, #tpu.memory_space<vmem>>)
        %dma_start3A_139 = arith.constant 0 : i32
        %dma_start3A_140 = tpu.memref_slice %arg8[%scan3A_80, %dma_start3A_139] : memref<125x80xi32, #tpu.memory_space<vmem>> -> memref<1x80xi32, #tpu.memory_space<vmem>>
        %dma_start3A_141 = tpu.memref_squeeze %dma_start3A_140 : memref<1x80xi32, #tpu.memory_space<vmem>> -> memref<80xi32, #tpu.memory_space<vmem>>
        %dma_start3A_142 = arith.constant 0 : i32
        %dma_start3A_143 = arith.constant 0 : i32
        %dma_start3A_144 = tpu.memref_slice %arg6[%dma_start3A_142, %dma_start3A_143] : memref<10008x64xf32, #tpu.memory_space<vmem_shared>> -> memref<10008x64xf32, #tpu.memory_space<vmem_shared>>
        tpu.enqueue_indirect_dma source(%arg10 : memref<80x64xf32, #tpu.memory_space<vmem>>) target(%dma_start3A_144 : memref<10008x64xf32, #tpu.memory_space<vmem_shared>>) offsets(%dma_start3A_141 : memref<80xi32, #tpu.memory_space<vmem>>) semaphore(%arg26 : memref<!tpu.dma_semaphore, #tpu.memory_space<semaphore_mem>>) {add = true}
        %ge3A = arith.constant 1 : i32
        %ge3A_145 = arith.cmpi sge, %scan3A_80, %ge3A : i32
        %convert_element_type3A_146 = arith.extui %ge3A_145 : i1 to i32
        %cond3A_147 = arith.constant 0 : i32
        %cond3A_148 = arith.cmpi ne, %convert_element_type3A_146, %cond3A_147 : i32
        scf.if %cond3A_148 {
          %dma_wait3A_155 = arith.constant 0 : i32
          %dma_wait3A_156 = tpu.memref_slice %arg8[%scan3A_80, %dma_wait3A_155] : memref<125x80xi32, #tpu.memory_space<vmem>> -> memref<1x80xi32, #tpu.memory_space<vmem>>
          %dma_wait3A_157 = tpu.memref_squeeze %dma_wait3A_156 : memref<1x80xi32, #tpu.memory_space<vmem>> -> memref<80xi32, #tpu.memory_space<vmem>>
          %dma_wait3A_158 = arith.constant 0 : i32
          %dma_wait3A_159 = arith.constant 0 : i32
          %dma_wait3A_160 = tpu.memref_slice %arg6[%dma_wait3A_158, %dma_wait3A_159] : memref<10008x64xf32, #tpu.memory_space<vmem_shared>> -> memref<10008x64xf32, #tpu.memory_space<vmem_shared>>
          tpu.wait_indirect_dma semaphore(%arg33 : memref<!tpu.dma_semaphore, #tpu.memory_space<semaphore_mem>>) src(%arg17 : memref<80x64xf32, #tpu.memory_space<vmem>>) dst(%dma_wait3A_160 : memref<10008x64xf32, #tpu.memory_space<vmem_shared>>)
        } else {
        }
        %add3A_149 = arith.constant 7 : i32
        %add3A_150 = arith.addi %scan3A_80, %add3A_149 : i32
        %lt3A = arith.constant 125 : i32
        %lt3A_151 = arith.cmpi slt, %add3A_150, %lt3A : i32
        %convert_element_type3A_152 = arith.extui %lt3A_151 : i1 to i32
        %cond3A_153 = arith.constant 0 : i32
        %cond3A_154 = arith.cmpi ne, %convert_element_type3A_152, %cond3A_153 : i32
        scf.if %cond3A_154 {
          %add3A_155 = arith.constant 7 : i32
          %add3A_156 = arith.addi %scan3A_80, %add3A_155 : i32
          %dma_start3A_157 = arith.constant 0 : i32
          %dma_start3A_158 = tpu.memref_slice %arg7[%add3A_156, %dma_start3A_157] : memref<125x80xi32, #tpu.memory_space<vmem>> -> memref<1x80xi32, #tpu.memory_space<vmem>>
          %dma_start3A_159 = tpu.memref_squeeze %dma_start3A_158 : memref<1x80xi32, #tpu.memory_space<vmem>> -> memref<80xi32, #tpu.memory_space<vmem>>
          %dma_start3A_160 = arith.constant 0 : i32
          %dma_start3A_161 = arith.constant 0 : i32
          %dma_start3A_162 = tpu.memref_slice %arg2[%dma_start3A_160, %dma_start3A_161] : memref<10000x64xf32, #tpu.memory_space<hbm>> -> memref<10000x64xf32, #tpu.memory_space<hbm>>
          tpu.enqueue_indirect_dma source(%dma_start3A_162 : memref<10000x64xf32, #tpu.memory_space<hbm>>) target(%arg17 : memref<80x64xf32, #tpu.memory_space<vmem>>) offsets(%dma_start3A_159 : memref<80xi32, #tpu.memory_space<vmem>>) semaphore(%arg25 : memref<!tpu.dma_semaphore, #tpu.memory_space<semaphore_mem>>)
        } else {
        }
      } else {
      }
      %rem3A_84 = arith.constant 8 : i32
      %rem3A_85 = arith.remsi %scan3A_80, %rem3A_84 : i32
      %eq3A_86 = arith.constant 1 : i32
      %eq3A_87 = arith.cmpi eq, %rem3A_85, %eq3A_86 : i32
      %convert_element_type3A_88 = arith.extui %eq3A_87 : i1 to i32
      %cond3A_89 = arith.constant 0 : i32
      %cond3A_90 = arith.cmpi ne, %convert_element_type3A_88, %cond3A_89 : i32
      scf.if %cond3A_90 {
        %dma_wait3A_133 = arith.constant 0 : i32
        %dma_wait3A_134 = tpu.memref_slice %arg7[%scan3A_80, %dma_wait3A_133] : memref<125x80xi32, #tpu.memory_space<vmem>> -> memref<1x80xi32, #tpu.memory_space<vmem>>
        %dma_wait3A_135 = tpu.memref_squeeze %dma_wait3A_134 : memref<1x80xi32, #tpu.memory_space<vmem>> -> memref<80xi32, #tpu.memory_space<vmem>>
        %dma_wait3A_136 = arith.constant 0 : i32
        %dma_wait3A_137 = arith.constant 0 : i32
        %dma_wait3A_138 = tpu.memref_slice %arg2[%dma_wait3A_136, %dma_wait3A_137] : memref<10000x64xf32, #tpu.memory_space<hbm>> -> memref<10000x64xf32, #tpu.memory_space<hbm>>
        tpu.wait_indirect_dma semaphore(%arg19 : memref<!tpu.dma_semaphore, #tpu.memory_space<semaphore_mem>>) src(%dma_wait3A_138 : memref<10000x64xf32, #tpu.memory_space<hbm>>) dst(%arg11 : memref<80x64xf32, #tpu.memory_space<vmem>>)
        %dma_start3A_139 = arith.constant 0 : i32
        %dma_start3A_140 = tpu.memref_slice %arg8[%scan3A_80, %dma_start3A_139] : memref<125x80xi32, #tpu.memory_space<vmem>> -> memref<1x80xi32, #tpu.memory_space<vmem>>
        %dma_start3A_141 = tpu.memref_squeeze %dma_start3A_140 : memref<1x80xi32, #tpu.memory_space<vmem>> -> memref<80xi32, #tpu.memory_space<vmem>>
        %dma_start3A_142 = arith.constant 0 : i32
        %dma_start3A_143 = arith.constant 0 : i32
        %dma_start3A_144 = tpu.memref_slice %arg6[%dma_start3A_142, %dma_start3A_143] : memref<10008x64xf32, #tpu.memory_space<vmem_shared>> -> memref<10008x64xf32, #tpu.memory_space<vmem_shared>>
        tpu.enqueue_indirect_dma source(%arg11 : memref<80x64xf32, #tpu.memory_space<vmem>>) target(%dma_start3A_144 : memref<10008x64xf32, #tpu.memory_space<vmem_shared>>) offsets(%dma_start3A_141 : memref<80xi32, #tpu.memory_space<vmem>>) semaphore(%arg27 : memref<!tpu.dma_semaphore, #tpu.memory_space<semaphore_mem>>) {add = true}
        %ge3A = arith.constant 1 : i32
        %ge3A_145 = arith.cmpi sge, %scan3A_80, %ge3A : i32
        %convert_element_type3A_146 = arith.extui %ge3A_145 : i1 to i32
        %cond3A_147 = arith.constant 0 : i32
        %cond3A_148 = arith.cmpi ne, %convert_element_type3A_146, %cond3A_147 : i32
        scf.if %cond3A_148 {
          %dma_wait3A_155 = arith.constant 0 : i32
          %dma_wait3A_156 = tpu.memref_slice %arg8[%scan3A_80, %dma_wait3A_155] : memref<125x80xi32, #tpu.memory_space<vmem>> -> memref<1x80xi32, #tpu.memory_space<vmem>>
          %dma_wait3A_157 = tpu.memref_squeeze %dma_wait3A_156 : memref<1x80xi32, #tpu.memory_space<vmem>> -> memref<80xi32, #tpu.memory_space<vmem>>
          %dma_wait3A_158 = arith.constant 0 : i32
          %dma_wait3A_159 = arith.constant 0 : i32
          %dma_wait3A_160 = tpu.memref_slice %arg6[%dma_wait3A_158, %dma_wait3A_159] : memref<10008x64xf32, #tpu.memory_space<vmem_shared>> -> memref<10008x64xf32, #tpu.memory_space<vmem_shared>>
          tpu.wait_indirect_dma semaphore(%arg26 : memref<!tpu.dma_semaphore, #tpu.memory_space<semaphore_mem>>) src(%arg10 : memref<80x64xf32, #tpu.memory_space<vmem>>) dst(%dma_wait3A_160 : memref<10008x64xf32, #tpu.memory_space<vmem_shared>>)
        } else {
        }
        %add3A_149 = arith.constant 7 : i32
        %add3A_150 = arith.addi %scan3A_80, %add3A_149 : i32
        %lt3A = arith.constant 125 : i32
        %lt3A_151 = arith.cmpi slt, %add3A_150, %lt3A : i32
        %convert_element_type3A_152 = arith.extui %lt3A_151 : i1 to i32
        %cond3A_153 = arith.constant 0 : i32
        %cond3A_154 = arith.cmpi ne, %convert_element_type3A_152, %cond3A_153 : i32
        scf.if %cond3A_154 {
          %add3A_155 = arith.constant 7 : i32
          %add3A_156 = arith.addi %scan3A_80, %add3A_155 : i32
          %dma_start3A_157 = arith.constant 0 : i32
          %dma_start3A_158 = tpu.memref_slice %arg7[%add3A_156, %dma_start3A_157] : memref<125x80xi32, #tpu.memory_space<vmem>> -> memref<1x80xi32, #tpu.memory_space<vmem>>
          %dma_start3A_159 = tpu.memref_squeeze %dma_start3A_158 : memref<1x80xi32, #tpu.memory_space<vmem>> -> memref<80xi32, #tpu.memory_space<vmem>>
          %dma_start3A_160 = arith.constant 0 : i32
          %dma_start3A_161 = arith.constant 0 : i32
          %dma_start3A_162 = tpu.memref_slice %arg2[%dma_start3A_160, %dma_start3A_161] : memref<10000x64xf32, #tpu.memory_space<hbm>> -> memref<10000x64xf32, #tpu.memory_space<hbm>>
          tpu.enqueue_indirect_dma source(%dma_start3A_162 : memref<10000x64xf32, #tpu.memory_space<hbm>>) target(%arg10 : memref<80x64xf32, #tpu.memory_space<vmem>>) offsets(%dma_start3A_159 : memref<80xi32, #tpu.memory_space<vmem>>) semaphore(%arg18 : memref<!tpu.dma_semaphore, #tpu.memory_space<semaphore_mem>>)
        } else {
        }
      } else {
      }
      %rem3A_91 = arith.constant 8 : i32
      %rem3A_92 = arith.remsi %scan3A_80, %rem3A_91 : i32
      %eq3A_93 = arith.constant 2 : i32
      %eq3A_94 = arith.cmpi eq, %rem3A_92, %eq3A_93 : i32
      %convert_element_type3A_95 = arith.extui %eq3A_94 : i1 to i32
      %cond3A_96 = arith.constant 0 : i32
      %cond3A_97 = arith.cmpi ne, %convert_element_type3A_95, %cond3A_96 : i32
      scf.if %cond3A_97 {
        %dma_wait3A_133 = arith.constant 0 : i32
        %dma_wait3A_134 = tpu.memref_slice %arg7[%scan3A_80, %dma_wait3A_133] : memref<125x80xi32, #tpu.memory_space<vmem>> -> memref<1x80xi32, #tpu.memory_space<vmem>>
        %dma_wait3A_135 = tpu.memref_squeeze %dma_wait3A_134 : memref<1x80xi32, #tpu.memory_space<vmem>> -> memref<80xi32, #tpu.memory_space<vmem>>
        %dma_wait3A_136 = arith.constant 0 : i32
        %dma_wait3A_137 = arith.constant 0 : i32
        %dma_wait3A_138 = tpu.memref_slice %arg2[%dma_wait3A_136, %dma_wait3A_137] : memref<10000x64xf32, #tpu.memory_space<hbm>> -> memref<10000x64xf32, #tpu.memory_space<hbm>>
        tpu.wait_indirect_dma semaphore(%arg20 : memref<!tpu.dma_semaphore, #tpu.memory_space<semaphore_mem>>) src(%dma_wait3A_138 : memref<10000x64xf32, #tpu.memory_space<hbm>>) dst(%arg12 : memref<80x64xf32, #tpu.memory_space<vmem>>)
        %dma_start3A_139 = arith.constant 0 : i32
        %dma_start3A_140 = tpu.memref_slice %arg8[%scan3A_80, %dma_start3A_139] : memref<125x80xi32, #tpu.memory_space<vmem>> -> memref<1x80xi32, #tpu.memory_space<vmem>>
        %dma_start3A_141 = tpu.memref_squeeze %dma_start3A_140 : memref<1x80xi32, #tpu.memory_space<vmem>> -> memref<80xi32, #tpu.memory_space<vmem>>
        %dma_start3A_142 = arith.constant 0 : i32
        %dma_start3A_143 = arith.constant 0 : i32
        %dma_start3A_144 = tpu.memref_slice %arg6[%dma_start3A_142, %dma_start3A_143] : memref<10008x64xf32, #tpu.memory_space<vmem_shared>> -> memref<10008x64xf32, #tpu.memory_space<vmem_shared>>
        tpu.enqueue_indirect_dma source(%arg12 : memref<80x64xf32, #tpu.memory_space<vmem>>) target(%dma_start3A_144 : memref<10008x64xf32, #tpu.memory_space<vmem_shared>>) offsets(%dma_start3A_141 : memref<80xi32, #tpu.memory_space<vmem>>) semaphore(%arg28 : memref<!tpu.dma_semaphore, #tpu.memory_space<semaphore_mem>>) {add = true}
        %ge3A = arith.constant 1 : i32
        %ge3A_145 = arith.cmpi sge, %scan3A_80, %ge3A : i32
        %convert_element_type3A_146 = arith.extui %ge3A_145 : i1 to i32
        %cond3A_147 = arith.constant 0 : i32
        %cond3A_148 = arith.cmpi ne, %convert_element_type3A_146, %cond3A_147 : i32
        scf.if %cond3A_148 {
          %dma_wait3A_155 = arith.constant 0 : i32
          %dma_wait3A_156 = tpu.memref_slice %arg8[%scan3A_80, %dma_wait3A_155] : memref<125x80xi32, #tpu.memory_space<vmem>> -> memref<1x80xi32, #tpu.memory_space<vmem>>
          %dma_wait3A_157 = tpu.memref_squeeze %dma_wait3A_156 : memref<1x80xi32, #tpu.memory_space<vmem>> -> memref<80xi32, #tpu.memory_space<vmem>>
          %dma_wait3A_158 = arith.constant 0 : i32
          %dma_wait3A_159 = arith.constant 0 : i32
          %dma_wait3A_160 = tpu.memref_slice %arg6[%dma_wait3A_158, %dma_wait3A_159] : memref<10008x64xf32, #tpu.memory_space<vmem_shared>> -> memref<10008x64xf32, #tpu.memory_space<vmem_shared>>
          tpu.wait_indirect_dma semaphore(%arg27 : memref<!tpu.dma_semaphore, #tpu.memory_space<semaphore_mem>>) src(%arg11 : memref<80x64xf32, #tpu.memory_space<vmem>>) dst(%dma_wait3A_160 : memref<10008x64xf32, #tpu.memory_space<vmem_shared>>)
        } else {
        }
        %add3A_149 = arith.constant 7 : i32
        %add3A_150 = arith.addi %scan3A_80, %add3A_149 : i32
        %lt3A = arith.constant 125 : i32
        %lt3A_151 = arith.cmpi slt, %add3A_150, %lt3A : i32
        %convert_element_type3A_152 = arith.extui %lt3A_151 : i1 to i32
        %cond3A_153 = arith.constant 0 : i32
        %cond3A_154 = arith.cmpi ne, %convert_element_type3A_152, %cond3A_153 : i32
        scf.if %cond3A_154 {
          %add3A_155 = arith.constant 7 : i32
          %add3A_156 = arith.addi %scan3A_80, %add3A_155 : i32
          %dma_start3A_157 = arith.constant 0 : i32
          %dma_start3A_158 = tpu.memref_slice %arg7[%add3A_156, %dma_start3A_157] : memref<125x80xi32, #tpu.memory_space<vmem>> -> memref<1x80xi32, #tpu.memory_space<vmem>>
          %dma_start3A_159 = tpu.memref_squeeze %dma_start3A_158 : memref<1x80xi32, #tpu.memory_space<vmem>> -> memref<80xi32, #tpu.memory_space<vmem>>
          %dma_start3A_160 = arith.constant 0 : i32
          %dma_start3A_161 = arith.constant 0 : i32
          %dma_start3A_162 = tpu.memref_slice %arg2[%dma_start3A_160, %dma_start3A_161] : memref<10000x64xf32, #tpu.memory_space<hbm>> -> memref<10000x64xf32, #tpu.memory_space<hbm>>
          tpu.enqueue_indirect_dma source(%dma_start3A_162 : memref<10000x64xf32, #tpu.memory_space<hbm>>) target(%arg11 : memref<80x64xf32, #tpu.memory_space<vmem>>) offsets(%dma_start3A_159 : memref<80xi32, #tpu.memory_space<vmem>>) semaphore(%arg19 : memref<!tpu.dma_semaphore, #tpu.memory_space<semaphore_mem>>)
        } else {
        }
      } else {
      }
      %rem3A_98 = arith.constant 8 : i32
      %rem3A_99 = arith.remsi %scan3A_80, %rem3A_98 : i32
      %eq3A_100 = arith.constant 3 : i32
      %eq3A_101 = arith.cmpi eq, %rem3A_99, %eq3A_100 : i32
      %convert_element_type3A_102 = arith.extui %eq3A_101 : i1 to i32
      %cond3A_103 = arith.constant 0 : i32
      %cond3A_104 = arith.cmpi ne, %convert_element_type3A_102, %cond3A_103 : i32
      scf.if %cond3A_104 {
        %dma_wait3A_133 = arith.constant 0 : i32
        %dma_wait3A_134 = tpu.memref_slice %arg7[%scan3A_80, %dma_wait3A_133] : memref<125x80xi32, #tpu.memory_space<vmem>> -> memref<1x80xi32, #tpu.memory_space<vmem>>
        %dma_wait3A_135 = tpu.memref_squeeze %dma_wait3A_134 : memref<1x80xi32, #tpu.memory_space<vmem>> -> memref<80xi32, #tpu.memory_space<vmem>>
        %dma_wait3A_136 = arith.constant 0 : i32
        %dma_wait3A_137 = arith.constant 0 : i32
        %dma_wait3A_138 = tpu.memref_slice %arg2[%dma_wait3A_136, %dma_wait3A_137] : memref<10000x64xf32, #tpu.memory_space<hbm>> -> memref<10000x64xf32, #tpu.memory_space<hbm>>
        tpu.wait_indirect_dma semaphore(%arg21 : memref<!tpu.dma_semaphore, #tpu.memory_space<semaphore_mem>>) src(%dma_wait3A_138 : memref<10000x64xf32, #tpu.memory_space<hbm>>) dst(%arg13 : memref<80x64xf32, #tpu.memory_space<vmem>>)
        %dma_start3A_139 = arith.constant 0 : i32
        %dma_start3A_140 = tpu.memref_slice %arg8[%scan3A_80, %dma_start3A_139] : memref<125x80xi32, #tpu.memory_space<vmem>> -> memref<1x80xi32, #tpu.memory_space<vmem>>
        %dma_start3A_141 = tpu.memref_squeeze %dma_start3A_140 : memref<1x80xi32, #tpu.memory_space<vmem>> -> memref<80xi32, #tpu.memory_space<vmem>>
        %dma_start3A_142 = arith.constant 0 : i32
        %dma_start3A_143 = arith.constant 0 : i32
        %dma_start3A_144 = tpu.memref_slice %arg6[%dma_start3A_142, %dma_start3A_143] : memref<10008x64xf32, #tpu.memory_space<vmem_shared>> -> memref<10008x64xf32, #tpu.memory_space<vmem_shared>>
        tpu.enqueue_indirect_dma source(%arg13 : memref<80x64xf32, #tpu.memory_space<vmem>>) target(%dma_start3A_144 : memref<10008x64xf32, #tpu.memory_space<vmem_shared>>) offsets(%dma_start3A_141 : memref<80xi32, #tpu.memory_space<vmem>>) semaphore(%arg29 : memref<!tpu.dma_semaphore, #tpu.memory_space<semaphore_mem>>) {add = true}
        %ge3A = arith.constant 1 : i32
        %ge3A_145 = arith.cmpi sge, %scan3A_80, %ge3A : i32
        %convert_element_type3A_146 = arith.extui %ge3A_145 : i1 to i32
        %cond3A_147 = arith.constant 0 : i32
        %cond3A_148 = arith.cmpi ne, %convert_element_type3A_146, %cond3A_147 : i32
        scf.if %cond3A_148 {
          %dma_wait3A_155 = arith.constant 0 : i32
          %dma_wait3A_156 = tpu.memref_slice %arg8[%scan3A_80, %dma_wait3A_155] : memref<125x80xi32, #tpu.memory_space<vmem>> -> memref<1x80xi32, #tpu.memory_space<vmem>>
          %dma_wait3A_157 = tpu.memref_squeeze %dma_wait3A_156 : memref<1x80xi32, #tpu.memory_space<vmem>> -> memref<80xi32, #tpu.memory_space<vmem>>
          %dma_wait3A_158 = arith.constant 0 : i32
          %dma_wait3A_159 = arith.constant 0 : i32
          %dma_wait3A_160 = tpu.memref_slice %arg6[%dma_wait3A_158, %dma_wait3A_159] : memref<10008x64xf32, #tpu.memory_space<vmem_shared>> -> memref<10008x64xf32, #tpu.memory_space<vmem_shared>>
          tpu.wait_indirect_dma semaphore(%arg28 : memref<!tpu.dma_semaphore, #tpu.memory_space<semaphore_mem>>) src(%arg12 : memref<80x64xf32, #tpu.memory_space<vmem>>) dst(%dma_wait3A_160 : memref<10008x64xf32, #tpu.memory_space<vmem_shared>>)
        } else {
        }
        %add3A_149 = arith.constant 7 : i32
        %add3A_150 = arith.addi %scan3A_80, %add3A_149 : i32
        %lt3A = arith.constant 125 : i32
        %lt3A_151 = arith.cmpi slt, %add3A_150, %lt3A : i32
        %convert_element_type3A_152 = arith.extui %lt3A_151 : i1 to i32
        %cond3A_153 = arith.constant 0 : i32
        %cond3A_154 = arith.cmpi ne, %convert_element_type3A_152, %cond3A_153 : i32
        scf.if %cond3A_154 {
          %add3A_155 = arith.constant 7 : i32
          %add3A_156 = arith.addi %scan3A_80, %add3A_155 : i32
          %dma_start3A_157 = arith.constant 0 : i32
          %dma_start3A_158 = tpu.memref_slice %arg7[%add3A_156, %dma_start3A_157] : memref<125x80xi32, #tpu.memory_space<vmem>> -> memref<1x80xi32, #tpu.memory_space<vmem>>
          %dma_start3A_159 = tpu.memref_squeeze %dma_start3A_158 : memref<1x80xi32, #tpu.memory_space<vmem>> -> memref<80xi32, #tpu.memory_space<vmem>>
          %dma_start3A_160 = arith.constant 0 : i32
          %dma_start3A_161 = arith.constant 0 : i32
          %dma_start3A_162 = tpu.memref_slice %arg2[%dma_start3A_160, %dma_start3A_161] : memref<10000x64xf32, #tpu.memory_space<hbm>> -> memref<10000x64xf32, #tpu.memory_space<hbm>>
          tpu.enqueue_indirect_dma source(%dma_start3A_162 : memref<10000x64xf32, #tpu.memory_space<hbm>>) target(%arg12 : memref<80x64xf32, #tpu.memory_space<vmem>>) offsets(%dma_start3A_159 : memref<80xi32, #tpu.memory_space<vmem>>) semaphore(%arg20 : memref<!tpu.dma_semaphore, #tpu.memory_space<semaphore_mem>>)
        } else {
        }
      } else {
      }
      %rem3A_105 = arith.constant 8 : i32
      %rem3A_106 = arith.remsi %scan3A_80, %rem3A_105 : i32
      %eq3A_107 = arith.constant 4 : i32
      %eq3A_108 = arith.cmpi eq, %rem3A_106, %eq3A_107 : i32
      %convert_element_type3A_109 = arith.extui %eq3A_108 : i1 to i32
      %cond3A_110 = arith.constant 0 : i32
      %cond3A_111 = arith.cmpi ne, %convert_element_type3A_109, %cond3A_110 : i32
      scf.if %cond3A_111 {
        %dma_wait3A_133 = arith.constant 0 : i32
        %dma_wait3A_134 = tpu.memref_slice %arg7[%scan3A_80, %dma_wait3A_133] : memref<125x80xi32, #tpu.memory_space<vmem>> -> memref<1x80xi32, #tpu.memory_space<vmem>>
        %dma_wait3A_135 = tpu.memref_squeeze %dma_wait3A_134 : memref<1x80xi32, #tpu.memory_space<vmem>> -> memref<80xi32, #tpu.memory_space<vmem>>
        %dma_wait3A_136 = arith.constant 0 : i32
        %dma_wait3A_137 = arith.constant 0 : i32
        %dma_wait3A_138 = tpu.memref_slice %arg2[%dma_wait3A_136, %dma_wait3A_137] : memref<10000x64xf32, #tpu.memory_space<hbm>> -> memref<10000x64xf32, #tpu.memory_space<hbm>>
        tpu.wait_indirect_dma semaphore(%arg22 : memref<!tpu.dma_semaphore, #tpu.memory_space<semaphore_mem>>) src(%dma_wait3A_138 : memref<10000x64xf32, #tpu.memory_space<hbm>>) dst(%arg14 : memref<80x64xf32, #tpu.memory_space<vmem>>)
        %dma_start3A_139 = arith.constant 0 : i32
        %dma_start3A_140 = tpu.memref_slice %arg8[%scan3A_80, %dma_start3A_139] : memref<125x80xi32, #tpu.memory_space<vmem>> -> memref<1x80xi32, #tpu.memory_space<vmem>>
        %dma_start3A_141 = tpu.memref_squeeze %dma_start3A_140 : memref<1x80xi32, #tpu.memory_space<vmem>> -> memref<80xi32, #tpu.memory_space<vmem>>
        %dma_start3A_142 = arith.constant 0 : i32
        %dma_start3A_143 = arith.constant 0 : i32
        %dma_start3A_144 = tpu.memref_slice %arg6[%dma_start3A_142, %dma_start3A_143] : memref<10008x64xf32, #tpu.memory_space<vmem_shared>> -> memref<10008x64xf32, #tpu.memory_space<vmem_shared>>
        tpu.enqueue_indirect_dma source(%arg14 : memref<80x64xf32, #tpu.memory_space<vmem>>) target(%dma_start3A_144 : memref<10008x64xf32, #tpu.memory_space<vmem_shared>>) offsets(%dma_start3A_141 : memref<80xi32, #tpu.memory_space<vmem>>) semaphore(%arg30 : memref<!tpu.dma_semaphore, #tpu.memory_space<semaphore_mem>>) {add = true}
        %ge3A = arith.constant 1 : i32
        %ge3A_145 = arith.cmpi sge, %scan3A_80, %ge3A : i32
        %convert_element_type3A_146 = arith.extui %ge3A_145 : i1 to i32
        %cond3A_147 = arith.constant 0 : i32
        %cond3A_148 = arith.cmpi ne, %convert_element_type3A_146, %cond3A_147 : i32
        scf.if %cond3A_148 {
          %dma_wait3A_155 = arith.constant 0 : i32
          %dma_wait3A_156 = tpu.memref_slice %arg8[%scan3A_80, %dma_wait3A_155] : memref<125x80xi32, #tpu.memory_space<vmem>> -> memref<1x80xi32, #tpu.memory_space<vmem>>
          %dma_wait3A_157 = tpu.memref_squeeze %dma_wait3A_156 : memref<1x80xi32, #tpu.memory_space<vmem>> -> memref<80xi32, #tpu.memory_space<vmem>>
          %dma_wait3A_158 = arith.constant 0 : i32
          %dma_wait3A_159 = arith.constant 0 : i32
          %dma_wait3A_160 = tpu.memref_slice %arg6[%dma_wait3A_158, %dma_wait3A_159] : memref<10008x64xf32, #tpu.memory_space<vmem_shared>> -> memref<10008x64xf32, #tpu.memory_space<vmem_shared>>
          tpu.wait_indirect_dma semaphore(%arg29 : memref<!tpu.dma_semaphore, #tpu.memory_space<semaphore_mem>>) src(%arg13 : memref<80x64xf32, #tpu.memory_space<vmem>>) dst(%dma_wait3A_160 : memref<10008x64xf32, #tpu.memory_space<vmem_shared>>)
        } else {
        }
        %add3A_149 = arith.constant 7 : i32
        %add3A_150 = arith.addi %scan3A_80, %add3A_149 : i32
        %lt3A = arith.constant 125 : i32
        %lt3A_151 = arith.cmpi slt, %add3A_150, %lt3A : i32
        %convert_element_type3A_152 = arith.extui %lt3A_151 : i1 to i32
        %cond3A_153 = arith.constant 0 : i32
        %cond3A_154 = arith.cmpi ne, %convert_element_type3A_152, %cond3A_153 : i32
        scf.if %cond3A_154 {
          %add3A_155 = arith.constant 7 : i32
          %add3A_156 = arith.addi %scan3A_80, %add3A_155 : i32
          %dma_start3A_157 = arith.constant 0 : i32
          %dma_start3A_158 = tpu.memref_slice %arg7[%add3A_156, %dma_start3A_157] : memref<125x80xi32, #tpu.memory_space<vmem>> -> memref<1x80xi32, #tpu.memory_space<vmem>>
          %dma_start3A_159 = tpu.memref_squeeze %dma_start3A_158 : memref<1x80xi32, #tpu.memory_space<vmem>> -> memref<80xi32, #tpu.memory_space<vmem>>
          %dma_start3A_160 = arith.constant 0 : i32
          %dma_start3A_161 = arith.constant 0 : i32
          %dma_start3A_162 = tpu.memref_slice %arg2[%dma_start3A_160, %dma_start3A_161] : memref<10000x64xf32, #tpu.memory_space<hbm>> -> memref<10000x64xf32, #tpu.memory_space<hbm>>
          tpu.enqueue_indirect_dma source(%dma_start3A_162 : memref<10000x64xf32, #tpu.memory_space<hbm>>) target(%arg13 : memref<80x64xf32, #tpu.memory_space<vmem>>) offsets(%dma_start3A_159 : memref<80xi32, #tpu.memory_space<vmem>>) semaphore(%arg21 : memref<!tpu.dma_semaphore, #tpu.memory_space<semaphore_mem>>)
        } else {
        }
      } else {
      }
      %rem3A_112 = arith.constant 8 : i32
      %rem3A_113 = arith.remsi %scan3A_80, %rem3A_112 : i32
      %eq3A_114 = arith.constant 5 : i32
      %eq3A_115 = arith.cmpi eq, %rem3A_113, %eq3A_114 : i32
      %convert_element_type3A_116 = arith.extui %eq3A_115 : i1 to i32
      %cond3A_117 = arith.constant 0 : i32
      %cond3A_118 = arith.cmpi ne, %convert_element_type3A_116, %cond3A_117 : i32
      scf.if %cond3A_118 {
        %dma_wait3A_133 = arith.constant 0 : i32
        %dma_wait3A_134 = tpu.memref_slice %arg7[%scan3A_80, %dma_wait3A_133] : memref<125x80xi32, #tpu.memory_space<vmem>> -> memref<1x80xi32, #tpu.memory_space<vmem>>
        %dma_wait3A_135 = tpu.memref_squeeze %dma_wait3A_134 : memref<1x80xi32, #tpu.memory_space<vmem>> -> memref<80xi32, #tpu.memory_space<vmem>>
        %dma_wait3A_136 = arith.constant 0 : i32
        %dma_wait3A_137 = arith.constant 0 : i32
        %dma_wait3A_138 = tpu.memref_slice %arg2[%dma_wait3A_136, %dma_wait3A_137] : memref<10000x64xf32, #tpu.memory_space<hbm>> -> memref<10000x64xf32, #tpu.memory_space<hbm>>
        tpu.wait_indirect_dma semaphore(%arg23 : memref<!tpu.dma_semaphore, #tpu.memory_space<semaphore_mem>>) src(%dma_wait3A_138 : memref<10000x64xf32, #tpu.memory_space<hbm>>) dst(%arg15 : memref<80x64xf32, #tpu.memory_space<vmem>>)
        %dma_start3A_139 = arith.constant 0 : i32
        %dma_start3A_140 = tpu.memref_slice %arg8[%scan3A_80, %dma_start3A_139] : memref<125x80xi32, #tpu.memory_space<vmem>> -> memref<1x80xi32, #tpu.memory_space<vmem>>
        %dma_start3A_141 = tpu.memref_squeeze %dma_start3A_140 : memref<1x80xi32, #tpu.memory_space<vmem>> -> memref<80xi32, #tpu.memory_space<vmem>>
        %dma_start3A_142 = arith.constant 0 : i32
        %dma_start3A_143 = arith.constant 0 : i32
        %dma_start3A_144 = tpu.memref_slice %arg6[%dma_start3A_142, %dma_start3A_143] : memref<10008x64xf32, #tpu.memory_space<vmem_shared>> -> memref<10008x64xf32, #tpu.memory_space<vmem_shared>>
        tpu.enqueue_indirect_dma source(%arg15 : memref<80x64xf32, #tpu.memory_space<vmem>>) target(%dma_start3A_144 : memref<10008x64xf32, #tpu.memory_space<vmem_shared>>) offsets(%dma_start3A_141 : memref<80xi32, #tpu.memory_space<vmem>>) semaphore(%arg31 : memref<!tpu.dma_semaphore, #tpu.memory_space<semaphore_mem>>) {add = true}
        %ge3A = arith.constant 1 : i32
        %ge3A_145 = arith.cmpi sge, %scan3A_80, %ge3A : i32
        %convert_element_type3A_146 = arith.extui %ge3A_145 : i1 to i32
        %cond3A_147 = arith.constant 0 : i32
        %cond3A_148 = arith.cmpi ne, %convert_element_type3A_146, %cond3A_147 : i32
        scf.if %cond3A_148 {
          %dma_wait3A_155 = arith.constant 0 : i32
          %dma_wait3A_156 = tpu.memref_slice %arg8[%scan3A_80, %dma_wait3A_155] : memref<125x80xi32, #tpu.memory_space<vmem>> -> memref<1x80xi32, #tpu.memory_space<vmem>>
          %dma_wait3A_157 = tpu.memref_squeeze %dma_wait3A_156 : memref<1x80xi32, #tpu.memory_space<vmem>> -> memref<80xi32, #tpu.memory_space<vmem>>
          %dma_wait3A_158 = arith.constant 0 : i32
          %dma_wait3A_159 = arith.constant 0 : i32
          %dma_wait3A_160 = tpu.memref_slice %arg6[%dma_wait3A_158, %dma_wait3A_159] : memref<10008x64xf32, #tpu.memory_space<vmem_shared>> -> memref<10008x64xf32, #tpu.memory_space<vmem_shared>>
          tpu.wait_indirect_dma semaphore(%arg30 : memref<!tpu.dma_semaphore, #tpu.memory_space<semaphore_mem>>) src(%arg14 : memref<80x64xf32, #tpu.memory_space<vmem>>) dst(%dma_wait3A_160 : memref<10008x64xf32, #tpu.memory_space<vmem_shared>>)
        } else {
        }
        %add3A_149 = arith.constant 7 : i32
        %add3A_150 = arith.addi %scan3A_80, %add3A_149 : i32
        %lt3A = arith.constant 125 : i32
        %lt3A_151 = arith.cmpi slt, %add3A_150, %lt3A : i32
        %convert_element_type3A_152 = arith.extui %lt3A_151 : i1 to i32
        %cond3A_153 = arith.constant 0 : i32
        %cond3A_154 = arith.cmpi ne, %convert_element_type3A_152, %cond3A_153 : i32
        scf.if %cond3A_154 {
          %add3A_155 = arith.constant 7 : i32
          %add3A_156 = arith.addi %scan3A_80, %add3A_155 : i32
          %dma_start3A_157 = arith.constant 0 : i32
          %dma_start3A_158 = tpu.memref_slice %arg7[%add3A_156, %dma_start3A_157] : memref<125x80xi32, #tpu.memory_space<vmem>> -> memref<1x80xi32, #tpu.memory_space<vmem>>
          %dma_start3A_159 = tpu.memref_squeeze %dma_start3A_158 : memref<1x80xi32, #tpu.memory_space<vmem>> -> memref<80xi32, #tpu.memory_space<vmem>>
          %dma_start3A_160 = arith.constant 0 : i32
          %dma_start3A_161 = arith.constant 0 : i32
          %dma_start3A_162 = tpu.memref_slice %arg2[%dma_start3A_160, %dma_start3A_161] : memref<10000x64xf32, #tpu.memory_space<hbm>> -> memref<10000x64xf32, #tpu.memory_space<hbm>>
          tpu.enqueue_indirect_dma source(%dma_start3A_162 : memref<10000x64xf32, #tpu.memory_space<hbm>>) target(%arg14 : memref<80x64xf32, #tpu.memory_space<vmem>>) offsets(%dma_start3A_159 : memref<80xi32, #tpu.memory_space<vmem>>) semaphore(%arg22 : memref<!tpu.dma_semaphore, #tpu.memory_space<semaphore_mem>>)
        } else {
        }
      } else {
      }
      %rem3A_119 = arith.constant 8 : i32
      %rem3A_120 = arith.remsi %scan3A_80, %rem3A_119 : i32
      %eq3A_121 = arith.constant 6 : i32
      %eq3A_122 = arith.cmpi eq, %rem3A_120, %eq3A_121 : i32
      %convert_element_type3A_123 = arith.extui %eq3A_122 : i1 to i32
      %cond3A_124 = arith.constant 0 : i32
      %cond3A_125 = arith.cmpi ne, %convert_element_type3A_123, %cond3A_124 : i32
      scf.if %cond3A_125 {
        %dma_wait3A_133 = arith.constant 0 : i32
        %dma_wait3A_134 = tpu.memref_slice %arg7[%scan3A_80, %dma_wait3A_133] : memref<125x80xi32, #tpu.memory_space<vmem>> -> memref<1x80xi32, #tpu.memory_space<vmem>>
        %dma_wait3A_135 = tpu.memref_squeeze %dma_wait3A_134 : memref<1x80xi32, #tpu.memory_space<vmem>> -> memref<80xi32, #tpu.memory_space<vmem>>
        %dma_wait3A_136 = arith.constant 0 : i32
        %dma_wait3A_137 = arith.constant 0 : i32
        %dma_wait3A_138 = tpu.memref_slice %arg2[%dma_wait3A_136, %dma_wait3A_137] : memref<10000x64xf32, #tpu.memory_space<hbm>> -> memref<10000x64xf32, #tpu.memory_space<hbm>>
        tpu.wait_indirect_dma semaphore(%arg24 : memref<!tpu.dma_semaphore, #tpu.memory_space<semaphore_mem>>) src(%dma_wait3A_138 : memref<10000x64xf32, #tpu.memory_space<hbm>>) dst(%arg16 : memref<80x64xf32, #tpu.memory_space<vmem>>)
        %dma_start3A_139 = arith.constant 0 : i32
        %dma_start3A_140 = tpu.memref_slice %arg8[%scan3A_80, %dma_start3A_139] : memref<125x80xi32, #tpu.memory_space<vmem>> -> memref<1x80xi32, #tpu.memory_space<vmem>>
        %dma_start3A_141 = tpu.memref_squeeze %dma_start3A_140 : memref<1x80xi32, #tpu.memory_space<vmem>> -> memref<80xi32, #tpu.memory_space<vmem>>
        %dma_start3A_142 = arith.constant 0 : i32
        %dma_start3A_143 = arith.constant 0 : i32
        %dma_start3A_144 = tpu.memref_slice %arg6[%dma_start3A_142, %dma_start3A_143] : memref<10008x64xf32, #tpu.memory_space<vmem_shared>> -> memref<10008x64xf32, #tpu.memory_space<vmem_shared>>
        tpu.enqueue_indirect_dma source(%arg16 : memref<80x64xf32, #tpu.memory_space<vmem>>) target(%dma_start3A_144 : memref<10008x64xf32, #tpu.memory_space<vmem_shared>>) offsets(%dma_start3A_141 : memref<80xi32, #tpu.memory_space<vmem>>) semaphore(%arg32 : memref<!tpu.dma_semaphore, #tpu.memory_space<semaphore_mem>>) {add = true}
        %ge3A = arith.constant 1 : i32
        %ge3A_145 = arith.cmpi sge, %scan3A_80, %ge3A : i32
        %convert_element_type3A_146 = arith.extui %ge3A_145 : i1 to i32
        %cond3A_147 = arith.constant 0 : i32
        %cond3A_148 = arith.cmpi ne, %convert_element_type3A_146, %cond3A_147 : i32
        scf.if %cond3A_148 {
          %dma_wait3A_155 = arith.constant 0 : i32
          %dma_wait3A_156 = tpu.memref_slice %arg8[%scan3A_80, %dma_wait3A_155] : memref<125x80xi32, #tpu.memory_space<vmem>> -> memref<1x80xi32, #tpu.memory_space<vmem>>
          %dma_wait3A_157 = tpu.memref_squeeze %dma_wait3A_156 : memref<1x80xi32, #tpu.memory_space<vmem>> -> memref<80xi32, #tpu.memory_space<vmem>>
          %dma_wait3A_158 = arith.constant 0 : i32
          %dma_wait3A_159 = arith.constant 0 : i32
          %dma_wait3A_160 = tpu.memref_slice %arg6[%dma_wait3A_158, %dma_wait3A_159] : memref<10008x64xf32, #tpu.memory_space<vmem_shared>> -> memref<10008x64xf32, #tpu.memory_space<vmem_shared>>
          tpu.wait_indirect_dma semaphore(%arg31 : memref<!tpu.dma_semaphore, #tpu.memory_space<semaphore_mem>>) src(%arg15 : memref<80x64xf32, #tpu.memory_space<vmem>>) dst(%dma_wait3A_160 : memref<10008x64xf32, #tpu.memory_space<vmem_shared>>)
        } else {
        }
        %add3A_149 = arith.constant 7 : i32
        %add3A_150 = arith.addi %scan3A_80, %add3A_149 : i32
        %lt3A = arith.constant 125 : i32
        %lt3A_151 = arith.cmpi slt, %add3A_150, %lt3A : i32
        %convert_element_type3A_152 = arith.extui %lt3A_151 : i1 to i32
        %cond3A_153 = arith.constant 0 : i32
        %cond3A_154 = arith.cmpi ne, %convert_element_type3A_152, %cond3A_153 : i32
        scf.if %cond3A_154 {
          %add3A_155 = arith.constant 7 : i32
          %add3A_156 = arith.addi %scan3A_80, %add3A_155 : i32
          %dma_start3A_157 = arith.constant 0 : i32
          %dma_start3A_158 = tpu.memref_slice %arg7[%add3A_156, %dma_start3A_157] : memref<125x80xi32, #tpu.memory_space<vmem>> -> memref<1x80xi32, #tpu.memory_space<vmem>>
          %dma_start3A_159 = tpu.memref_squeeze %dma_start3A_158 : memref<1x80xi32, #tpu.memory_space<vmem>> -> memref<80xi32, #tpu.memory_space<vmem>>
          %dma_start3A_160 = arith.constant 0 : i32
          %dma_start3A_161 = arith.constant 0 : i32
          %dma_start3A_162 = tpu.memref_slice %arg2[%dma_start3A_160, %dma_start3A_161] : memref<10000x64xf32, #tpu.memory_space<hbm>> -> memref<10000x64xf32, #tpu.memory_space<hbm>>
          tpu.enqueue_indirect_dma source(%dma_start3A_162 : memref<10000x64xf32, #tpu.memory_space<hbm>>) target(%arg15 : memref<80x64xf32, #tpu.memory_space<vmem>>) offsets(%dma_start3A_159 : memref<80xi32, #tpu.memory_space<vmem>>) semaphore(%arg23 : memref<!tpu.dma_semaphore, #tpu.memory_space<semaphore_mem>>)
        } else {
        }
      } else {
      }
      %rem3A_126 = arith.constant 8 : i32
      %rem3A_127 = arith.remsi %scan3A_80, %rem3A_126 : i32
      %eq3A_128 = arith.constant 7 : i32
      %eq3A_129 = arith.cmpi eq, %rem3A_127, %eq3A_128 : i32
      %convert_element_type3A_130 = arith.extui %eq3A_129 : i1 to i32
      %cond3A_131 = arith.constant 0 : i32
      %cond3A_132 = arith.cmpi ne, %convert_element_type3A_130, %cond3A_131 : i32
      scf.if %cond3A_132 {
        %dma_wait3A_133 = arith.constant 0 : i32
        %dma_wait3A_134 = tpu.memref_slice %arg7[%scan3A_80, %dma_wait3A_133] : memref<125x80xi32, #tpu.memory_space<vmem>> -> memref<1x80xi32, #tpu.memory_space<vmem>>
        %dma_wait3A_135 = tpu.memref_squeeze %dma_wait3A_134 : memref<1x80xi32, #tpu.memory_space<vmem>> -> memref<80xi32, #tpu.memory_space<vmem>>
        %dma_wait3A_136 = arith.constant 0 : i32
        %dma_wait3A_137 = arith.constant 0 : i32
        %dma_wait3A_138 = tpu.memref_slice %arg2[%dma_wait3A_136, %dma_wait3A_137] : memref<10000x64xf32, #tpu.memory_space<hbm>> -> memref<10000x64xf32, #tpu.memory_space<hbm>>
        tpu.wait_indirect_dma semaphore(%arg25 : memref<!tpu.dma_semaphore, #tpu.memory_space<semaphore_mem>>) src(%dma_wait3A_138 : memref<10000x64xf32, #tpu.memory_space<hbm>>) dst(%arg17 : memref<80x64xf32, #tpu.memory_space<vmem>>)
        %dma_start3A_139 = arith.constant 0 : i32
        %dma_start3A_140 = tpu.memref_slice %arg8[%scan3A_80, %dma_start3A_139] : memref<125x80xi32, #tpu.memory_space<vmem>> -> memref<1x80xi32, #tpu.memory_space<vmem>>
        %dma_start3A_141 = tpu.memref_squeeze %dma_start3A_140 : memref<1x80xi32, #tpu.memory_space<vmem>> -> memref<80xi32, #tpu.memory_space<vmem>>
        %dma_start3A_142 = arith.constant 0 : i32
        %dma_start3A_143 = arith.constant 0 : i32
        %dma_start3A_144 = tpu.memref_slice %arg6[%dma_start3A_142, %dma_start3A_143] : memref<10008x64xf32, #tpu.memory_space<vmem_shared>> -> memref<10008x64xf32, #tpu.memory_space<vmem_shared>>
        tpu.enqueue_indirect_dma source(%arg17 : memref<80x64xf32, #tpu.memory_space<vmem>>) target(%dma_start3A_144 : memref<10008x64xf32, #tpu.memory_space<vmem_shared>>) offsets(%dma_start3A_141 : memref<80xi32, #tpu.memory_space<vmem>>) semaphore(%arg33 : memref<!tpu.dma_semaphore, #tpu.memory_space<semaphore_mem>>) {add = true}
        %ge3A = arith.constant 1 : i32
        %ge3A_145 = arith.cmpi sge, %scan3A_80, %ge3A : i32
        %convert_element_type3A_146 = arith.extui %ge3A_145 : i1 to i32
        %cond3A_147 = arith.constant 0 : i32
        %cond3A_148 = arith.cmpi ne, %convert_element_type3A_146, %cond3A_147 : i32
        scf.if %cond3A_148 {
          %dma_wait3A_155 = arith.constant 0 : i32
          %dma_wait3A_156 = tpu.memref_slice %arg8[%scan3A_80, %dma_wait3A_155] : memref<125x80xi32, #tpu.memory_space<vmem>> -> memref<1x80xi32, #tpu.memory_space<vmem>>
          %dma_wait3A_157 = tpu.memref_squeeze %dma_wait3A_156 : memref<1x80xi32, #tpu.memory_space<vmem>> -> memref<80xi32, #tpu.memory_space<vmem>>
          %dma_wait3A_158 = arith.constant 0 : i32
          %dma_wait3A_159 = arith.constant 0 : i32
          %dma_wait3A_160 = tpu.memref_slice %arg6[%dma_wait3A_158, %dma_wait3A_159] : memref<10008x64xf32, #tpu.memory_space<vmem_shared>> -> memref<10008x64xf32, #tpu.memory_space<vmem_shared>>
          tpu.wait_indirect_dma semaphore(%arg32 : memref<!tpu.dma_semaphore, #tpu.memory_space<semaphore_mem>>) src(%arg16 : memref<80x64xf32, #tpu.memory_space<vmem>>) dst(%dma_wait3A_160 : memref<10008x64xf32, #tpu.memory_space<vmem_shared>>)
        } else {
        }
        %add3A_149 = arith.constant 7 : i32
        %add3A_150 = arith.addi %scan3A_80, %add3A_149 : i32
        %lt3A = arith.constant 125 : i32
        %lt3A_151 = arith.cmpi slt, %add3A_150, %lt3A : i32
        %convert_element_type3A_152 = arith.extui %lt3A_151 : i1 to i32
        %cond3A_153 = arith.constant 0 : i32
        %cond3A_154 = arith.cmpi ne, %convert_element_type3A_152, %cond3A_153 : i32
        scf.if %cond3A_154 {
          %add3A_155 = arith.constant 7 : i32
          %add3A_156 = arith.addi %scan3A_80, %add3A_155 : i32
          %dma_start3A_157 = arith.constant 0 : i32
          %dma_start3A_158 = tpu.memref_slice %arg7[%add3A_156, %dma_start3A_157] : memref<125x80xi32, #tpu.memory_space<vmem>> -> memref<1x80xi32, #tpu.memory_space<vmem>>
          %dma_start3A_159 = tpu.memref_squeeze %dma_start3A_158 : memref<1x80xi32, #tpu.memory_space<vmem>> -> memref<80xi32, #tpu.memory_space<vmem>>
          %dma_start3A_160 = arith.constant 0 : i32
          %dma_start3A_161 = arith.constant 0 : i32
          %dma_start3A_162 = tpu.memref_slice %arg2[%dma_start3A_160, %dma_start3A_161] : memref<10000x64xf32, #tpu.memory_space<hbm>> -> memref<10000x64xf32, #tpu.memory_space<hbm>>
          tpu.enqueue_indirect_dma source(%dma_start3A_162 : memref<10000x64xf32, #tpu.memory_space<hbm>>) target(%arg16 : memref<80x64xf32, #tpu.memory_space<vmem>>) offsets(%dma_start3A_159 : memref<80xi32, #tpu.memory_space<vmem>>) semaphore(%arg24 : memref<!tpu.dma_semaphore, #tpu.memory_space<semaphore_mem>>)
        } else {
        }
      } else {
      }
    }
    %scan3A_66 = arith.constant 125 : i32
    %dma_wait3A = arith.constant 0 : i32
    %dma_wait3A_67 = arith.constant 0 : i32
    %dma_wait3A_68 = tpu.memref_slice %arg8[%dma_wait3A, %dma_wait3A_67] : memref<125x80xi32, #tpu.memory_space<vmem>> -> memref<1x80xi32, #tpu.memory_space<vmem>>
    %dma_wait3A_69 = tpu.memref_squeeze %dma_wait3A_68 : memref<1x80xi32, #tpu.memory_space<vmem>> -> memref<80xi32, #tpu.memory_space<vmem>>
    %dma_wait3A_70 = arith.constant 0 : i32
    %dma_wait3A_71 = arith.constant 0 : i32
    %dma_wait3A_72 = tpu.memref_slice %arg6[%dma_wait3A_70, %dma_wait3A_71] : memref<10008x64xf32, #tpu.memory_space<vmem_shared>> -> memref<10008x64xf32, #tpu.memory_space<vmem_shared>>
    tpu.wait_indirect_dma semaphore(%arg30 : memref<!tpu.dma_semaphore, #tpu.memory_space<semaphore_mem>>) src(%arg14 : memref<80x64xf32, #tpu.memory_space<vmem>>) dst(%dma_wait3A_72 : memref<10008x64xf32, #tpu.memory_space<vmem_shared>>)
    %barrier3A_73 = arith.constant 0 : index
    tpu.barrier barrier_id(%barrier3A_73)
    %scan3A_74 = arith.constant 0 : i32
    %scan3A_75 = arith.constant 0 : i32
    %scan3A_76 = arith.constant 125 : i32
    %scan3A_77 = arith.addi %scan3A_75, %scan3A_76 : i32
    %scan3A_78 = arith.constant 1 : i32
    scf.for %scan3A_80 = %scan3A_75 to %scan3A_77 step %scan3A_78  : i32 {
      %jit3A = arith.constant 16 : i32
      %eq3A = arith.constant 0 : i32
      %eq3A_81 = arith.cmpi eq, %jit3A, %eq3A : i32
      %jit3A_82 = arith.constant 1 : i32
      %select_n3A = arith.select %eq3A_81, %jit3A_82, %jit3A : i32
      %rem3A = arith.remsi %scan3A_80, %select_n3A : i32
      %ne3A = arith.constant 0 : i32
      %ne3A_83 = arith.cmpi ne, %rem3A, %ne3A : i32
      %lt3A = arith.constant 0 : i32
      %lt3A_84 = arith.cmpi slt, %rem3A, %lt3A : i32
      %lt3A_85 = arith.constant 0 : i32
      %lt3A_86 = arith.cmpi slt, %select_n3A, %lt3A_85 : i32
      %ne3A_87 = arith.xori %lt3A_84, %lt3A_86 : i1
      %and3A = arith.andi %ne3A_87, %ne3A_83 : i1
      %add3A_88 = arith.addi %rem3A, %select_n3A : i32
      %select_n3A_89 = arith.select %and3A, %add3A_88, %rem3A : i32
      %eq3A_90 = arith.cmpi eq, %select_n3A_89, %arg1 : i32
      %convert_element_type3A = arith.extui %eq3A_90 : i1 to i32
      %cond3A = arith.constant 0 : i32
      %cond3A_91 = arith.cmpi ne, %convert_element_type3A, %cond3A : i32
      scf.if %cond3A_91 {
        %mul3A_92 = arith.constant 80 : i32
        %mul3A_93 = arith.muli %scan3A_80, %mul3A_92 : i32
        %mul3A_94 = arith.constant 80 : i32
        %mul3A_95 = arith.muli %scan3A_80, %mul3A_94 : i32
        "tpu.region"() ({
          %run_scoped3A = tpu.sem_alloc : memref<!tpu.dma_semaphore, #tpu.memory_space<semaphore_mem>>
          %dma_start3A_96 = arith.constant 0 : i32
          %dma_start3A_97 = tpu.memref_slice %arg5[%arg0, %mul3A_95, %dma_start3A_96] : memref<2x10000x64xf32, #tpu.memory_space<hbm>> -> memref<1x80x64xf32, #tpu.memory_space<hbm>>
          %dma_start3A_98 = tpu.memref_squeeze %dma_start3A_97 : memref<1x80x64xf32, #tpu.memory_space<hbm>> -> memref<80x64xf32, #tpu.memory_space<hbm>>
          %dma_start3A_99 = arith.constant 0 : i32
          %dma_start3A_100 = tpu.memref_slice %arg6[%mul3A_93, %dma_start3A_99] : memref<10008x64xf32, #tpu.memory_space<vmem_shared>> -> memref<80x64xf32, #tpu.memory_space<vmem_shared>>
          tpu.enqueue_dma source(%dma_start3A_100 : memref<80x64xf32, #tpu.memory_space<vmem_shared>>) target(%dma_start3A_98 : memref<80x64xf32, #tpu.memory_space<hbm>>) target_semaphore(%run_scoped3A : memref<!tpu.dma_semaphore, #tpu.memory_space<semaphore_mem>>)
          %dma_wait3A_101 = arith.constant 0 : i32
          %dma_wait3A_102 = tpu.memref_slice %arg5[%arg0, %mul3A_95, %dma_wait3A_101] : memref<2x10000x64xf32, #tpu.memory_space<hbm>> -> memref<1x80x64xf32, #tpu.memory_space<hbm>>
          %dma_wait3A_103 = tpu.memref_squeeze %dma_wait3A_102 : memref<1x80x64xf32, #tpu.memory_space<hbm>> -> memref<80x64xf32, #tpu.memory_space<hbm>>
          %dma_wait3A_104 = arith.constant 0 : i32
          %dma_wait3A_105 = tpu.memref_slice %arg6[%mul3A_93, %dma_wait3A_104] : memref<10008x64xf32, #tpu.memory_space<vmem_shared>> -> memref<80x64xf32, #tpu.memory_space<vmem_shared>>
          tpu.wait_dma2 semaphore(%run_scoped3A : memref<!tpu.dma_semaphore, #tpu.memory_space<semaphore_mem>>) src(%dma_wait3A_105 : memref<80x64xf32, #tpu.memory_space<vmem_shared>>) dst(%dma_wait3A_103 : memref<80x64xf32, #tpu.memory_space<hbm>>)
          tpu.yield
        }) : () -> ()
      } else {
      }
    }
    %scan3A_79 = arith.constant 125 : i32
    return
  }
}

module attributes {stable_mosaic.version = 14 : i64} {
  func.func @_tc_in_body(%arg0: memref<10000x128xf32, #tpu.memory_space<vmem>>, %arg1: memref<128x64xf32, #tpu.memory_space<vmem>>, %arg2: memref<128x64xf32, #tpu.memory_space<vmem>>, %arg3: memref<1x64xf32, #tpu.memory_space<vmem>>, %arg4: memref<10000x64xf32, #tpu.memory_space<vmem>>, %arg5: memref<10000x64xf32, #tpu.memory_space<vmem>>) attributes {dimension_semantics = [], scalar_prefetch = 0 : i64, scratch_operands = 0 : i64, tpu.core_type = #tpu.core_type<tc>} {
    %get3A = arith.constant 0 : index
    %get3A_0 = arith.constant 0 : index
    %get3A_1 = vector.load %arg0[%get3A, %get3A_0] : memref<10000x128xf32, #tpu.memory_space<vmem>>, vector<10000x128xf32>
    %get3A_2 = arith.constant 0 : index
    %get3A_3 = arith.constant 0 : index
    %get3A_4 = vector.load %arg1[%get3A_2, %get3A_3] : memref<128x64xf32, #tpu.memory_space<vmem>>, vector<128x64xf32>
    %dot_general3A = arith.constant dense<0.000000e+00> : vector<10000x64xf32>
    %dot_general3A_5 = tpu.matmul %get3A_1, %get3A_4, %dot_general3A {dimension_numbers = #tpu.dot_dimension_numbers<[1], [0], [0], [1], [0, 0, 1, 1], [], []>, transpose_lhs_hint = false} : vector<10000x128xf32>, vector<128x64xf32>, vector<10000x64xf32> -> vector<10000x64xf32>
    %swap3A = arith.constant 0 : index
    %swap3A_6 = arith.constant 0 : index
    %swap3A_7 = vector.load %arg4[%swap3A, %swap3A_6] : memref<10000x64xf32, #tpu.memory_space<vmem>>, vector<10000x64xf32>
    tpu.vector_store %arg4[%swap3A, %swap3A_6], %dot_general3A_5 {strides = array<i32>} : memref<10000x64xf32, #tpu.memory_space<vmem>>, vector<10000x64xf32>,
    %get3A_8 = arith.constant 0 : index
    %get3A_9 = arith.constant 0 : index
    %get3A_10 = vector.load %arg2[%get3A_8, %get3A_9] : memref<128x64xf32, #tpu.memory_space<vmem>>, vector<128x64xf32>
    %dot_general3A_11 = arith.constant dense<0.000000e+00> : vector<10000x64xf32>
    %dot_general3A_12 = tpu.matmul %get3A_1, %get3A_10, %dot_general3A_11 {dimension_numbers = #tpu.dot_dimension_numbers<[1], [0], [0], [1], [0, 0, 1, 1], [], []>, transpose_lhs_hint = false} : vector<10000x128xf32>, vector<128x64xf32>, vector<10000x64xf32> -> vector<10000x64xf32>
    %get3A_13 = arith.constant 0 : index
    %get3A_14 = arith.constant 0 : index
    %get3A_15 = vector.load %arg3[%get3A_13, %get3A_14] : memref<1x64xf32, #tpu.memory_space<vmem>>, vector<1x64xf32>
    %add3A = vector.broadcast %get3A_15 : vector<1x64xf32> to vector<10000x64xf32>
    %add3A_16 = arith.addf %dot_general3A_12, %add3A : vector<10000x64xf32>
    %swap3A_17 = arith.constant 0 : index
    %swap3A_18 = arith.constant 0 : index
    %swap3A_19 = vector.load %arg5[%swap3A_17, %swap3A_18] : memref<10000x64xf32, #tpu.memory_space<vmem>>, vector<10000x64xf32>
    tpu.vector_store %arg5[%swap3A_17, %swap3A_18], %add3A_16 {strides = array<i32>} : memref<10000x64xf32, #tpu.memory_space<vmem>>, vector<10000x64xf32>,
    return
  }
}

module attributes {stable_mosaic.version = 14 : i64} {
  func.func @_tc_mid_body(%arg0: memref<2x10000x64xf32, #tpu.memory_space<vmem>>, %arg1: memref<20000xf32, #tpu.memory_space<vmem>>, %arg2: memref<10000x64xf32, #tpu.memory_space<vmem>>, %arg3: memref<64x64xf32, #tpu.memory_space<vmem>>, %arg4: memref<64x64xf32, #tpu.memory_space<vmem>>, %arg5: memref<1x64xf32, #tpu.memory_space<vmem>>, %arg6: memref<10000x64xf32, #tpu.memory_space<vmem>>, %arg7: memref<10000x64xf32, #tpu.memory_space<vmem>>) attributes {dimension_semantics = [], scalar_prefetch = 0 : i64, scratch_operands = 0 : i64, tpu.core_type = #tpu.core_type<tc>} {
    %get3A = arith.constant 0 : index
    %get3A_0 = vector.load %arg1[%get3A] : memref<20000xf32, #tpu.memory_space<vmem>>, vector<10000xf32>
    %get3A_1 = arith.constant 10000 : index
    %get3A_2 = vector.load %arg1[%get3A_1] : memref<20000xf32, #tpu.memory_space<vmem>>, vector<10000xf32>
    %add3A = arith.addf %get3A_0, %get3A_2 : vector<10000xf32>
    %max3A = arith.constant 1.000000e+00 : f32
    %max3A_3 = vector.broadcast %max3A : f32 to vector<10000xf32>
    %max3A_4 = arith.maximumf %add3A, %max3A_3 : vector<10000xf32>
    %div3A = arith.constant 1.000000e+00 : f32
    %div3A_5 = vector.broadcast %div3A : f32 to vector<10000xf32>
    %div3A_6 = arith.divf %div3A_5, %max3A_4 : vector<10000xf32>
    %reshape3A = vector.shape_cast %div3A_6 : vector<10000xf32> to vector<10000x1xf32>
    %get3A_7 = arith.constant 0 : index
    %get3A_8 = arith.constant 0 : index
    %get3A_9 = arith.constant 0 : index
    %get3A_10 = vector.load %arg0[%get3A_7, %get3A_8, %get3A_9] : memref<2x10000x64xf32, #tpu.memory_space<vmem>>, vector<1x10000x64xf32>
    %get3A_11 = vector.shape_cast %get3A_10 : vector<1x10000x64xf32> to vector<10000x64xf32>
    %get3A_12 = arith.constant 1 : index
    %get3A_13 = arith.constant 0 : index
    %get3A_14 = arith.constant 0 : index
    %get3A_15 = vector.load %arg0[%get3A_12, %get3A_13, %get3A_14] : memref<2x10000x64xf32, #tpu.memory_space<vmem>>, vector<1x10000x64xf32>
    %get3A_16 = vector.shape_cast %get3A_15 : vector<1x10000x64xf32> to vector<10000x64xf32>
    %add3A_17 = arith.addf %get3A_11, %get3A_16 : vector<10000x64xf32>
    %mul3A = vector.broadcast %reshape3A : vector<10000x1xf32> to vector<10000x64xf32>
    %mul3A_18 = arith.mulf %add3A_17, %mul3A : vector<10000x64xf32>
    %get3A_19 = arith.constant 0 : index
    %get3A_20 = arith.constant 0 : index
    %get3A_21 = vector.load %arg2[%get3A_19, %get3A_20] : memref<10000x64xf32, #tpu.memory_space<vmem>>, vector<10000x64xf32>
    %add3A_22 = arith.addf %mul3A_18, %get3A_21 : vector<10000x64xf32>
    %max3A_23 = arith.constant 0.000000e+00 : f32
    %max3A_24 = vector.broadcast %max3A_23 : f32 to vector<10000x64xf32>
    %max3A_25 = arith.maximumf %add3A_22, %max3A_24 : vector<10000x64xf32>
    %get3A_26 = arith.constant 0 : index
    %get3A_27 = arith.constant 0 : index
    %get3A_28 = vector.load %arg3[%get3A_26, %get3A_27] : memref<64x64xf32, #tpu.memory_space<vmem>>, vector<64x64xf32>
    %dot_general3A = arith.constant dense<0.000000e+00> : vector<10000x64xf32>
    %dot_general3A_29 = tpu.matmul %max3A_25, %get3A_28, %dot_general3A {dimension_numbers = #tpu.dot_dimension_numbers<[1], [0], [0], [1], [0, 0, 1, 1], [], []>, transpose_lhs_hint = false} : vector<10000x64xf32>, vector<64x64xf32>, vector<10000x64xf32> -> vector<10000x64xf32>
    %swap3A = arith.constant 0 : index
    %swap3A_30 = arith.constant 0 : index
    %swap3A_31 = vector.load %arg6[%swap3A, %swap3A_30] : memref<10000x64xf32, #tpu.memory_space<vmem>>, vector<10000x64xf32>
    tpu.vector_store %arg6[%swap3A, %swap3A_30], %dot_general3A_29 {strides = array<i32>} : memref<10000x64xf32, #tpu.memory_space<vmem>>, vector<10000x64xf32>,
    %get3A_32 = arith.constant 0 : index
    %get3A_33 = arith.constant 0 : index
    %get3A_34 = vector.load %arg4[%get3A_32, %get3A_33] : memref<64x64xf32, #tpu.memory_space<vmem>>, vector<64x64xf32>
    %dot_general3A_35 = arith.constant dense<0.000000e+00> : vector<10000x64xf32>
    %dot_general3A_36 = tpu.matmul %max3A_25, %get3A_34, %dot_general3A_35 {dimension_numbers = #tpu.dot_dimension_numbers<[1], [0], [0], [1], [0, 0, 1, 1], [], []>, transpose_lhs_hint = false} : vector<10000x64xf32>, vector<64x64xf32>, vector<10000x64xf32> -> vector<10000x64xf32>
    %get3A_37 = arith.constant 0 : index
    %get3A_38 = arith.constant 0 : index
    %get3A_39 = vector.load %arg5[%get3A_37, %get3A_38] : memref<1x64xf32, #tpu.memory_space<vmem>>, vector<1x64xf32>
    %add3A_40 = vector.broadcast %get3A_39 : vector<1x64xf32> to vector<10000x64xf32>
    %add3A_41 = arith.addf %dot_general3A_36, %add3A_40 : vector<10000x64xf32>
    %swap3A_42 = arith.constant 0 : index
    %swap3A_43 = arith.constant 0 : index
    %swap3A_44 = vector.load %arg7[%swap3A_42, %swap3A_43] : memref<10000x64xf32, #tpu.memory_space<vmem>>, vector<10000x64xf32>
    tpu.vector_store %arg7[%swap3A_42, %swap3A_43], %add3A_41 {strides = array<i32>} : memref<10000x64xf32, #tpu.memory_space<vmem>>, vector<10000x64xf32>,
    return
  }
}

module attributes {stable_mosaic.version = 14 : i64} {
  func.func @_tc_mid_body(%arg0: memref<2x10000x64xf32, #tpu.memory_space<vmem>>, %arg1: memref<20000xf32, #tpu.memory_space<vmem>>, %arg2: memref<10000x64xf32, #tpu.memory_space<vmem>>, %arg3: memref<64x16xf32, #tpu.memory_space<vmem>>, %arg4: memref<64x16xf32, #tpu.memory_space<vmem>>, %arg5: memref<1x16xf32, #tpu.memory_space<vmem>>, %arg6: memref<10000x16xf32, #tpu.memory_space<vmem>>, %arg7: memref<10000x16xf32, #tpu.memory_space<vmem>>) attributes {dimension_semantics = [], scalar_prefetch = 0 : i64, scratch_operands = 0 : i64, tpu.core_type = #tpu.core_type<tc>} {
    %get3A = arith.constant 0 : index
    %get3A_0 = vector.load %arg1[%get3A] : memref<20000xf32, #tpu.memory_space<vmem>>, vector<10000xf32>
    %get3A_1 = arith.constant 10000 : index
    %get3A_2 = vector.load %arg1[%get3A_1] : memref<20000xf32, #tpu.memory_space<vmem>>, vector<10000xf32>
    %add3A = arith.addf %get3A_0, %get3A_2 : vector<10000xf32>
    %max3A = arith.constant 1.000000e+00 : f32
    %max3A_3 = vector.broadcast %max3A : f32 to vector<10000xf32>
    %max3A_4 = arith.maximumf %add3A, %max3A_3 : vector<10000xf32>
    %div3A = arith.constant 1.000000e+00 : f32
    %div3A_5 = vector.broadcast %div3A : f32 to vector<10000xf32>
    %div3A_6 = arith.divf %div3A_5, %max3A_4 : vector<10000xf32>
    %reshape3A = vector.shape_cast %div3A_6 : vector<10000xf32> to vector<10000x1xf32>
    %get3A_7 = arith.constant 0 : index
    %get3A_8 = arith.constant 0 : index
    %get3A_9 = arith.constant 0 : index
    %get3A_10 = vector.load %arg0[%get3A_7, %get3A_8, %get3A_9] : memref<2x10000x64xf32, #tpu.memory_space<vmem>>, vector<1x10000x64xf32>
    %get3A_11 = vector.shape_cast %get3A_10 : vector<1x10000x64xf32> to vector<10000x64xf32>
    %get3A_12 = arith.constant 1 : index
    %get3A_13 = arith.constant 0 : index
    %get3A_14 = arith.constant 0 : index
    %get3A_15 = vector.load %arg0[%get3A_12, %get3A_13, %get3A_14] : memref<2x10000x64xf32, #tpu.memory_space<vmem>>, vector<1x10000x64xf32>
    %get3A_16 = vector.shape_cast %get3A_15 : vector<1x10000x64xf32> to vector<10000x64xf32>
    %add3A_17 = arith.addf %get3A_11, %get3A_16 : vector<10000x64xf32>
    %mul3A = vector.broadcast %reshape3A : vector<10000x1xf32> to vector<10000x64xf32>
    %mul3A_18 = arith.mulf %add3A_17, %mul3A : vector<10000x64xf32>
    %get3A_19 = arith.constant 0 : index
    %get3A_20 = arith.constant 0 : index
    %get3A_21 = vector.load %arg2[%get3A_19, %get3A_20] : memref<10000x64xf32, #tpu.memory_space<vmem>>, vector<10000x64xf32>
    %add3A_22 = arith.addf %mul3A_18, %get3A_21 : vector<10000x64xf32>
    %max3A_23 = arith.constant 0.000000e+00 : f32
    %max3A_24 = vector.broadcast %max3A_23 : f32 to vector<10000x64xf32>
    %max3A_25 = arith.maximumf %add3A_22, %max3A_24 : vector<10000x64xf32>
    %get3A_26 = arith.constant 0 : index
    %get3A_27 = arith.constant 0 : index
    %get3A_28 = vector.load %arg3[%get3A_26, %get3A_27] : memref<64x16xf32, #tpu.memory_space<vmem>>, vector<64x16xf32>
    %dot_general3A = arith.constant dense<0.000000e+00> : vector<10000x16xf32>
    %dot_general3A_29 = tpu.matmul %max3A_25, %get3A_28, %dot_general3A {dimension_numbers = #tpu.dot_dimension_numbers<[1], [0], [0], [1], [0, 0, 1, 1], [], []>, transpose_lhs_hint = false} : vector<10000x64xf32>, vector<64x16xf32>, vector<10000x16xf32> -> vector<10000x16xf32>
    %swap3A = arith.constant 0 : index
    %swap3A_30 = arith.constant 0 : index
    %swap3A_31 = vector.load %arg6[%swap3A, %swap3A_30] : memref<10000x16xf32, #tpu.memory_space<vmem>>, vector<10000x16xf32>
    tpu.vector_store %arg6[%swap3A, %swap3A_30], %dot_general3A_29 {strides = array<i32>} : memref<10000x16xf32, #tpu.memory_space<vmem>>, vector<10000x16xf32>,
    %get3A_32 = arith.constant 0 : index
    %get3A_33 = arith.constant 0 : index
    %get3A_34 = vector.load %arg4[%get3A_32, %get3A_33] : memref<64x16xf32, #tpu.memory_space<vmem>>, vector<64x16xf32>
    %dot_general3A_35 = arith.constant dense<0.000000e+00> : vector<10000x16xf32>
    %dot_general3A_36 = tpu.matmul %max3A_25, %get3A_34, %dot_general3A_35 {dimension_numbers = #tpu.dot_dimension_numbers<[1], [0], [0], [1], [0, 0, 1, 1], [], []>, transpose_lhs_hint = false} : vector<10000x64xf32>, vector<64x16xf32>, vector<10000x16xf32> -> vector<10000x16xf32>
    %get3A_37 = arith.constant 0 : index
    %get3A_38 = arith.constant 0 : index
    %get3A_39 = vector.load %arg5[%get3A_37, %get3A_38] : memref<1x16xf32, #tpu.memory_space<vmem>>, vector<1x16xf32>
    %add3A_40 = vector.broadcast %get3A_39 : vector<1x16xf32> to vector<10000x16xf32>
    %add3A_41 = arith.addf %dot_general3A_36, %add3A_40 : vector<10000x16xf32>
    %swap3A_42 = arith.constant 0 : index
    %swap3A_43 = arith.constant 0 : index
    %swap3A_44 = vector.load %arg7[%swap3A_42, %swap3A_43] : memref<10000x16xf32, #tpu.memory_space<vmem>>, vector<10000x16xf32>
    tpu.vector_store %arg7[%swap3A_42, %swap3A_43], %add3A_41 {strides = array<i32>} : memref<10000x16xf32, #tpu.memory_space<vmem>>, vector<10000x16xf32>,
    return
  }
}

module attributes {stable_mosaic.version = 14 : i64} {
  func.func @_tc_fin_body(%arg0: memref<2x10000x16xf32, #tpu.memory_space<vmem>>, %arg1: memref<20000xf32, #tpu.memory_space<vmem>>, %arg2: memref<10000x16xf32, #tpu.memory_space<vmem>>, %arg3: memref<10000x16xf32, #tpu.memory_space<vmem>>) attributes {dimension_semantics = [], scalar_prefetch = 0 : i64, scratch_operands = 0 : i64, tpu.core_type = #tpu.core_type<tc>} {
    %get3A = arith.constant 0 : index
    %get3A_0 = vector.load %arg1[%get3A] : memref<20000xf32, #tpu.memory_space<vmem>>, vector<10000xf32>
    %get3A_1 = arith.constant 10000 : index
    %get3A_2 = vector.load %arg1[%get3A_1] : memref<20000xf32, #tpu.memory_space<vmem>>, vector<10000xf32>
    %add3A = arith.addf %get3A_0, %get3A_2 : vector<10000xf32>
    %max3A = arith.constant 1.000000e+00 : f32
    %max3A_3 = vector.broadcast %max3A : f32 to vector<10000xf32>
    %max3A_4 = arith.maximumf %add3A, %max3A_3 : vector<10000xf32>
    %div3A = arith.constant 1.000000e+00 : f32
    %div3A_5 = vector.broadcast %div3A : f32 to vector<10000xf32>
    %div3A_6 = arith.divf %div3A_5, %max3A_4 : vector<10000xf32>
    %reshape3A = vector.shape_cast %div3A_6 : vector<10000xf32> to vector<10000x1xf32>
    %get3A_7 = arith.constant 0 : index
    %get3A_8 = arith.constant 0 : index
    %get3A_9 = arith.constant 0 : index
    %get3A_10 = vector.load %arg0[%get3A_7, %get3A_8, %get3A_9] : memref<2x10000x16xf32, #tpu.memory_space<vmem>>, vector<1x10000x16xf32>
    %get3A_11 = vector.shape_cast %get3A_10 : vector<1x10000x16xf32> to vector<10000x16xf32>
    %get3A_12 = arith.constant 1 : index
    %get3A_13 = arith.constant 0 : index
    %get3A_14 = arith.constant 0 : index
    %get3A_15 = vector.load %arg0[%get3A_12, %get3A_13, %get3A_14] : memref<2x10000x16xf32, #tpu.memory_space<vmem>>, vector<1x10000x16xf32>
    %get3A_16 = vector.shape_cast %get3A_15 : vector<1x10000x16xf32> to vector<10000x16xf32>
    %add3A_17 = arith.addf %get3A_11, %get3A_16 : vector<10000x16xf32>
    %mul3A = vector.broadcast %reshape3A : vector<10000x1xf32> to vector<10000x16xf32>
    %mul3A_18 = arith.mulf %add3A_17, %mul3A : vector<10000x16xf32>
    %get3A_19 = arith.constant 0 : index
    %get3A_20 = arith.constant 0 : index
    %get3A_21 = vector.load %arg2[%get3A_19, %get3A_20] : memref<10000x16xf32, #tpu.memory_space<vmem>>, vector<10000x16xf32>
    %add3A_22 = arith.addf %mul3A_18, %get3A_21 : vector<10000x16xf32>
    %iota3A = tpu.iota {dimensions = array<i32: 1>} : vector<10000x16xi32>
    %lt3A = arith.constant 7 : i32
    %lt3A_23 = vector.broadcast %lt3A : i32 to vector<10000x16xi32>
    %lt3A_24 = arith.cmpi slt, %iota3A, %lt3A_23 : vector<10000x16xi32>
    %jit3A = arith.constant -1.000000e+30 : f32
    %broadcast_in_dim3A = vector.broadcast %jit3A : f32 to vector<10000x16xf32>
    %select_n3A = arith.select %lt3A_24, %add3A_22, %broadcast_in_dim3A : vector<10000x16xi1>, vector<10000x16xf32>
    %reduce_max3A = arith.constant dense<0xFF800000> : vector<10000xf32>
    %reduce_max3A_25 = vector.multi_reduction <maximumf>, %select_n3A, %reduce_max3A [1] : vector<10000x16xf32> to vector<10000xf32>
    %broadcast_in_dim3A_26 = vector.shape_cast %reduce_max3A_25 : vector<10000xf32> to vector<10000x1xf32>
    %sub3A = vector.broadcast %broadcast_in_dim3A_26 : vector<10000x1xf32> to vector<10000x16xf32>
    %sub3A_27 = arith.subf %add3A_22, %sub3A : vector<10000x16xf32>
    %exp3A = math.exp %sub3A_27 : vector<10000x16xf32>
    %jit3A_28 = arith.constant 0.000000e+00 : f32
    %broadcast_in_dim3A_29 = vector.broadcast %jit3A_28 : f32 to vector<10000x16xf32>
    %select_n3A_30 = arith.select %lt3A_24, %exp3A, %broadcast_in_dim3A_29 : vector<10000x16xi1>, vector<10000x16xf32>
    %reduce_sum3A = arith.constant dense<0.000000e+00> : vector<10000xf32>
    %reduce_sum3A_31 = vector.multi_reduction <add>, %select_n3A_30, %reduce_sum3A [1] : vector<10000x16xf32> to vector<10000xf32>
    %broadcast_in_dim3A_32 = vector.shape_cast %reduce_sum3A_31 : vector<10000xf32> to vector<10000x1xf32>
    %sub3A_33 = vector.broadcast %broadcast_in_dim3A_26 : vector<10000x1xf32> to vector<10000x16xf32>
    %sub3A_34 = arith.subf %add3A_22, %sub3A_33 : vector<10000x16xf32>
    %log3A = math.log %broadcast_in_dim3A_32 : vector<10000x1xf32>
    %sub3A_35 = vector.broadcast %log3A : vector<10000x1xf32> to vector<10000x16xf32>
    %sub3A_36 = arith.subf %sub3A_34, %sub3A_35 : vector<10000x16xf32>
    %swap3A = arith.constant 0 : index
    %swap3A_37 = arith.constant 0 : index
    %swap3A_38 = vector.load %arg3[%swap3A, %swap3A_37] : memref<10000x16xf32, #tpu.memory_space<vmem>>, vector<10000x16xf32>
    tpu.vector_store %arg3[%swap3A, %swap3A_37], %sub3A_36 {strides = array<i32>} : memref<10000x16xf32, #tpu.memory_space<vmem>>, vector<10000x16xf32>,
    return
  }
}

</mosaic_0001>

<sc_bundles>
// kernel: kernel.12.cloned.1.call-start
scs
__scs_entry_jumppad:
0x0: {  	(pc) =	sbr.rel $0x88, $3  }
0x1: {  	(tag) =	ssettag $0x0;
	lr =	simm.s32 $0x1  }
0x2: {  	[smem:$0x3F96] =	sst lr;
	_ =	strace $0xD0000000  }
0x3: {  	_ = 	snop  }
0x4: {  	_ = 	snop  }
0x5: {  	_ = 	snop  }
0x6: {  	_ = 	snop  }
0x7: {  	_ = 	snop  }
__scs_overlays_trampoline_lowered:
0x8: {  	[smem:$0x3FA5] =	sst s0  }
0x9: {  	[smem:$0x3FA6] =	sst s1  }
0xa: {  	[smem:$0x3FA7] =	sst s2  }
0xb: {  	[smem:$0x3FA8] =	sst s3  }
0xc: {  	[smem:$0x3FA9] =	sst s4  }
0xd: {  	[smem:$0x3FAA] =	sst s5  }
0xe: {  	[smem:$0x3FAB] =	sst s6  }
0xf: {  	[smem:$0x3FAC] =	sst s7  }
0x10: {  	[smem:$0x3FAD] =	sst s8  }
0x11: {  	[smem:$0x3FAE] =	sst s9;
	s0 =	simm.s32 @!p0 $0x0  }
0x12: {  	s1 =	sld [smem:$0x3F94];
	s0 =	simm.s32 @p0 $0x1  }
0x13: {  	[smem:$0x3FAF] =	sst s0;
	s0 =	simm.s32 @!p1 $0x0  }
0x14: {  	s2 =	sld [smem:$0x3F93];
	s0 =	simm.s32 @p1 $0x1  }
0x15: {  	[smem:$0x3FB0] =	sst s0;
	s0 =	simm.s32 @!p2 $0x0  }
0x16: {  	s3 =	sld [smem:$0x3FDB];
	s0 =	simm.s32 @p2 $0x1  }
0x17: {  	s4 =	simm.s32 $0x1BF5;
	[smem:$0x3FB2] =	sst s0  }
0x18: {  	s0 =	sld [smem:$0x3F95];
	_ =	swait.ge [sflag:s4], $0x0  }
0x19: {  	s7 =	sld [smem:$0x3F96]  }
0x1a: {  	s8 =	sadd.s32 $0xFFFFE003, lr  }
0x1b: {  	s9 =	sadd.s32 $0xFFFFFEF7, lr;
	s5 =	simm.s32 $0xFFFFFFFF;
	p2 =	slt.u32 s8, $0xFFFFF086  }
0x1c: {  	p1 =	slt.u32 s9, $0xF7A;
	s5 =	simm.s32 @!p2 $0x0  }
0x1d: {  	s5 =	simm.s32 @p1 $0x1;
	p0 =	seq.s32 s7, s2  }
0x1e: {  	s7 =	smul.u32 @!p0 $0xF7A, s2;
	p2 =	seq.s32 @!p0 s5, $0x0  }
0x1f: {  	s9 =	smul.u32 $0xF7A, s1;
	s8 =	simm.s32 @!p0 $0x1BF5;
	p2 =	por !p2, p0  }
0x20: {  	[sflag:s8] =	ssyncset.s32 @!p0 $0xFFFFF086;
	s6 =	sadd.s32 @!p0 s3, s7;
	s7 =	simm.s32 @!p0 $0x108  }
0x21: {  	s3 =	sadd.s32 s3, s9;
	s6 =	sadd.s32 @!p0 $0x88, s6;
	s7 =	simm.s32 @p2 $0x1082  }
0x22: {  	[simem:s7], [sflag:s8] =	dma.local @!p0 [hbm:s6], $0xF7A  }
0x23: {  	s9 =	sor.u32 $0xD0000000, s2;
	s6 =	simm.s32 $0x108;
	_ =	swait.ge @!p0 [sflag:s8], $0x0  }
0x24: {  	s3 =	sadd.s32 $0x88, s3;
	s6 =	simm.s32 @!p1 $0x1082;
	[sflag:s4] =	ssyncset.s32 $0xFFFFF086  }
0x25: {  	[simem:s6], [sflag:s4] =	dma.local [hbm:s3], $0xF7A  }
0x26: {  	[smem:$0x3F96] =	sst s1;
	(tag) =	ssettag s2;
	_ =	strace s9  }
0x27: {  	s1 =	sld [smem:$0x3FA6]  }
0x28: {  	s2 =	sld [smem:$0x3FA7]  }
0x29: {  	s4 =	sld [smem:$0x3FA9]  }
0x2a: {  	p0 =	seq.s32 s5, $0x0;
	s5 =	sld [smem:$0x3FAA]  }
0x2b: {  	s6 =	sld [smem:$0x3FAB]  }
0x2c: {  	s7 =	sld [smem:$0x3FAC]  }
0x2d: {  	s3 =	simm.s32 $0x108;
	s8 =	sld [smem:$0x3FAD]  }
0x2e: {  	s3 =	simm.s32 @!p0 $0x1082;
	s9 =	sld [smem:$0x3FAE]  }
0x2f: {  	lr =	sadd.s32 s0, s3;
	s0 =	sld [smem:$0x3FA5]  }
0x30: {  	s3 =	sld [smem:$0x3FA8]  }
0x31: {  	[smem:$0x3FB1] =	sst s10  }
0x32: {  	s10 =	sld [smem:$0x3FAF];
	_ =	sdelay $0x3  }
0x33: {  	p0 =	seq.s32 s10, $0x1;
	s10 =	sld [smem:$0x3FB1];
	_ =	sdelay $0x3  }
0x34: {  	[smem:$0x3FB1] =	sst s10  }
0x35: {  	s10 =	sld [smem:$0x3FB0];
	_ =	sdelay $0x3  }
0x36: {  	p1 =	seq.s32 s10, $0x1;
	s10 =	sld [smem:$0x3FB1];
	_ =	sdelay $0x3  }
0x37: {  	[smem:$0x3FB1] =	sst s10  }
0x38: {  	s10 =	sld [smem:$0x3FB2]  }
0x39: {  	_ = 	snop;
	(pc) =	sbr.ind lr, $3  }
0x3a: {  	_ = 	snop  }
0x3b: {  	_ = 	snop  }
0x3c: {  	p2 =	seq.s32 s10, $0x1;
	s10 =	sld [smem:$0x3FB1]  }
0x3d: {  	_ =	shalt  }
0x3e: {  	_ =	shalt  }
0x3f: {  	_ =	shalt  }
0x40: {  	_ =	shalt  }
0x41: {  	_ =	shalt  }
0x42: {  	_ =	shalt  }
0x43: {  	_ =	shalt  }
0x44: {  	_ =	shalt  }
0x45: {  	_ =	shalt  }
0x46: {  	_ =	shalt  }
0x47: {  	_ =	shalt  }
0x48: {  	_ =	shalt  }
0x49: {  	_ =	shalt  }
0x4a: {  	_ =	shalt  }
0x4b: {  	_ =	shalt  }
0x4c: {  	_ =	shalt  }
0x4d: {  	_ =	shalt  }
0x4e: {  	_ =	shalt  }
0x4f: {  	_ =	shalt  }
0x50: {  	_ =	shalt  }
0x51: {  	_ =	shalt  }
0x52: {  	_ =	shalt  }
0x53: {  	_ =	shalt  }
0x54: {  	_ =	shalt  }
0x55: {  	_ =	shalt  }
0x56: {  	_ =	shalt  }
0x57: {  	_ =	shalt  }
0x58: {  	_ =	shalt  }
0x59: {  	_ =	shalt  }
0x5a: {  	_ =	shalt  }
0x5b: {  	_ =	shalt  }
0x5c: {  	_ =	shalt  }
0x5d: {  	_ =	shalt  }
0x5e: {  	_ =	shalt  }
0x5f: {  	_ =	shalt  }
0x60: {  	_ =	shalt  }
0x61: {  	_ =	shalt  }
0x62: {  	_ =	shalt  }
0x63: {  	_ =	shalt  }
0x64: {  	_ =	shalt  }
0x65: {  	_ =	shalt  }
0x66: {  	_ =	shalt  }
0x67: {  	_ =	shalt  }
0x68: {  	_ =	shalt  }
0x69: {  	_ =	shalt  }
0x6a: {  	_ =	shalt  }
0x6b: {  	_ =	shalt  }
0x6c: {  	_ =	shalt  }
0x6d: {  	_ =	shalt  }
0x6e: {  	_ =	shalt  }
0x6f: {  	_ =	shalt  }
0x70: {  	_ =	shalt  }
0x71: {  	_ =	shalt  }
0x72: {  	_ =	shalt  }
0x73: {  	_ =	shalt  }
0x74: {  	_ =	shalt  }
0x75: {  	_ =	shalt  }
0x76: {  	_ =	shalt  }
0x77: {  	_ =	shalt  }
0x78: {  	_ =	shalt  }
0x79: {  	_ =	shalt  }
0x7a: {  	_ =	shalt  }
0x7b: {  	_ =	shalt  }
0x7c: {  	_ =	shalt  }
0x7d: {  	_ =	shalt  }
0x7e: {  	_ =	shalt  }
0x7f: {  	_ =	shalt  }
0x80: {  	_ =	shalt  }
0x81: {  	_ =	shalt  }
0x82: {  	_ =	shalt  }
0x83: {  	_ =	shalt  }
0x84: {  	_ =	shalt  }
0x85: {  	_ =	shalt  }
0x86: {  	_ =	shalt  }
0x87: {  	_ =	shalt  }
.Lfunc_end0:
.L_simem_size_0:
called_computation.1_lowered:
.L_overlay_start_0:
0x88: {  	s2 =	sld [smem:$0x3FD9]  }
0x89: {  	s3 =	sld [smem:$0x3FFE];
	_ =	sdelay $0x1  }
0x8a: {  	s1 =	srdreg.scid  }
0x8b: {  	s0 =	sand.u32 $0x1, s1  }
0x8c: {  	s16 =	sshll.u32 s0, $0xA;
	s2 =	sadd.s32 s3, s2  }
0x8d: {  	s2 =	sadd.s32 s2, s16  }
0x8e: {  	[smem:$0x3FBD] =	sst s2  }
0x8f: {  	_ = 	snop  }
0x90: {  	(tm) =	ssettm $0x1  }
0x91: {  	s17 =	sld [smem:$0x3FFB];
	_ =	sdelay $0x3  }
0x92: {  	_ =	strace s17  }
0x93: {  	s2 =	sld [smem:$0x3FFC];
	_ =	sdelay $0x3  }
0x94: {  	_ =	strace s2  }
0x95: {  	s2 =	sld [smem:$0x3FFD];
	_ =	sdelay $0x3  }
0x96: {  	_ =	strace s2  }
0x97: {  	_ =	strace $0x8FFFFFFF  }
0x98: {  	s18 =	sld [smem:$0x3FDB];
	_ =	sdelay $0x1  }
0x99: {  	s19 =	simm.s32 $_scs_section_size  }
0x9a: {  	s4 =	simm.s32 $_size__tile_overlayer_lowered;
	s5 =	simm.s32 $_tile_overlayer_lowered  }
0x9b: {  	s22 =	simm.s32 $0x1BFF;
	s21 =	sshll.u32 s5, $0x1;
	s2 =	sadd.s32 s19, s18  }
0x9c: {  	s6 =	simm.s32 $0x0;
	s20 =	sshll.u32 s4, $0x1;
	s4 =	sadd.s32 s21, s2  }
0x9d: {  	[timem:s6], [sflag:s22] =	dma.local [hbm:s4], s20  }
0x9e: {  	_ =	swait.ge [sflag:s22], s20  }
0x9f: {  	s3 =	ssub.s32 $0x0, s20;
	[sflag:s22] =	ssyncset.done $0x0  }
0xa0: {  	[sflag:s22] =	ssyncadd.s32 s3;
	_ =	sdelay $0x1  }
0xa1: {  	s23 =	simm.s32 $0x1B8B  }
0xa2: {  	_ =	swait.ge [sflag:s23], $0x1  }
0xa3: {  	[sflag:s23] =	ssyncset.done $0x0  }
0xa4: {  	s25 =	simm.s32 $0x1B8E;
	s24 =	sld [smem:$0x3FFE];
	[sflag:s23] =	ssyncadd.s32 $0xFFFFFFFF  }
0xa5: {  	s26 =	simm.s32 $execute0_lowered;
	[smem:$0x3FD2] =	sst s25  }
0xa6: {  	s4 =	sshll.u32 s26, $0x1;
	_ =	strace $0x80000049;
	[dreg:$0x1] =	wrdreg $0xFFFFFFFF  }
0xa7: {  	s28 =	simm.s32 $_size_execute0_lowered;
	s2 =	sadd.s32 s2, s4;
	[dreg:$0x0] =	wrdreg $0x0  }
0xa8: {  	s4 =	sshll.u32 s28, $0x1;
	[dreg:$0x2] =	wrdreg s2  }
0xa9: {  	[dreg:$0x3] =	wrdreg s4  }
0xaa: {  	[dreg:$0x4] =	wrdreg $0xC0  }
0xab: {  	_ =	task [dreg:s6], $0x5FFFF  }
0xac: {  	[dreg:$0x1] =	wrdreg $0xFFFFFFFF  }
0xad: {  	[dreg:$0x0] =	wrdreg $0x60  }
0xae: {  	[dreg:$0x2] =	wrdreg s24  }
0xaf: {  	[dreg:$0x3] =	wrdreg $0x0  }
0xb0: {  	[dreg:$0x4] =	wrdreg $0x9  }
0xb1: {  	_ =	task.clear_ibuf [dreg:s6], $0x5FFFF;
	_ =	strace $0x90000049  }
0xb2: {  	s29 =	simm.s32 $0x9;
	_ =	strace $0x8000004B  }
0xb3: {  	_ =	swait.ge [sflag:s29], $0x1  }
0xb4: {  	[sflag:s29] =	ssyncadd.s32 $0xFFFFFFFF  }
0xb5: {  	_ =	strace $0x9000004B  }
0xb6: {  	_ =	sfence  }
0xb7: {  	s30 =	sld [smem:$0x0];
	_ =	sdelay $0x2  }
0xb8: {  	s31 =	sshll.u32 s1, $0xD;
	s1 =	sshrl.u32 s1, $0x2  }
0xb9: {  	s3 =	sand.u32 $0x4000, s31;
	s1 =	sadd.s32 s1, s30  }
0xba: {  	s0 =	sor.u32 s3, s0;
	s1 =	sshll.u32 s1, $0x11  }
0xbb: {  	s0 =	sor.u32 s1, s0  }
0xbc: {  	s0 =	sadd.s32 $0x8F2B, s0  }
0xbd: {  	[sflag:s0] =	ssyncadd.remote.s32 $0x1  }
0xbe: {  	_ =	sfence.sel $0xFFFF  }
0xbf: {  	[dreg:$0x0] =	wrdreg $0xFFFFFFFF;
	(pc) =	sbr.abs _section_cstart, $3  }
0xc0: {  	[dreg:$0x1] =	wrdreg $0xFFFFFFFF  }
0xc1: {  	_ =	task.clear_ibuf [dreg:s6], $0x2FFFF;
	_ =	strace $0x9FFFFFFF  }
0xc2: {  	(tm) =	ssettm $0x7FFFFFFF  }
0xc3: {  	_ =	shalt  }
tec
execute0_lowered:
.L_overlay_start_1:
0x0: {  	(tag) =	ssettag $0x1  }
0x1: {  	s0 =	srdreg.scid;
	s5 =	rddreg [dreg:$0x0]  }
0x2: {  	s2 =	rddreg [dreg:$0x1];
	s10 =	simm.s32 $0x11;
	s11 =	simm.s32 $0x50  }
0x3: {  	s12 =	simm.s32 $0xFE80;
	s14 =	simm.s32 $0x11280;
	s16 =	simm.s32 $0x12680  }
0x4: {  	s18 =	simm.s32 $0x13A80;
	s20 =	simm.s32 $0x14E80;
	s22 =	simm.s32 $0x16280  }
0x5: {  	s24 =	simm.s32 $0x17680;
	s25 =	simm.s32 $0x1;
	s28 =	simm.s32 $0x2  }
0x6: {  	s29 =	simm.s32 $0x3;
	s30 =	simm.s32 $0x4;
	s31 =	simm.s32 $0xD  }
0x7: {  	s13 =	simm.s32 $0x6;
	s15 =	simm.s32 $0x7;
	s1 =	sand.u32 $0x1, s0  }
0x8: {  	s17 =	simm.s32 $0x8;
	s0 =	stileid.u32;
	s3 =	sshll.u32 s1, $0x4  }
0x9: {  	s7 =	smul.u32 $0x13880, s1;
	s1 =	ssub.s32 $0x2, s1;
	s4 =	sor.u32 s0, s3  }
0xa: {  	s3 =	simm.s32 $0x0;
	s8 =	sshrl.u32 s1, $0x1;
	s6 =	smul.u32 $0x4E2, s4  }
0xb: {  	[smem:$0x7FF] =	sst s3;
	s4 =	sadd.s32 $0x15C00, s5;
	s1 =	ssub.s32 s1, s8  }
0xc: {  	_ =	strace $0x8000004A;
	s1 =	smax.u32 s1, $0x1;
	s6 =	sadd.s32 s6, s5  }
0xd: {  	s5 =	sadd.s32 s7, s5;
	[dreg:$0x5] =	wrdreg s1;
	s26 =	sadd.s32 $0xBE00, s6  }
0xe: {  	s1 =	simm.s32 $0x5;
	s6 =	sadd.s32 $0x2000, s6;
	[dreg:$0x3] =	wrdreg s26  }
0xf: {  	v0 =	vimm.f32 $0.0e+00;
	s8 =	sadd.s32 $0x29600, s5;
	[dreg:$0x4] =	wrdreg s6;
	s26 =	simm.s32 $0x18A80  }
.LBB2_1:
0x10: {  	s5 =	simm.s32 $0x0  }
.LBB2_2:
0x11: {  	p0 =	sne.s32 s5, $0x4F00  }
.Ltmp0:
0x12: {  	s9 =	sshra.s32 s5, $0x2;
	(pc) =	sbr.rel @p0 .LBB2_2-.Ltmp0, $4  }
0x13: {  	[tilespmem:s9+$0xEA80] =	vst v0  }
0x14: {  	[tilespmem:s9+$0xEA90] =	vst v0  }
0x15: {  	[tilespmem:s9+$0xEAA0] =	vst v0  }
0x16: {  	s5 =	sadd.s32 $0x100, s5;
	[tilespmem:s9+$0xEAB0] =	vst v0  }
0x17: {  	s5 =	simm.s32 $0x0  }
0x18: {  	s5 =	sand.u32 $0xF, s5  }
0x19: {  	p0 =	sne.s32 s5, s0  }
0x1a: {  	s5 =	simm.s32 @!p0 $0xEA80;
	s23 =	simm.s32 @!p0 $0x11  }
0x1b: {  	[spmem:s2] =	stream.linear.scatter @!p0 [tilespmem:s5], [sflag:$0x11], $0x1400, $0x38;
	[tilespmem:$0x19E80] =	vst v63  }
0x1c: {  	s21 =	simm.s32 $0x1;
	_ =	swait.ge @!p0 [sflag:s23], $0x1400  }
0x1d: {  	s9 =	simm.s32 $0x2;
	s19 =	sadd.s32 $0x1400, s2;
	[sflag:s23] =	ssyncset.done @!p0 $0x0  }
.LBB2_4:
0x1e: {  	s5 =	sand.u32 $0xF, s21;
	s21 =	smov.u32 s9;
	s9 =	sadd.s32 $0x1, s9  }
0x1f: {  	[sflag:s23] =	ssyncadd.s32 @!p0 $0xFFFFEC00;
	p1 =	sne.s32 s9, $0x7D  }
.Ltmp1:
0x20: {  	p0 =	sne.s32 s5, s0;
	(pc) =	sbr.rel @p1 .LBB2_4-.Ltmp1, $4  }
0x21: {  	s5 =	simm.s32 @!p0 $0xEA80;
	s23 =	simm.s32 @!p0 $0x11  }
0x22: {  	[spmem:s19] =	stream.linear.scatter @!p0 [tilespmem:s5], [sflag:$0x11], $0x1400, $0x38;
	[tilespmem:$0x19E80] =	vst v63  }
0x23: {  	_ =	swait.ge @!p0 [sflag:s23], $0x1400  }
0x24: {  	s19 =	sadd.s32 $0x1400, s19;
	[sflag:s23] =	ssyncset.done @!p0 $0x0  }
0x25: {  	s5 =	sand.u32 $0xF, s21  }
0x26: {  	p1 =	sne.s32 s5, s0  }
0x27: {  	[sflag:s23] =	ssyncadd.s32 @!p0 $0xFFFFEC00;
	s5 =	simm.s32 @!p1 $0xEA80;
	s9 =	simm.s32 @!p1 $0x11  }
0x28: {  	[spmem:s19] =	stream.linear.scatter @!p1 [tilespmem:s5], [sflag:$0x11], $0x1400, $0x38;
	[tilespmem:$0x19E80] =	vst v63  }
0x29: {  	_ =	swait.ge @!p1 [sflag:s9], $0x1400  }
0x2a: {  	[sflag:s9] =	ssyncset.done @!p1 $0x0  }
0x2b: {  	[sflag:s9] =	ssyncadd.s32 @!p1 $0xFFFFEC00  }
0x2c: {  	[bflag:$0x0] =	sbarrier.arrive $0xFFFF  }
0x2d: {  	s6 =	simm.s32 $0x9C60;
	s19 =	simm.s32 $0x0;
	s23 =	rddreg [dreg:$0x3]  }
0x2e: {  	[tilespmem:s6], [sflag:$0x11] =	stream.linear.gather [hbm4b:s23+s19], $0x2710, $0x38;
	[tilespmem:$0x19E80] =	vst v63  }
0x2f: {  	_ =	swait.ge [sflag:s10], $0x2710  }
0x30: {  	[sflag:s10] =	ssyncset.done $0x0  }
0x31: {  	s21 =	simm.s32 $0xC370;
	s7 =	rddreg [dreg:$0x4];
	[sflag:s10] =	ssyncadd.s32 $0xFFFFD8F0  }
0x32: {  	[tilespmem:s21], [sflag:$0x11] =	stream.linear.gather [hbm4b:s7+s19], $0x2710, $0x38;
	[tilespmem:$0x19E80] =	vst v63  }
0x33: {  	_ =	swait.ge [sflag:s10], $0x2710  }
0x34: {  	[sflag:s10] =	ssyncset.done $0x0  }
0x35: {  	[sflag:s10] =	ssyncadd.s32 $0xFFFFD8F0  }
0x36: {  	[tilespmem:s12], [sflag:$0x1] =	stream.indirect.gather [hbm4b:s4+s11], $0x40, s6, s11, $0xb8;
	[tilespmem:$0x19E80] =	vst v63  }
0x37: {  	s9 =	simm.s32 $0x9CB0  }
0x38: {  	[tilespmem:s14], [sflag:$0x2] =	stream.indirect.gather [hbm4b:s4+s11], $0x40, s9, s11, $0xb8;
	[tilespmem:$0x19E80] =	vst v63  }
0x39: {  	s23 =	simm.s32 $0x9D00  }
0x3a: {  	[tilespmem:s16], [sflag:$0x3] =	stream.indirect.gather [hbm4b:s4+s11], $0x40, s23, s11, $0xb8;
	[tilespmem:$0x19E80] =	vst v63  }
0x3b: {  	s6 =	simm.s32 $0x9D50  }
0x3c: {  	[tilespmem:s18], [sflag:$0x4] =	stream.indirect.gather [hbm4b:s4+s11], $0x40, s6, s11, $0xb8;
	[tilespmem:$0x19E80] =	vst v63  }
0x3d: {  	s7 =	simm.s32 $0x9DA0  }
0x3e: {  	[tilespmem:s20], [sflag:$0x5] =	stream.indirect.gather [hbm4b:s4+s11], $0x40, s7, s11, $0xb8;
	[tilespmem:$0x19E80] =	vst v63  }
.Ltmp2:
0x3f: {  	s9 =	simm.s32 $0x9DF0;
	(pc) =	sbr.rel .LBB2_6-.Ltmp2, $4  }
0x40: {  	[tilespmem:s22], [sflag:$0x6] =	stream.indirect.gather [hbm4b:s4+s11], $0x40, s9, s11, $0xb8;
	[tilespmem:$0x19E80] =	vst v63  }
0x41: {  	s23 =	simm.s32 $0x9E40  }
0x42: {  	[tilespmem:s24], [sflag:$0x7] =	stream.indirect.gather [hbm4b:s4+s11], $0x40, s23, s11, $0xb8;
	[tilespmem:$0x19E80] =	vst v63  }
0x43: {  	s23 =	simm.s32 $0x9E90  }
.LBB2_27:
0x44: {  	_ =	swait.ge [sflag:s17], $0x1400  }
0x45: {  	[sflag:s17] =	ssyncset.done $0x0  }
0x46: {  	s5 =	simm.s32 @!p0 $0xF;
	[sflag:s17] =	ssyncadd.s32 $0xFFFFEC00  }
0x47: {  	[spmem:s2] =	stream.indirect.scatter.add.f32 [tilespmem:s26], [sflag:$0x10], $0x40, s21, s11, $0xb8;
	[tilespmem:$0x19E80] =	vst v63  }
0x48: {  	_ =	swait.ge @!p0 [sflag:s5], $0x1400  }
0x49: {  	[sflag:s5] =	ssyncset.done @!p0 $0x0  }
0x4a: {  	p1 =	por p0, !p1;
	[sflag:s5] =	ssyncadd.s32 @!p0 $0xFFFFEC00  }
0x4b: {  	[tilespmem:s24], [sflag:$0x7] =	stream.indirect.gather @p1 [hbm4b:s4+s11], $0x40, s23, s11, $0xb8;
	[tilespmem:$0x19E80] =	vst v63  }
.LBB2_28:
0x4c: {  	s19 =	sadd.s32 $0x1, s19  }
0x4d: {  	p0 =	sne.s32 s19, $0x7D  }
.Ltmp3:
0x4e: {  	_ = 	snop;
	(pc) =	sbr.rel @!p0 .LBB2_29-.Ltmp3, $2  }
0x4f: {  	_ =	sdelay $0x2  }
0x50: {  	s23 =	sadd.s32 $0x50, s23;
	s21 =	sadd.s32 $0x50, s21  }
.LBB2_6:
0x51: {  	s9 =	sand.u32 $0x7, s19  }
0x52: {  	p0 =	sgt.s32 s9, $0x3  }
.Ltmp4:
0x53: {  	_ = 	snop;
	(pc) =	sbr.rel @p0 .LBB2_11-.Ltmp4, $1  }
0x54: {  	_ =	sdelay $0x3  }
0x55: {  	p0 =	sgt.s32 s9, $0x1  }
.Ltmp5:
0x56: {  	_ = 	snop;
	(pc) =	sbr.rel @p0 .LBB2_19-.Ltmp5, $1  }
0x57: {  	_ =	sdelay $0x3  }
0x58: {  	p0 =	seq.s32 s9, $0x0  }
.Ltmp6:
0x59: {  	_ = 	snop;
	(pc) =	sbr.rel @!p0 .LBB2_15-.Ltmp6, $1  }
0x5a: {  	_ =	sdelay $0x3  }
0x5b: {  	p0 =	seq.s32 s19, $0x0  }
0x5c: {  	_ =	swait.ge [sflag:s25], $0x1400;
	p1 =	sgt.u32 @!p0 s19, $0x75  }
0x5d: {  	[sflag:s25] =	ssyncset.done $0x0;
	p1 =	por p0, !p1  }
.Ltmp7:
0x5e: {  	s5 =	simm.s32 @!p0 $0x10;
	[sflag:s25] =	ssyncadd.s32 $0xFFFFEC00;
	(pc) =	sbr.rel @!p1 .LBB2_28-.Ltmp7, $4  }
0x5f: {  	[spmem:s2] =	stream.indirect.scatter.add.f32 [tilespmem:s12], [sflag:$0x9], $0x40, s21, s11, $0xb8;
	[tilespmem:$0x19E80] =	vst v63  }
0x60: {  	_ =	swait.ge @!p0 [sflag:s5], $0x1400  }
0x61: {  	[sflag:s5] =	ssyncset.done @!p0 $0x0  }
0x62: {  	[sflag:s5] =	ssyncadd.s32 @!p0 $0xFFFFEC00  }
.Ltmp8:
0x63: {  	(pc) =	sbr.rel .LBB2_28-.Ltmp8, $2  }
0x64: {  	_ =	sdelay $0x2  }
0x65: {  	[tilespmem:s26], [sflag:$0x8] =	stream.indirect.gather [hbm4b:s4+s11], $0x40, s23, s11, $0xb8;
	[tilespmem:$0x19E80] =	vst v63  }
.LBB2_11:
0x66: {  	p0 =	sgt.s32 s9, $0x5  }
.Ltmp9:
0x67: {  	_ = 	snop;
	(pc) =	sbr.rel @p0 .LBB2_26-.Ltmp9, $1  }
0x68: {  	_ =	sdelay $0x3  }
0x69: {  	p0 =	seq.s32 s9, $0x4  }
.Ltmp10:
0x6a: {  	_ = 	snop;
	(pc) =	sbr.rel @!p0 .LBB2_22-.Ltmp10, $1  }
0x6b: {  	_ =	sdelay $0x3  }
0x6c: {  	p0 =	seq.s32 s19, $0x0  }
0x6d: {  	_ =	swait.ge [sflag:s1], $0x1400;
	p1 =	sgt.u32 @!p0 s19, $0x75  }
0x6e: {  	[sflag:s1] =	ssyncset.done $0x0;
	p1 =	por p0, !p1  }
.Ltmp11:
0x6f: {  	s5 =	simm.s32 @!p0 $0xC;
	[sflag:s1] =	ssyncadd.s32 $0xFFFFEC00;
	(pc) =	sbr.rel @!p1 .LBB2_28-.Ltmp11, $4  }
0x70: {  	[spmem:s2] =	stream.indirect.scatter.add.f32 [tilespmem:s20], [sflag:$0xD], $0x40, s21, s11, $0xb8;
	[tilespmem:$0x19E80] =	vst v63  }
0x71: {  	_ =	swait.ge @!p0 [sflag:s5], $0x1400  }
0x72: {  	[sflag:s5] =	ssyncset.done @!p0 $0x0  }
0x73: {  	[sflag:s5] =	ssyncadd.s32 @!p0 $0xFFFFEC00  }
.Ltmp12:
0x74: {  	(pc) =	sbr.rel .LBB2_28-.Ltmp12, $2  }
0x75: {  	_ =	sdelay $0x2  }
0x76: {  	[tilespmem:s18], [sflag:$0x4] =	stream.indirect.gather [hbm4b:s4+s11], $0x40, s23, s11, $0xb8;
	[tilespmem:$0x19E80] =	vst v63  }
.LBB2_19:
0x77: {  	p0 =	seq.s32 s9, $0x2  }
.Ltmp13:
0x78: {  	_ = 	snop;
	(pc) =	sbr.rel @!p0 .LBB2_20-.Ltmp13, $1  }
0x79: {  	_ =	sdelay $0x3  }
0x7a: {  	p0 =	seq.s32 s19, $0x0  }
0x7b: {  	_ =	swait.ge [sflag:s29], $0x1400;
	p1 =	sgt.u32 @!p0 s19, $0x75  }
0x7c: {  	[sflag:s29] =	ssyncset.done $0x0;
	p1 =	por p0, !p1  }
.Ltmp14:
0x7d: {  	s5 =	simm.s32 @!p0 $0xA;
	[sflag:s29] =	ssyncadd.s32 $0xFFFFEC00;
	(pc) =	sbr.rel @!p1 .LBB2_28-.Ltmp14, $4  }
0x7e: {  	[spmem:s2] =	stream.indirect.scatter.add.f32 [tilespmem:s16], [sflag:$0xB], $0x40, s21, s11, $0xb8;
	[tilespmem:$0x19E80] =	vst v63  }
0x7f: {  	_ =	swait.ge @!p0 [sflag:s5], $0x1400  }
0x80: {  	[sflag:s5] =	ssyncset.done @!p0 $0x0  }
0x81: {  	[sflag:s5] =	ssyncadd.s32 @!p0 $0xFFFFEC00  }
.Ltmp15:
0x82: {  	(pc) =	sbr.rel .LBB2_28-.Ltmp15, $2  }
0x83: {  	_ =	sdelay $0x2  }
0x84: {  	[tilespmem:s14], [sflag:$0x2] =	stream.indirect.gather [hbm4b:s4+s11], $0x40, s23, s11, $0xb8;
	[tilespmem:$0x19E80] =	vst v63  }
.LBB2_26:
0x85: {  	p2 =	seq.s32 s9, $0x6  }
.Ltmp16:
0x86: {  	_ = 	snop;
	(pc) =	sbr.rel @!p2 .LBB2_27-.Ltmp16, $3  }
0x87: {  	_ =	sdelay $0x1  }
0x88: {  	p0 =	seq.s32 s19, $0x0  }
0x89: {  	p1 =	sgt.u32 @!p0 s19, $0x75  }
0x8a: {  	_ =	swait.ge [sflag:s15], $0x1400  }
0x8b: {  	p1 =	por p0, !p1;
	[sflag:s15] =	ssyncset.done $0x0  }
.Ltmp17:
0x8c: {  	s5 =	simm.s32 @!p0 $0xE;
	[sflag:s15] =	ssyncadd.s32 $0xFFFFEC00;
	(pc) =	sbr.rel @!p1 .LBB2_28-.Ltmp17, $4  }
0x8d: {  	[spmem:s2] =	stream.indirect.scatter.add.f32 [tilespmem:s24], [sflag:$0xF], $0x40, s21, s11, $0xb8;
	[tilespmem:$0x19E80] =	vst v63  }
0x8e: {  	_ =	swait.ge @!p0 [sflag:s5], $0x1400  }
0x8f: {  	[sflag:s5] =	ssyncset.done @!p0 $0x0  }
0x90: {  	[sflag:s5] =	ssyncadd.s32 @!p0 $0xFFFFEC00  }
.Ltmp18:
0x91: {  	(pc) =	sbr.rel .LBB2_28-.Ltmp18, $2  }
0x92: {  	_ =	sdelay $0x2  }
0x93: {  	[tilespmem:s22], [sflag:$0x6] =	stream.indirect.gather [hbm4b:s4+s11], $0x40, s23, s11, $0xb8;
	[tilespmem:$0x19E80] =	vst v63  }
.LBB2_15:
0x94: {  	p0 =	seq.s32 s19, $0x0  }
0x95: {  	_ =	swait.ge [sflag:s28], $0x1400;
	p1 =	sgt.u32 @!p0 s19, $0x75  }
0x96: {  	[sflag:s28] =	ssyncset.done $0x0;
	p1 =	por p0, !p1  }
.Ltmp19:
0x97: {  	s5 =	simm.s32 @!p0 $0x9;
	[sflag:s28] =	ssyncadd.s32 $0xFFFFEC00;
	(pc) =	sbr.rel @!p1 .LBB2_28-.Ltmp19, $4  }
0x98: {  	[spmem:s2] =	stream.indirect.scatter.add.f32 [tilespmem:s14], [sflag:$0xA], $0x40, s21, s11, $0xb8;
	[tilespmem:$0x19E80] =	vst v63  }
0x99: {  	_ =	swait.ge @!p0 [sflag:s5], $0x1400  }
0x9a: {  	[sflag:s5] =	ssyncset.done @!p0 $0x0  }
0x9b: {  	[sflag:s5] =	ssyncadd.s32 @!p0 $0xFFFFEC00  }
.Ltmp20:
0x9c: {  	(pc) =	sbr.rel .LBB2_28-.Ltmp20, $2  }
0x9d: {  	_ =	sdelay $0x2  }
0x9e: {  	[tilespmem:s12], [sflag:$0x1] =	stream.indirect.gather [hbm4b:s4+s11], $0x40, s23, s11, $0xb8;
	[tilespmem:$0x19E80] =	vst v63  }
.LBB2_22:
0x9f: {  	p0 =	seq.s32 s19, $0x0  }
0xa0: {  	_ =	swait.ge [sflag:s13], $0x1400;
	p1 =	sgt.u32 @!p0 s19, $0x75  }
0xa1: {  	[sflag:s13] =	ssyncset.done $0x0;
	p1 =	por p0, !p1  }
.Ltmp21:
0xa2: {  	s5 =	simm.s32 @!p0 $0xD;
	[sflag:s13] =	ssyncadd.s32 $0xFFFFEC00;
	(pc) =	sbr.rel @!p1 .LBB2_28-.Ltmp21, $4  }
0xa3: {  	[spmem:s2] =	stream.indirect.scatter.add.f32 [tilespmem:s22], [sflag:$0xE], $0x40, s21, s11, $0xb8;
	[tilespmem:$0x19E80] =	vst v63  }
0xa4: {  	_ =	swait.ge @!p0 [sflag:s5], $0x1400  }
0xa5: {  	[sflag:s5] =	ssyncset.done @!p0 $0x0  }
0xa6: {  	[sflag:s5] =	ssyncadd.s32 @!p0 $0xFFFFEC00  }
.Ltmp22:
0xa7: {  	(pc) =	sbr.rel .LBB2_28-.Ltmp22, $2  }
0xa8: {  	_ =	sdelay $0x2  }
0xa9: {  	[tilespmem:s20], [sflag:$0x5] =	stream.indirect.gather [hbm4b:s4+s11], $0x40, s23, s11, $0xb8;
	[tilespmem:$0x19E80] =	vst v63  }
.LBB2_20:
0xaa: {  	p0 =	seq.s32 s19, $0x0  }
0xab: {  	_ =	swait.ge [sflag:s30], $0x1400;
	p1 =	sgt.u32 @!p0 s19, $0x75  }
0xac: {  	[sflag:s30] =	ssyncset.done $0x0;
	p1 =	por p0, !p1  }
.Ltmp23:
0xad: {  	s5 =	simm.s32 @!p0 $0xB;
	[sflag:s30] =	ssyncadd.s32 $0xFFFFEC00;
	(pc) =	sbr.rel @!p1 .LBB2_28-.Ltmp23, $4  }
0xae: {  	[spmem:s2] =	stream.indirect.scatter.add.f32 [tilespmem:s18], [sflag:$0xC], $0x40, s21, s11, $0xb8;
	[tilespmem:$0x19E80] =	vst v63  }
0xaf: {  	_ =	swait.ge @!p0 [sflag:s5], $0x1400  }
0xb0: {  	[sflag:s5] =	ssyncset.done @!p0 $0x0  }
0xb1: {  	[sflag:s5] =	ssyncadd.s32 @!p0 $0xFFFFEC00  }
.Ltmp24:
0xb2: {  	(pc) =	sbr.rel .LBB2_28-.Ltmp24, $2  }
0xb3: {  	_ =	sdelay $0x2  }
0xb4: {  	[tilespmem:s16], [sflag:$0x3] =	stream.indirect.gather [hbm4b:s4+s11], $0x40, s23, s11, $0xb8;
	[tilespmem:$0x19E80] =	vst v63  }
.LBB2_29:
0xb5: {  	_ =	swait.ge [sflag:s31], $0x1400;
	s5 =	simm.s32 $0x0  }
0xb6: {  	[sflag:s31] =	ssyncset.done $0x0;
	s5 =	sand.u32 $0xF, s5  }
0xb7: {  	[sflag:s31] =	ssyncadd.s32 $0xFFFFEC00;
	p0 =	sne.s32 s5, s0  }
0xb8: {  	s23 =	simm.s32 $0x1;
	[bflag:$0x0] =	sbarrier.arrive $0xFFFF;
	s9 =	sshll.u32 @!p0 s0, $0x6  }
0xb9: {  	s19 =	sshrl.u32 @!p0 s2, $0x3;
	s21 =	sor.u32 @!p0 $0x1C11, s9;
	s9 =	simm.s32 @!p0 $0x11  }
0xba: {  	[hbm:s8], [sflag:s21] =	dma.local @!p0 [spmem:s19], $0x280  }
0xbb: {  	s5 =	sand.u32 $0xF, s23;
	s23 =	sadd.s32 $0x1400, s2;
	_ =	swait.ge @!p0 [sflag:s9], $0x280  }
0xbc: {  	s21 =	simm.s32 $0x2;
	s19 =	sadd.s32 $0x280, s8;
	[sflag:s9] =	ssyncset.done @!p0 $0x0  }
.LBB2_30:
0xbd: {  	[sflag:s9] =	ssyncadd.s32 @!p0 $0xFFFFFD80  }
0xbe: {  	p0 =	sne.s32 s5, s0;
	s5 =	smov.u32 s21;
	s21 =	sadd.s32 $0x1, s21  }
0xbf: {  	p1 =	sne.s32 s21, $0x7D  }
.Ltmp25:
0xc0: {  	s9 =	sshll.u32 @!p0 s0, $0x6;
	s6 =	sshrl.u32 @!p0 s23, $0x3;
	(pc) =	sbr.rel @p1 .LBB2_30-.Ltmp25, $4  }
0xc1: {  	s7 =	sor.u32 @!p0 $0x1C11, s9;
	s9 =	simm.s32 @!p0 $0x11  }
0xc2: {  	[hbm:s19], [sflag:s7] =	dma.local @!p0 [spmem:s6], $0x280  }
0xc3: {  	s19 =	sadd.s32 $0x280, s19;
	_ =	swait.ge @!p0 [sflag:s9], $0x280  }
0xc4: {  	s5 =	sand.u32 $0xF, s5;
	s23 =	sadd.s32 $0x1400, s23;
	[sflag:s9] =	ssyncset.done @!p0 $0x0  }
0xc5: {  	p1 =	sne.s32 s5, s0  }
0xc6: {  	[sflag:s9] =	ssyncadd.s32 @!p0 $0xFFFFFD80;
	s5 =	sshll.u32 @!p1 s0, $0x6  }
0xc7: {  	s6 =	sshrl.u32 @!p1 s23, $0x3;
	s7 =	simm.s32 @!p1 $0x11;
	s5 =	sor.u32 @!p1 $0x1C11, s5  }
0xc8: {  	[hbm:s19], [sflag:s5] =	dma.local @!p1 [spmem:s6], $0x280  }
0xc9: {  	_ =	swait.ge @!p1 [sflag:s7], $0x280  }
0xca: {  	s3 =	sadd.s32 $0x1, s3;
	s23 =	rddreg [dreg:$0x5]  }
0xcb: {  	p0 =	sne.s32 s3, s23  }
.Ltmp26:
0xcc: {  	_ = 	snop;
	(pc) =	sbr.rel @p0 .LBB2_1-.Ltmp26, $3  }
0xcd: {  	_ =	sdelay $0x1  }
0xce: {  	[sflag:s7] =	ssyncset.done @!p1 $0x0  }
0xcf: {  	[sflag:s7] =	ssyncadd.s32 @!p1 $0xFFFFFD80  }
0xd0: {  	_ =	sfence.sel $0x180000  }
0xd1: {  	[bflag:$0x0] =	sbarrier.arrive $0xFFFF  }
0xd2: {  	_ =	strace $0x9000004A  }
0xd3: {  	[bflag:$0x2] =	sbarrier.arrive $0xFFFF  }
0xd4: {  	p0 =	sne.s32 s0, $0x0;
	s0 =	rddreg [dreg:$0x2]  }
0xd5: {  	s0 =	sadd.s32 @!p0 $0x100000, s0  }
0xd6: {  	[sflag:s0] =	ssyncadd.tile.s32 @!p0 $0x1;
	_ =	shalt  }
.Lfunc_end2:
_tile_overlayer_lowered:
.L_overlay_start_2:
0xd7: {  	(tag) =	ssettag $0x2  }
0xd8: {  	s0 =	rddreg [dreg:$0x0];
	s2 =	stileid.u32  }
0xd9: {  	s1 =	rddreg [dreg:$0x1];
	p0 =	sne.s32 s2, $0x0  }
0xda: {  	s3 =	rddreg [dreg:$0x2];
	[bflag:$0x3] =	sbarrier.arrive $0xFFFF;
	s2 =	simm.s32 @!p0 $0x1C11  }
0xdb: {  	[timem:s3], [sflag:s2] =	dma.local @!p0 [hbm:s0], s1  }
0xdc: {  	s0 =	simm.s32 @!p0 $0x11  }
0xdd: {  	_ =	swait.ge @!p0 [sflag:s0], s1  }
0xde: {  	s1 =	ssub.s32 @!p0 $0x0, s1;
	[sflag:s0] =	ssyncset.done @!p0 $0x0  }
0xdf: {  	[sflag:s0] =	ssyncadd.s32 @!p0 s1  }
0xe0: {  	[bflag:$0x3] =	sbarrier.arrive $0xFFFF  }
0xe1: {  	_ =	shalt  }

// kernel: kernel.15.cloned.1.call-start
scs
__scs_entry_jumppad:
0x0: {  	(pc) =	sbr.rel $0x88, $3  }
0x1: {  	(tag) =	ssettag $0x0;
	lr =	simm.s32 $0x1  }
0x2: {  	[smem:$0x3F96] =	sst lr;
	_ =	strace $0xD0000000  }
0x3: {  	_ = 	snop  }
0x4: {  	_ = 	snop  }
0x5: {  	_ = 	snop  }
0x6: {  	_ = 	snop  }
0x7: {  	_ = 	snop  }
__scs_overlays_trampoline_lowered:
0x8: {  	[smem:$0x3FA5] =	sst s0  }
0x9: {  	[smem:$0x3FA6] =	sst s1  }
0xa: {  	[smem:$0x3FA7] =	sst s2  }
0xb: {  	[smem:$0x3FA8] =	sst s3  }
0xc: {  	[smem:$0x3FA9] =	sst s4  }
0xd: {  	[smem:$0x3FAA] =	sst s5  }
0xe: {  	[smem:$0x3FAB] =	sst s6  }
0xf: {  	[smem:$0x3FAC] =	sst s7  }
0x10: {  	[smem:$0x3FAD] =	sst s8  }
0x11: {  	[smem:$0x3FAE] =	sst s9;
	s0 =	simm.s32 @!p0 $0x0  }
0x12: {  	s1 =	sld [smem:$0x3F94];
	s0 =	simm.s32 @p0 $0x1  }
0x13: {  	[smem:$0x3FAF] =	sst s0;
	s0 =	simm.s32 @!p1 $0x0  }
0x14: {  	s2 =	sld [smem:$0x3F93];
	s0 =	simm.s32 @p1 $0x1  }
0x15: {  	[smem:$0x3FB0] =	sst s0;
	s0 =	simm.s32 @!p2 $0x0  }
0x16: {  	s3 =	sld [smem:$0x3FDB];
	s0 =	simm.s32 @p2 $0x1  }
0x17: {  	s4 =	simm.s32 $0x1BF5;
	[smem:$0x3FB2] =	sst s0  }
0x18: {  	s0 =	sld [smem:$0x3F95];
	_ =	swait.ge [sflag:s4], $0x0  }
0x19: {  	s7 =	sld [smem:$0x3F96]  }
0x1a: {  	s8 =	sadd.s32 $0xFFFFE003, lr  }
0x1b: {  	s9 =	sadd.s32 $0xFFFFFEF7, lr;
	s5 =	simm.s32 $0xFFFFFFFF;
	p2 =	slt.u32 s8, $0xFFFFF086  }
0x1c: {  	p1 =	slt.u32 s9, $0xF7A;
	s5 =	simm.s32 @!p2 $0x0  }
0x1d: {  	s5 =	simm.s32 @p1 $0x1;
	p0 =	seq.s32 s7, s2  }
0x1e: {  	s7 =	smul.u32 @!p0 $0xF7A, s2;
	p2 =	seq.s32 @!p0 s5, $0x0  }
0x1f: {  	s9 =	smul.u32 $0xF7A, s1;
	s8 =	simm.s32 @!p0 $0x1BF5;
	p2 =	por !p2, p0  }
0x20: {  	[sflag:s8] =	ssyncset.s32 @!p0 $0xFFFFF086;
	s6 =	sadd.s32 @!p0 s3, s7;
	s7 =	simm.s32 @!p0 $0x108  }
0x21: {  	s3 =	sadd.s32 s3, s9;
	s6 =	sadd.s32 @!p0 $0x88, s6;
	s7 =	simm.s32 @p2 $0x1082  }
0x22: {  	[simem:s7], [sflag:s8] =	dma.local @!p0 [hbm:s6], $0xF7A  }
0x23: {  	s9 =	sor.u32 $0xD0000000, s2;
	s6 =	simm.s32 $0x108;
	_ =	swait.ge @!p0 [sflag:s8], $0x0  }
0x24: {  	s3 =	sadd.s32 $0x88, s3;
	s6 =	simm.s32 @!p1 $0x1082;
	[sflag:s4] =	ssyncset.s32 $0xFFFFF086  }
0x25: {  	[simem:s6], [sflag:s4] =	dma.local [hbm:s3], $0xF7A  }
0x26: {  	[smem:$0x3F96] =	sst s1;
	(tag) =	ssettag s2;
	_ =	strace s9  }
0x27: {  	s1 =	sld [smem:$0x3FA6]  }
0x28: {  	s2 =	sld [smem:$0x3FA7]  }
0x29: {  	s4 =	sld [smem:$0x3FA9]  }
0x2a: {  	p0 =	seq.s32 s5, $0x0;
	s5 =	sld [smem:$0x3FAA]  }
0x2b: {  	s6 =	sld [smem:$0x3FAB]  }
0x2c: {  	s7 =	sld [smem:$0x3FAC]  }
0x2d: {  	s3 =	simm.s32 $0x108;
	s8 =	sld [smem:$0x3FAD]  }
0x2e: {  	s3 =	simm.s32 @!p0 $0x1082;
	s9 =	sld [smem:$0x3FAE]  }
0x2f: {  	lr =	sadd.s32 s0, s3;
	s0 =	sld [smem:$0x3FA5]  }
0x30: {  	s3 =	sld [smem:$0x3FA8]  }
0x31: {  	[smem:$0x3FB1] =	sst s10  }
0x32: {  	s10 =	sld [smem:$0x3FAF];
	_ =	sdelay $0x3  }
0x33: {  	p0 =	seq.s32 s10, $0x1;
	s10 =	sld [smem:$0x3FB1];
	_ =	sdelay $0x3  }
0x34: {  	[smem:$0x3FB1] =	sst s10  }
0x35: {  	s10 =	sld [smem:$0x3FB0];
	_ =	sdelay $0x3  }
0x36: {  	p1 =	seq.s32 s10, $0x1;
	s10 =	sld [smem:$0x3FB1];
	_ =	sdelay $0x3  }
0x37: {  	[smem:$0x3FB1] =	sst s10  }
0x38: {  	s10 =	sld [smem:$0x3FB2]  }
0x39: {  	_ = 	snop;
	(pc) =	sbr.ind lr, $3  }
0x3a: {  	_ = 	snop  }
0x3b: {  	_ = 	snop  }
0x3c: {  	p2 =	seq.s32 s10, $0x1;
	s10 =	sld [smem:$0x3FB1]  }
0x3d: {  	_ =	shalt  }
0x3e: {  	_ =	shalt  }
0x3f: {  	_ =	shalt  }
0x40: {  	_ =	shalt  }
0x41: {  	_ =	shalt  }
0x42: {  	_ =	shalt  }
0x43: {  	_ =	shalt  }
0x44: {  	_ =	shalt  }
0x45: {  	_ =	shalt  }
0x46: {  	_ =	shalt  }
0x47: {  	_ =	shalt  }
0x48: {  	_ =	shalt  }
0x49: {  	_ =	shalt  }
0x4a: {  	_ =	shalt  }
0x4b: {  	_ =	shalt  }
0x4c: {  	_ =	shalt  }
0x4d: {  	_ =	shalt  }
0x4e: {  	_ =	shalt  }
0x4f: {  	_ =	shalt  }
0x50: {  	_ =	shalt  }
0x51: {  	_ =	shalt  }
0x52: {  	_ =	shalt  }
0x53: {  	_ =	shalt  }
0x54: {  	_ =	shalt  }
0x55: {  	_ =	shalt  }
0x56: {  	_ =	shalt  }
0x57: {  	_ =	shalt  }
0x58: {  	_ =	shalt  }
0x59: {  	_ =	shalt  }
0x5a: {  	_ =	shalt  }
0x5b: {  	_ =	shalt  }
0x5c: {  	_ =	shalt  }
0x5d: {  	_ =	shalt  }
0x5e: {  	_ =	shalt  }
0x5f: {  	_ =	shalt  }
0x60: {  	_ =	shalt  }
0x61: {  	_ =	shalt  }
0x62: {  	_ =	shalt  }
0x63: {  	_ =	shalt  }
0x64: {  	_ =	shalt  }
0x65: {  	_ =	shalt  }
0x66: {  	_ =	shalt  }
0x67: {  	_ =	shalt  }
0x68: {  	_ =	shalt  }
0x69: {  	_ =	shalt  }
0x6a: {  	_ =	shalt  }
0x6b: {  	_ =	shalt  }
0x6c: {  	_ =	shalt  }
0x6d: {  	_ =	shalt  }
0x6e: {  	_ =	shalt  }
0x6f: {  	_ =	shalt  }
0x70: {  	_ =	shalt  }
0x71: {  	_ =	shalt  }
0x72: {  	_ =	shalt  }
0x73: {  	_ =	shalt  }
0x74: {  	_ =	shalt  }
0x75: {  	_ =	shalt  }
0x76: {  	_ =	shalt  }
0x77: {  	_ =	shalt  }
0x78: {  	_ =	shalt  }
0x79: {  	_ =	shalt  }
0x7a: {  	_ =	shalt  }
0x7b: {  	_ =	shalt  }
0x7c: {  	_ =	shalt  }
0x7d: {  	_ =	shalt  }
0x7e: {  	_ =	shalt  }
0x7f: {  	_ =	shalt  }
0x80: {  	_ =	shalt  }
0x81: {  	_ =	shalt  }
0x82: {  	_ =	shalt  }
0x83: {  	_ =	shalt  }
0x84: {  	_ =	shalt  }
0x85: {  	_ =	shalt  }
0x86: {  	_ =	shalt  }
0x87: {  	_ =	shalt  }
.Lfunc_end0:
.L_simem_size_0:
called_computation.2_lowered:
.L_overlay_start_0:
0x88: {  	s2 =	sld [smem:$0x3FD9]  }
0x89: {  	s3 =	sld [smem:$0x3FFE];
	_ =	sdelay $0x1  }
0x8a: {  	s1 =	srdreg.scid  }
0x8b: {  	s0 =	sand.u32 $0x1, s1  }
0x8c: {  	s16 =	sshll.u32 s0, $0xA;
	s2 =	sadd.s32 s3, s2  }
0x8d: {  	s2 =	sadd.s32 s2, s16  }
0x8e: {  	[smem:$0x3FBD] =	sst s2  }
0x8f: {  	_ = 	snop  }
0x90: {  	(tm) =	ssettm $0x1  }
0x91: {  	s17 =	sld [smem:$0x3FFB];
	_ =	sdelay $0x3  }
0x92: {  	_ =	strace s17  }
0x93: {  	s2 =	sld [smem:$0x3FFC];
	_ =	sdelay $0x3  }
0x94: {  	_ =	strace s2  }
0x95: {  	s2 =	sld [smem:$0x3FFD];
	_ =	sdelay $0x3  }
0x96: {  	_ =	strace s2  }
0x97: {  	_ =	strace $0x8FFFFFFF  }
0x98: {  	s18 =	sld [smem:$0x3FDB];
	_ =	sdelay $0x1  }
0x99: {  	s19 =	simm.s32 $_scs_section_size  }
0x9a: {  	s4 =	simm.s32 $_size__tile_overlayer_lowered;
	s5 =	simm.s32 $_tile_overlayer_lowered  }
0x9b: {  	s22 =	simm.s32 $0x1BFF;
	s21 =	sshll.u32 s5, $0x1;
	s2 =	sadd.s32 s19, s18  }
0x9c: {  	s6 =	simm.s32 $0x0;
	s20 =	sshll.u32 s4, $0x1;
	s4 =	sadd.s32 s21, s2  }
0x9d: {  	[timem:s6], [sflag:s22] =	dma.local [hbm:s4], s20  }
0x9e: {  	_ =	swait.ge [sflag:s22], s20  }
0x9f: {  	s3 =	ssub.s32 $0x0, s20;
	[sflag:s22] =	ssyncset.done $0x0  }
0xa0: {  	[sflag:s22] =	ssyncadd.s32 s3;
	_ =	sdelay $0x1  }
0xa1: {  	s23 =	simm.s32 $0x1B8B  }
0xa2: {  	_ =	swait.ge [sflag:s23], $0x1  }
0xa3: {  	[sflag:s23] =	ssyncset.done $0x0  }
0xa4: {  	s25 =	simm.s32 $0x1B8E;
	s24 =	sld [smem:$0x3FFE];
	[sflag:s23] =	ssyncadd.s32 $0xFFFFFFFF  }
0xa5: {  	s26 =	simm.s32 $execute0_lowered;
	[smem:$0x3FD2] =	sst s25  }
0xa6: {  	s4 =	sshll.u32 s26, $0x1;
	_ =	strace $0x8000004C;
	[dreg:$0x1] =	wrdreg $0xFFFFFFFF  }
0xa7: {  	s28 =	simm.s32 $_size_execute0_lowered;
	s2 =	sadd.s32 s2, s4;
	[dreg:$0x0] =	wrdreg $0x0  }
0xa8: {  	s4 =	sshll.u32 s28, $0x1;
	[dreg:$0x2] =	wrdreg s2  }
0xa9: {  	[dreg:$0x3] =	wrdreg s4  }
0xaa: {  	[dreg:$0x4] =	wrdreg $0xC0  }
0xab: {  	_ =	task [dreg:s6], $0x5FFFF  }
0xac: {  	[dreg:$0x1] =	wrdreg $0xFFFFFFFF  }
0xad: {  	[dreg:$0x0] =	wrdreg $0x60  }
0xae: {  	[dreg:$0x2] =	wrdreg s24  }
0xaf: {  	[dreg:$0x3] =	wrdreg $0x0  }
0xb0: {  	[dreg:$0x4] =	wrdreg $0x9  }
0xb1: {  	_ =	task.clear_ibuf [dreg:s6], $0x5FFFF;
	_ =	strace $0x9000004C  }
0xb2: {  	s29 =	simm.s32 $0x9;
	_ =	strace $0x8000004E  }
0xb3: {  	_ =	swait.ge [sflag:s29], $0x1  }
0xb4: {  	[sflag:s29] =	ssyncadd.s32 $0xFFFFFFFF  }
0xb5: {  	_ =	strace $0x9000004E  }
0xb6: {  	_ =	sfence  }
0xb7: {  	s30 =	sld [smem:$0x0];
	_ =	sdelay $0x2  }
0xb8: {  	s31 =	sshll.u32 s1, $0xD;
	s1 =	sshrl.u32 s1, $0x2  }
0xb9: {  	s3 =	sand.u32 $0x4000, s31;
	s1 =	sadd.s32 s1, s30  }
0xba: {  	s0 =	sor.u32 s3, s0;
	s1 =	sshll.u32 s1, $0x11  }
0xbb: {  	s0 =	sor.u32 s1, s0  }
0xbc: {  	s0 =	sadd.s32 $0x8F2B, s0  }
0xbd: {  	[sflag:s0] =	ssyncadd.remote.s32 $0x1  }
0xbe: {  	_ =	sfence.sel $0xFFFF  }
0xbf: {  	[dreg:$0x0] =	wrdreg $0xFFFFFFFF;
	(pc) =	sbr.abs _section_cstart, $3  }
0xc0: {  	[dreg:$0x1] =	wrdreg $0xFFFFFFFF  }
0xc1: {  	_ =	task.clear_ibuf [dreg:s6], $0x2FFFF;
	_ =	strace $0x9FFFFFFF  }
0xc2: {  	(tm) =	ssettm $0x7FFFFFFF  }
0xc3: {  	_ =	shalt  }
tec
execute0_lowered:
.L_overlay_start_1:
0x0: {  	(tag) =	ssettag $0x1  }
0x1: {  	s0 =	srdreg.scid;
	s5 =	rddreg [dreg:$0x0]  }
0x2: {  	s2 =	rddreg [dreg:$0x1];
	s10 =	simm.s32 $0x11;
	s11 =	simm.s32 $0x50  }
0x3: {  	s12 =	simm.s32 $0x7A38;
	s14 =	simm.s32 $0x7F38;
	s16 =	simm.s32 $0x8438  }
0x4: {  	s18 =	simm.s32 $0x8938;
	s20 =	simm.s32 $0x8E38;
	s22 =	simm.s32 $0x9338  }
0x5: {  	s24 =	simm.s32 $0x9838;
	s25 =	simm.s32 $0x1;
	s28 =	simm.s32 $0x2  }
0x6: {  	s29 =	simm.s32 $0x3;
	s30 =	simm.s32 $0x4;
	s31 =	simm.s32 $0xD  }
0x7: {  	s13 =	simm.s32 $0x6;
	s15 =	simm.s32 $0x7;
	s1 =	sand.u32 $0x1, s0  }
0x8: {  	s17 =	simm.s32 $0x8;
	s0 =	stileid.u32;
	s3 =	sshll.u32 s1, $0x4  }
0x9: {  	s7 =	smul.u32 $0x4E20, s1;
	s1 =	ssub.s32 $0x2, s1;
	s4 =	sor.u32 s0, s3  }
0xa: {  	s3 =	simm.s32 $0x0;
	s8 =	sshrl.u32 s1, $0x1;
	s6 =	smul.u32 $0x4E2, s4  }
0xb: {  	[smem:$0x7FF] =	sst s3;
	s4 =	sadd.s32 $0x15C00, s5;
	s1 =	ssub.s32 s1, s8  }
0xc: {  	_ =	strace $0x8000004D;
	s1 =	smax.u32 s1, $0x1;
	s6 =	sadd.s32 s6, s5  }
0xd: {  	s5 =	sadd.s32 s7, s5;
	[dreg:$0x5] =	wrdreg s1;
	s26 =	sadd.s32 $0xBE00, s6  }
0xe: {  	s1 =	simm.s32 $0x5;
	s6 =	sadd.s32 $0x2000, s6;
	[dreg:$0x3] =	wrdreg s26  }
0xf: {  	v0 =	vimm.f32 $0.0e+00;
	s8 =	sadd.s32 $0x1AC00, s5;
	[dreg:$0x4] =	wrdreg s6;
	s26 =	simm.s32 $0x9D38  }
.LBB2_1:
0x10: {  	s5 =	simm.s32 $0x0  }
.LBB2_2:
0x11: {  	p0 =	sne.s32 s5, $0x13C0  }
.Ltmp0:
0x12: {  	_ = 	snop;
	(pc) =	sbr.rel @p0 .LBB2_2-.Ltmp0, $3  }
0x13: {  	_ =	sdelay $0x1  }
0x14: {  	s9 =	sshra.s32 s5, $0x2  }
0x15: {  	s5 =	sadd.s32 $0x40, s5;
	[tilespmem:s9+$0x7538] =	vst v0  }
0x16: {  	s5 =	simm.s32 $0x0  }
0x17: {  	s5 =	sand.u32 $0xF, s5  }
0x18: {  	p0 =	sne.s32 s5, s0  }
0x19: {  	s5 =	simm.s32 @!p0 $0x7538;
	s23 =	simm.s32 @!p0 $0x11  }
0x1a: {  	[spmem:s2] =	stream.linear.scatter @!p0 [tilespmem:s5], [sflag:$0x11], $0x500, $0x38;
	[tilespmem:$0xA238] =	vst v63  }
0x1b: {  	s21 =	simm.s32 $0x1;
	_ =	swait.ge @!p0 [sflag:s23], $0x500  }
0x1c: {  	s9 =	simm.s32 $0x2;
	s19 =	sadd.s32 $0x500, s2;
	[sflag:s23] =	ssyncset.done @!p0 $0x0  }
.LBB2_4:
0x1d: {  	s5 =	sand.u32 $0xF, s21;
	s21 =	smov.u32 s9;
	s9 =	sadd.s32 $0x1, s9  }
0x1e: {  	[sflag:s23] =	ssyncadd.s32 @!p0 $0xFFFFFB00;
	p1 =	sne.s32 s9, $0x7D  }
.Ltmp1:
0x1f: {  	p0 =	sne.s32 s5, s0;
	(pc) =	sbr.rel @p1 .LBB2_4-.Ltmp1, $4  }
0x20: {  	s5 =	simm.s32 @!p0 $0x7538;
	s23 =	simm.s32 @!p0 $0x11  }
0x21: {  	[spmem:s19] =	stream.linear.scatter @!p0 [tilespmem:s5], [sflag:$0x11], $0x500, $0x38;
	[tilespmem:$0xA238] =	vst v63  }
0x22: {  	_ =	swait.ge @!p0 [sflag:s23], $0x500  }
0x23: {  	s19 =	sadd.s32 $0x500, s19;
	[sflag:s23] =	ssyncset.done @!p0 $0x0  }
0x24: {  	s5 =	sand.u32 $0xF, s21  }
0x25: {  	p1 =	sne.s32 s5, s0  }
0x26: {  	[sflag:s23] =	ssyncadd.s32 @!p0 $0xFFFFFB00;
	s5 =	simm.s32 @!p1 $0x7538;
	s9 =	simm.s32 @!p1 $0x11  }
0x27: {  	[spmem:s19] =	stream.linear.scatter @!p1 [tilespmem:s5], [sflag:$0x11], $0x500, $0x38;
	[tilespmem:$0xA238] =	vst v63  }
0x28: {  	_ =	swait.ge @!p1 [sflag:s9], $0x500  }
0x29: {  	[sflag:s9] =	ssyncset.done @!p1 $0x0  }
0x2a: {  	[sflag:s9] =	ssyncadd.s32 @!p1 $0xFFFFFB00  }
0x2b: {  	[bflag:$0x0] =	sbarrier.arrive $0xFFFF  }
0x2c: {  	s6 =	simm.s32 $0x2718;
	s19 =	simm.s32 $0x0;
	s23 =	rddreg [dreg:$0x3]  }
0x2d: {  	[tilespmem:s6], [sflag:$0x11] =	stream.linear.gather [hbm4b:s23+s19], $0x2710, $0x38;
	[tilespmem:$0xA238] =	vst v63  }
0x2e: {  	_ =	swait.ge [sflag:s10], $0x2710  }
0x2f: {  	[sflag:s10] =	ssyncset.done $0x0  }
0x30: {  	s21 =	simm.s32 $0x4E28;
	s7 =	rddreg [dreg:$0x4];
	[sflag:s10] =	ssyncadd.s32 $0xFFFFD8F0  }
0x31: {  	[tilespmem:s21], [sflag:$0x11] =	stream.linear.gather [hbm4b:s7+s19], $0x2710, $0x38;
	[tilespmem:$0xA238] =	vst v63  }
0x32: {  	_ =	swait.ge [sflag:s10], $0x2710  }
0x33: {  	[sflag:s10] =	ssyncset.done $0x0  }
0x34: {  	[sflag:s10] =	ssyncadd.s32 $0xFFFFD8F0  }
0x35: {  	[tilespmem:s12], [sflag:$0x1] =	stream.indirect.gather [hbm4b:s4+s11], $0x10, s6, s11, $0xb8;
	[tilespmem:$0xA238] =	vst v63  }
0x36: {  	s9 =	simm.s32 $0x2768  }
0x37: {  	[tilespmem:s14], [sflag:$0x2] =	stream.indirect.gather [hbm4b:s4+s11], $0x10, s9, s11, $0xb8;
	[tilespmem:$0xA238] =	vst v63  }
0x38: {  	s23 =	simm.s32 $0x27B8  }
0x39: {  	[tilespmem:s16], [sflag:$0x3] =	stream.indirect.gather [hbm4b:s4+s11], $0x10, s23, s11, $0xb8;
	[tilespmem:$0xA238] =	vst v63  }
0x3a: {  	s6 =	simm.s32 $0x2808  }
0x3b: {  	[tilespmem:s18], [sflag:$0x4] =	stream.indirect.gather [hbm4b:s4+s11], $0x10, s6, s11, $0xb8;
	[tilespmem:$0xA238] =	vst v63  }
0x3c: {  	s7 =	simm.s32 $0x2858  }
0x3d: {  	[tilespmem:s20], [sflag:$0x5] =	stream.indirect.gather [hbm4b:s4+s11], $0x10, s7, s11, $0xb8;
	[tilespmem:$0xA238] =	vst v63  }
.Ltmp2:
0x3e: {  	s9 =	simm.s32 $0x28A8;
	(pc) =	sbr.rel .LBB2_6-.Ltmp2, $4  }
0x3f: {  	[tilespmem:s22], [sflag:$0x6] =	stream.indirect.gather [hbm4b:s4+s11], $0x10, s9, s11, $0xb8;
	[tilespmem:$0xA238] =	vst v63  }
0x40: {  	s23 =	simm.s32 $0x28F8  }
0x41: {  	[tilespmem:s24], [sflag:$0x7] =	stream.indirect.gather [hbm4b:s4+s11], $0x10, s23, s11, $0xb8;
	[tilespmem:$0xA238] =	vst v63  }
0x42: {  	s23 =	simm.s32 $0x2948  }
.LBB2_27:
0x43: {  	_ =	swait.ge [sflag:s17], $0x500  }
0x44: {  	[sflag:s17] =	ssyncset.done $0x0  }
0x45: {  	s5 =	simm.s32 @!p0 $0xF;
	[sflag:s17] =	ssyncadd.s32 $0xFFFFFB00  }
0x46: {  	[spmem:s2] =	stream.indirect.scatter.add.f32 [tilespmem:s26], [sflag:$0x10], $0x10, s21, s11, $0xb8;
	[tilespmem:$0xA238] =	vst v63  }
0x47: {  	_ =	swait.ge @!p0 [sflag:s5], $0x500  }
0x48: {  	[sflag:s5] =	ssyncset.done @!p0 $0x0  }
0x49: {  	p1 =	por p0, !p1;
	[sflag:s5] =	ssyncadd.s32 @!p0 $0xFFFFFB00  }
0x4a: {  	[tilespmem:s24], [sflag:$0x7] =	stream.indirect.gather @p1 [hbm4b:s4+s11], $0x10, s23, s11, $0xb8;
	[tilespmem:$0xA238] =	vst v63  }
.LBB2_28:
0x4b: {  	s19 =	sadd.s32 $0x1, s19  }
0x4c: {  	p0 =	sne.s32 s19, $0x7D  }
.Ltmp3:
0x4d: {  	_ = 	snop;
	(pc) =	sbr.rel @!p0 .LBB2_29-.Ltmp3, $2  }
0x4e: {  	_ =	sdelay $0x2  }
0x4f: {  	s23 =	sadd.s32 $0x50, s23;
	s21 =	sadd.s32 $0x50, s21  }
.LBB2_6:
0x50: {  	s9 =	sand.u32 $0x7, s19  }
0x51: {  	p0 =	sgt.s32 s9, $0x3  }
.Ltmp4:
0x52: {  	_ = 	snop;
	(pc) =	sbr.rel @p0 .LBB2_11-.Ltmp4, $1  }
0x53: {  	_ =	sdelay $0x3  }
0x54: {  	p0 =	sgt.s32 s9, $0x1  }
.Ltmp5:
0x55: {  	_ = 	snop;
	(pc) =	sbr.rel @p0 .LBB2_19-.Ltmp5, $1  }
0x56: {  	_ =	sdelay $0x3  }
0x57: {  	p0 =	seq.s32 s9, $0x0  }
.Ltmp6:
0x58: {  	_ = 	snop;
	(pc) =	sbr.rel @!p0 .LBB2_15-.Ltmp6, $1  }
0x59: {  	_ =	sdelay $0x3  }
0x5a: {  	p0 =	seq.s32 s19, $0x0  }
0x5b: {  	_ =	swait.ge [sflag:s25], $0x500;
	p1 =	sgt.u32 @!p0 s19, $0x75  }
0x5c: {  	[sflag:s25] =	ssyncset.done $0x0;
	p1 =	por p0, !p1  }
.Ltmp7:
0x5d: {  	s5 =	simm.s32 @!p0 $0x10;
	[sflag:s25] =	ssyncadd.s32 $0xFFFFFB00;
	(pc) =	sbr.rel @!p1 .LBB2_28-.Ltmp7, $4  }
0x5e: {  	[spmem:s2] =	stream.indirect.scatter.add.f32 [tilespmem:s12], [sflag:$0x9], $0x10, s21, s11, $0xb8;
	[tilespmem:$0xA238] =	vst v63  }
0x5f: {  	_ =	swait.ge @!p0 [sflag:s5], $0x500  }
0x60: {  	[sflag:s5] =	ssyncset.done @!p0 $0x0  }
0x61: {  	[sflag:s5] =	ssyncadd.s32 @!p0 $0xFFFFFB00  }
.Ltmp8:
0x62: {  	(pc) =	sbr.rel .LBB2_28-.Ltmp8, $2  }
0x63: {  	_ =	sdelay $0x2  }
0x64: {  	[tilespmem:s26], [sflag:$0x8] =	stream.indirect.gather [hbm4b:s4+s11], $0x10, s23, s11, $0xb8;
	[tilespmem:$0xA238] =	vst v63  }
.LBB2_11:
0x65: {  	p0 =	sgt.s32 s9, $0x5  }
.Ltmp9:
0x66: {  	_ = 	snop;
	(pc) =	sbr.rel @p0 .LBB2_26-.Ltmp9, $1  }
0x67: {  	_ =	sdelay $0x3  }
0x68: {  	p0 =	seq.s32 s9, $0x4  }
.Ltmp10:
0x69: {  	_ = 	snop;
	(pc) =	sbr.rel @!p0 .LBB2_22-.Ltmp10, $1  }
0x6a: {  	_ =	sdelay $0x3  }
0x6b: {  	p0 =	seq.s32 s19, $0x0  }
0x6c: {  	_ =	swait.ge [sflag:s1], $0x500;
	p1 =	sgt.u32 @!p0 s19, $0x75  }
0x6d: {  	[sflag:s1] =	ssyncset.done $0x0;
	p1 =	por p0, !p1  }
.Ltmp11:
0x6e: {  	s5 =	simm.s32 @!p0 $0xC;
	[sflag:s1] =	ssyncadd.s32 $0xFFFFFB00;
	(pc) =	sbr.rel @!p1 .LBB2_28-.Ltmp11, $4  }
0x6f: {  	[spmem:s2] =	stream.indirect.scatter.add.f32 [tilespmem:s20], [sflag:$0xD], $0x10, s21, s11, $0xb8;
	[tilespmem:$0xA238] =	vst v63  }
0x70: {  	_ =	swait.ge @!p0 [sflag:s5], $0x500  }
0x71: {  	[sflag:s5] =	ssyncset.done @!p0 $0x0  }
0x72: {  	[sflag:s5] =	ssyncadd.s32 @!p0 $0xFFFFFB00  }
.Ltmp12:
0x73: {  	(pc) =	sbr.rel .LBB2_28-.Ltmp12, $2  }
0x74: {  	_ =	sdelay $0x2  }
0x75: {  	[tilespmem:s18], [sflag:$0x4] =	stream.indirect.gather [hbm4b:s4+s11], $0x10, s23, s11, $0xb8;
	[tilespmem:$0xA238] =	vst v63  }
.LBB2_19:
0x76: {  	p0 =	seq.s32 s9, $0x2  }
.Ltmp13:
0x77: {  	_ = 	snop;
	(pc) =	sbr.rel @!p0 .LBB2_20-.Ltmp13, $1  }
0x78: {  	_ =	sdelay $0x3  }
0x79: {  	p0 =	seq.s32 s19, $0x0  }
0x7a: {  	_ =	swait.ge [sflag:s29], $0x500;
	p1 =	sgt.u32 @!p0 s19, $0x75  }
0x7b: {  	[sflag:s29] =	ssyncset.done $0x0;
	p1 =	por p0, !p1  }
.Ltmp14:
0x7c: {  	s5 =	simm.s32 @!p0 $0xA;
	[sflag:s29] =	ssyncadd.s32 $0xFFFFFB00;
	(pc) =	sbr.rel @!p1 .LBB2_28-.Ltmp14, $4  }
0x7d: {  	[spmem:s2] =	stream.indirect.scatter.add.f32 [tilespmem:s16], [sflag:$0xB], $0x10, s21, s11, $0xb8;
	[tilespmem:$0xA238] =	vst v63  }
0x7e: {  	_ =	swait.ge @!p0 [sflag:s5], $0x500  }
0x7f: {  	[sflag:s5] =	ssyncset.done @!p0 $0x0  }
0x80: {  	[sflag:s5] =	ssyncadd.s32 @!p0 $0xFFFFFB00  }
.Ltmp15:
0x81: {  	(pc) =	sbr.rel .LBB2_28-.Ltmp15, $2  }
0x82: {  	_ =	sdelay $0x2  }
0x83: {  	[tilespmem:s14], [sflag:$0x2] =	stream.indirect.gather [hbm4b:s4+s11], $0x10, s23, s11, $0xb8;
	[tilespmem:$0xA238] =	vst v63  }
.LBB2_26:
0x84: {  	p2 =	seq.s32 s9, $0x6  }
.Ltmp16:
0x85: {  	_ = 	snop;
	(pc) =	sbr.rel @!p2 .LBB2_27-.Ltmp16, $3  }
0x86: {  	_ =	sdelay $0x1  }
0x87: {  	p0 =	seq.s32 s19, $0x0  }
0x88: {  	p1 =	sgt.u32 @!p0 s19, $0x75  }
0x89: {  	_ =	swait.ge [sflag:s15], $0x500  }
0x8a: {  	p1 =	por p0, !p1;
	[sflag:s15] =	ssyncset.done $0x0  }
.Ltmp17:
0x8b: {  	s5 =	simm.s32 @!p0 $0xE;
	[sflag:s15] =	ssyncadd.s32 $0xFFFFFB00;
	(pc) =	sbr.rel @!p1 .LBB2_28-.Ltmp17, $4  }
0x8c: {  	[spmem:s2] =	stream.indirect.scatter.add.f32 [tilespmem:s24], [sflag:$0xF], $0x10, s21, s11, $0xb8;
	[tilespmem:$0xA238] =	vst v63  }
0x8d: {  	_ =	swait.ge @!p0 [sflag:s5], $0x500  }
0x8e: {  	[sflag:s5] =	ssyncset.done @!p0 $0x0  }
0x8f: {  	[sflag:s5] =	ssyncadd.s32 @!p0 $0xFFFFFB00  }
.Ltmp18:
0x90: {  	(pc) =	sbr.rel .LBB2_28-.Ltmp18, $2  }
0x91: {  	_ =	sdelay $0x2  }
0x92: {  	[tilespmem:s22], [sflag:$0x6] =	stream.indirect.gather [hbm4b:s4+s11], $0x10, s23, s11, $0xb8;
	[tilespmem:$0xA238] =	vst v63  }
.LBB2_15:
0x93: {  	p0 =	seq.s32 s19, $0x0  }
0x94: {  	_ =	swait.ge [sflag:s28], $0x500;
	p1 =	sgt.u32 @!p0 s19, $0x75  }
0x95: {  	[sflag:s28] =	ssyncset.done $0x0;
	p1 =	por p0, !p1  }
.Ltmp19:
0x96: {  	s5 =	simm.s32 @!p0 $0x9;
	[sflag:s28] =	ssyncadd.s32 $0xFFFFFB00;
	(pc) =	sbr.rel @!p1 .LBB2_28-.Ltmp19, $4  }
0x97: {  	[spmem:s2] =	stream.indirect.scatter.add.f32 [tilespmem:s14], [sflag:$0xA], $0x10, s21, s11, $0xb8;
	[tilespmem:$0xA238] =	vst v63  }
0x98: {  	_ =	swait.ge @!p0 [sflag:s5], $0x500  }
0x99: {  	[sflag:s5] =	ssyncset.done @!p0 $0x0  }
0x9a: {  	[sflag:s5] =	ssyncadd.s32 @!p0 $0xFFFFFB00  }
.Ltmp20:
0x9b: {  	(pc) =	sbr.rel .LBB2_28-.Ltmp20, $2  }
0x9c: {  	_ =	sdelay $0x2  }
0x9d: {  	[tilespmem:s12], [sflag:$0x1] =	stream.indirect.gather [hbm4b:s4+s11], $0x10, s23, s11, $0xb8;
	[tilespmem:$0xA238] =	vst v63  }
.LBB2_22:
0x9e: {  	p0 =	seq.s32 s19, $0x0  }
0x9f: {  	_ =	swait.ge [sflag:s13], $0x500;
	p1 =	sgt.u32 @!p0 s19, $0x75  }
0xa0: {  	[sflag:s13] =	ssyncset.done $0x0;
	p1 =	por p0, !p1  }
.Ltmp21:
0xa1: {  	s5 =	simm.s32 @!p0 $0xD;
	[sflag:s13] =	ssyncadd.s32 $0xFFFFFB00;
	(pc) =	sbr.rel @!p1 .LBB2_28-.Ltmp21, $4  }
0xa2: {  	[spmem:s2] =	stream.indirect.scatter.add.f32 [tilespmem:s22], [sflag:$0xE], $0x10, s21, s11, $0xb8;
	[tilespmem:$0xA238] =	vst v63  }
0xa3: {  	_ =	swait.ge @!p0 [sflag:s5], $0x500  }
0xa4: {  	[sflag:s5] =	ssyncset.done @!p0 $0x0  }
0xa5: {  	[sflag:s5] =	ssyncadd.s32 @!p0 $0xFFFFFB00  }
.Ltmp22:
0xa6: {  	(pc) =	sbr.rel .LBB2_28-.Ltmp22, $2  }
0xa7: {  	_ =	sdelay $0x2  }
0xa8: {  	[tilespmem:s20], [sflag:$0x5] =	stream.indirect.gather [hbm4b:s4+s11], $0x10, s23, s11, $0xb8;
	[tilespmem:$0xA238] =	vst v63  }
.LBB2_20:
0xa9: {  	p0 =	seq.s32 s19, $0x0  }
0xaa: {  	_ =	swait.ge [sflag:s30], $0x500;
	p1 =	sgt.u32 @!p0 s19, $0x75  }
0xab: {  	[sflag:s30] =	ssyncset.done $0x0;
	p1 =	por p0, !p1  }
.Ltmp23:
0xac: {  	s5 =	simm.s32 @!p0 $0xB;
	[sflag:s30] =	ssyncadd.s32 $0xFFFFFB00;
	(pc) =	sbr.rel @!p1 .LBB2_28-.Ltmp23, $4  }
0xad: {  	[spmem:s2] =	stream.indirect.scatter.add.f32 [tilespmem:s18], [sflag:$0xC], $0x10, s21, s11, $0xb8;
	[tilespmem:$0xA238] =	vst v63  }
0xae: {  	_ =	swait.ge @!p0 [sflag:s5], $0x500  }
0xaf: {  	[sflag:s5] =	ssyncset.done @!p0 $0x0  }
0xb0: {  	[sflag:s5] =	ssyncadd.s32 @!p0 $0xFFFFFB00  }
.Ltmp24:
0xb1: {  	(pc) =	sbr.rel .LBB2_28-.Ltmp24, $2  }
0xb2: {  	_ =	sdelay $0x2  }
0xb3: {  	[tilespmem:s16], [sflag:$0x3] =	stream.indirect.gather [hbm4b:s4+s11], $0x10, s23, s11, $0xb8;
	[tilespmem:$0xA238] =	vst v63  }
.LBB2_29:
0xb4: {  	_ =	swait.ge [sflag:s31], $0x500;
	s5 =	simm.s32 $0x0  }
0xb5: {  	[sflag:s31] =	ssyncset.done $0x0;
	s5 =	sand.u32 $0xF, s5  }
0xb6: {  	[sflag:s31] =	ssyncadd.s32 $0xFFFFFB00;
	p0 =	sne.s32 s5, s0  }
0xb7: {  	s23 =	simm.s32 $0x1;
	[bflag:$0x0] =	sbarrier.arrive $0xFFFF;
	s9 =	sshll.u32 @!p0 s0, $0x6  }
0xb8: {  	s19 =	sshrl.u32 @!p0 s2, $0x3;
	s21 =	sor.u32 @!p0 $0x1C11, s9;
	s9 =	simm.s32 @!p0 $0x11  }
0xb9: {  	[hbm:s8], [sflag:s21] =	dma.local @!p0 [spmem:s19], $0xA0  }
0xba: {  	s5 =	sand.u32 $0xF, s23;
	s23 =	sadd.s32 $0x500, s2;
	_ =	swait.ge @!p0 [sflag:s9], $0xA0  }
0xbb: {  	s21 =	simm.s32 $0x2;
	s19 =	sadd.s32 $0xA0, s8;
	[sflag:s9] =	ssyncset.done @!p0 $0x0  }
.LBB2_30:
0xbc: {  	[sflag:s9] =	ssyncadd.s32 @!p0 $0xFFFFFF60  }
0xbd: {  	p0 =	sne.s32 s5, s0;
	s5 =	smov.u32 s21;
	s21 =	sadd.s32 $0x1, s21  }
0xbe: {  	p1 =	sne.s32 s21, $0x7D  }
.Ltmp25:
0xbf: {  	s9 =	sshll.u32 @!p0 s0, $0x6;
	s6 =	sshrl.u32 @!p0 s23, $0x3;
	(pc) =	sbr.rel @p1 .LBB2_30-.Ltmp25, $4  }
0xc0: {  	s7 =	sor.u32 @!p0 $0x1C11, s9;
	s9 =	simm.s32 @!p0 $0x11  }
0xc1: {  	[hbm:s19], [sflag:s7] =	dma.local @!p0 [spmem:s6], $0xA0  }
0xc2: {  	s19 =	sadd.s32 $0xA0, s19;
	_ =	swait.ge @!p0 [sflag:s9], $0xA0  }
0xc3: {  	s5 =	sand.u32 $0xF, s5;
	s23 =	sadd.s32 $0x500, s23;
	[sflag:s9] =	ssyncset.done @!p0 $0x0  }
0xc4: {  	p1 =	sne.s32 s5, s0  }
0xc5: {  	[sflag:s9] =	ssyncadd.s32 @!p0 $0xFFFFFF60;
	s5 =	sshll.u32 @!p1 s0, $0x6  }
0xc6: {  	s6 =	sshrl.u32 @!p1 s23, $0x3;
	s7 =	simm.s32 @!p1 $0x11;
	s5 =	sor.u32 @!p1 $0x1C11, s5  }
0xc7: {  	[hbm:s19], [sflag:s5] =	dma.local @!p1 [spmem:s6], $0xA0  }
0xc8: {  	_ =	swait.ge @!p1 [sflag:s7], $0xA0  }
0xc9: {  	s3 =	sadd.s32 $0x1, s3;
	s23 =	rddreg [dreg:$0x5]  }
0xca: {  	p0 =	sne.s32 s3, s23  }
.Ltmp26:
0xcb: {  	_ = 	snop;
	(pc) =	sbr.rel @p0 .LBB2_1-.Ltmp26, $3  }
0xcc: {  	_ =	sdelay $0x1  }
0xcd: {  	[sflag:s7] =	ssyncset.done @!p1 $0x0  }
0xce: {  	[sflag:s7] =	ssyncadd.s32 @!p1 $0xFFFFFF60  }
0xcf: {  	_ =	sfence.sel $0x180000  }
0xd0: {  	[bflag:$0x0] =	sbarrier.arrive $0xFFFF  }
0xd1: {  	_ =	strace $0x9000004D  }
0xd2: {  	[bflag:$0x2] =	sbarrier.arrive $0xFFFF  }
0xd3: {  	p0 =	sne.s32 s0, $0x0;
	s0 =	rddreg [dreg:$0x2]  }
0xd4: {  	s0 =	sadd.s32 @!p0 $0x100000, s0  }
0xd5: {  	[sflag:s0] =	ssyncadd.tile.s32 @!p0 $0x1;
	_ =	shalt  }
.Lfunc_end2:
_tile_overlayer_lowered:
.L_overlay_start_2:
0xd6: {  	(tag) =	ssettag $0x2  }
0xd7: {  	s0 =	rddreg [dreg:$0x0];
	s2 =	stileid.u32  }
0xd8: {  	s1 =	rddreg [dreg:$0x1];
	p0 =	sne.s32 s2, $0x0  }
0xd9: {  	s3 =	rddreg [dreg:$0x2];
	[bflag:$0x3] =	sbarrier.arrive $0xFFFF;
	s2 =	simm.s32 @!p0 $0x1C11  }
0xda: {  	[timem:s3], [sflag:s2] =	dma.local @!p0 [hbm:s0], s1  }
0xdb: {  	s0 =	simm.s32 @!p0 $0x11  }
0xdc: {  	_ =	swait.ge @!p0 [sflag:s0], s1  }
0xdd: {  	s1 =	ssub.s32 @!p0 $0x0, s1;
	[sflag:s0] =	ssyncset.done @!p0 $0x0  }
0xde: {  	[sflag:s0] =	ssyncadd.s32 @!p0 s1  }
0xdf: {  	[bflag:$0x3] =	sbarrier.arrive $0xFFFF  }
0xe0: {  	_ =	shalt  }

// kernel: kernel.9.cloned.1.call-start
scs
__scs_entry_jumppad:
0x0: {  	(pc) =	sbr.rel $0x88, $3  }
0x1: {  	(tag) =	ssettag $0x0;
	lr =	simm.s32 $0x1  }
0x2: {  	[smem:$0x3F96] =	sst lr;
	_ =	strace $0xD0000000  }
0x3: {  	_ = 	snop  }
0x4: {  	_ = 	snop  }
0x5: {  	_ = 	snop  }
0x6: {  	_ = 	snop  }
0x7: {  	_ = 	snop  }
__scs_overlays_trampoline_lowered:
0x8: {  	[smem:$0x3FA5] =	sst s0  }
0x9: {  	[smem:$0x3FA6] =	sst s1  }
0xa: {  	[smem:$0x3FA7] =	sst s2  }
0xb: {  	[smem:$0x3FA8] =	sst s3  }
0xc: {  	[smem:$0x3FA9] =	sst s4  }
0xd: {  	[smem:$0x3FAA] =	sst s5  }
0xe: {  	[smem:$0x3FAB] =	sst s6  }
0xf: {  	[smem:$0x3FAC] =	sst s7  }
0x10: {  	[smem:$0x3FAD] =	sst s8  }
0x11: {  	[smem:$0x3FAE] =	sst s9;
	s0 =	simm.s32 @!p0 $0x0  }
0x12: {  	s1 =	sld [smem:$0x3F94];
	s0 =	simm.s32 @p0 $0x1  }
0x13: {  	[smem:$0x3FAF] =	sst s0;
	s0 =	simm.s32 @!p1 $0x0  }
0x14: {  	s2 =	sld [smem:$0x3F93];
	s0 =	simm.s32 @p1 $0x1  }
0x15: {  	[smem:$0x3FB0] =	sst s0;
	s0 =	simm.s32 @!p2 $0x0  }
0x16: {  	s3 =	sld [smem:$0x3FDB];
	s0 =	simm.s32 @p2 $0x1  }
0x17: {  	s4 =	simm.s32 $0x1BF5;
	[smem:$0x3FB2] =	sst s0  }
0x18: {  	s0 =	sld [smem:$0x3F95];
	_ =	swait.ge [sflag:s4], $0x0  }
0x19: {  	s7 =	sld [smem:$0x3F96]  }
0x1a: {  	s8 =	sadd.s32 $0xFFFFE003, lr  }
0x1b: {  	s9 =	sadd.s32 $0xFFFFFEF7, lr;
	s5 =	simm.s32 $0xFFFFFFFF;
	p2 =	slt.u32 s8, $0xFFFFF086  }
0x1c: {  	p1 =	slt.u32 s9, $0xF7A;
	s5 =	simm.s32 @!p2 $0x0  }
0x1d: {  	s5 =	simm.s32 @p1 $0x1;
	p0 =	seq.s32 s7, s2  }
0x1e: {  	s7 =	smul.u32 @!p0 $0xF7A, s2;
	p2 =	seq.s32 @!p0 s5, $0x0  }
0x1f: {  	s9 =	smul.u32 $0xF7A, s1;
	s8 =	simm.s32 @!p0 $0x1BF5;
	p2 =	por !p2, p0  }
0x20: {  	[sflag:s8] =	ssyncset.s32 @!p0 $0xFFFFF086;
	s6 =	sadd.s32 @!p0 s3, s7;
	s7 =	simm.s32 @!p0 $0x108  }
0x21: {  	s3 =	sadd.s32 s3, s9;
	s6 =	sadd.s32 @!p0 $0x88, s6;
	s7 =	simm.s32 @p2 $0x1082  }
0x22: {  	[simem:s7], [sflag:s8] =	dma.local @!p0 [hbm:s6], $0xF7A  }
0x23: {  	s9 =	sor.u32 $0xD0000000, s2;
	s6 =	simm.s32 $0x108;
	_ =	swait.ge @!p0 [sflag:s8], $0x0  }
0x24: {  	s3 =	sadd.s32 $0x88, s3;
	s6 =	simm.s32 @!p1 $0x1082;
	[sflag:s4] =	ssyncset.s32 $0xFFFFF086  }
0x25: {  	[simem:s6], [sflag:s4] =	dma.local [hbm:s3], $0xF7A  }
0x26: {  	[smem:$0x3F96] =	sst s1;
	(tag) =	ssettag s2;
	_ =	strace s9  }
0x27: {  	s1 =	sld [smem:$0x3FA6]  }
0x28: {  	s2 =	sld [smem:$0x3FA7]  }
0x29: {  	s4 =	sld [smem:$0x3FA9]  }
0x2a: {  	p0 =	seq.s32 s5, $0x0;
	s5 =	sld [smem:$0x3FAA]  }
0x2b: {  	s6 =	sld [smem:$0x3FAB]  }
0x2c: {  	s7 =	sld [smem:$0x3FAC]  }
0x2d: {  	s3 =	simm.s32 $0x108;
	s8 =	sld [smem:$0x3FAD]  }
0x2e: {  	s3 =	simm.s32 @!p0 $0x1082;
	s9 =	sld [smem:$0x3FAE]  }
0x2f: {  	lr =	sadd.s32 s0, s3;
	s0 =	sld [smem:$0x3FA5]  }
0x30: {  	s3 =	sld [smem:$0x3FA8]  }
0x31: {  	[smem:$0x3FB1] =	sst s10  }
0x32: {  	s10 =	sld [smem:$0x3FAF];
	_ =	sdelay $0x3  }
0x33: {  	p0 =	seq.s32 s10, $0x1;
	s10 =	sld [smem:$0x3FB1];
	_ =	sdelay $0x3  }
0x34: {  	[smem:$0x3FB1] =	sst s10  }
0x35: {  	s10 =	sld [smem:$0x3FB0];
	_ =	sdelay $0x3  }
0x36: {  	p1 =	seq.s32 s10, $0x1;
	s10 =	sld [smem:$0x3FB1];
	_ =	sdelay $0x3  }
0x37: {  	[smem:$0x3FB1] =	sst s10  }
0x38: {  	s10 =	sld [smem:$0x3FB2]  }
0x39: {  	_ = 	snop;
	(pc) =	sbr.ind lr, $3  }
0x3a: {  	_ = 	snop  }
0x3b: {  	_ = 	snop  }
0x3c: {  	p2 =	seq.s32 s10, $0x1;
	s10 =	sld [smem:$0x3FB1]  }
0x3d: {  	_ =	shalt  }
0x3e: {  	_ =	shalt  }
0x3f: {  	_ =	shalt  }
0x40: {  	_ =	shalt  }
0x41: {  	_ =	shalt  }
0x42: {  	_ =	shalt  }
0x43: {  	_ =	shalt  }
0x44: {  	_ =	shalt  }
0x45: {  	_ =	shalt  }
0x46: {  	_ =	shalt  }
0x47: {  	_ =	shalt  }
0x48: {  	_ =	shalt  }
0x49: {  	_ =	shalt  }
0x4a: {  	_ =	shalt  }
0x4b: {  	_ =	shalt  }
0x4c: {  	_ =	shalt  }
0x4d: {  	_ =	shalt  }
0x4e: {  	_ =	shalt  }
0x4f: {  	_ =	shalt  }
0x50: {  	_ =	shalt  }
0x51: {  	_ =	shalt  }
0x52: {  	_ =	shalt  }
0x53: {  	_ =	shalt  }
0x54: {  	_ =	shalt  }
0x55: {  	_ =	shalt  }
0x56: {  	_ =	shalt  }
0x57: {  	_ =	shalt  }
0x58: {  	_ =	shalt  }
0x59: {  	_ =	shalt  }
0x5a: {  	_ =	shalt  }
0x5b: {  	_ =	shalt  }
0x5c: {  	_ =	shalt  }
0x5d: {  	_ =	shalt  }
0x5e: {  	_ =	shalt  }
0x5f: {  	_ =	shalt  }
0x60: {  	_ =	shalt  }
0x61: {  	_ =	shalt  }
0x62: {  	_ =	shalt  }
0x63: {  	_ =	shalt  }
0x64: {  	_ =	shalt  }
0x65: {  	_ =	shalt  }
0x66: {  	_ =	shalt  }
0x67: {  	_ =	shalt  }
0x68: {  	_ =	shalt  }
0x69: {  	_ =	shalt  }
0x6a: {  	_ =	shalt  }
0x6b: {  	_ =	shalt  }
0x6c: {  	_ =	shalt  }
0x6d: {  	_ =	shalt  }
0x6e: {  	_ =	shalt  }
0x6f: {  	_ =	shalt  }
0x70: {  	_ =	shalt  }
0x71: {  	_ =	shalt  }
0x72: {  	_ =	shalt  }
0x73: {  	_ =	shalt  }
0x74: {  	_ =	shalt  }
0x75: {  	_ =	shalt  }
0x76: {  	_ =	shalt  }
0x77: {  	_ =	shalt  }
0x78: {  	_ =	shalt  }
0x79: {  	_ =	shalt  }
0x7a: {  	_ =	shalt  }
0x7b: {  	_ =	shalt  }
0x7c: {  	_ =	shalt  }
0x7d: {  	_ =	shalt  }
0x7e: {  	_ =	shalt  }
0x7f: {  	_ =	shalt  }
0x80: {  	_ =	shalt  }
0x81: {  	_ =	shalt  }
0x82: {  	_ =	shalt  }
0x83: {  	_ =	shalt  }
0x84: {  	_ =	shalt  }
0x85: {  	_ =	shalt  }
0x86: {  	_ =	shalt  }
0x87: {  	_ =	shalt  }
.Lfunc_end0:
.L_simem_size_0:
called_computation_lowered:
.L_overlay_start_0:
0x88: {  	s2 =	sld [smem:$0x3FD9]  }
0x89: {  	s3 =	sld [smem:$0x3FFE];
	_ =	sdelay $0x1  }
0x8a: {  	s1 =	srdreg.scid  }
0x8b: {  	s0 =	sand.u32 $0x1, s1  }
0x8c: {  	s17 =	sshll.u32 s0, $0xA;
	s2 =	sadd.s32 s3, s2  }
0x8d: {  	s2 =	sadd.s32 s2, s17  }
0x8e: {  	[smem:$0x3FBD] =	sst s2  }
0x8f: {  	_ = 	snop  }
0x90: {  	s2 =	sld [smem:$0x3FD0];
	(tm) =	ssettm $0x1  }
0x91: {  	s18 =	sld [smem:$0x3FFB];
	_ =	sdelay $0x3  }
0x92: {  	_ =	strace s18  }
0x93: {  	s3 =	sld [smem:$0x3FFC];
	_ =	sdelay $0x3  }
0x94: {  	_ =	strace s3  }
0x95: {  	s3 =	sld [smem:$0x3FFD];
	_ =	sdelay $0x3  }
0x96: {  	_ =	strace s3  }
0x97: {  	_ =	strace $0x8FFFFFFF  }
0x98: {  	s19 =	sld [smem:$0x3FDB];
	_ =	sdelay $0x1  }
0x99: {  	s4 =	simm.s32 $_scs_section_size  }
0x9a: {  	s5 =	simm.s32 $_size__tile_overlayer_lowered;
	s6 =	simm.s32 $_tile_overlayer_lowered  }
0x9b: {  	s22 =	simm.s32 $0x1BFF;
	s21 =	sshll.u32 s6, $0x1;
	s3 =	sadd.s32 s4, s19  }
0x9c: {  	s7 =	simm.s32 $0x0;
	s20 =	sshll.u32 s5, $0x1;
	s5 =	sadd.s32 s21, s3  }
0x9d: {  	[timem:s7], [sflag:s22] =	dma.local [hbm:s5], s20  }
0x9e: {  	_ =	swait.ge [sflag:s22], s20  }
0x9f: {  	s4 =	ssub.s32 $0x0, s20;
	[sflag:s22] =	ssyncset.done $0x0  }
0xa0: {  	[sflag:s22] =	ssyncadd.s32 s4;
	_ =	sdelay $0x1  }
0xa1: {  	s23 =	simm.s32 $0x1B8B  }
0xa2: {  	_ =	swait.ge [sflag:s23], $0x1  }
0xa3: {  	[sflag:s23] =	ssyncset.done $0x0  }
0xa4: {  	s25 =	simm.s32 $0x1B8E;
	s24 =	sld [smem:$0x3FFE];
	[sflag:s23] =	ssyncadd.s32 $0xFFFFFFFF  }
0xa5: {  	s26 =	simm.s32 $execute0_lowered;
	[smem:$0x3FD2] =	sst s25  }
0xa6: {  	s5 =	sshll.u32 s26, $0x1;
	_ =	strace $0x80000046;
	[dreg:$0x1] =	wrdreg $0xFFFFFFFF  }
0xa7: {  	s28 =	simm.s32 $_size_execute0_lowered;
	s3 =	sadd.s32 s3, s5;
	[dreg:$0x0] =	wrdreg $0x0  }
0xa8: {  	s5 =	sshll.u32 s28, $0x1;
	[dreg:$0x2] =	wrdreg s3  }
0xa9: {  	[dreg:$0x3] =	wrdreg s5  }
0xaa: {  	[dreg:$0x4] =	wrdreg $0xC0  }
0xab: {  	_ =	task [dreg:s7], $0x5FFFF  }
0xac: {  	[dreg:$0x1] =	wrdreg $0xFFFFFFFF  }
0xad: {  	[dreg:$0x0] =	wrdreg $0x60  }
0xae: {  	[dreg:$0x2] =	wrdreg s24  }
0xaf: {  	[dreg:$0x3] =	wrdreg s2  }
0xb0: {  	[dreg:$0x4] =	wrdreg $0x0  }
0xb1: {  	[dreg:$0x5] =	wrdreg $0x19E800  }
0xb2: {  	[dreg:$0x6] =	wrdreg $0x9  }
0xb3: {  	_ =	task.clear_ibuf [dreg:s7], $0x7FFFF;
	_ =	strace $0x90000046  }
0xb4: {  	s29 =	simm.s32 $0x9;
	_ =	strace $0x80000048  }
0xb5: {  	_ =	swait.ge [sflag:s29], $0x1  }
0xb6: {  	[sflag:s29] =	ssyncadd.s32 $0xFFFFFFFF  }
0xb7: {  	_ =	strace $0x90000048  }
0xb8: {  	_ =	sfence  }
0xb9: {  	s30 =	sld [smem:$0x0];
	_ =	sdelay $0x2  }
0xba: {  	s31 =	sshll.u32 s1, $0xD;
	s1 =	sshrl.u32 s1, $0x2  }
0xbb: {  	s3 =	sand.u32 $0x4000, s31;
	s1 =	sadd.s32 s1, s30  }
0xbc: {  	s0 =	sor.u32 s3, s0;
	s1 =	sshll.u32 s1, $0x11  }
0xbd: {  	s0 =	sor.u32 s1, s0  }
0xbe: {  	s0 =	sadd.s32 $0x8F2B, s0  }
0xbf: {  	[sflag:s0] =	ssyncadd.remote.s32 $0x1  }
0xc0: {  	_ =	sfence.sel $0xFFFF  }
0xc1: {  	[dreg:$0x0] =	wrdreg $0xFFFFFFFF;
	(pc) =	sbr.abs _section_cstart, $3  }
0xc2: {  	[dreg:$0x1] =	wrdreg $0xFFFFFFFF  }
0xc3: {  	_ =	task.clear_ibuf [dreg:s7], $0x2FFFF;
	_ =	strace $0x9FFFFFFF  }
0xc4: {  	(tm) =	ssettm $0x7FFFFFFF  }
0xc5: {  	_ =	shalt  }
tec
execute0_lowered:
.L_overlay_start_1:
0x0: {  	(tag) =	ssettag $0x1  }
0x1: {  	s0 =	rddreg [dreg:$0x0];
	s1 =	srdreg.scid  }
0x2: {  	s6 =	rddreg [dreg:$0x1];
	s2 =	stileid.u32  }
0x3: {  	s3 =	rddreg [dreg:$0x3];
	s31 =	simm.s32 $0x12;
	s28 =	simm.s32 $0x2  }
0x4: {  	s29 =	simm.s32 $0x3;
	s7 =	sand.u32 $0x1, s1;
	s1 =	rddreg [dreg:$0x2]  }
0x5: {  	s30 =	sadd.s32 $0x3E8, s3;
	s12 =	sadd.s32 $0x1388, s3;
	s13 =	sadd.s32 $0x1770, s3  }
0x6: {  	s14 =	sadd.s32 $0x1B58, s3;
	s15 =	sadd.s32 $0x1F40, s3;
	s16 =	sadd.s32 $0x2328, s3  }
0x7: {  	p1 =	seq.s32 s2, $0x0;
	s4 =	sshll.u32 s7, $0x4;
	s10 =	ssub.s32 $0x2, s7  }
0x8: {  	s5 =	sor.u32 s2, s4;
	s4 =	simm.s32 $0x0;
	s11 =	sshrl.u32 s10, $0x1  }
0x9: {  	s9 =	smul.u32 $0x13880, s7;
	[smem:$0x7FF] =	sst s4;
	s24 =	ssub.s32 s10, s11  }
0xa: {  	s10 =	sadd.s32 $0xBB8, s3;
	_ =	strace $0x80000047;
	[dreg:$0x8] =	wrdreg s30  }
0xb: {  	s7 =	smul.u32 $0x2710, s7;
	s11 =	sadd.s32 $0xFA0, s3;
	[dreg:$0xa] =	wrdreg s10  }
0xc: {  	p0 =	sne.s32 s2, $0x0;
	s8 =	smul.u32 $0x4E2, s5;
	[dreg:$0xb] =	wrdreg s11  }
0xd: {  	s5 =	sadd.s32 $0x15C00, s0;
	s17 =	sadd.s32 $0x3E8, s7;
	[dreg:$0xc] =	wrdreg s12  }
0xe: {  	s18 =	sadd.s32 $0xBB8, s7;
	s19 =	sshrl.u32 s7, $0x3;
	[dreg:$0xd] =	wrdreg s13  }
0xf: {  	s21 =	sadd.s32 $0x1388, s7;
	s22 =	sadd.s32 $0x1B58, s7;
	[dreg:$0xe] =	wrdreg s14  }
0x10: {  	s7 =	sadd.s32 $0x2328, s7;
	s26 =	smax.u32 s24, $0x1;
	[dreg:$0xf] =	wrdreg s15  }
0x11: {  	[dreg:$0x10] =	wrdreg s16;
	s10 =	sadd.s32 s6, s19;
	s7 =	sshrl.u32 s7, $0x3  }
0x12: {  	s19 =	simm.s32 $0x12680;
	s11 =	simm.s32 $0x5;
	s12 =	simm.s32 $0x6  }
0x13: {  	s13 =	simm.s32 $0x7;
	s8 =	sadd.s32 s8, s0;
	[dreg:$0x7] =	wrdreg s26  }
0x14: {  	s0 =	sadd.s32 s9, s0;
	s9 =	sadd.s32 $0x7D0, s3;
	[dreg:$0x11] =	wrdreg s10  }
0x15: {  	s14 =	simm.s32 $0x8;
	s24 =	sadd.s32 $0xFA, s10;
	[dreg:$0x9] =	wrdreg s9  }
0x16: {  	s26 =	sadd.s32 $0x2EE, s10;
	s30 =	sadd.s32 $0x3E8, s10;
	[dreg:$0x17] =	wrdreg s24  }
0x17: {  	s25 =	sadd.s32 $0xBE00, s8;
	s8 =	sadd.s32 $0x2000, s8;
	[dreg:$0x1a] =	wrdreg s26  }
0x18: {  	s9 =	sshrl.u32 s18, $0x3;
	s0 =	sadd.s32 $0x29600, s0;
	[dreg:$0x1b] =	wrdreg s30  }
0x19: {  	s24 =	simm.s32 $0x1;
	s18 =	simm.s32 $0x4;
	[dreg:$0x5] =	wrdreg s25  }
0x1a: {  	[dreg:$0x6] =	wrdreg s8;
	s8 =	sshrl.u32 s17, $0x3;
	s20 =	sadd.s32 s6, s9  }
0x1b: {  	s9 =	sshrl.u32 s22, $0x3;
	[dreg:$0x18] =	wrdreg s0;
	s25 =	sadd.s32 $0x1F4, s10  }
0x1c: {  	s22 =	simm.s32 $0x16280;
	s0 =	simm.s32 $0x1A0F8;
	[dreg:$0x13] =	wrdreg s20  }
0x1d: {  	s10 =	simm.s32 $0x11;
	s8 =	sadd.s32 s6, s8;
	[dreg:$0x19] =	wrdreg s25  }
0x1e: {  	s23 =	sadd.s32 s6, s9;
	s20 =	simm.s32 $0x13A80;
	[dreg:$0x12] =	wrdreg s8  }
0x1f: {  	s25 =	simm.s32 $0x18A80;
	s8 =	sshrl.u32 s21, $0x3;
	[dreg:$0x15] =	wrdreg s23  }
0x20: {  	s21 =	simm.s32 $0x14E80;
	s23 =	simm.s32 $0x17680;
	s8 =	sadd.s32 s6, s8  }
0x21: {  	s6 =	sadd.s32 s6, s7;
	s7 =	simm.s32 $0xFE80;
	[dreg:$0x14] =	wrdreg s8  }
0x22: {  	v0 =	vimm.f32 $0.0e+00;
	v1 =	vimm.f32 $1.000000000e+00;
	[dreg:$0x16] =	wrdreg s6;
	s6 =	simm.s32 $0x50;
	s8 =	simm.s32 $0x11280  }
.LBB2_1:
0x23: {  	s9 =	simm.s32 $0x0  }
.LBB2_2:
0x24: {  	p2 =	sne.s32 s9, $0x4F00  }
.Ltmp0:
0x25: {  	s15 =	sshra.s32 s9, $0x2;
	(pc) =	sbr.rel @p2 .LBB2_2-.Ltmp0, $4  }
0x26: {  	[tilespmem:s15+$0xEA80] =	vst v0  }
0x27: {  	[tilespmem:s15+$0xEA90] =	vst v0  }
0x28: {  	[tilespmem:s15+$0xEAA0] =	vst v0  }
0x29: {  	s9 =	sadd.s32 $0x100, s9;
	[tilespmem:s15+$0xEAB0] =	vst v0  }
0x2a: {  	s9 =	simm.s32 $0x0  }
0x2b: {  	s9 =	sand.u32 $0xF, s9  }
0x2c: {  	p2 =	sne.s32 s9, s2  }
0x2d: {  	s9 =	simm.s32 @!p2 $0xEA80;
	s17 =	simm.s32 @!p2 $0x12  }
0x2e: {  	[spmem:s1] =	stream.linear.scatter @!p2 [tilespmem:s9], [sflag:$0x12], $0x1400, $0x38;
	[tilespmem:$0x1A538] =	vst v63  }
0x2f: {  	s16 =	simm.s32 $0x1;
	_ =	swait.ge @!p2 [sflag:s17], $0x1400  }
0x30: {  	s15 =	sadd.s32 $0x1400, s1;
	s9 =	simm.s32 $0x2;
	[sflag:s17] =	ssyncset.done @!p2 $0x0  }
.LBB2_4:
0x31: {  	s30 =	sand.u32 $0xF, s16;
	s16 =	smov.u32 s9;
	s9 =	sadd.s32 $0x1, s9  }
0x32: {  	[sflag:s17] =	ssyncadd.s32 @!p2 $0xFFFFEC00;
	p3 =	sne.s32 s9, $0x7D  }
.Ltmp1:
0x33: {  	p2 =	sne.s32 s30, s2;
	(pc) =	sbr.rel @p3 .LBB2_4-.Ltmp1, $4  }
0x34: {  	s30 =	simm.s32 @!p2 $0xEA80;
	s17 =	simm.s32 @!p2 $0x12  }
0x35: {  	[spmem:s15] =	stream.linear.scatter @!p2 [tilespmem:s30], [sflag:$0x12], $0x1400, $0x38;
	[tilespmem:$0x1A538] =	vst v63  }
0x36: {  	_ =	swait.ge @!p2 [sflag:s17], $0x1400  }
0x37: {  	s15 =	sadd.s32 $0x1400, s15;
	[sflag:s17] =	ssyncset.done @!p2 $0x0  }
0x38: {  	s9 =	sand.u32 $0xF, s16  }
0x39: {  	p3 =	sne.s32 s9, s2  }
0x3a: {  	[sflag:s17] =	ssyncadd.s32 @!p2 $0xFFFFEC00;
	s9 =	simm.s32 @!p3 $0xEA80;
	s16 =	simm.s32 @!p3 $0x12  }
0x3b: {  	[spmem:s15] =	stream.linear.scatter @!p3 [tilespmem:s9], [sflag:$0x12], $0x1400, $0x38;
	[tilespmem:$0x1A538] =	vst v63  }
0x3c: {  	_ =	swait.ge @!p3 [sflag:s16], $0x1400  }
0x3d: {  	[sflag:s16] =	ssyncset.done @!p3 $0x0  }
0x3e: {  	[sflag:s16] =	ssyncadd.s32 @!p3 $0xFFFFEC00  }
.Ltmp2:
0x3f: {  	[tilespmem:$0x1A0F8] =	vst v1;
	(pc) =	sbr.rel @!p1 .LBB2_9-.Ltmp2, $4  }
0x40: {  	[tilespmem:$0x1A108] =	vst v1  }
0x41: {  	[tilespmem:$0x1A118] =	vst v1  }
0x42: {  	[tilespmem:$0x1A128] =	vst v1  }
0x43: {  	[tilespmem:$0x1A138] =	vst v1  }
0x44: {  	s9 =	simm.s32 $0x40;
	s15 =	simm.s32 $0x0  }
.LBB2_7:
0x45: {  	p2 =	seq.s32 s9, $0xF80;
	[tilespmem:s15+$0x1A148] =	vst v0;
	s15 =	smov.u32 s9;
	s9 =	sadd.s32 $0x40, s9  }
.Ltmp3:
0x46: {  	(pc) =	sbr.rel @!p2 .LBB2_7-.Ltmp3, $2  }
0x47: {  	_ =	sdelay $0x2  }
0x48: {  	s15 =	sshra.s32 s15, $0x2  }
0x49: {  	[tilespmem:s15+$0x1A148] =	vst v0;
	s15 =	simm.s32 $0x1A148  }
0x4a: {  	[spmem:s3] =	stream.linear.scatter [tilespmem:s15], [sflag:$0x12], $0x3E8, $0x38;
	[tilespmem:$0x1A538] =	vst v63  }
0x4b: {  	_ =	swait.ge [sflag:s31], $0x3E8  }
0x4c: {  	[sflag:s31] =	ssyncset.done $0x0  }
0x4d: {  	s9 =	rddreg [dreg:$0x8];
	[sflag:s31] =	ssyncadd.s32 $0xFFFFFC18  }
0x4e: {  	[spmem:s9] =	stream.linear.scatter [tilespmem:s15], [sflag:$0x12], $0x3E8, $0x38;
	[tilespmem:$0x1A538] =	vst v63  }
0x4f: {  	_ =	swait.ge [sflag:s31], $0x3E8  }
0x50: {  	[sflag:s31] =	ssyncset.done $0x0  }
0x51: {  	s16 =	rddreg [dreg:$0x9];
	[sflag:s31] =	ssyncadd.s32 $0xFFFFFC18  }
0x52: {  	[spmem:s16] =	stream.linear.scatter [tilespmem:s15], [sflag:$0x12], $0x3E8, $0x38;
	[tilespmem:$0x1A538] =	vst v63  }
0x53: {  	_ =	swait.ge [sflag:s31], $0x3E8  }
0x54: {  	[sflag:s31] =	ssyncset.done $0x0  }
0x55: {  	s17 =	rddreg [dreg:$0xa];
	[sflag:s31] =	ssyncadd.s32 $0xFFFFFC18  }
0x56: {  	[spmem:s17] =	stream.linear.scatter [tilespmem:s15], [sflag:$0x12], $0x3E8, $0x38;
	[tilespmem:$0x1A538] =	vst v63  }
0x57: {  	_ =	swait.ge [sflag:s31], $0x3E8  }
0x58: {  	[sflag:s31] =	ssyncset.done $0x0  }
0x59: {  	s26 =	rddreg [dreg:$0xb];
	[sflag:s31] =	ssyncadd.s32 $0xFFFFFC18  }
0x5a: {  	[spmem:s26] =	stream.linear.scatter [tilespmem:s15], [sflag:$0x12], $0x3E8, $0x38;
	[tilespmem:$0x1A538] =	vst v63  }
0x5b: {  	_ =	swait.ge [sflag:s31], $0x3E8  }
0x5c: {  	[sflag:s31] =	ssyncset.done $0x0  }
0x5d: {  	s30 =	rddreg [dreg:$0xc];
	[sflag:s31] =	ssyncadd.s32 $0xFFFFFC18  }
0x5e: {  	[spmem:s30] =	stream.linear.scatter [tilespmem:s15], [sflag:$0x12], $0x3E8, $0x38;
	[tilespmem:$0x1A538] =	vst v63  }
0x5f: {  	_ =	swait.ge [sflag:s31], $0x3E8  }
0x60: {  	[sflag:s31] =	ssyncset.done $0x0  }
0x61: {  	s16 =	rddreg [dreg:$0xd];
	[sflag:s31] =	ssyncadd.s32 $0xFFFFFC18  }
0x62: {  	[spmem:s16] =	stream.linear.scatter [tilespmem:s15], [sflag:$0x12], $0x3E8, $0x38;
	[tilespmem:$0x1A538] =	vst v63  }
0x63: {  	_ =	swait.ge [sflag:s31], $0x3E8  }
0x64: {  	[sflag:s31] =	ssyncset.done $0x0  }
0x65: {  	s17 =	rddreg [dreg:$0xe];
	[sflag:s31] =	ssyncadd.s32 $0xFFFFFC18  }
0x66: {  	[spmem:s17] =	stream.linear.scatter [tilespmem:s15], [sflag:$0x12], $0x3E8, $0x38;
	[tilespmem:$0x1A538] =	vst v63  }
0x67: {  	_ =	swait.ge [sflag:s31], $0x3E8  }
0x68: {  	[sflag:s31] =	ssyncset.done $0x0  }
0x69: {  	s26 =	rddreg [dreg:$0xf];
	[sflag:s31] =	ssyncadd.s32 $0xFFFFFC18  }
0x6a: {  	[spmem:s26] =	stream.linear.scatter [tilespmem:s15], [sflag:$0x12], $0x3E8, $0x38;
	[tilespmem:$0x1A538] =	vst v63  }
0x6b: {  	_ =	swait.ge [sflag:s31], $0x3E8  }
0x6c: {  	[sflag:s31] =	ssyncset.done $0x0  }
0x6d: {  	s30 =	rddreg [dreg:$0x10];
	[sflag:s31] =	ssyncadd.s32 $0xFFFFFC18  }
0x6e: {  	[spmem:s30] =	stream.linear.scatter [tilespmem:s15], [sflag:$0x12], $0x3E8, $0x38;
	[tilespmem:$0x1A538] =	vst v63  }
0x6f: {  	_ =	swait.ge [sflag:s31], $0x3E8  }
0x70: {  	[sflag:s31] =	ssyncset.done $0x0  }
0x71: {  	[sflag:s31] =	ssyncadd.s32 $0xFFFFFC18  }
.LBB2_9:
0x72: {  	[bflag:$0x0] =	sbarrier.arrive $0xFFFF  }
0x73: {  	s15 =	simm.s32 $0x0;
	s17 =	simm.s32 $0x9C60;
	s9 =	rddreg [dreg:$0x5]  }
0x74: {  	[tilespmem:s17], [sflag:$0x12] =	stream.linear.gather [hbm4b:s9+s15], $0x2710, $0x38;
	[tilespmem:$0x1A538] =	vst v63  }
0x75: {  	_ =	swait.ge [sflag:s31], $0x2710  }
0x76: {  	[sflag:s31] =	ssyncset.done $0x0  }
0x77: {  	s16 =	simm.s32 $0xC370;
	s30 =	rddreg [dreg:$0x6];
	[sflag:s31] =	ssyncadd.s32 $0xFFFFD8F0  }
0x78: {  	[tilespmem:s16], [sflag:$0x12] =	stream.linear.gather [hbm4b:s30+s15], $0x2710, $0x38;
	[tilespmem:$0x1A538] =	vst v63  }
0x79: {  	_ =	swait.ge [sflag:s31], $0x2710  }
0x7a: {  	[sflag:s31] =	ssyncset.done $0x0  }
0x7b: {  	[sflag:s31] =	ssyncadd.s32 $0xFFFFD8F0  }
0x7c: {  	[tilespmem:s7], [sflag:$0x1] =	stream.indirect.gather [hbm4b:s5+s6], $0x40, s17, s6, $0xb8;
	[tilespmem:$0x1A538] =	vst v63  }
0x7d: {  	s17 =	simm.s32 $0x9CB0  }
0x7e: {  	[tilespmem:s8], [sflag:$0x2] =	stream.indirect.gather [hbm4b:s5+s6], $0x40, s17, s6, $0xb8;
	[tilespmem:$0x1A538] =	vst v63  }
0x7f: {  	s26 =	simm.s32 $0x9D00  }
0x80: {  	[tilespmem:s19], [sflag:$0x3] =	stream.indirect.gather [hbm4b:s5+s6], $0x40, s26, s6, $0xb8;
	[tilespmem:$0x1A538] =	vst v63  }
0x81: {  	s30 =	simm.s32 $0x9D50  }
0x82: {  	[tilespmem:s20], [sflag:$0x4] =	stream.indirect.gather [hbm4b:s5+s6], $0x40, s30, s6, $0xb8;
	[tilespmem:$0x1A538] =	vst v63  }
0x83: {  	s17 =	simm.s32 $0x9DA0  }
0x84: {  	[tilespmem:s21], [sflag:$0x5] =	stream.indirect.gather [hbm4b:s5+s6], $0x40, s17, s6, $0xb8;
	[tilespmem:$0x1A538] =	vst v63  }
.Ltmp4:
0x85: {  	_ = 	snop;
	(pc) =	sbr.rel .LBB2_10-.Ltmp4, $4  }
0x86: {  	s26 =	simm.s32 $0x9DF0  }
0x87: {  	[tilespmem:s22], [sflag:$0x6] =	stream.indirect.gather [hbm4b:s5+s6], $0x40, s26, s6, $0xb8;
	[tilespmem:$0x1A538] =	vst v63  }
0x88: {  	s30 =	simm.s32 $0x9E40;
	s17 =	simm.s32 $0x9E90  }
0x89: {  	[tilespmem:s23], [sflag:$0x7] =	stream.indirect.gather [hbm4b:s5+s6], $0x40, s30, s6, $0xb8;
	[tilespmem:$0x1A538] =	vst v63  }
.LBB2_31:
0x8a: {  	_ =	swait.ge [sflag:s14], $0x1400  }
0x8b: {  	[sflag:s14] =	ssyncset.done $0x0  }
0x8c: {  	[sflag:s14] =	ssyncadd.s32 $0xFFFFEC00  }
0x8d: {  	[spmem:s1] =	stream.indirect.scatter.add.f32 [tilespmem:s25], [sflag:$0x10], $0x40, s16, s6, $0xb8;
	[tilespmem:$0x1A538] =	vst v63  }
0x8e: {  	s9 =	simm.s32 @!p2 $0xF  }
0x8f: {  	[spmem:s3] =	stream.indirect.scatter.add.f32 [tilespmem:s0], [sflag:$0x11], $0x1, s16, s6, $0xb8;
	[tilespmem:$0x1A538] =	vst v63  }
0x90: {  	_ =	swait.ge @!p2 [sflag:s9], $0x1400  }
0x91: {  	[sflag:s9] =	ssyncset.done @!p2 $0x0  }
0x92: {  	p3 =	por p2, !p3;
	[sflag:s9] =	ssyncadd.s32 @!p2 $0xFFFFEC00  }
0x93: {  	[tilespmem:s23], [sflag:$0x7] =	stream.indirect.gather @p3 [hbm4b:s5+s6], $0x40, s17, s6, $0xb8;
	[tilespmem:$0x1A538] =	vst v63  }
.LBB2_32:
0x94: {  	s15 =	sadd.s32 $0x1, s15  }
0x95: {  	p2 =	sne.s32 s15, $0x7D  }
.Ltmp5:
0x96: {  	_ = 	snop;
	(pc) =	sbr.rel @!p2 .LBB2_33-.Ltmp5, $2  }
0x97: {  	_ =	sdelay $0x2  }
0x98: {  	s17 =	sadd.s32 $0x50, s17;
	s16 =	sadd.s32 $0x50, s16  }
.LBB2_10:
0x99: {  	s9 =	sand.u32 $0x7, s15  }
0x9a: {  	p2 =	sgt.s32 s9, $0x3  }
.Ltmp6:
0x9b: {  	_ = 	snop;
	(pc) =	sbr.rel @p2 .LBB2_15-.Ltmp6, $1  }
0x9c: {  	_ =	sdelay $0x3  }
0x9d: {  	p2 =	sgt.s32 s9, $0x1  }
.Ltmp7:
0x9e: {  	_ = 	snop;
	(pc) =	sbr.rel @p2 .LBB2_23-.Ltmp7, $1  }
0x9f: {  	_ =	sdelay $0x3  }
0xa0: {  	p2 =	seq.s32 s9, $0x0  }
.Ltmp8:
0xa1: {  	_ = 	snop;
	(pc) =	sbr.rel @!p2 .LBB2_19-.Ltmp8, $1  }
0xa2: {  	_ =	sdelay $0x3  }
0xa3: {  	_ =	swait.ge [sflag:s24], $0x1400;
	p2 =	seq.s32 s15, $0x0  }
0xa4: {  	[sflag:s24] =	ssyncset.done $0x0;
	p3 =	sgt.u32 @!p2 s15, $0x75  }
0xa5: {  	[sflag:s24] =	ssyncadd.s32 $0xFFFFEC00;
	p3 =	por p2, !p3  }
0xa6: {  	[spmem:s1] =	stream.indirect.scatter.add.f32 [tilespmem:s7], [sflag:$0x9], $0x40, s16, s6, $0xb8;
	[tilespmem:$0x1A538] =	vst v63  }
.Ltmp9:
0xa7: {  	s9 =	simm.s32 @!p2 $0x10;
	(pc) =	sbr.rel @!p3 .LBB2_32-.Ltmp9, $4  }
0xa8: {  	[spmem:s3] =	stream.indirect.scatter.add.f32 [tilespmem:s0], [sflag:$0x11], $0x1, s16, s6, $0xb8;
	[tilespmem:$0x1A538] =	vst v63  }
0xa9: {  	_ =	swait.ge @!p2 [sflag:s9], $0x1400  }
0xaa: {  	[sflag:s9] =	ssyncset.done @!p2 $0x0  }
0xab: {  	[sflag:s9] =	ssyncadd.s32 @!p2 $0xFFFFEC00  }
.Ltmp10:
0xac: {  	(pc) =	sbr.rel .LBB2_32-.Ltmp10, $2  }
0xad: {  	_ =	sdelay $0x2  }
0xae: {  	[tilespmem:s25], [sflag:$0x8] =	stream.indirect.gather [hbm4b:s5+s6], $0x40, s17, s6, $0xb8;
	[tilespmem:$0x1A538] =	vst v63  }
.LBB2_15:
0xaf: {  	p2 =	sgt.s32 s9, $0x5  }
.Ltmp11:
0xb0: {  	_ = 	snop;
	(pc) =	sbr.rel @p2 .LBB2_30-.Ltmp11, $1  }
0xb1: {  	_ =	sdelay $0x3  }
0xb2: {  	p2 =	seq.s32 s9, $0x4  }
.Ltmp12:
0xb3: {  	_ = 	snop;
	(pc) =	sbr.rel @!p2 .LBB2_26-.Ltmp12, $1  }
0xb4: {  	_ =	sdelay $0x3  }
0xb5: {  	_ =	swait.ge [sflag:s11], $0x1400;
	p2 =	seq.s32 s15, $0x0  }
0xb6: {  	[sflag:s11] =	ssyncset.done $0x0;
	p3 =	sgt.u32 @!p2 s15, $0x75  }
0xb7: {  	[sflag:s11] =	ssyncadd.s32 $0xFFFFEC00;
	p3 =	por p2, !p3  }
0xb8: {  	[spmem:s1] =	stream.indirect.scatter.add.f32 [tilespmem:s21], [sflag:$0xD], $0x40, s16, s6, $0xb8;
	[tilespmem:$0x1A538] =	vst v63  }
.Ltmp13:
0xb9: {  	s9 =	simm.s32 @!p2 $0xC;
	(pc) =	sbr.rel @!p3 .LBB2_32-.Ltmp13, $4  }
0xba: {  	[spmem:s3] =	stream.indirect.scatter.add.f32 [tilespmem:s0], [sflag:$0x11], $0x1, s16, s6, $0xb8;
	[tilespmem:$0x1A538] =	vst v63  }
0xbb: {  	_ =	swait.ge @!p2 [sflag:s9], $0x1400  }
0xbc: {  	[sflag:s9] =	ssyncset.done @!p2 $0x0  }
0xbd: {  	[sflag:s9] =	ssyncadd.s32 @!p2 $0xFFFFEC00  }
.Ltmp14:
0xbe: {  	(pc) =	sbr.rel .LBB2_32-.Ltmp14, $2  }
0xbf: {  	_ =	sdelay $0x2  }
0xc0: {  	[tilespmem:s20], [sflag:$0x4] =	stream.indirect.gather [hbm4b:s5+s6], $0x40, s17, s6, $0xb8;
	[tilespmem:$0x1A538] =	vst v63  }
.LBB2_23:
0xc1: {  	p2 =	seq.s32 s9, $0x2  }
.Ltmp15:
0xc2: {  	_ = 	snop;
	(pc) =	sbr.rel @!p2 .LBB2_24-.Ltmp15, $1  }
0xc3: {  	_ =	sdelay $0x3  }
0xc4: {  	_ =	swait.ge [sflag:s29], $0x1400;
	p2 =	seq.s32 s15, $0x0  }
0xc5: {  	[sflag:s29] =	ssyncset.done $0x0;
	p3 =	sgt.u32 @!p2 s15, $0x75  }
0xc6: {  	[sflag:s29] =	ssyncadd.s32 $0xFFFFEC00;
	p3 =	por p2, !p3  }
0xc7: {  	[spmem:s1] =	stream.indirect.scatter.add.f32 [tilespmem:s19], [sflag:$0xB], $0x40, s16, s6, $0xb8;
	[tilespmem:$0x1A538] =	vst v63  }
.Ltmp16:
0xc8: {  	s9 =	simm.s32 @!p2 $0xA;
	(pc) =	sbr.rel @!p3 .LBB2_32-.Ltmp16, $4  }
0xc9: {  	[spmem:s3] =	stream.indirect.scatter.add.f32 [tilespmem:s0], [sflag:$0x11], $0x1, s16, s6, $0xb8;
	[tilespmem:$0x1A538] =	vst v63  }
0xca: {  	_ =	swait.ge @!p2 [sflag:s9], $0x1400  }
0xcb: {  	[sflag:s9] =	ssyncset.done @!p2 $0x0  }
0xcc: {  	[sflag:s9] =	ssyncadd.s32 @!p2 $0xFFFFEC00  }
.Ltmp17:
0xcd: {  	(pc) =	sbr.rel .LBB2_32-.Ltmp17, $2  }
0xce: {  	_ =	sdelay $0x2  }
0xcf: {  	[tilespmem:s8], [sflag:$0x2] =	stream.indirect.gather [hbm4b:s5+s6], $0x40, s17, s6, $0xb8;
	[tilespmem:$0x1A538] =	vst v63  }
.LBB2_30:
0xd0: {  	p4 =	seq.s32 s9, $0x6  }
.Ltmp18:
0xd1: {  	_ = 	snop;
	(pc) =	sbr.rel @!p4 .LBB2_31-.Ltmp18, $3  }
0xd2: {  	_ =	sdelay $0x1  }
0xd3: {  	p2 =	seq.s32 s15, $0x0  }
0xd4: {  	p3 =	sgt.u32 @!p2 s15, $0x75  }
0xd5: {  	_ =	swait.ge [sflag:s13], $0x1400  }
0xd6: {  	[sflag:s13] =	ssyncset.done $0x0  }
0xd7: {  	p3 =	por p2, !p3;
	[sflag:s13] =	ssyncadd.s32 $0xFFFFEC00  }
0xd8: {  	[spmem:s1] =	stream.indirect.scatter.add.f32 [tilespmem:s23], [sflag:$0xF], $0x40, s16, s6, $0xb8;
	[tilespmem:$0x1A538] =	vst v63  }
.Ltmp19:
0xd9: {  	s9 =	simm.s32 @!p2 $0xE;
	(pc) =	sbr.rel @!p3 .LBB2_32-.Ltmp19, $4  }
0xda: {  	[spmem:s3] =	stream.indirect.scatter.add.f32 [tilespmem:s0], [sflag:$0x11], $0x1, s16, s6, $0xb8;
	[tilespmem:$0x1A538] =	vst v63  }
0xdb: {  	_ =	swait.ge @!p2 [sflag:s9], $0x1400  }
0xdc: {  	[sflag:s9] =	ssyncset.done @!p2 $0x0  }
0xdd: {  	[sflag:s9] =	ssyncadd.s32 @!p2 $0xFFFFEC00  }
.Ltmp20:
0xde: {  	(pc) =	sbr.rel .LBB2_32-.Ltmp20, $2  }
0xdf: {  	_ =	sdelay $0x2  }
0xe0: {  	[tilespmem:s22], [sflag:$0x6] =	stream.indirect.gather [hbm4b:s5+s6], $0x40, s17, s6, $0xb8;
	[tilespmem:$0x1A538] =	vst v63  }
.LBB2_19:
0xe1: {  	_ =	swait.ge [sflag:s28], $0x1400;
	p2 =	seq.s32 s15, $0x0  }
0xe2: {  	[sflag:s28] =	ssyncset.done $0x0;
	p3 =	sgt.u32 @!p2 s15, $0x75  }
0xe3: {  	[sflag:s28] =	ssyncadd.s32 $0xFFFFEC00;
	p3 =	por p2, !p3  }
0xe4: {  	[spmem:s1] =	stream.indirect.scatter.add.f32 [tilespmem:s8], [sflag:$0xA], $0x40, s16, s6, $0xb8;
	[tilespmem:$0x1A538] =	vst v63  }
.Ltmp21:
0xe5: {  	s9 =	simm.s32 @!p2 $0x9;
	(pc) =	sbr.rel @!p3 .LBB2_32-.Ltmp21, $4  }
0xe6: {  	[spmem:s3] =	stream.indirect.scatter.add.f32 [tilespmem:s0], [sflag:$0x11], $0x1, s16, s6, $0xb8;
	[tilespmem:$0x1A538] =	vst v63  }
0xe7: {  	_ =	swait.ge @!p2 [sflag:s9], $0x1400  }
0xe8: {  	[sflag:s9] =	ssyncset.done @!p2 $0x0  }
0xe9: {  	[sflag:s9] =	ssyncadd.s32 @!p2 $0xFFFFEC00  }
.Ltmp22:
0xea: {  	(pc) =	sbr.rel .LBB2_32-.Ltmp22, $2  }
0xeb: {  	_ =	sdelay $0x2  }
0xec: {  	[tilespmem:s7], [sflag:$0x1] =	stream.indirect.gather [hbm4b:s5+s6], $0x40, s17, s6, $0xb8;
	[tilespmem:$0x1A538] =	vst v63  }
.LBB2_26:
0xed: {  	_ =	swait.ge [sflag:s12], $0x1400;
	p2 =	seq.s32 s15, $0x0  }
0xee: {  	[sflag:s12] =	ssyncset.done $0x0;
	p3 =	sgt.u32 @!p2 s15, $0x75  }
0xef: {  	[sflag:s12] =	ssyncadd.s32 $0xFFFFEC00;
	p3 =	por p2, !p3  }
0xf0: {  	[spmem:s1] =	stream.indirect.scatter.add.f32 [tilespmem:s22], [sflag:$0xE], $0x40, s16, s6, $0xb8;
	[tilespmem:$0x1A538] =	vst v63  }
.Ltmp23:
0xf1: {  	s9 =	simm.s32 @!p2 $0xD;
	(pc) =	sbr.rel @!p3 .LBB2_32-.Ltmp23, $4  }
0xf2: {  	[spmem:s3] =	stream.indirect.scatter.add.f32 [tilespmem:s0], [sflag:$0x11], $0x1, s16, s6, $0xb8;
	[tilespmem:$0x1A538] =	vst v63  }
0xf3: {  	_ =	swait.ge @!p2 [sflag:s9], $0x1400  }
0xf4: {  	[sflag:s9] =	ssyncset.done @!p2 $0x0  }
0xf5: {  	[sflag:s9] =	ssyncadd.s32 @!p2 $0xFFFFEC00  }
.Ltmp24:
0xf6: {  	(pc) =	sbr.rel .LBB2_32-.Ltmp24, $2  }
0xf7: {  	_ =	sdelay $0x2  }
0xf8: {  	[tilespmem:s21], [sflag:$0x5] =	stream.indirect.gather [hbm4b:s5+s6], $0x40, s17, s6, $0xb8;
	[tilespmem:$0x1A538] =	vst v63  }
.LBB2_24:
0xf9: {  	_ =	swait.ge [sflag:s18], $0x1400;
	p2 =	seq.s32 s15, $0x0  }
0xfa: {  	[sflag:s18] =	ssyncset.done $0x0;
	p3 =	sgt.u32 @!p2 s15, $0x75  }
0xfb: {  	[sflag:s18] =	ssyncadd.s32 $0xFFFFEC00;
	p3 =	por p2, !p3  }
0xfc: {  	[spmem:s1] =	stream.indirect.scatter.add.f32 [tilespmem:s20], [sflag:$0xC], $0x40, s16, s6, $0xb8;
	[tilespmem:$0x1A538] =	vst v63  }
.Ltmp25:
0xfd: {  	s9 =	simm.s32 @!p2 $0xB;
	(pc) =	sbr.rel @!p3 .LBB2_32-.Ltmp25, $4  }
0xfe: {  	[spmem:s3] =	stream.indirect.scatter.add.f32 [tilespmem:s0], [sflag:$0x11], $0x1, s16, s6, $0xb8;
	[tilespmem:$0x1A538] =	vst v63  }
0xff: {  	_ =	swait.ge @!p2 [sflag:s9], $0x1400  }
0x100: {  	[sflag:s9] =	ssyncset.done @!p2 $0x0  }
0x101: {  	[sflag:s9] =	ssyncadd.s32 @!p2 $0xFFFFEC00  }
.Ltmp26:
0x102: {  	(pc) =	sbr.rel .LBB2_32-.Ltmp26, $2  }
0x103: {  	_ =	sdelay $0x2  }
0x104: {  	[tilespmem:s19], [sflag:$0x3] =	stream.indirect.gather [hbm4b:s5+s6], $0x40, s17, s6, $0xb8;
	[tilespmem:$0x1A538] =	vst v63  }
.LBB2_33:
0x105: {  	s9 =	simm.s32 $0xD  }
0x106: {  	_ =	swait.ge [sflag:s9], $0x1400  }
0x107: {  	[sflag:s9] =	ssyncset.done $0x0  }
0x108: {  	[sflag:s9] =	ssyncadd.s32 $0xFFFFEC00  }
0x109: {  	_ =	swait.ge [sflag:s10], $0x50  }
0x10a: {  	s9 =	simm.s32 $0x7C;
	[sflag:s10] =	ssyncset.done $0x0  }
.LBB2_34:
0x10b: {  	p2 =	sne.s32 s9, $0x1;
	s9 =	sadd.s32 $0xFFFFFFFF, s9;
	[sflag:s10] =	ssyncadd.s32 $0xFFFFFFB0  }
.Ltmp27:
0x10c: {  	(pc) =	sbr.rel @p2 .LBB2_34-.Ltmp27, $3  }
0x10d: {  	_ =	sdelay $0x1  }
0x10e: {  	_ =	swait.ge [sflag:s10], $0x50  }
0x10f: {  	[sflag:s10] =	ssyncset.done $0x0  }
0x110: {  	s9 =	simm.s32 $0x0  }
0x111: {  	[sflag:s10] =	ssyncadd.s32 $0xFFFFFFB0;
	s9 =	sand.u32 $0xF, s9  }
0x112: {  	[bflag:$0x0] =	sbarrier.arrive $0xFFFF;
	p2 =	sne.s32 s9, s2  }
0x113: {  	s17 =	simm.s32 $0x1;
	s25 =	rddreg [dreg:$0x18];
	s9 =	sshll.u32 @!p2 s2, $0x6  }
0x114: {  	s15 =	sshrl.u32 @!p2 s1, $0x3;
	s16 =	sor.u32 @!p2 $0x1C12, s9;
	s9 =	simm.s32 @!p2 $0x12  }
0x115: {  	[hbm:s25], [sflag:s16] =	dma.local @!p2 [spmem:s15], $0x280  }
0x116: {  	s30 =	sand.u32 $0xF, s17;
	s17 =	sadd.s32 $0x1400, s1;
	_ =	swait.ge @!p2 [sflag:s9], $0x280  }
0x117: {  	s16 =	simm.s32 $0x2;
	s15 =	sadd.s32 $0x280, s25;
	[sflag:s9] =	ssyncset.done @!p2 $0x0  }
.LBB2_36:
0x118: {  	[sflag:s9] =	ssyncadd.s32 @!p2 $0xFFFFFD80  }
0x119: {  	p2 =	sne.s32 s30, s2;
	s30 =	smov.u32 s16;
	s16 =	sadd.s32 $0x1, s16  }
0x11a: {  	p3 =	sne.s32 s16, $0x7D  }
.Ltmp28:
0x11b: {  	s9 =	sshll.u32 @!p2 s2, $0x6;
	s25 =	sshrl.u32 @!p2 s17, $0x3;
	(pc) =	sbr.rel @p3 .LBB2_36-.Ltmp28, $4  }
0x11c: {  	s26 =	sor.u32 @!p2 $0x1C12, s9;
	s9 =	simm.s32 @!p2 $0x12  }
0x11d: {  	[hbm:s15], [sflag:s26] =	dma.local @!p2 [spmem:s25], $0x280  }
0x11e: {  	s15 =	sadd.s32 $0x280, s15;
	_ =	swait.ge @!p2 [sflag:s9], $0x280  }
0x11f: {  	s30 =	sand.u32 $0xF, s30;
	s17 =	sadd.s32 $0x1400, s17;
	[sflag:s9] =	ssyncset.done @!p2 $0x0  }
0x120: {  	p3 =	sne.s32 s30, s2  }
0x121: {  	s16 =	sshll.u32 @!p3 s2, $0x6  }
0x122: {  	[sflag:s9] =	ssyncadd.s32 @!p2 $0xFFFFFD80;
	s9 =	sshrl.u32 @!p3 s17, $0x3;
	s16 =	sor.u32 @!p3 $0x1C12, s16  }
0x123: {  	[hbm:s15], [sflag:s16] =	dma.local @!p3 [spmem:s9], $0x280  }
0x124: {  	s9 =	simm.s32 @!p3 $0x12  }
0x125: {  	_ =	swait.ge @!p3 [sflag:s9], $0x280  }
0x126: {  	s15 =	simm.s32 @!p0 $0x1C12;
	[sflag:s9] =	ssyncset.done @!p3 $0x0  }
0x127: {  	s16 =	rddreg [dreg:$0x11];
	[sflag:s9] =	ssyncadd.s32 @!p3 $0xFFFFFD80;
	s9 =	sshrl.u32 @!p0 s3, $0x3  }
0x128: {  	[hbm:s16], [sflag:s15] =	dma.local @!p0 [spmem:s9], $0x7D  }
0x129: {  	s9 =	simm.s32 @!p0 $0x12  }
0x12a: {  	_ =	swait.ge @!p0 [sflag:s9], $0x7D  }
0x12b: {  	[sflag:s9] =	ssyncset.done @!p0 $0x0;
	s16 =	rddreg [dreg:$0x8]  }
0x12c: {  	s17 =	rddreg [dreg:$0x12];
	[sflag:s9] =	ssyncadd.s32 @!p0 $0xFFFFFF83;
	s16 =	sshrl.u32 @!p0 s16, $0x3  }
0x12d: {  	[hbm:s17], [sflag:s15] =	dma.local @!p0 [spmem:s16], $0x7D  }
0x12e: {  	_ =	swait.ge @!p0 [sflag:s9], $0x7D  }
0x12f: {  	[sflag:s9] =	ssyncset.done @!p0 $0x0;
	s16 =	rddreg [dreg:$0x9]  }
0x130: {  	s17 =	rddreg [dreg:$0x17];
	[sflag:s9] =	ssyncadd.s32 @!p0 $0xFFFFFF83;
	s16 =	sshrl.u32 @!p0 s16, $0x3  }
0x131: {  	[hbm:s17], [sflag:s15] =	dma.local @!p0 [spmem:s16], $0x7D  }
0x132: {  	_ =	swait.ge @!p0 [sflag:s9], $0x7D  }
0x133: {  	[sflag:s9] =	ssyncset.done @!p0 $0x0;
	s16 =	rddreg [dreg:$0xa]  }
0x134: {  	s17 =	rddreg [dreg:$0x13];
	[sflag:s9] =	ssyncadd.s32 @!p0 $0xFFFFFF83;
	s16 =	sshrl.u32 @!p0 s16, $0x3  }
0x135: {  	[hbm:s17], [sflag:s15] =	dma.local @!p0 [spmem:s16], $0x7D  }
0x136: {  	_ =	swait.ge @!p0 [sflag:s9], $0x7D  }
0x137: {  	[sflag:s9] =	ssyncset.done @!p0 $0x0;
	s16 =	rddreg [dreg:$0xb]  }
0x138: {  	s17 =	rddreg [dreg:$0x19];
	[sflag:s9] =	ssyncadd.s32 @!p0 $0xFFFFFF83;
	s16 =	sshrl.u32 @!p0 s16, $0x3  }
0x139: {  	[hbm:s17], [sflag:s15] =	dma.local @!p0 [spmem:s16], $0x7D  }
0x13a: {  	_ =	swait.ge @!p0 [sflag:s9], $0x7D  }
0x13b: {  	[sflag:s9] =	ssyncset.done @!p0 $0x0;
	s16 =	rddreg [dreg:$0xc]  }
0x13c: {  	s17 =	rddreg [dreg:$0x14];
	[sflag:s9] =	ssyncadd.s32 @!p0 $0xFFFFFF83;
	s16 =	sshrl.u32 @!p0 s16, $0x3  }
0x13d: {  	[hbm:s17], [sflag:s15] =	dma.local @!p0 [spmem:s16], $0x7D  }
0x13e: {  	_ =	swait.ge @!p0 [sflag:s9], $0x7D  }
0x13f: {  	[sflag:s9] =	ssyncset.done @!p0 $0x0;
	s16 =	rddreg [dreg:$0xd]  }
0x140: {  	s17 =	rddreg [dreg:$0x1a];
	[sflag:s9] =	ssyncadd.s32 @!p0 $0xFFFFFF83;
	s16 =	sshrl.u32 @!p0 s16, $0x3  }
0x141: {  	[hbm:s17], [sflag:s15] =	dma.local @!p0 [spmem:s16], $0x7D  }
0x142: {  	_ =	swait.ge @!p0 [sflag:s9], $0x7D  }
0x143: {  	[sflag:s9] =	ssyncset.done @!p0 $0x0;
	s16 =	rddreg [dreg:$0xe]  }
0x144: {  	s17 =	rddreg [dreg:$0x15];
	[sflag:s9] =	ssyncadd.s32 @!p0 $0xFFFFFF83;
	s16 =	sshrl.u32 @!p0 s16, $0x3  }
0x145: {  	[hbm:s17], [sflag:s15] =	dma.local @!p0 [spmem:s16], $0x7D  }
0x146: {  	_ =	swait.ge @!p0 [sflag:s9], $0x7D  }
0x147: {  	[sflag:s9] =	ssyncset.done @!p0 $0x0;
	s16 =	rddreg [dreg:$0xf]  }
0x148: {  	s17 =	rddreg [dreg:$0x1b];
	[sflag:s9] =	ssyncadd.s32 @!p0 $0xFFFFFF83;
	s16 =	sshrl.u32 @!p0 s16, $0x3  }
0x149: {  	[hbm:s17], [sflag:s15] =	dma.local @!p0 [spmem:s16], $0x7D  }
0x14a: {  	_ =	swait.ge @!p0 [sflag:s9], $0x7D  }
0x14b: {  	[sflag:s9] =	ssyncset.done @!p0 $0x0;
	s16 =	rddreg [dreg:$0x10]  }
0x14c: {  	s17 =	rddreg [dreg:$0x16];
	[sflag:s9] =	ssyncadd.s32 @!p0 $0xFFFFFF83;
	s16 =	sshrl.u32 @!p0 s16, $0x3  }
0x14d: {  	[hbm:s17], [sflag:s15] =	dma.local @!p0 [spmem:s16], $0x7D  }
0x14e: {  	_ =	swait.ge @!p0 [sflag:s9], $0x7D  }
0x14f: {  	s4 =	sadd.s32 $0x1, s4;
	s30 =	rddreg [dreg:$0x7]  }
0x150: {  	p2 =	sne.s32 s4, s30  }
.Ltmp29:
0x151: {  	_ = 	snop;
	(pc) =	sbr.rel @p2 .LBB2_1-.Ltmp29, $3  }
0x152: {  	_ =	sdelay $0x1  }
0x153: {  	[sflag:s9] =	ssyncset.done @!p0 $0x0  }
0x154: {  	s25 =	simm.s32 $0x18A80;
	[sflag:s9] =	ssyncadd.s32 @!p0 $0xFFFFFF83  }
0x155: {  	_ =	sfence.sel $0x180000  }
0x156: {  	[bflag:$0x0] =	sbarrier.arrive $0xFFFF  }
0x157: {  	_ =	strace $0x90000047  }
0x158: {  	[bflag:$0x2] =	sbarrier.arrive $0xFFFF  }
0x159: {  	s0 =	rddreg [dreg:$0x4]  }
0x15a: {  	s0 =	sadd.s32 @!p0 $0x100000, s0  }
0x15b: {  	[sflag:s0] =	ssyncadd.tile.s32 @!p0 $0x1;
	_ =	shalt  }
.Lfunc_end2:
_tile_overlayer_lowered:
.L_overlay_start_2:
0x15c: {  	(tag) =	ssettag $0x2  }
0x15d: {  	s0 =	rddreg [dreg:$0x0];
	s2 =	stileid.u32  }
0x15e: {  	s1 =	rddreg [dreg:$0x1];
	p0 =	sne.s32 s2, $0x0  }
0x15f: {  	s3 =	rddreg [dreg:$0x2];
	[bflag:$0x3] =	sbarrier.arrive $0xFFFF;
	s2 =	simm.s32 @!p0 $0x1C12  }
0x160: {  	[timem:s3], [sflag:s2] =	dma.local @!p0 [hbm:s0], s1  }
0x161: {  	s0 =	simm.s32 @!p0 $0x12  }
0x162: {  	_ =	swait.ge @!p0 [sflag:s0], s1  }
0x163: {  	s1 =	ssub.s32 @!p0 $0x0, s1;
	[sflag:s0] =	ssyncset.done @!p0 $0x0  }
0x164: {  	[sflag:s0] =	ssyncadd.s32 @!p0 s1  }
0x165: {  	[bflag:$0x3] =	sbarrier.arrive $0xFFFF  }
0x166: {  	_ =	shalt  }

</sc_bundles>
